<compile_context>
chip_gen: v7x
topology: tpu7x:2x2x1
jax: 0.10.2.dev20260603
libtpu: 0.0.44.dev20260713+nightly
codegen_flags: <defaults>
</compile_context>

<pallas_src>
import functools

import jax
import jax.numpy as jnp
from jax import lax
from jax.experimental import pallas as pl
from jax.experimental.pallas import tpu as pltpu
from jax.experimental.pallas import tpu_sc as plsc

G, NM, EM, DF = 10000, 32, 128, 64
NMAC, EMAC = 10000, 160000
GCN1, GCN2, DENSE1, DENSE2 = 64, 64, 32, 4
MACRO_GCN, N_LABELS = 128, 16

B = 4
CH = 25
BG = B * CH
NB = G // BG
BN = B * NM
BE = B * EM
AW = B * DENSE2
DEMB = DENSE2 * GCN2

CHUNK = 128
EPAD = 163840
NACC = 10240
NSC, NTPS = 2, 16
CPT = EPAD // (NSC * NTPS * CHUNK)
RPT = NACC // NTPS


def _micro_body(feat_ref, src_ref, dst_ref, w1_ref, w2_ref, fw1_ref,
                mw1_ref, b1_ref, b2_ref, fb1_ref, fw2_ref, fb2_ref, rsel_ref,
                nodes_ref, eyebn_ref, gmask_ref, eyeaw_ref,
                xw_ref, pen_ref):
    w1, w2 = w1_ref[...], w2_ref[...]
    fw1, mw1 = fw1_ref[...], mw1_ref[...]
    b1, b2, fb1 = b1_ref[...], b2_ref[...], fb1_ref[...]
    fw2, fb2, rsel = fw2_ref[...], fb2_ref[...], rsel_ref[...]
    nodes, eyebn = nodes_ref[...], eyebn_ref[...]
    gmask, eyeaw = gmask_ref[...], eyeaw_ref[...]
    one = jnp.bfloat16(1.0)
    zero = jnp.bfloat16(0.0)
    R = range(CH)

    def mm(x, w):
        return jnp.dot(x, w, preferred_element_type=jnp.float32)

    frs = [feat_ref[c * B:(c + 1) * B].reshape(BN, DF) for c in R]
    sohs = [jnp.where(nodes == src_ref[0, c:c + 1, :], one, zero) for c in R]
    dohs = [jnp.where(nodes == dst_ref[0, c:c + 1, :], one, zero) for c in R]
    cnts = [lax.dot_general(d, s, (((1,), (1,)), ((), ())),
                            preferred_element_type=jnp.float32)
            for d, s in zip(dohs, sohs)]
    adjs = [c + eyebn for c in cnts]
    dinvs = [lax.rsqrt(jnp.sum(c, axis=1, keepdims=True) + 1.0) for c in cnts]
    xw1s = [mm(f, w1) for f in frs]
    t1s = [dinvs[c] * xw1s[c] for c in R]
    m1s = [mm(adjs[c], t1s[c]) for c in R]
    h1s = [jnp.maximum(dinvs[c] * m1s[c] + b1, 0.0) for c in R]
    xw2s = [mm(h, w2) for h in h1s]
    t2s = [dinvs[c] * xw2s[c] for c in R]
    m2s = [mm(adjs[c], t2s[c]) for c in R]
    h2s = [dinvs[c] * m2s[c] + b2 for c in R]
    a1s = [jnp.tanh(mm(h, fw1) + fb1) for h in h2s]
    lgs = [mm(a, fw2) + fb2 for a in a1s]
    lg3s = [lg.reshape(B, NM, DENSE2) for lg in lgs]
    mxs = [jnp.max(lg3, axis=1, keepdims=True) for lg3 in lg3s]
    ex3s = [jnp.exp(lg3s[c] - mxs[c]) for c in R]
    atts = [(ex3s[c] / jnp.sum(ex3s[c], axis=1, keepdims=True)
             ).reshape(BN, DENSE2) for c in R]
    aws = [mm(att, rsel) * gmask for att in atts]
    embs = [lax.dot_general(aws[c], h2s[c], (((0,), (0,)), ((), ())),
                            preferred_element_type=jnp.float32) for c in R]
    grams = [lax.dot_general(a, a, (((0,), (0,)), ((), ())),
                             preferred_element_type=jnp.float32) for a in aws]
    pms = [g - eyeaw for g in grams]
    rns = [jnp.sqrt(jnp.sum(p * p, axis=1, keepdims=True)) for p in pms]
    pens = [jnp.sum(r, axis=0, keepdims=True) for r in rns]
    xws = [mm(embs[c][0:B, :], mw1[0:GCN2, :]) for c in R]
    for i in range(1, DENSE2):
        xws = [xws[c] + mm(embs[c][i * B:(i + 1) * B, :],
                           mw1[i * GCN2:(i + 1) * GCN2, :]) for c in R]
    for c in R:
        xw_ref[0, c * B:(c + 1) * B, :] = xws[c]
    pen = pens[0]
    for c in range(1, CH):
        pen = pen + pens[c]

    @pl.when(pl.program_id(0) == 0)
    def _():
        pen_ref[...] = jnp.zeros((1, 1), jnp.float32)
    pen_ref[...] = pen_ref[...] + pen


def _micro_call(feats, src_rows, dst_rows, W1, W2, fW1, mW1, b1, b2, fb1,
                fW2, fb2, rsel, nodes, eyebn, gmask, eyeaw):
    full = lambda s: pl.BlockSpec(s, lambda i: tuple(0 for _ in s))
    return pl.pallas_call(
        _micro_body,
        grid=(NB,),
        in_specs=[
            pl.BlockSpec((BG, NM, DF), lambda i: (i, 0, 0)),
            pl.BlockSpec((1, CH, BE), lambda i: (i, 0, 0)),
            pl.BlockSpec((1, CH, BE), lambda i: (i, 0, 0)),
            full((DF, GCN1)), full((GCN1, GCN2)),
            full((GCN2, DENSE1)), full((DEMB, MACRO_GCN)),
            full((1, GCN1)), full((1, GCN2)), full((1, DENSE1)),
            full((DENSE1, DENSE2)), full((1, DENSE2)), full((DENSE2, AW)),
            full((BN, 1)), full((BN, BN)), full((BN, AW)), full((AW, AW)),
        ],
        out_specs=[
            pl.BlockSpec((1, BG, MACRO_GCN), lambda i: (i, 0, 0)),
            pl.BlockSpec((1, 1), lambda i: (0, 0)),
        ],
        out_shape=[
            jax.ShapeDtypeStruct((NB, BG, MACRO_GCN), jnp.float32),
            jax.ShapeDtypeStruct((1, 1), jnp.float32),
        ],
    )(feats, src_rows, dst_rows, W1, W2, fW1, mW1, b1, b2, fb1, fW2, fb2,
      rsel, nodes, eyebn, gmask, eyeaw)


def _sc_scatter_add(table, src2, dst2, width, gather):
    mesh = plsc.VectorSubcoreMesh(core_axis_name="c", subcore_axis_name="s")
    cp = pltpu.CompilerParams(use_tc_tiling_on_sc=(width % 128 == 0))
    @functools.partial(
        pl.kernel,
        out_type=jax.ShapeDtypeStruct((NSC * NACC, width), jnp.float32),
        mesh=mesh,
        compiler_params=cp,
        scratch_types=[
            pltpu.VMEM((CPT, CHUNK), jnp.int32),
            pltpu.VMEM((CPT, CHUNK), jnp.int32),
            pltpu.VMEM((CHUNK, width), jnp.float32),
            pltpu.VMEM((CHUNK, width), jnp.float32),
            pltpu.VMEM_SHARED((NACC, width), jnp.float32),
        ],
    )
    def k(tab_hbm, src_hbm, dst_hbm, out_hbm, sidx, didx, rowbuf, zbuf, acc):
        cid = lax.axis_index("c")
        sid = lax.axis_index("s")

        @pl.loop(0, CHUNK)
        def _(r):
            for j in range(width // 16):
                zbuf[r, pl.ds(j * 16, 16)] = jnp.zeros((16,), jnp.float32)
        if not gather:
            @pl.loop(0, CHUNK)
            def _(r):
                for j in range(width // 16):
                    rowbuf[r, pl.ds(j * 16, 16)] = jnp.ones((16,), jnp.float32)

        @pl.loop(0, RPT // CHUNK)
        def _(j):
            pltpu.sync_copy(zbuf, acc.at[pl.ds(sid * RPT + j * CHUNK, CHUNK)])
        plsc.subcore_barrier()

        base = (cid * NTPS + sid) * CPT
        pltpu.sync_copy(dst_hbm.at[pl.ds(base, CPT)], didx)
        if gather:
            pltpu.sync_copy(src_hbm.at[pl.ds(base, CPT)], sidx)

        @pl.loop(0, CPT)
        def _(i):
            if gather:
                pltpu.sync_copy(tab_hbm.at[sidx.at[i]], rowbuf)
            pltpu.sync_copy(rowbuf, acc.at[didx.at[i]], add=True)
        plsc.subcore_barrier()

        pltpu.sync_copy(acc.at[pl.ds(sid * RPT, RPT)],
                        out_hbm.at[pl.ds(cid * NACC + sid * RPT, RPT)])

    return k(table, src2, dst2).reshape(NSC, NACC, width)


def _rows_spec(r, w):
    return pl.BlockSpec((r, w), lambda i: (i, 0))


def _scale_call(xw, d0, d1):
    r = 2000

    def body(xw_ref, d0_ref, d1_ref, xws_ref, dinv_ref):
        deg = d0_ref[:, 0:1] + d1_ref[:, 0:1] + 1.0
        dinv = lax.rsqrt(deg)
        xws_ref[...] = xw_ref[...] * dinv
        dinv_ref[...] = jnp.broadcast_to(dinv, (r, 16))

    return pl.pallas_call(
        body,
        grid=(NMAC // r,),
        in_specs=[_rows_spec(r, MACRO_GCN), _rows_spec(r, 16), _rows_spec(r, 16)],
        out_specs=[_rows_spec(r, MACRO_GCN), _rows_spec(r, 16)],
        out_shape=[jax.ShapeDtypeStruct((NMAC, MACRO_GCN), jnp.float32),
                   jax.ShapeDtypeStruct((NMAC, 16), jnp.float32)],
    )(xw, d0, d1)


def _layer1_call(a0, a1, xw, dinv, mW2, mb1):
    r = 2000

    def body(a0_ref, a1_ref, xw_ref, dinv_ref, mw2_ref, mb1_ref,
             xw2_ref, xw2s_ref):
        d = dinv_ref[:, 0:1]
        nf1 = d * (a0_ref[...] + a1_ref[...]) + d * d * xw_ref[...] + mb1_ref[...]
        nf1 = jnp.maximum(nf1, 0.0)
        xw2 = jnp.dot(nf1, mw2_ref[...], preferred_element_type=jnp.float32)
        xw2_ref[...] = xw2
        xw2s_ref[...] = xw2 * d

    return pl.pallas_call(
        body,
        grid=(NMAC // r,),
        in_specs=[_rows_spec(r, MACRO_GCN), _rows_spec(r, MACRO_GCN),
                  _rows_spec(r, MACRO_GCN), _rows_spec(r, 16),
                  pl.BlockSpec((MACRO_GCN, N_LABELS), lambda i: (0, 0)),
                  pl.BlockSpec((1, MACRO_GCN), lambda i: (0, 0))],
        out_specs=[_rows_spec(r, N_LABELS), _rows_spec(r, N_LABELS)],
        out_shape=[jax.ShapeDtypeStruct((NMAC, N_LABELS), jnp.float32),
                   jax.ShapeDtypeStruct((NMAC, N_LABELS), jnp.float32)],
    )(a0, a1, xw, dinv, mW2, mb1)


def _layer2_call(a0, a1, xw2, dinv, mb2):
    r = 2000

    def body(a0_ref, a1_ref, xw2_ref, dinv_ref, mb2_ref, out_ref):
        d = dinv_ref[:, 0:1]
        nf2 = d * (a0_ref[...] + a1_ref[...]) + d * d * xw2_ref[...] + mb2_ref[...]
        mx = jnp.max(nf2, axis=1, keepdims=True)
        ex = jnp.exp(nf2 - mx)
        lse = mx + jnp.log(jnp.sum(ex, axis=1, keepdims=True))
        out_ref[...] = nf2 - lse

    return pl.pallas_call(
        body,
        grid=(NMAC // r,),
        in_specs=[_rows_spec(r, N_LABELS), _rows_spec(r, N_LABELS),
                  _rows_spec(r, N_LABELS), _rows_spec(r, 16),
                  pl.BlockSpec((1, N_LABELS), lambda i: (0, 0))],
        out_specs=_rows_spec(r, N_LABELS),
        out_shape=jax.ShapeDtypeStruct((NMAC, N_LABELS), jnp.float32),
    )(a0, a1, xw2, dinv, mb2)


def kernel(features, edges, macro_edges, W1, b1, W2, b2, fW1, fb1, fW2, fb2,
           mW1, mb1, mW2, mb2):
    edges = edges.astype(jnp.int32)
    macro_edges = macro_edges.astype(jnp.int32)
    row = lambda v: v.reshape(1, -1).astype(jnp.float32)

    src = macro_edges[0]
    dst = macro_edges[1]
    npad = EPAD - EMAC
    pi = jnp.arange(npad, dtype=jnp.int32)
    src_p = jnp.concatenate([src, pi % NMAC]).reshape(EPAD // CHUNK, CHUNK)
    dst_p = jnp.concatenate([dst, NMAC + pi % (NACC - NMAC)]).reshape(
        EPAD // CHUNK, CHUNK)

    ones_tab = jnp.zeros((1, 16), jnp.float32)
    degp = _sc_scatter_add(ones_tab, src_p, dst_p, 16, gather=False)

    goffs = (jnp.arange(G, dtype=jnp.int32)[:, None] % B) * NM
    src_rows = (edges[:, 0, :] + goffs).astype(
        jnp.bfloat16).reshape(NB, CH, BE)
    dst_rows = (edges[:, 1, :] + goffs).astype(
        jnp.bfloat16).reshape(NB, CH, BE)
    rsel = (jnp.arange(AW, dtype=jnp.int32)[None, :] // B
            == jnp.arange(DENSE2, dtype=jnp.int32)[:, None]).astype(jnp.float32)
    nodes = jnp.arange(BN, dtype=jnp.int32).astype(jnp.bfloat16).reshape(BN, 1)
    eyebn = jnp.eye(BN, dtype=jnp.float32)
    eyeaw = jnp.eye(AW, dtype=jnp.float32)
    gmask = (jnp.arange(BN, dtype=jnp.int32)[:, None] // NM
             == jnp.arange(AW, dtype=jnp.int32)[None, :] % B).astype(jnp.float32)
    xw3, pen = _micro_call(features, src_rows, dst_rows, W1, W2, fW1, mW1,
                           row(b1), row(b2), row(fb1), fW2, row(fb2), rsel,
                           nodes, eyebn, gmask, eyeaw)
    xw = xw3.reshape(G, MACRO_GCN)

    xw_s, dinv = _scale_call(xw, degp[0, :NMAC], degp[1, :NMAC])

    acc1 = _sc_scatter_add(xw_s, src_p, dst_p, MACRO_GCN, gather=True)

    xw2, xw2_s = _layer1_call(acc1[0, :NMAC], acc1[1, :NMAC], xw, dinv,
                              mW2, row(mb1))

    acc2 = _sc_scatter_add(xw2_s, src_p, dst_p, N_LABELS, gather=True)

    predictions = _layer2_call(acc2[0, :NMAC], acc2[1, :NMAC], xw2, dinv,
                               row(mb2))
    penalties = pen[0, 0] / jnp.float32(G)
    return predictions, penalties

# --- scband reference (transcript-rebuilt; emitter-appended) ---
"""Pipeline reference for scband-seal-45475113730061 (READ-ONLY COPY).

The authoritative reference and input builder live on the scoring server;
editing this copy changes nothing except your own understanding.
"""

import jax, jax.numpy as jnp
import numpy as np

G, N_MICRO, E_MICRO, D_FEAT = 10000, 32, 128, 64
N_MACRO, E_MACRO = 10000, 160000
GCN1, GCN2, DENSE1, DENSE2 = 64, 64, 32, 4
MACRO_GCN, N_LABELS = 128, 16


def gcn_conv(x, edge_index, W, b):
    # PyG-style GCNConv: add self loops, symmetric D^-1/2 A D^-1/2 normalization
    N = x.shape[0]
    loop = jnp.arange(N, dtype=edge_index.dtype)
    src = jnp.concatenate([edge_index[0], loop])
    dst = jnp.concatenate([edge_index[1], loop])
    xw = x @ W
    deg = jnp.zeros((N,), jnp.float32).at[dst].add(1.0)
    dinv = jax.lax.rsqrt(deg)
    norm = dinv[src] * dinv[dst]
    msg = xw[src] * norm[:, None]
    out = jnp.zeros((N, W.shape[1]), jnp.float32).at[dst].add(msg)
    return out + b


def sage_one(feat, ei, W1, b1, W2, b2, fW1, fb1, fW2, fb2):
    nf1 = jax.nn.relu(gcn_conv(feat, ei, W1, b1))
    nf2 = gcn_conv(nf1, ei, W2, b2)
    abstract1 = jnp.tanh(nf2 @ fW1 + fb1)
    attention = jax.nn.softmax(abstract1 @ fW2 + fb2, axis=0)
    graph_embedding = (attention.T @ nf2).reshape(-1)
    pen_m = attention.T @ attention - jnp.eye(attention.shape[1], dtype=jnp.float32)
    penalty = jnp.sum(jnp.linalg.norm(pen_m, axis=1))
    return graph_embedding, penalty


def setup_inputs(seed: int = 0) -> dict:
    key = jax.random.key(seed)
    ks = jax.random.split(key, 16)
    inp = {}
    inp['features'] = jax.random.normal(ks[0], (G, N_MICRO, D_FEAT), dtype=jnp.float32)
    inp['edges'] = jax.random.randint(ks[1], (G, 2, E_MICRO), 0, N_MICRO, dtype=jnp.int64 if jax.config.read('jax_enable_x64') else jnp.int32)
    inp['macro_edges'] = jax.random.randint(ks[2], (2, E_MACRO), 0, N_MACRO, dtype=jnp.int64 if jax.config.read('jax_enable_x64') else jnp.int32)
    def lin(k, fin, fout):
        return jax.random.normal(k, (fin, fout), dtype=jnp.float32) / np.sqrt(fin)
    inp['W1'] = lin(ks[3], D_FEAT, GCN1); inp['b1'] = jnp.zeros((GCN1,), jnp.float32)
    inp['W2'] = lin(ks[4], GCN1, GCN2); inp['b2'] = jnp.zeros((GCN2,), jnp.float32)
    inp['fW1'] = lin(ks[5], GCN2, DENSE1); inp['fb1'] = jnp.zeros((DENSE1,), jnp.float32)
    inp['fW2'] = lin(ks[6], DENSE1, DENSE2); inp['fb2'] = jnp.zeros((DENSE2,), jnp.float32)
    d_macro = GCN2 * DENSE2
    inp['mW1'] = lin(ks[7], d_macro, MACRO_GCN); inp['mb1'] = jnp.zeros((MACRO_GCN,), jnp.float32)
    inp['mW2'] = lin(ks[8], MACRO_GCN, N_LABELS); inp['mb2'] = jnp.zeros((N_LABELS,), jnp.float32)
    return inp


def reference(features, edges, macro_edges, W1, b1, W2, b2, fW1, fb1, fW2, fb2, mW1, mb1, mW2, mb2):
    embs, pens = jax.vmap(lambda f, e: sage_one(f, e, W1, b1, W2, b2, fW1, fb1, fW2, fb2))(features, edges)
    penalties = jnp.sum(pens) / features.shape[0]
    nf1 = jax.nn.relu(gcn_conv(embs, macro_edges, mW1, mb1))
    nf2 = gcn_conv(nf1, macro_edges, mW2, mb2)
    predictions = jax.nn.log_softmax(nf2, axis=1)
    return predictions, penalties

if __name__ == "__main__":
    import jax
    _d = setup_inputs()
    print(jax.jit(kernel)(*tuple(_d.values())))

</pallas_src>

<mosaic_0001>
#map = affine_map<(d0, d1) -> (0, 0)>
module attributes {stable_mosaic.version = 14 : i64} {
  func.func @k(%arg0: i32, %arg1: i32, %arg2: memref<10000x16xf32, #tpu.memory_space<hbm>>, %arg3: memref<1280x128xi32, #tpu.memory_space<hbm>>, %arg4: memref<1280x128xi32, #tpu.memory_space<hbm>>, %arg5: memref<20480x16xf32, #tpu.memory_space<hbm>>, %arg6: memref<40x128xi32, #tpu.memory_space<vmem>>, %arg7: memref<40x128xi32, #tpu.memory_space<vmem>>, %arg8: memref<128x16xf32, #tpu.memory_space<vmem>>, %arg9: memref<128x16xf32, #tpu.memory_space<vmem>>, %arg10: memref<10240x16xf32, #tpu.memory_space<vmem_shared>>) attributes {dimension_semantics = [#tpu.dimension_semantics<core_parallel>, #tpu.dimension_semantics<subcore_parallel>], iteration_bounds = array<i64: 2, 16>, scalar_prefetch = 0 : i64, scratch_operands = 5 : i64, tpu.core_type = #tpu.core_type<sc_vector_subcore>, window_params = [{transform_indices = #map}, {transform_indices = #map}, {transform_indices = #map}, {transform_indices = #map}]} {
    %scan3A = arith.constant 0 : i32
    %scan3A_0 = arith.constant 128 : i32
    %scan3A_1 = arith.addi %scan3A, %scan3A_0 : i32
    %scan3A_2 = arith.constant 1 : i32
    scf.for %scan3A_25 = %scan3A to %scan3A_1 step %scan3A_2  : i32 {
      %mul3A_26 = arith.constant 1 : i32
      %mul3A_27 = arith.muli %scan3A_25, %mul3A_26 : i32
      %add3A_28 = arith.constant 0 : i32
      %add3A_29 = arith.addi %add3A_28, %mul3A_27 : i32
      %broadcast_in_dim3A = arith.constant 0.000000e+00 : f32
      %broadcast_in_dim3A_30 = vector.broadcast %broadcast_in_dim3A : f32 to vector<16xf32>
      %swap3A = arith.index_cast %add3A_29 : i32 to index
      %swap3A_31 = arith.constant 0 : index
      %swap3A_32 = tpu.vector_load %arg9[%swap3A, %swap3A_31] {strides = array<i32>} : memref<128x16xf32, #tpu.memory_space<vmem>>, vector<1x16xf32>,
      %swap3A_33 = vector.shape_cast %swap3A_32 : vector<1x16xf32> to vector<16xf32>
      %swap3A_34 = vector.shape_cast %broadcast_in_dim3A_30 : vector<16xf32> to vector<1x16xf32>
      tpu.vector_store %arg9[%swap3A, %swap3A_31], %swap3A_34 {strides = array<i32>} : memref<128x16xf32, #tpu.memory_space<vmem>>, vector<1x16xf32>,
    }
    %scan3A_3 = arith.constant 128 : i32
    %scan3A_4 = arith.constant 0 : i32
    %scan3A_5 = arith.constant 5 : i32
    %scan3A_6 = arith.addi %scan3A_4, %scan3A_5 : i32
    %scan3A_7 = arith.constant 1 : i32
    scf.for %scan3A_25 = %scan3A_4 to %scan3A_6 step %scan3A_7  : i32 {
      %mul3A_26 = arith.constant 1 : i32
      %mul3A_27 = arith.muli %scan3A_25, %mul3A_26 : i32
      %add3A_28 = arith.constant 0 : i32
      %add3A_29 = arith.addi %add3A_28, %mul3A_27 : i32
      %mul3A_30 = arith.constant 640 : i32
      %mul3A_31 = arith.muli %arg1, %mul3A_30 : i32
      %mul3A_32 = arith.constant 128 : i32
      %mul3A_33 = arith.muli %add3A_29, %mul3A_32 : i32
      %add3A_34 = arith.addi %mul3A_31, %mul3A_33 : i32
      "tpu.region"() ({
        %run_scoped3A = tpu.sem_alloc : memref<!tpu.dma_semaphore, #tpu.memory_space<semaphore_mem>>
        %dma_start3A = arith.constant 0 : i32
        %dma_start3A_35 = tpu.memref_slice %arg10[%add3A_34, %dma_start3A] : memref<10240x16xf32, #tpu.memory_space<vmem_shared>> -> memref<128x16xf32, #tpu.memory_space<vmem_shared>>
        %dma_start3A_36 = arith.constant 0 : i32
        %dma_start3A_37 = tpu.memref_slice %arg10[%add3A_34, %dma_start3A_36] : memref<10240x16xf32, #tpu.memory_space<vmem_shared>> -> memref<128x16xf32, #tpu.memory_space<vmem_shared>>
        tpu.enqueue_dma source(%arg9 : memref<128x16xf32, #tpu.memory_space<vmem>>) target(%dma_start3A_37 : memref<128x16xf32, #tpu.memory_space<vmem_shared>>) target_semaphore(%run_scoped3A : memref<!tpu.dma_semaphore, #tpu.memory_space<semaphore_mem>>)
        %dma_wait3A = arith.constant 0 : i32
        %dma_wait3A_38 = tpu.memref_slice %arg10[%add3A_34, %dma_wait3A] : memref<10240x16xf32, #tpu.memory_space<vmem_shared>> -> memref<128x16xf32, #tpu.memory_space<vmem_shared>>
        %dma_wait3A_39 = arith.constant 0 : i32
        %dma_wait3A_40 = tpu.memref_slice %arg10[%add3A_34, %dma_wait3A_39] : memref<10240x16xf32, #tpu.memory_space<vmem_shared>> -> memref<128x16xf32, #tpu.memory_space<vmem_shared>>
        tpu.wait_dma2 semaphore(%run_scoped3A : memref<!tpu.dma_semaphore, #tpu.memory_space<semaphore_mem>>) src(%arg9 : memref<128x16xf32, #tpu.memory_space<vmem>>) dst(%dma_wait3A_40 : memref<128x16xf32, #tpu.memory_space<vmem_shared>>)
        tpu.yield
      }) : () -> ()
    }
    %scan3A_8 = arith.constant 5 : i32
    %barrier3A = arith.constant 0 : index
    tpu.barrier barrier_id(%barrier3A)
    %mul3A = arith.constant 16 : i32
    %mul3A_9 = arith.muli %arg0, %mul3A : i32
    %add3A = arith.addi %mul3A_9, %arg1 : i32
    %mul3A_10 = arith.constant 40 : i32
    %mul3A_11 = arith.muli %add3A, %mul3A_10 : i32
    "tpu.region"() ({
      %run_scoped3A = tpu.sem_alloc : memref<!tpu.dma_semaphore, #tpu.memory_space<semaphore_mem>>
      %dma_start3A = arith.constant 0 : i32
      %dma_start3A_25 = tpu.memref_slice %arg4[%mul3A_11, %dma_start3A] : memref<1280x128xi32, #tpu.memory_space<hbm>> -> memref<40x128xi32, #tpu.memory_space<hbm>>
      %dma_start3A_26 = arith.constant 0 : i32
      %dma_start3A_27 = tpu.memref_slice %arg4[%mul3A_11, %dma_start3A_26] : memref<1280x128xi32, #tpu.memory_space<hbm>> -> memref<40x128xi32, #tpu.memory_space<hbm>>
      tpu.enqueue_dma source(%dma_start3A_27 : memref<40x128xi32, #tpu.memory_space<hbm>>) target(%arg7 : memref<40x128xi32, #tpu.memory_space<vmem>>) target_semaphore(%run_scoped3A : memref<!tpu.dma_semaphore, #tpu.memory_space<semaphore_mem>>)
      %dma_wait3A = arith.constant 0 : i32
      %dma_wait3A_28 = tpu.memref_slice %arg4[%mul3A_11, %dma_wait3A] : memref<1280x128xi32, #tpu.memory_space<hbm>> -> memref<40x128xi32, #tpu.memory_space<hbm>>
      %dma_wait3A_29 = arith.constant 0 : i32
      %dma_wait3A_30 = tpu.memref_slice %arg4[%mul3A_11, %dma_wait3A_29] : memref<1280x128xi32, #tpu.memory_space<hbm>> -> memref<40x128xi32, #tpu.memory_space<hbm>>
      tpu.wait_dma2 semaphore(%run_scoped3A : memref<!tpu.dma_semaphore, #tpu.memory_space<semaphore_mem>>) src(%dma_wait3A_30 : memref<40x128xi32, #tpu.memory_space<hbm>>) dst(%arg7 : memref<40x128xi32, #tpu.memory_space<vmem>>)
      tpu.yield
    }) : () -> ()
    "tpu.region"() ({
      %run_scoped3A = tpu.sem_alloc : memref<!tpu.dma_semaphore, #tpu.memory_space<semaphore_mem>>
      %dma_start3A = arith.constant 0 : i32
      %dma_start3A_25 = tpu.memref_slice %arg3[%mul3A_11, %dma_start3A] : memref<1280x128xi32, #tpu.memory_space<hbm>> -> memref<40x128xi32, #tpu.memory_space<hbm>>
      %dma_start3A_26 = arith.constant 0 : i32
      %dma_start3A_27 = tpu.memref_slice %arg3[%mul3A_11, %dma_start3A_26] : memref<1280x128xi32, #tpu.memory_space<hbm>> -> memref<40x128xi32, #tpu.memory_space<hbm>>
      tpu.enqueue_dma source(%dma_start3A_27 : memref<40x128xi32, #tpu.memory_space<hbm>>) target(%arg6 : memref<40x128xi32, #tpu.memory_space<vmem>>) target_semaphore(%run_scoped3A : memref<!tpu.dma_semaphore, #tpu.memory_space<semaphore_mem>>)
      %dma_wait3A = arith.constant 0 : i32
      %dma_wait3A_28 = tpu.memref_slice %arg3[%mul3A_11, %dma_wait3A] : memref<1280x128xi32, #tpu.memory_space<hbm>> -> memref<40x128xi32, #tpu.memory_space<hbm>>
      %dma_wait3A_29 = arith.constant 0 : i32
      %dma_wait3A_30 = tpu.memref_slice %arg3[%mul3A_11, %dma_wait3A_29] : memref<1280x128xi32, #tpu.memory_space<hbm>> -> memref<40x128xi32, #tpu.memory_space<hbm>>
      tpu.wait_dma2 semaphore(%run_scoped3A : memref<!tpu.dma_semaphore, #tpu.memory_space<semaphore_mem>>) src(%dma_wait3A_30 : memref<40x128xi32, #tpu.memory_space<hbm>>) dst(%arg6 : memref<40x128xi32, #tpu.memory_space<vmem>>)
      tpu.yield
    }) : () -> ()
    %scan3A_12 = arith.constant 0 : i32
    %scan3A_13 = arith.constant 40 : i32
    %scan3A_14 = arith.addi %scan3A_12, %scan3A_13 : i32
    %scan3A_15 = arith.constant 1 : i32
    scf.for %scan3A_25 = %scan3A_12 to %scan3A_14 step %scan3A_15  : i32 {
      %mul3A_26 = arith.constant 1 : i32
      %mul3A_27 = arith.muli %scan3A_25, %mul3A_26 : i32
      %add3A_28 = arith.constant 0 : i32
      %add3A_29 = arith.addi %add3A_28, %mul3A_27 : i32
      "tpu.region"() ({
        %run_scoped3A = tpu.sem_alloc : memref<!tpu.dma_semaphore, #tpu.memory_space<semaphore_mem>>
        %dma_start3A = arith.constant 0 : i32
        %dma_start3A_30 = tpu.memref_slice %arg6[%add3A_29, %dma_start3A] : memref<40x128xi32, #tpu.memory_space<vmem>> -> memref<1x128xi32, #tpu.memory_space<vmem>>
        %dma_start3A_31 = tpu.memref_squeeze %dma_start3A_30 : memref<1x128xi32, #tpu.memory_space<vmem>> -> memref<128xi32, #tpu.memory_space<vmem>>
        %dma_start3A_32 = arith.constant 0 : i32
        %dma_start3A_33 = arith.constant 0 : i32
        %dma_start3A_34 = tpu.memref_slice %arg2[%dma_start3A_32, %dma_start3A_33] : memref<10000x16xf32, #tpu.memory_space<hbm>> -> memref<10000x16xf32, #tpu.memory_space<hbm>>
        tpu.enqueue_indirect_dma source(%dma_start3A_34 : memref<10000x16xf32, #tpu.memory_space<hbm>>) target(%arg8 : memref<128x16xf32, #tpu.memory_space<vmem>>) offsets(%dma_start3A_31 : memref<128xi32, #tpu.memory_space<vmem>>) semaphore(%run_scoped3A : memref<!tpu.dma_semaphore, #tpu.memory_space<semaphore_mem>>)
        %dma_wait3A = arith.constant 0 : i32
        %dma_wait3A_35 = tpu.memref_slice %arg6[%add3A_29, %dma_wait3A] : memref<40x128xi32, #tpu.memory_space<vmem>> -> memref<1x128xi32, #tpu.memory_space<vmem>>
        %dma_wait3A_36 = tpu.memref_squeeze %dma_wait3A_35 : memref<1x128xi32, #tpu.memory_space<vmem>> -> memref<128xi32, #tpu.memory_space<vmem>>
        %dma_wait3A_37 = arith.constant 0 : i32
        %dma_wait3A_38 = arith.constant 0 : i32
        %dma_wait3A_39 = tpu.memref_slice %arg2[%dma_wait3A_37, %dma_wait3A_38] : memref<10000x16xf32, #tpu.memory_space<hbm>> -> memref<10000x16xf32, #tpu.memory_space<hbm>>
        tpu.wait_indirect_dma semaphore(%run_scoped3A : memref<!tpu.dma_semaphore, #tpu.memory_space<semaphore_mem>>) src(%dma_wait3A_39 : memref<10000x16xf32, #tpu.memory_space<hbm>>) dst(%arg8 : memref<128x16xf32, #tpu.memory_space<vmem>>)
        tpu.yield
      }) : () -> ()
      "tpu.region"() ({
        %run_scoped3A = tpu.sem_alloc : memref<!tpu.dma_semaphore, #tpu.memory_space<semaphore_mem>>
        %dma_start3A = arith.constant 0 : i32
        %dma_start3A_30 = tpu.memref_slice %arg7[%add3A_29, %dma_start3A] : memref<40x128xi32, #tpu.memory_space<vmem>> -> memref<1x128xi32, #tpu.memory_space<vmem>>
        %dma_start3A_31 = tpu.memref_squeeze %dma_start3A_30 : memref<1x128xi32, #tpu.memory_space<vmem>> -> memref<128xi32, #tpu.memory_space<vmem>>
        %dma_start3A_32 = arith.constant 0 : i32
        %dma_start3A_33 = arith.constant 0 : i32
        %dma_start3A_34 = tpu.memref_slice %arg10[%dma_start3A_32, %dma_start3A_33] : memref<10240x16xf32, #tpu.memory_space<vmem_shared>> -> memref<10240x16xf32, #tpu.memory_space<vmem_shared>>
        tpu.enqueue_indirect_dma source(%arg8 : memref<128x16xf32, #tpu.memory_space<vmem>>) target(%dma_start3A_34 : memref<10240x16xf32, #tpu.memory_space<vmem_shared>>) offsets(%dma_start3A_31 : memref<128xi32, #tpu.memory_space<vmem>>) semaphore(%run_scoped3A : memref<!tpu.dma_semaphore, #tpu.memory_space<semaphore_mem>>) {add = true}
        %dma_wait3A = arith.constant 0 : i32
        %dma_wait3A_35 = tpu.memref_slice %arg7[%add3A_29, %dma_wait3A] : memref<40x128xi32, #tpu.memory_space<vmem>> -> memref<1x128xi32, #tpu.memory_space<vmem>>
        %dma_wait3A_36 = tpu.memref_squeeze %dma_wait3A_35 : memref<1x128xi32, #tpu.memory_space<vmem>> -> memref<128xi32, #tpu.memory_space<vmem>>
        %dma_wait3A_37 = arith.constant 0 : i32
        %dma_wait3A_38 = arith.constant 0 : i32
        %dma_wait3A_39 = tpu.memref_slice %arg10[%dma_wait3A_37, %dma_wait3A_38] : memref<10240x16xf32, #tpu.memory_space<vmem_shared>> -> memref<10240x16xf32, #tpu.memory_space<vmem_shared>>
        tpu.wait_indirect_dma semaphore(%run_scoped3A : memref<!tpu.dma_semaphore, #tpu.memory_space<semaphore_mem>>) src(%arg8 : memref<128x16xf32, #tpu.memory_space<vmem>>) dst(%dma_wait3A_39 : memref<10240x16xf32, #tpu.memory_space<vmem_shared>>)
        tpu.yield
      }) : () -> ()
    }
    %scan3A_16 = arith.constant 40 : i32
    %barrier3A_17 = arith.constant 0 : index
    tpu.barrier barrier_id(%barrier3A_17)
    %mul3A_18 = arith.constant 640 : i32
    %mul3A_19 = arith.muli %arg1, %mul3A_18 : i32
    %mul3A_20 = arith.constant 10240 : i32
    %mul3A_21 = arith.muli %arg0, %mul3A_20 : i32
    %mul3A_22 = arith.constant 640 : i32
    %mul3A_23 = arith.muli %arg1, %mul3A_22 : i32
    %add3A_24 = arith.addi %mul3A_21, %mul3A_23 : i32
    "tpu.region"() ({
      %run_scoped3A = tpu.sem_alloc : memref<!tpu.dma_semaphore, #tpu.memory_space<semaphore_mem>>
      %dma_start3A = arith.constant 0 : i32
      %dma_start3A_25 = tpu.memref_slice %arg5[%add3A_24, %dma_start3A] : memref<20480x16xf32, #tpu.memory_space<hbm>> -> memref<640x16xf32, #tpu.memory_space<hbm>>
      %dma_start3A_26 = arith.constant 0 : i32
      %dma_start3A_27 = tpu.memref_slice %arg10[%mul3A_19, %dma_start3A_26] : memref<10240x16xf32, #tpu.memory_space<vmem_shared>> -> memref<640x16xf32, #tpu.memory_space<vmem_shared>>
      tpu.enqueue_dma source(%dma_start3A_27 : memref<640x16xf32, #tpu.memory_space<vmem_shared>>) target(%dma_start3A_25 : memref<640x16xf32, #tpu.memory_space<hbm>>) target_semaphore(%run_scoped3A : memref<!tpu.dma_semaphore, #tpu.memory_space<semaphore_mem>>)
      %dma_wait3A = arith.constant 0 : i32
      %dma_wait3A_28 = tpu.memref_slice %arg5[%add3A_24, %dma_wait3A] : memref<20480x16xf32, #tpu.memory_space<hbm>> -> memref<640x16xf32, #tpu.memory_space<hbm>>
      %dma_wait3A_29 = arith.constant 0 : i32
      %dma_wait3A_30 = tpu.memref_slice %arg10[%mul3A_19, %dma_wait3A_29] : memref<10240x16xf32, #tpu.memory_space<vmem_shared>> -> memref<640x16xf32, #tpu.memory_space<vmem_shared>>
      tpu.wait_dma2 semaphore(%run_scoped3A : memref<!tpu.dma_semaphore, #tpu.memory_space<semaphore_mem>>) src(%dma_wait3A_30 : memref<640x16xf32, #tpu.memory_space<vmem_shared>>) dst(%dma_wait3A_28 : memref<640x16xf32, #tpu.memory_space<hbm>>)
      tpu.yield
    }) : () -> ()
    return
  }
}

#map = affine_map<(d0, d1) -> (0, 0)>
module attributes {stable_mosaic.version = 14 : i64} {
  func.func @k(%arg0: i32, %arg1: i32, %arg2: memref<10000x128xf32, #tpu.memory_space<hbm>>, %arg3: memref<1280x128xi32, #tpu.memory_space<hbm>>, %arg4: memref<1280x128xi32, #tpu.memory_space<hbm>>, %arg5: memref<20480x128xf32, #tpu.memory_space<hbm>>, %arg6: memref<40x128xi32, #tpu.memory_space<vmem>>, %arg7: memref<40x128xi32, #tpu.memory_space<vmem>>, %arg8: memref<128x128xf32, #tpu.memory_space<vmem>>, %arg9: memref<128x128xf32, #tpu.memory_space<vmem>>, %arg10: memref<10240x128xf32, #tpu.memory_space<vmem_shared>>) attributes {dimension_semantics = [#tpu.dimension_semantics<core_parallel>, #tpu.dimension_semantics<subcore_parallel>], iteration_bounds = array<i64: 2, 16>, scalar_prefetch = 0 : i64, scratch_operands = 5 : i64, tpu.core_type = #tpu.core_type<sc_vector_subcore>, window_params = [{transform_indices = #map}, {transform_indices = #map}, {transform_indices = #map}, {transform_indices = #map}]} {
    %scan3A = arith.constant 0 : i32
    %scan3A_0 = arith.constant 128 : i32
    %scan3A_1 = arith.addi %scan3A, %scan3A_0 : i32
    %scan3A_2 = arith.constant 1 : i32
    scf.for %scan3A_25 = %scan3A to %scan3A_1 step %scan3A_2  : i32 {
      %mul3A_26 = arith.constant 1 : i32
      %mul3A_27 = arith.muli %scan3A_25, %mul3A_26 : i32
      %add3A_28 = arith.constant 0 : i32
      %add3A_29 = arith.addi %add3A_28, %mul3A_27 : i32
      %broadcast_in_dim3A = arith.constant 0.000000e+00 : f32
      %broadcast_in_dim3A_30 = vector.broadcast %broadcast_in_dim3A : f32 to vector<16xf32>
      %swap3A = arith.index_cast %add3A_29 : i32 to index
      %swap3A_31 = arith.constant 0 : index
      %swap3A_32 = tpu.vector_load %arg9[%swap3A, %swap3A_31] {strides = array<i32>} : memref<128x128xf32, #tpu.memory_space<vmem>>, vector<1x16xf32>,
      %swap3A_33 = vector.shape_cast %swap3A_32 : vector<1x16xf32> to vector<16xf32>
      %swap3A_34 = vector.shape_cast %broadcast_in_dim3A_30 : vector<16xf32> to vector<1x16xf32>
      tpu.vector_store %arg9[%swap3A, %swap3A_31], %swap3A_34 {strides = array<i32>} : memref<128x128xf32, #tpu.memory_space<vmem>>, vector<1x16xf32>,
      %broadcast_in_dim3A_35 = arith.constant 0.000000e+00 : f32
      %broadcast_in_dim3A_36 = vector.broadcast %broadcast_in_dim3A_35 : f32 to vector<16xf32>
      %swap3A_37 = arith.index_cast %add3A_29 : i32 to index
      %swap3A_38 = arith.constant 16 : index
      %swap3A_39 = tpu.vector_load %arg9[%swap3A_37, %swap3A_38] {strides = array<i32>} : memref<128x128xf32, #tpu.memory_space<vmem>>, vector<1x16xf32>,
      %swap3A_40 = vector.shape_cast %swap3A_39 : vector<1x16xf32> to vector<16xf32>
      %swap3A_41 = vector.shape_cast %broadcast_in_dim3A_36 : vector<16xf32> to vector<1x16xf32>
      tpu.vector_store %arg9[%swap3A_37, %swap3A_38], %swap3A_41 {strides = array<i32>} : memref<128x128xf32, #tpu.memory_space<vmem>>, vector<1x16xf32>,
      %broadcast_in_dim3A_42 = arith.constant 0.000000e+00 : f32
      %broadcast_in_dim3A_43 = vector.broadcast %broadcast_in_dim3A_42 : f32 to vector<16xf32>
      %swap3A_44 = arith.index_cast %add3A_29 : i32 to index
      %swap3A_45 = arith.constant 32 : index
      %swap3A_46 = tpu.vector_load %arg9[%swap3A_44, %swap3A_45] {strides = array<i32>} : memref<128x128xf32, #tpu.memory_space<vmem>>, vector<1x16xf32>,
      %swap3A_47 = vector.shape_cast %swap3A_46 : vector<1x16xf32> to vector<16xf32>
      %swap3A_48 = vector.shape_cast %broadcast_in_dim3A_43 : vector<16xf32> to vector<1x16xf32>
      tpu.vector_store %arg9[%swap3A_44, %swap3A_45], %swap3A_48 {strides = array<i32>} : memref<128x128xf32, #tpu.memory_space<vmem>>, vector<1x16xf32>,
      %broadcast_in_dim3A_49 = arith.constant 0.000000e+00 : f32
      %broadcast_in_dim3A_50 = vector.broadcast %broadcast_in_dim3A_49 : f32 to vector<16xf32>
      %swap3A_51 = arith.index_cast %add3A_29 : i32 to index
      %swap3A_52 = arith.constant 48 : index
      %swap3A_53 = tpu.vector_load %arg9[%swap3A_51, %swap3A_52] {strides = array<i32>} : memref<128x128xf32, #tpu.memory_space<vmem>>, vector<1x16xf32>,
      %swap3A_54 = vector.shape_cast %swap3A_53 : vector<1x16xf32> to vector<16xf32>
      %swap3A_55 = vector.shape_cast %broadcast_in_dim3A_50 : vector<16xf32> to vector<1x16xf32>
      tpu.vector_store %arg9[%swap3A_51, %swap3A_52], %swap3A_55 {strides = array<i32>} : memref<128x128xf32, #tpu.memory_space<vmem>>, vector<1x16xf32>,
      %broadcast_in_dim3A_56 = arith.constant 0.000000e+00 : f32
      %broadcast_in_dim3A_57 = vector.broadcast %broadcast_in_dim3A_56 : f32 to vector<16xf32>
      %swap3A_58 = arith.index_cast %add3A_29 : i32 to index
      %swap3A_59 = arith.constant 64 : index
      %swap3A_60 = tpu.vector_load %arg9[%swap3A_58, %swap3A_59] {strides = array<i32>} : memref<128x128xf32, #tpu.memory_space<vmem>>, vector<1x16xf32>,
      %swap3A_61 = vector.shape_cast %swap3A_60 : vector<1x16xf32> to vector<16xf32>
      %swap3A_62 = vector.shape_cast %broadcast_in_dim3A_57 : vector<16xf32> to vector<1x16xf32>
      tpu.vector_store %arg9[%swap3A_58, %swap3A_59], %swap3A_62 {strides = array<i32>} : memref<128x128xf32, #tpu.memory_space<vmem>>, vector<1x16xf32>,
      %broadcast_in_dim3A_63 = arith.constant 0.000000e+00 : f32
      %broadcast_in_dim3A_64 = vector.broadcast %broadcast_in_dim3A_63 : f32 to vector<16xf32>
      %swap3A_65 = arith.index_cast %add3A_29 : i32 to index
      %swap3A_66 = arith.constant 80 : index
      %swap3A_67 = tpu.vector_load %arg9[%swap3A_65, %swap3A_66] {strides = array<i32>} : memref<128x128xf32, #tpu.memory_space<vmem>>, vector<1x16xf32>,
      %swap3A_68 = vector.shape_cast %swap3A_67 : vector<1x16xf32> to vector<16xf32>
      %swap3A_69 = vector.shape_cast %broadcast_in_dim3A_64 : vector<16xf32> to vector<1x16xf32>
      tpu.vector_store %arg9[%swap3A_65, %swap3A_66], %swap3A_69 {strides = array<i32>} : memref<128x128xf32, #tpu.memory_space<vmem>>, vector<1x16xf32>,
      %broadcast_in_dim3A_70 = arith.constant 0.000000e+00 : f32
      %broadcast_in_dim3A_71 = vector.broadcast %broadcast_in_dim3A_70 : f32 to vector<16xf32>
      %swap3A_72 = arith.index_cast %add3A_29 : i32 to index
      %swap3A_73 = arith.constant 96 : index
      %swap3A_74 = tpu.vector_load %arg9[%swap3A_72, %swap3A_73] {strides = array<i32>} : memref<128x128xf32, #tpu.memory_space<vmem>>, vector<1x16xf32>,
      %swap3A_75 = vector.shape_cast %swap3A_74 : vector<1x16xf32> to vector<16xf32>
      %swap3A_76 = vector.shape_cast %broadcast_in_dim3A_71 : vector<16xf32> to vector<1x16xf32>
      tpu.vector_store %arg9[%swap3A_72, %swap3A_73], %swap3A_76 {strides = array<i32>} : memref<128x128xf32, #tpu.memory_space<vmem>>, vector<1x16xf32>,
      %broadcast_in_dim3A_77 = arith.constant 0.000000e+00 : f32
      %broadcast_in_dim3A_78 = vector.broadcast %broadcast_in_dim3A_77 : f32 to vector<16xf32>
      %swap3A_79 = arith.index_cast %add3A_29 : i32 to index
      %swap3A_80 = arith.constant 112 : index
      %swap3A_81 = tpu.vector_load %arg9[%swap3A_79, %swap3A_80] {strides = array<i32>} : memref<128x128xf32, #tpu.memory_space<vmem>>, vector<1x16xf32>,
      %swap3A_82 = vector.shape_cast %swap3A_81 : vector<1x16xf32> to vector<16xf32>
      %swap3A_83 = vector.shape_cast %broadcast_in_dim3A_78 : vector<16xf32> to vector<1x16xf32>
      tpu.vector_store %arg9[%swap3A_79, %swap3A_80], %swap3A_83 {strides = array<i32>} : memref<128x128xf32, #tpu.memory_space<vmem>>, vector<1x16xf32>,
    }
    %scan3A_3 = arith.constant 128 : i32
    %scan3A_4 = arith.constant 0 : i32
    %scan3A_5 = arith.constant 5 : i32
    %scan3A_6 = arith.addi %scan3A_4, %scan3A_5 : i32
    %scan3A_7 = arith.constant 1 : i32
    scf.for %scan3A_25 = %scan3A_4 to %scan3A_6 step %scan3A_7  : i32 {
      %mul3A_26 = arith.constant 1 : i32
      %mul3A_27 = arith.muli %scan3A_25, %mul3A_26 : i32
      %add3A_28 = arith.constant 0 : i32
      %add3A_29 = arith.addi %add3A_28, %mul3A_27 : i32
      %mul3A_30 = arith.constant 640 : i32
      %mul3A_31 = arith.muli %arg1, %mul3A_30 : i32
      %mul3A_32 = arith.constant 128 : i32
      %mul3A_33 = arith.muli %add3A_29, %mul3A_32 : i32
      %add3A_34 = arith.addi %mul3A_31, %mul3A_33 : i32
      "tpu.region"() ({
        %run_scoped3A = tpu.sem_alloc : memref<!tpu.dma_semaphore, #tpu.memory_space<semaphore_mem>>
        %dma_start3A = arith.constant 0 : i32
        %dma_start3A_35 = tpu.memref_slice %arg10[%add3A_34, %dma_start3A] : memref<10240x128xf32, #tpu.memory_space<vmem_shared>> -> memref<128x128xf32, #tpu.memory_space<vmem_shared>>
        %dma_start3A_36 = arith.constant 0 : i32
        %dma_start3A_37 = tpu.memref_slice %arg10[%add3A_34, %dma_start3A_36] : memref<10240x128xf32, #tpu.memory_space<vmem_shared>> -> memref<128x128xf32, #tpu.memory_space<vmem_shared>>
        tpu.enqueue_dma source(%arg9 : memref<128x128xf32, #tpu.memory_space<vmem>>) target(%dma_start3A_37 : memref<128x128xf32, #tpu.memory_space<vmem_shared>>) target_semaphore(%run_scoped3A : memref<!tpu.dma_semaphore, #tpu.memory_space<semaphore_mem>>)
        %dma_wait3A = arith.constant 0 : i32
        %dma_wait3A_38 = tpu.memref_slice %arg10[%add3A_34, %dma_wait3A] : memref<10240x128xf32, #tpu.memory_space<vmem_shared>> -> memref<128x128xf32, #tpu.memory_space<vmem_shared>>
        %dma_wait3A_39 = arith.constant 0 : i32
        %dma_wait3A_40 = tpu.memref_slice %arg10[%add3A_34, %dma_wait3A_39] : memref<10240x128xf32, #tpu.memory_space<vmem_shared>> -> memref<128x128xf32, #tpu.memory_space<vmem_shared>>
        tpu.wait_dma2 semaphore(%run_scoped3A : memref<!tpu.dma_semaphore, #tpu.memory_space<semaphore_mem>>) src(%arg9 : memref<128x128xf32, #tpu.memory_space<vmem>>) dst(%dma_wait3A_40 : memref<128x128xf32, #tpu.memory_space<vmem_shared>>)
        tpu.yield
      }) : () -> ()
    }
    %scan3A_8 = arith.constant 5 : i32
    %barrier3A = arith.constant 0 : index
    tpu.barrier barrier_id(%barrier3A)
    %mul3A = arith.constant 16 : i32
    %mul3A_9 = arith.muli %arg0, %mul3A : i32
    %add3A = arith.addi %mul3A_9, %arg1 : i32
    %mul3A_10 = arith.constant 40 : i32
    %mul3A_11 = arith.muli %add3A, %mul3A_10 : i32
    "tpu.region"() ({
      %run_scoped3A = tpu.sem_alloc : memref<!tpu.dma_semaphore, #tpu.memory_space<semaphore_mem>>
      %dma_start3A = arith.constant 0 : i32
      %dma_start3A_25 = tpu.memref_slice %arg4[%mul3A_11, %dma_start3A] : memref<1280x128xi32, #tpu.memory_space<hbm>> -> memref<40x128xi32, #tpu.memory_space<hbm>>
      %dma_start3A_26 = arith.constant 0 : i32
      %dma_start3A_27 = tpu.memref_slice %arg4[%mul3A_11, %dma_start3A_26] : memref<1280x128xi32, #tpu.memory_space<hbm>> -> memref<40x128xi32, #tpu.memory_space<hbm>>
      tpu.enqueue_dma source(%dma_start3A_27 : memref<40x128xi32, #tpu.memory_space<hbm>>) target(%arg7 : memref<40x128xi32, #tpu.memory_space<vmem>>) target_semaphore(%run_scoped3A : memref<!tpu.dma_semaphore, #tpu.memory_space<semaphore_mem>>)
      %dma_wait3A = arith.constant 0 : i32
      %dma_wait3A_28 = tpu.memref_slice %arg4[%mul3A_11, %dma_wait3A] : memref<1280x128xi32, #tpu.memory_space<hbm>> -> memref<40x128xi32, #tpu.memory_space<hbm>>
      %dma_wait3A_29 = arith.constant 0 : i32
      %dma_wait3A_30 = tpu.memref_slice %arg4[%mul3A_11, %dma_wait3A_29] : memref<1280x128xi32, #tpu.memory_space<hbm>> -> memref<40x128xi32, #tpu.memory_space<hbm>>
      tpu.wait_dma2 semaphore(%run_scoped3A : memref<!tpu.dma_semaphore, #tpu.memory_space<semaphore_mem>>) src(%dma_wait3A_30 : memref<40x128xi32, #tpu.memory_space<hbm>>) dst(%arg7 : memref<40x128xi32, #tpu.memory_space<vmem>>)
      tpu.yield
    }) : () -> ()
    "tpu.region"() ({
      %run_scoped3A = tpu.sem_alloc : memref<!tpu.dma_semaphore, #tpu.memory_space<semaphore_mem>>
      %dma_start3A = arith.constant 0 : i32
      %dma_start3A_25 = tpu.memref_slice %arg3[%mul3A_11, %dma_start3A] : memref<1280x128xi32, #tpu.memory_space<hbm>> -> memref<40x128xi32, #tpu.memory_space<hbm>>
      %dma_start3A_26 = arith.constant 0 : i32
      %dma_start3A_27 = tpu.memref_slice %arg3[%mul3A_11, %dma_start3A_26] : memref<1280x128xi32, #tpu.memory_space<hbm>> -> memref<40x128xi32, #tpu.memory_space<hbm>>
      tpu.enqueue_dma source(%dma_start3A_27 : memref<40x128xi32, #tpu.memory_space<hbm>>) target(%arg6 : memref<40x128xi32, #tpu.memory_space<vmem>>) target_semaphore(%run_scoped3A : memref<!tpu.dma_semaphore, #tpu.memory_space<semaphore_mem>>)
      %dma_wait3A = arith.constant 0 : i32
      %dma_wait3A_28 = tpu.memref_slice %arg3[%mul3A_11, %dma_wait3A] : memref<1280x128xi32, #tpu.memory_space<hbm>> -> memref<40x128xi32, #tpu.memory_space<hbm>>
      %dma_wait3A_29 = arith.constant 0 : i32
      %dma_wait3A_30 = tpu.memref_slice %arg3[%mul3A_11, %dma_wait3A_29] : memref<1280x128xi32, #tpu.memory_space<hbm>> -> memref<40x128xi32, #tpu.memory_space<hbm>>
      tpu.wait_dma2 semaphore(%run_scoped3A : memref<!tpu.dma_semaphore, #tpu.memory_space<semaphore_mem>>) src(%dma_wait3A_30 : memref<40x128xi32, #tpu.memory_space<hbm>>) dst(%arg6 : memref<40x128xi32, #tpu.memory_space<vmem>>)
      tpu.yield
    }) : () -> ()
    %scan3A_12 = arith.constant 0 : i32
    %scan3A_13 = arith.constant 40 : i32
    %scan3A_14 = arith.addi %scan3A_12, %scan3A_13 : i32
    %scan3A_15 = arith.constant 1 : i32
    scf.for %scan3A_25 = %scan3A_12 to %scan3A_14 step %scan3A_15  : i32 {
      %mul3A_26 = arith.constant 1 : i32
      %mul3A_27 = arith.muli %scan3A_25, %mul3A_26 : i32
      %add3A_28 = arith.constant 0 : i32
      %add3A_29 = arith.addi %add3A_28, %mul3A_27 : i32
      "tpu.region"() ({
        %run_scoped3A = tpu.sem_alloc : memref<!tpu.dma_semaphore, #tpu.memory_space<semaphore_mem>>
        %dma_start3A = arith.constant 0 : i32
        %dma_start3A_30 = tpu.memref_slice %arg6[%add3A_29, %dma_start3A] : memref<40x128xi32, #tpu.memory_space<vmem>> -> memref<1x128xi32, #tpu.memory_space<vmem>>
        %dma_start3A_31 = tpu.memref_squeeze %dma_start3A_30 : memref<1x128xi32, #tpu.memory_space<vmem>> -> memref<128xi32, #tpu.memory_space<vmem>>
        %dma_start3A_32 = arith.constant 0 : i32
        %dma_start3A_33 = arith.constant 0 : i32
        %dma_start3A_34 = tpu.memref_slice %arg2[%dma_start3A_32, %dma_start3A_33] : memref<10000x128xf32, #tpu.memory_space<hbm>> -> memref<10000x128xf32, #tpu.memory_space<hbm>>
        tpu.enqueue_indirect_dma source(%dma_start3A_34 : memref<10000x128xf32, #tpu.memory_space<hbm>>) target(%arg8 : memref<128x128xf32, #tpu.memory_space<vmem>>) offsets(%dma_start3A_31 : memref<128xi32, #tpu.memory_space<vmem>>) semaphore(%run_scoped3A : memref<!tpu.dma_semaphore, #tpu.memory_space<semaphore_mem>>)
        %dma_wait3A = arith.constant 0 : i32
        %dma_wait3A_35 = tpu.memref_slice %arg6[%add3A_29, %dma_wait3A] : memref<40x128xi32, #tpu.memory_space<vmem>> -> memref<1x128xi32, #tpu.memory_space<vmem>>
        %dma_wait3A_36 = tpu.memref_squeeze %dma_wait3A_35 : memref<1x128xi32, #tpu.memory_space<vmem>> -> memref<128xi32, #tpu.memory_space<vmem>>
        %dma_wait3A_37 = arith.constant 0 : i32
        %dma_wait3A_38 = arith.constant 0 : i32
        %dma_wait3A_39 = tpu.memref_slice %arg2[%dma_wait3A_37, %dma_wait3A_38] : memref<10000x128xf32, #tpu.memory_space<hbm>> -> memref<10000x128xf32, #tpu.memory_space<hbm>>
        tpu.wait_indirect_dma semaphore(%run_scoped3A : memref<!tpu.dma_semaphore, #tpu.memory_space<semaphore_mem>>) src(%dma_wait3A_39 : memref<10000x128xf32, #tpu.memory_space<hbm>>) dst(%arg8 : memref<128x128xf32, #tpu.memory_space<vmem>>)
        tpu.yield
      }) : () -> ()
      "tpu.region"() ({
        %run_scoped3A = tpu.sem_alloc : memref<!tpu.dma_semaphore, #tpu.memory_space<semaphore_mem>>
        %dma_start3A = arith.constant 0 : i32
        %dma_start3A_30 = tpu.memref_slice %arg7[%add3A_29, %dma_start3A] : memref<40x128xi32, #tpu.memory_space<vmem>> -> memref<1x128xi32, #tpu.memory_space<vmem>>
        %dma_start3A_31 = tpu.memref_squeeze %dma_start3A_30 : memref<1x128xi32, #tpu.memory_space<vmem>> -> memref<128xi32, #tpu.memory_space<vmem>>
        %dma_start3A_32 = arith.constant 0 : i32
        %dma_start3A_33 = arith.constant 0 : i32
        %dma_start3A_34 = tpu.memref_slice %arg10[%dma_start3A_32, %dma_start3A_33] : memref<10240x128xf32, #tpu.memory_space<vmem_shared>> -> memref<10240x128xf32, #tpu.memory_space<vmem_shared>>
        tpu.enqueue_indirect_dma source(%arg8 : memref<128x128xf32, #tpu.memory_space<vmem>>) target(%dma_start3A_34 : memref<10240x128xf32, #tpu.memory_space<vmem_shared>>) offsets(%dma_start3A_31 : memref<128xi32, #tpu.memory_space<vmem>>) semaphore(%run_scoped3A : memref<!tpu.dma_semaphore, #tpu.memory_space<semaphore_mem>>) {add = true}
        %dma_wait3A = arith.constant 0 : i32
        %dma_wait3A_35 = tpu.memref_slice %arg7[%add3A_29, %dma_wait3A] : memref<40x128xi32, #tpu.memory_space<vmem>> -> memref<1x128xi32, #tpu.memory_space<vmem>>
        %dma_wait3A_36 = tpu.memref_squeeze %dma_wait3A_35 : memref<1x128xi32, #tpu.memory_space<vmem>> -> memref<128xi32, #tpu.memory_space<vmem>>
        %dma_wait3A_37 = arith.constant 0 : i32
        %dma_wait3A_38 = arith.constant 0 : i32
        %dma_wait3A_39 = tpu.memref_slice %arg10[%dma_wait3A_37, %dma_wait3A_38] : memref<10240x128xf32, #tpu.memory_space<vmem_shared>> -> memref<10240x128xf32, #tpu.memory_space<vmem_shared>>
        tpu.wait_indirect_dma semaphore(%run_scoped3A : memref<!tpu.dma_semaphore, #tpu.memory_space<semaphore_mem>>) src(%arg8 : memref<128x128xf32, #tpu.memory_space<vmem>>) dst(%dma_wait3A_39 : memref<10240x128xf32, #tpu.memory_space<vmem_shared>>)
        tpu.yield
      }) : () -> ()
    }
    %scan3A_16 = arith.constant 40 : i32
    %barrier3A_17 = arith.constant 0 : index
    tpu.barrier barrier_id(%barrier3A_17)
    %mul3A_18 = arith.constant 640 : i32
    %mul3A_19 = arith.muli %arg1, %mul3A_18 : i32
    %mul3A_20 = arith.constant 10240 : i32
    %mul3A_21 = arith.muli %arg0, %mul3A_20 : i32
    %mul3A_22 = arith.constant 640 : i32
    %mul3A_23 = arith.muli %arg1, %mul3A_22 : i32
    %add3A_24 = arith.addi %mul3A_21, %mul3A_23 : i32
    "tpu.region"() ({
      %run_scoped3A = tpu.sem_alloc : memref<!tpu.dma_semaphore, #tpu.memory_space<semaphore_mem>>
      %dma_start3A = arith.constant 0 : i32
      %dma_start3A_25 = tpu.memref_slice %arg5[%add3A_24, %dma_start3A] : memref<20480x128xf32, #tpu.memory_space<hbm>> -> memref<640x128xf32, #tpu.memory_space<hbm>>
      %dma_start3A_26 = arith.constant 0 : i32
      %dma_start3A_27 = tpu.memref_slice %arg10[%mul3A_19, %dma_start3A_26] : memref<10240x128xf32, #tpu.memory_space<vmem_shared>> -> memref<640x128xf32, #tpu.memory_space<vmem_shared>>
      tpu.enqueue_dma source(%dma_start3A_27 : memref<640x128xf32, #tpu.memory_space<vmem_shared>>) target(%dma_start3A_25 : memref<640x128xf32, #tpu.memory_space<hbm>>) target_semaphore(%run_scoped3A : memref<!tpu.dma_semaphore, #tpu.memory_space<semaphore_mem>>)
      %dma_wait3A = arith.constant 0 : i32
      %dma_wait3A_28 = tpu.memref_slice %arg5[%add3A_24, %dma_wait3A] : memref<20480x128xf32, #tpu.memory_space<hbm>> -> memref<640x128xf32, #tpu.memory_space<hbm>>
      %dma_wait3A_29 = arith.constant 0 : i32
      %dma_wait3A_30 = tpu.memref_slice %arg10[%mul3A_19, %dma_wait3A_29] : memref<10240x128xf32, #tpu.memory_space<vmem_shared>> -> memref<640x128xf32, #tpu.memory_space<vmem_shared>>
      tpu.wait_dma2 semaphore(%run_scoped3A : memref<!tpu.dma_semaphore, #tpu.memory_space<semaphore_mem>>) src(%dma_wait3A_30 : memref<640x128xf32, #tpu.memory_space<vmem_shared>>) dst(%dma_wait3A_28 : memref<640x128xf32, #tpu.memory_space<hbm>>)
      tpu.yield
    }) : () -> ()
    return
  }
}

#map = affine_map<(d0, d1) -> (0, 0)>
module attributes {stable_mosaic.version = 14 : i64} {
  func.func @k(%arg0: i32, %arg1: i32, %arg2: memref<1x16xf32, #tpu.memory_space<hbm>>, %arg3: memref<1280x128xi32, #tpu.memory_space<hbm>>, %arg4: memref<1280x128xi32, #tpu.memory_space<hbm>>, %arg5: memref<20480x16xf32, #tpu.memory_space<hbm>>, %arg6: memref<40x128xi32, #tpu.memory_space<vmem>>, %arg7: memref<40x128xi32, #tpu.memory_space<vmem>>, %arg8: memref<128x16xf32, #tpu.memory_space<vmem>>, %arg9: memref<128x16xf32, #tpu.memory_space<vmem>>, %arg10: memref<10240x16xf32, #tpu.memory_space<vmem_shared>>) attributes {dimension_semantics = [#tpu.dimension_semantics<core_parallel>, #tpu.dimension_semantics<subcore_parallel>], iteration_bounds = array<i64: 2, 16>, scalar_prefetch = 0 : i64, scratch_operands = 5 : i64, tpu.core_type = #tpu.core_type<sc_vector_subcore>, window_params = [{transform_indices = #map}, {transform_indices = #map}, {transform_indices = #map}, {transform_indices = #map}]} {
    %scan3A = arith.constant 0 : i32
    %scan3A_0 = arith.constant 128 : i32
    %scan3A_1 = arith.addi %scan3A, %scan3A_0 : i32
    %scan3A_2 = arith.constant 1 : i32
    scf.for %scan3A_30 = %scan3A to %scan3A_1 step %scan3A_2  : i32 {
      %mul3A_31 = arith.constant 1 : i32
      %mul3A_32 = arith.muli %scan3A_30, %mul3A_31 : i32
      %add3A_33 = arith.constant 0 : i32
      %add3A_34 = arith.addi %add3A_33, %mul3A_32 : i32
      %broadcast_in_dim3A = arith.constant 0.000000e+00 : f32
      %broadcast_in_dim3A_35 = vector.broadcast %broadcast_in_dim3A : f32 to vector<16xf32>
      %swap3A = arith.index_cast %add3A_34 : i32 to index
      %swap3A_36 = arith.constant 0 : index
      %swap3A_37 = tpu.vector_load %arg9[%swap3A, %swap3A_36] {strides = array<i32>} : memref<128x16xf32, #tpu.memory_space<vmem>>, vector<1x16xf32>,
      %swap3A_38 = vector.shape_cast %swap3A_37 : vector<1x16xf32> to vector<16xf32>
      %swap3A_39 = vector.shape_cast %broadcast_in_dim3A_35 : vector<16xf32> to vector<1x16xf32>
      tpu.vector_store %arg9[%swap3A, %swap3A_36], %swap3A_39 {strides = array<i32>} : memref<128x16xf32, #tpu.memory_space<vmem>>, vector<1x16xf32>,
    }
    %scan3A_3 = arith.constant 128 : i32
    %scan3A_4 = arith.constant 0 : i32
    %scan3A_5 = arith.constant 128 : i32
    %scan3A_6 = arith.addi %scan3A_4, %scan3A_5 : i32
    %scan3A_7 = arith.constant 1 : i32
    scf.for %scan3A_30 = %scan3A_4 to %scan3A_6 step %scan3A_7  : i32 {
      %mul3A_31 = arith.constant 1 : i32
      %mul3A_32 = arith.muli %scan3A_30, %mul3A_31 : i32
      %add3A_33 = arith.constant 0 : i32
      %add3A_34 = arith.addi %add3A_33, %mul3A_32 : i32
      %broadcast_in_dim3A = arith.constant 1.000000e+00 : f32
      %broadcast_in_dim3A_35 = vector.broadcast %broadcast_in_dim3A : f32 to vector<16xf32>
      %swap3A = arith.index_cast %add3A_34 : i32 to index
      %swap3A_36 = arith.constant 0 : index
      %swap3A_37 = tpu.vector_load %arg8[%swap3A, %swap3A_36] {strides = array<i32>} : memref<128x16xf32, #tpu.memory_space<vmem>>, vector<1x16xf32>,
      %swap3A_38 = vector.shape_cast %swap3A_37 : vector<1x16xf32> to vector<16xf32>
      %swap3A_39 = vector.shape_cast %broadcast_in_dim3A_35 : vector<16xf32> to vector<1x16xf32>
      tpu.vector_store %arg8[%swap3A, %swap3A_36], %swap3A_39 {strides = array<i32>} : memref<128x16xf32, #tpu.memory_space<vmem>>, vector<1x16xf32>,
    }
    %scan3A_8 = arith.constant 128 : i32
    %scan3A_9 = arith.constant 0 : i32
    %scan3A_10 = arith.constant 5 : i32
    %scan3A_11 = arith.addi %scan3A_9, %scan3A_10 : i32
    %scan3A_12 = arith.constant 1 : i32
    scf.for %scan3A_30 = %scan3A_9 to %scan3A_11 step %scan3A_12  : i32 {
      %mul3A_31 = arith.constant 1 : i32
      %mul3A_32 = arith.muli %scan3A_30, %mul3A_31 : i32
      %add3A_33 = arith.constant 0 : i32
      %add3A_34 = arith.addi %add3A_33, %mul3A_32 : i32
      %mul3A_35 = arith.constant 640 : i32
      %mul3A_36 = arith.muli %arg1, %mul3A_35 : i32
      %mul3A_37 = arith.constant 128 : i32
      %mul3A_38 = arith.muli %add3A_34, %mul3A_37 : i32
      %add3A_39 = arith.addi %mul3A_36, %mul3A_38 : i32
      "tpu.region"() ({
        %run_scoped3A = tpu.sem_alloc : memref<!tpu.dma_semaphore, #tpu.memory_space<semaphore_mem>>
        %dma_start3A = arith.constant 0 : i32
        %dma_start3A_40 = tpu.memref_slice %arg10[%add3A_39, %dma_start3A] : memref<10240x16xf32, #tpu.memory_space<vmem_shared>> -> memref<128x16xf32, #tpu.memory_space<vmem_shared>>
        %dma_start3A_41 = arith.constant 0 : i32
        %dma_start3A_42 = tpu.memref_slice %arg10[%add3A_39, %dma_start3A_41] : memref<10240x16xf32, #tpu.memory_space<vmem_shared>> -> memref<128x16xf32, #tpu.memory_space<vmem_shared>>
        tpu.enqueue_dma source(%arg9 : memref<128x16xf32, #tpu.memory_space<vmem>>) target(%dma_start3A_42 : memref<128x16xf32, #tpu.memory_space<vmem_shared>>) target_semaphore(%run_scoped3A : memref<!tpu.dma_semaphore, #tpu.memory_space<semaphore_mem>>)
        %dma_wait3A = arith.constant 0 : i32
        %dma_wait3A_43 = tpu.memref_slice %arg10[%add3A_39, %dma_wait3A] : memref<10240x16xf32, #tpu.memory_space<vmem_shared>> -> memref<128x16xf32, #tpu.memory_space<vmem_shared>>
        %dma_wait3A_44 = arith.constant 0 : i32
        %dma_wait3A_45 = tpu.memref_slice %arg10[%add3A_39, %dma_wait3A_44] : memref<10240x16xf32, #tpu.memory_space<vmem_shared>> -> memref<128x16xf32, #tpu.memory_space<vmem_shared>>
        tpu.wait_dma2 semaphore(%run_scoped3A : memref<!tpu.dma_semaphore, #tpu.memory_space<semaphore_mem>>) src(%arg9 : memref<128x16xf32, #tpu.memory_space<vmem>>) dst(%dma_wait3A_45 : memref<128x16xf32, #tpu.memory_space<vmem_shared>>)
        tpu.yield
      }) : () -> ()
    }
    %scan3A_13 = arith.constant 5 : i32
    %barrier3A = arith.constant 0 : index
    tpu.barrier barrier_id(%barrier3A)
    %mul3A = arith.constant 16 : i32
    %mul3A_14 = arith.muli %arg0, %mul3A : i32
    %add3A = arith.addi %mul3A_14, %arg1 : i32
    %mul3A_15 = arith.constant 40 : i32
    %mul3A_16 = arith.muli %add3A, %mul3A_15 : i32
    "tpu.region"() ({
      %run_scoped3A = tpu.sem_alloc : memref<!tpu.dma_semaphore, #tpu.memory_space<semaphore_mem>>
      %dma_start3A = arith.constant 0 : i32
      %dma_start3A_30 = tpu.memref_slice %arg4[%mul3A_16, %dma_start3A] : memref<1280x128xi32, #tpu.memory_space<hbm>> -> memref<40x128xi32, #tpu.memory_space<hbm>>
      %dma_start3A_31 = arith.constant 0 : i32
      %dma_start3A_32 = tpu.memref_slice %arg4[%mul3A_16, %dma_start3A_31] : memref<1280x128xi32, #tpu.memory_space<hbm>> -> memref<40x128xi32, #tpu.memory_space<hbm>>
      tpu.enqueue_dma source(%dma_start3A_32 : memref<40x128xi32, #tpu.memory_space<hbm>>) target(%arg7 : memref<40x128xi32, #tpu.memory_space<vmem>>) target_semaphore(%run_scoped3A : memref<!tpu.dma_semaphore, #tpu.memory_space<semaphore_mem>>)
      %dma_wait3A = arith.constant 0 : i32
      %dma_wait3A_33 = tpu.memref_slice %arg4[%mul3A_16, %dma_wait3A] : memref<1280x128xi32, #tpu.memory_space<hbm>> -> memref<40x128xi32, #tpu.memory_space<hbm>>
      %dma_wait3A_34 = arith.constant 0 : i32
      %dma_wait3A_35 = tpu.memref_slice %arg4[%mul3A_16, %dma_wait3A_34] : memref<1280x128xi32, #tpu.memory_space<hbm>> -> memref<40x128xi32, #tpu.memory_space<hbm>>
      tpu.wait_dma2 semaphore(%run_scoped3A : memref<!tpu.dma_semaphore, #tpu.memory_space<semaphore_mem>>) src(%dma_wait3A_35 : memref<40x128xi32, #tpu.memory_space<hbm>>) dst(%arg7 : memref<40x128xi32, #tpu.memory_space<vmem>>)
      tpu.yield
    }) : () -> ()
    %scan3A_17 = arith.constant 0 : i32
    %scan3A_18 = arith.constant 40 : i32
    %scan3A_19 = arith.addi %scan3A_17, %scan3A_18 : i32
    %scan3A_20 = arith.constant 1 : i32
    scf.for %scan3A_30 = %scan3A_17 to %scan3A_19 step %scan3A_20  : i32 {
      %mul3A_31 = arith.constant 1 : i32
      %mul3A_32 = arith.muli %scan3A_30, %mul3A_31 : i32
      %add3A_33 = arith.constant 0 : i32
      %add3A_34 = arith.addi %add3A_33, %mul3A_32 : i32
      "tpu.region"() ({
        %run_scoped3A = tpu.sem_alloc : memref<!tpu.dma_semaphore, #tpu.memory_space<semaphore_mem>>
        %dma_start3A = arith.constant 0 : i32
        %dma_start3A_35 = tpu.memref_slice %arg7[%add3A_34, %dma_start3A] : memref<40x128xi32, #tpu.memory_space<vmem>> -> memref<1x128xi32, #tpu.memory_space<vmem>>
        %dma_start3A_36 = tpu.memref_squeeze %dma_start3A_35 : memref<1x128xi32, #tpu.memory_space<vmem>> -> memref<128xi32, #tpu.memory_space<vmem>>
        %dma_start3A_37 = arith.constant 0 : i32
        %dma_start3A_38 = arith.constant 0 : i32
        %dma_start3A_39 = tpu.memref_slice %arg10[%dma_start3A_37, %dma_start3A_38] : memref<10240x16xf32, #tpu.memory_space<vmem_shared>> -> memref<10240x16xf32, #tpu.memory_space<vmem_shared>>
        tpu.enqueue_indirect_dma source(%arg8 : memref<128x16xf32, #tpu.memory_space<vmem>>) target(%dma_start3A_39 : memref<10240x16xf32, #tpu.memory_space<vmem_shared>>) offsets(%dma_start3A_36 : memref<128xi32, #tpu.memory_space<vmem>>) semaphore(%run_scoped3A : memref<!tpu.dma_semaphore, #tpu.memory_space<semaphore_mem>>) {add = true}
        %dma_wait3A = arith.constant 0 : i32
        %dma_wait3A_40 = tpu.memref_slice %arg7[%add3A_34, %dma_wait3A] : memref<40x128xi32, #tpu.memory_space<vmem>> -> memref<1x128xi32, #tpu.memory_space<vmem>>
        %dma_wait3A_41 = tpu.memref_squeeze %dma_wait3A_40 : memref<1x128xi32, #tpu.memory_space<vmem>> -> memref<128xi32, #tpu.memory_space<vmem>>
        %dma_wait3A_42 = arith.constant 0 : i32
        %dma_wait3A_43 = arith.constant 0 : i32
        %dma_wait3A_44 = tpu.memref_slice %arg10[%dma_wait3A_42, %dma_wait3A_43] : memref<10240x16xf32, #tpu.memory_space<vmem_shared>> -> memref<10240x16xf32, #tpu.memory_space<vmem_shared>>
        tpu.wait_indirect_dma semaphore(%run_scoped3A : memref<!tpu.dma_semaphore, #tpu.memory_space<semaphore_mem>>) src(%arg8 : memref<128x16xf32, #tpu.memory_space<vmem>>) dst(%dma_wait3A_44 : memref<10240x16xf32, #tpu.memory_space<vmem_shared>>)
        tpu.yield
      }) : () -> ()
    }
    %scan3A_21 = arith.constant 40 : i32
    %barrier3A_22 = arith.constant 0 : index
    tpu.barrier barrier_id(%barrier3A_22)
    %mul3A_23 = arith.constant 640 : i32
    %mul3A_24 = arith.muli %arg1, %mul3A_23 : i32
    %mul3A_25 = arith.constant 10240 : i32
    %mul3A_26 = arith.muli %arg0, %mul3A_25 : i32
    %mul3A_27 = arith.constant 640 : i32
    %mul3A_28 = arith.muli %arg1, %mul3A_27 : i32
    %add3A_29 = arith.addi %mul3A_26, %mul3A_28 : i32
    "tpu.region"() ({
      %run_scoped3A = tpu.sem_alloc : memref<!tpu.dma_semaphore, #tpu.memory_space<semaphore_mem>>
      %dma_start3A = arith.constant 0 : i32
      %dma_start3A_30 = tpu.memref_slice %arg5[%add3A_29, %dma_start3A] : memref<20480x16xf32, #tpu.memory_space<hbm>> -> memref<640x16xf32, #tpu.memory_space<hbm>>
      %dma_start3A_31 = arith.constant 0 : i32
      %dma_start3A_32 = tpu.memref_slice %arg10[%mul3A_24, %dma_start3A_31] : memref<10240x16xf32, #tpu.memory_space<vmem_shared>> -> memref<640x16xf32, #tpu.memory_space<vmem_shared>>
      tpu.enqueue_dma source(%dma_start3A_32 : memref<640x16xf32, #tpu.memory_space<vmem_shared>>) target(%dma_start3A_30 : memref<640x16xf32, #tpu.memory_space<hbm>>) target_semaphore(%run_scoped3A : memref<!tpu.dma_semaphore, #tpu.memory_space<semaphore_mem>>)
      %dma_wait3A = arith.constant 0 : i32
      %dma_wait3A_33 = tpu.memref_slice %arg5[%add3A_29, %dma_wait3A] : memref<20480x16xf32, #tpu.memory_space<hbm>> -> memref<640x16xf32, #tpu.memory_space<hbm>>
      %dma_wait3A_34 = arith.constant 0 : i32
      %dma_wait3A_35 = tpu.memref_slice %arg10[%mul3A_24, %dma_wait3A_34] : memref<10240x16xf32, #tpu.memory_space<vmem_shared>> -> memref<640x16xf32, #tpu.memory_space<vmem_shared>>
      tpu.wait_dma2 semaphore(%run_scoped3A : memref<!tpu.dma_semaphore, #tpu.memory_space<semaphore_mem>>) src(%dma_wait3A_35 : memref<640x16xf32, #tpu.memory_space<vmem_shared>>) dst(%dma_wait3A_33 : memref<640x16xf32, #tpu.memory_space<hbm>>)
      tpu.yield
    }) : () -> ()
    return
  }
}

module attributes {stable_mosaic.version = 14 : i64} {
  func.func @_micro_body(%arg0: i32, %arg1: memref<100x32x64xf32, #tpu.memory_space<vmem>>, %arg2: memref<1x25x512xbf16, #tpu.memory_space<vmem>>, %arg3: memref<1x25x512xbf16, #tpu.memory_space<vmem>>, %arg4: memref<64x64xf32, #tpu.memory_space<vmem>>, %arg5: memref<64x64xf32, #tpu.memory_space<vmem>>, %arg6: memref<64x32xf32, #tpu.memory_space<vmem>>, %arg7: memref<256x128xf32, #tpu.memory_space<vmem>>, %arg8: memref<1x64xf32, #tpu.memory_space<vmem>>, %arg9: memref<1x64xf32, #tpu.memory_space<vmem>>, %arg10: memref<1x32xf32, #tpu.memory_space<vmem>>, %arg11: memref<32x4xf32, #tpu.memory_space<vmem>>, %arg12: memref<1x4xf32, #tpu.memory_space<vmem>>, %arg13: memref<4x16xf32, #tpu.memory_space<vmem>>, %arg14: memref<128x1xbf16, #tpu.memory_space<vmem>>, %arg15: memref<128x128xf32, #tpu.memory_space<vmem>>, %arg16: memref<128x16xf32, #tpu.memory_space<vmem>>, %arg17: memref<16x16xf32, #tpu.memory_space<vmem>>, %arg18: memref<1x100x128xf32, #tpu.memory_space<vmem>>, %arg19: memref<1x1xf32, #tpu.memory_space<vmem>>) attributes {dimension_semantics = [#tpu.dimension_semantics<arbitrary>], iteration_bounds = array<i64: 100>, scalar_prefetch = 0 : i64, scratch_operands = 0 : i64, tpu.core_type = #tpu.core_type<tc>, window_params = [{transform_indices = @transform_0, window_bounds = array<i64: 100, 32, 64>}, {transform_indices = @transform_1, window_bounds = array<i64: 1, 25, 512>}, {transform_indices = @transform_2, window_bounds = array<i64: 1, 25, 512>}, {pipeline_mode = #tpu.pipeline_mode<synchronous>, transform_indices = @transform_3, window_bounds = array<i64: 64, 64>}, {pipeline_mode = #tpu.pipeline_mode<synchronous>, transform_indices = @transform_4, window_bounds = array<i64: 64, 64>}, {pipeline_mode = #tpu.pipeline_mode<synchronous>, transform_indices = @transform_5, window_bounds = array<i64: 64, 32>}, {pipeline_mode = #tpu.pipeline_mode<synchronous>, transform_indices = @transform_6, window_bounds = array<i64: 256, 128>}, {pipeline_mode = #tpu.pipeline_mode<synchronous>, transform_indices = @transform_7, window_bounds = array<i64: 1, 64>}, {pipeline_mode = #tpu.pipeline_mode<synchronous>, transform_indices = @transform_8, window_bounds = array<i64: 1, 64>}, {pipeline_mode = #tpu.pipeline_mode<synchronous>, transform_indices = @transform_9, window_bounds = array<i64: 1, 32>}, {pipeline_mode = #tpu.pipeline_mode<synchronous>, transform_indices = @transform_10, window_bounds = array<i64: 32, 4>}, {pipeline_mode = #tpu.pipeline_mode<synchronous>, transform_indices = @transform_11, window_bounds = array<i64: 1, 4>}, {pipeline_mode = #tpu.pipeline_mode<synchronous>, transform_indices = @transform_12, window_bounds = array<i64: 4, 16>}, {pipeline_mode = #tpu.pipeline_mode<synchronous>, transform_indices = @transform_13, window_bounds = array<i64: 128, 1>}, {pipeline_mode = #tpu.pipeline_mode<synchronous>, transform_indices = @transform_14, window_bounds = array<i64: 128, 128>}, {pipeline_mode = #tpu.pipeline_mode<synchronous>, transform_indices = @transform_15, window_bounds = array<i64: 128, 16>}, {pipeline_mode = #tpu.pipeline_mode<synchronous>, transform_indices = @transform_16, window_bounds = array<i64: 16, 16>}, {transform_indices = @transform_17, window_bounds = array<i64: 1, 100, 128>}, {pipeline_mode = #tpu.pipeline_mode<synchronous>, transform_indices = @transform_18, window_bounds = array<i64: 1, 1>}]} {
    %get3A = arith.constant 0 : index
    %get3A_0 = arith.constant 0 : index
    %get3A_1 = vector.load %arg4[%get3A, %get3A_0] : memref<64x64xf32, #tpu.memory_space<vmem>>, vector<64x64xf32>
    %get3A_2 = arith.constant 0 : index
    %get3A_3 = arith.constant 0 : index
    %get3A_4 = vector.load %arg5[%get3A_2, %get3A_3] : memref<64x64xf32, #tpu.memory_space<vmem>>, vector<64x64xf32>
    %get3A_5 = arith.constant 0 : index
    %get3A_6 = arith.constant 0 : index
    %get3A_7 = vector.load %arg6[%get3A_5, %get3A_6] : memref<64x32xf32, #tpu.memory_space<vmem>>, vector<64x32xf32>
    %get3A_8 = arith.constant 0 : index
    %get3A_9 = arith.constant 0 : index
    %get3A_10 = vector.load %arg7[%get3A_8, %get3A_9] : memref<256x128xf32, #tpu.memory_space<vmem>>, vector<256x128xf32>
    %get3A_11 = arith.constant 0 : index
    %get3A_12 = arith.constant 0 : index
    %get3A_13 = vector.load %arg8[%get3A_11, %get3A_12] : memref<1x64xf32, #tpu.memory_space<vmem>>, vector<1x64xf32>
    %get3A_14 = arith.constant 0 : index
    %get3A_15 = arith.constant 0 : index
    %get3A_16 = vector.load %arg9[%get3A_14, %get3A_15] : memref<1x64xf32, #tpu.memory_space<vmem>>, vector<1x64xf32>
    %get3A_17 = arith.constant 0 : index
    %get3A_18 = arith.constant 0 : index
    %get3A_19 = vector.load %arg10[%get3A_17, %get3A_18] : memref<1x32xf32, #tpu.memory_space<vmem>>, vector<1x32xf32>
    %get3A_20 = arith.constant 0 : index
    %get3A_21 = arith.constant 0 : index
    %get3A_22 = vector.load %arg11[%get3A_20, %get3A_21] : memref<32x4xf32, #tpu.memory_space<vmem>>, vector<32x4xf32>
    %get3A_23 = arith.constant 0 : index
    %get3A_24 = arith.constant 0 : index
    %get3A_25 = vector.load %arg12[%get3A_23, %get3A_24] : memref<1x4xf32, #tpu.memory_space<vmem>>, vector<1x4xf32>
    %get3A_26 = arith.constant 0 : index
    %get3A_27 = arith.constant 0 : index
    %get3A_28 = vector.load %arg13[%get3A_26, %get3A_27] : memref<4x16xf32, #tpu.memory_space<vmem>>, vector<4x16xf32>
    %get3A_29 = arith.constant 0 : index
    %get3A_30 = arith.constant 0 : index
    %get3A_31 = vector.load %arg14[%get3A_29, %get3A_30] : memref<128x1xbf16, #tpu.memory_space<vmem>>, vector<128x1xbf16>
    %get3A_32 = arith.constant 0 : index
    %get3A_33 = arith.constant 0 : index
    %get3A_34 = vector.load %arg15[%get3A_32, %get3A_33] : memref<128x128xf32, #tpu.memory_space<vmem>>, vector<128x128xf32>
    %get3A_35 = arith.constant 0 : index
    %get3A_36 = arith.constant 0 : index
    %get3A_37 = vector.load %arg16[%get3A_35, %get3A_36] : memref<128x16xf32, #tpu.memory_space<vmem>>, vector<128x16xf32>
    %get3A_38 = arith.constant 0 : index
    %get3A_39 = arith.constant 0 : index
    %get3A_40 = vector.load %arg17[%get3A_38, %get3A_39] : memref<16x16xf32, #tpu.memory_space<vmem>>, vector<16x16xf32>
    %get3A_41 = arith.constant 0 : index
    %get3A_42 = arith.constant 0 : index
    %get3A_43 = arith.constant 0 : index
    %get3A_44 = vector.load %arg1[%get3A_41, %get3A_42, %get3A_43] : memref<100x32x64xf32, #tpu.memory_space<vmem>>, vector<4x32x64xf32>
    %reshape3A = vector.shape_cast %get3A_44 : vector<4x32x64xf32> to vector<128x64xf32>
    %get3A_45 = arith.constant 4 : index
    %get3A_46 = arith.constant 0 : index
    %get3A_47 = arith.constant 0 : index
    %get3A_48 = vector.load %arg1[%get3A_45, %get3A_46, %get3A_47] : memref<100x32x64xf32, #tpu.memory_space<vmem>>, vector<4x32x64xf32>
    %reshape3A_49 = vector.shape_cast %get3A_48 : vector<4x32x64xf32> to vector<128x64xf32>
    %get3A_50 = arith.constant 8 : index
    %get3A_51 = arith.constant 0 : index
    %get3A_52 = arith.constant 0 : index
    %get3A_53 = vector.load %arg1[%get3A_50, %get3A_51, %get3A_52] : memref<100x32x64xf32, #tpu.memory_space<vmem>>, vector<4x32x64xf32>
    %reshape3A_54 = vector.shape_cast %get3A_53 : vector<4x32x64xf32> to vector<128x64xf32>
    %get3A_55 = arith.constant 12 : index
    %get3A_56 = arith.constant 0 : index
    %get3A_57 = arith.constant 0 : index
    %get3A_58 = vector.load %arg1[%get3A_55, %get3A_56, %get3A_57] : memref<100x32x64xf32, #tpu.memory_space<vmem>>, vector<4x32x64xf32>
    %reshape3A_59 = vector.shape_cast %get3A_58 : vector<4x32x64xf32> to vector<128x64xf32>
    %get3A_60 = arith.constant 16 : index
    %get3A_61 = arith.constant 0 : index
    %get3A_62 = arith.constant 0 : index
    %get3A_63 = vector.load %arg1[%get3A_60, %get3A_61, %get3A_62] : memref<100x32x64xf32, #tpu.memory_space<vmem>>, vector<4x32x64xf32>
    %reshape3A_64 = vector.shape_cast %get3A_63 : vector<4x32x64xf32> to vector<128x64xf32>
    %get3A_65 = arith.constant 20 : index
    %get3A_66 = arith.constant 0 : index
    %get3A_67 = arith.constant 0 : index
    %get3A_68 = vector.load %arg1[%get3A_65, %get3A_66, %get3A_67] : memref<100x32x64xf32, #tpu.memory_space<vmem>>, vector<4x32x64xf32>
    %reshape3A_69 = vector.shape_cast %get3A_68 : vector<4x32x64xf32> to vector<128x64xf32>
    %get3A_70 = arith.constant 24 : index
    %get3A_71 = arith.constant 0 : index
    %get3A_72 = arith.constant 0 : index
    %get3A_73 = vector.load %arg1[%get3A_70, %get3A_71, %get3A_72] : memref<100x32x64xf32, #tpu.memory_space<vmem>>, vector<4x32x64xf32>
    %reshape3A_74 = vector.shape_cast %get3A_73 : vector<4x32x64xf32> to vector<128x64xf32>
    %get3A_75 = arith.constant 28 : index
    %get3A_76 = arith.constant 0 : index
    %get3A_77 = arith.constant 0 : index
    %get3A_78 = vector.load %arg1[%get3A_75, %get3A_76, %get3A_77] : memref<100x32x64xf32, #tpu.memory_space<vmem>>, vector<4x32x64xf32>
    %reshape3A_79 = vector.shape_cast %get3A_78 : vector<4x32x64xf32> to vector<128x64xf32>
    %get3A_80 = arith.constant 32 : index
    %get3A_81 = arith.constant 0 : index
    %get3A_82 = arith.constant 0 : index
    %get3A_83 = vector.load %arg1[%get3A_80, %get3A_81, %get3A_82] : memref<100x32x64xf32, #tpu.memory_space<vmem>>, vector<4x32x64xf32>
    %reshape3A_84 = vector.shape_cast %get3A_83 : vector<4x32x64xf32> to vector<128x64xf32>
    %get3A_85 = arith.constant 36 : index
    %get3A_86 = arith.constant 0 : index
    %get3A_87 = arith.constant 0 : index
    %get3A_88 = vector.load %arg1[%get3A_85, %get3A_86, %get3A_87] : memref<100x32x64xf32, #tpu.memory_space<vmem>>, vector<4x32x64xf32>
    %reshape3A_89 = vector.shape_cast %get3A_88 : vector<4x32x64xf32> to vector<128x64xf32>
    %get3A_90 = arith.constant 40 : index
    %get3A_91 = arith.constant 0 : index
    %get3A_92 = arith.constant 0 : index
    %get3A_93 = vector.load %arg1[%get3A_90, %get3A_91, %get3A_92] : memref<100x32x64xf32, #tpu.memory_space<vmem>>, vector<4x32x64xf32>
    %reshape3A_94 = vector.shape_cast %get3A_93 : vector<4x32x64xf32> to vector<128x64xf32>
    %get3A_95 = arith.constant 44 : index
    %get3A_96 = arith.constant 0 : index
    %get3A_97 = arith.constant 0 : index
    %get3A_98 = vector.load %arg1[%get3A_95, %get3A_96, %get3A_97] : memref<100x32x64xf32, #tpu.memory_space<vmem>>, vector<4x32x64xf32>
    %reshape3A_99 = vector.shape_cast %get3A_98 : vector<4x32x64xf32> to vector<128x64xf32>
    %get3A_100 = arith.constant 48 : index
    %get3A_101 = arith.constant 0 : index
    %get3A_102 = arith.constant 0 : index
    %get3A_103 = vector.load %arg1[%get3A_100, %get3A_101, %get3A_102] : memref<100x32x64xf32, #tpu.memory_space<vmem>>, vector<4x32x64xf32>
    %reshape3A_104 = vector.shape_cast %get3A_103 : vector<4x32x64xf32> to vector<128x64xf32>
    %get3A_105 = arith.constant 52 : index
    %get3A_106 = arith.constant 0 : index
    %get3A_107 = arith.constant 0 : index
    %get3A_108 = vector.load %arg1[%get3A_105, %get3A_106, %get3A_107] : memref<100x32x64xf32, #tpu.memory_space<vmem>>, vector<4x32x64xf32>
    %reshape3A_109 = vector.shape_cast %get3A_108 : vector<4x32x64xf32> to vector<128x64xf32>
    %get3A_110 = arith.constant 56 : index
    %get3A_111 = arith.constant 0 : index
    %get3A_112 = arith.constant 0 : index
    %get3A_113 = vector.load %arg1[%get3A_110, %get3A_111, %get3A_112] : memref<100x32x64xf32, #tpu.memory_space<vmem>>, vector<4x32x64xf32>
    %reshape3A_114 = vector.shape_cast %get3A_113 : vector<4x32x64xf32> to vector<128x64xf32>
    %get3A_115 = arith.constant 60 : index
    %get3A_116 = arith.constant 0 : index
    %get3A_117 = arith.constant 0 : index
    %get3A_118 = vector.load %arg1[%get3A_115, %get3A_116, %get3A_117] : memref<100x32x64xf32, #tpu.memory_space<vmem>>, vector<4x32x64xf32>
    %reshape3A_119 = vector.shape_cast %get3A_118 : vector<4x32x64xf32> to vector<128x64xf32>
    %get3A_120 = arith.constant 64 : index
    %get3A_121 = arith.constant 0 : index
    %get3A_122 = arith.constant 0 : index
    %get3A_123 = vector.load %arg1[%get3A_120, %get3A_121, %get3A_122] : memref<100x32x64xf32, #tpu.memory_space<vmem>>, vector<4x32x64xf32>
    %reshape3A_124 = vector.shape_cast %get3A_123 : vector<4x32x64xf32> to vector<128x64xf32>
    %get3A_125 = arith.constant 68 : index
    %get3A_126 = arith.constant 0 : index
    %get3A_127 = arith.constant 0 : index
    %get3A_128 = vector.load %arg1[%get3A_125, %get3A_126, %get3A_127] : memref<100x32x64xf32, #tpu.memory_space<vmem>>, vector<4x32x64xf32>
    %reshape3A_129 = vector.shape_cast %get3A_128 : vector<4x32x64xf32> to vector<128x64xf32>
    %get3A_130 = arith.constant 72 : index
    %get3A_131 = arith.constant 0 : index
    %get3A_132 = arith.constant 0 : index
    %get3A_133 = vector.load %arg1[%get3A_130, %get3A_131, %get3A_132] : memref<100x32x64xf32, #tpu.memory_space<vmem>>, vector<4x32x64xf32>
    %reshape3A_134 = vector.shape_cast %get3A_133 : vector<4x32x64xf32> to vector<128x64xf32>
    %get3A_135 = arith.constant 76 : index
    %get3A_136 = arith.constant 0 : index
    %get3A_137 = arith.constant 0 : index
    %get3A_138 = vector.load %arg1[%get3A_135, %get3A_136, %get3A_137] : memref<100x32x64xf32, #tpu.memory_space<vmem>>, vector<4x32x64xf32>
    %reshape3A_139 = vector.shape_cast %get3A_138 : vector<4x32x64xf32> to vector<128x64xf32>
    %get3A_140 = arith.constant 80 : index
    %get3A_141 = arith.constant 0 : index
    %get3A_142 = arith.constant 0 : index
    %get3A_143 = vector.load %arg1[%get3A_140, %get3A_141, %get3A_142] : memref<100x32x64xf32, #tpu.memory_space<vmem>>, vector<4x32x64xf32>
    %reshape3A_144 = vector.shape_cast %get3A_143 : vector<4x32x64xf32> to vector<128x64xf32>
    %get3A_145 = arith.constant 84 : index
    %get3A_146 = arith.constant 0 : index
    %get3A_147 = arith.constant 0 : index
    %get3A_148 = vector.load %arg1[%get3A_145, %get3A_146, %get3A_147] : memref<100x32x64xf32, #tpu.memory_space<vmem>>, vector<4x32x64xf32>
    %reshape3A_149 = vector.shape_cast %get3A_148 : vector<4x32x64xf32> to vector<128x64xf32>
    %get3A_150 = arith.constant 88 : index
    %get3A_151 = arith.constant 0 : index
    %get3A_152 = arith.constant 0 : index
    %get3A_153 = vector.load %arg1[%get3A_150, %get3A_151, %get3A_152] : memref<100x32x64xf32, #tpu.memory_space<vmem>>, vector<4x32x64xf32>
    %reshape3A_154 = vector.shape_cast %get3A_153 : vector<4x32x64xf32> to vector<128x64xf32>
    %get3A_155 = arith.constant 92 : index
    %get3A_156 = arith.constant 0 : index
    %get3A_157 = arith.constant 0 : index
    %get3A_158 = vector.load %arg1[%get3A_155, %get3A_156, %get3A_157] : memref<100x32x64xf32, #tpu.memory_space<vmem>>, vector<4x32x64xf32>
    %reshape3A_159 = vector.shape_cast %get3A_158 : vector<4x32x64xf32> to vector<128x64xf32>
    %get3A_160 = arith.constant 96 : index
    %get3A_161 = arith.constant 0 : index
    %get3A_162 = arith.constant 0 : index
    %get3A_163 = vector.load %arg1[%get3A_160, %get3A_161, %get3A_162] : memref<100x32x64xf32, #tpu.memory_space<vmem>>, vector<4x32x64xf32>
    %reshape3A_164 = vector.shape_cast %get3A_163 : vector<4x32x64xf32> to vector<128x64xf32>
    %get3A_165 = arith.constant 0 : index
    %get3A_166 = arith.constant 0 : index
    %get3A_167 = arith.constant 0 : index
    %get3A_168 = vector.load %arg2[%get3A_165, %get3A_166, %get3A_167] : memref<1x25x512xbf16, #tpu.memory_space<vmem>>, vector<1x1x512xbf16>
    %get3A_169 = vector.shape_cast %get3A_168 : vector<1x1x512xbf16> to vector<1x512xbf16>
    %eq3A = vector.broadcast %get3A_31 : vector<128x1xbf16> to vector<128x512xbf16>
    %eq3A_170 = vector.broadcast %get3A_169 : vector<1x512xbf16> to vector<128x512xbf16>
    %eq3A_171 = arith.cmpf oeq, %eq3A, %eq3A_170 : vector<128x512xbf16>
    %jit3A = arith.constant 1.000000e+00 : bf16
    %jit3A_172 = arith.constant 0.000000e+00 : bf16
    %broadcast_in_dim3A = vector.broadcast %jit3A : bf16 to vector<128x512xbf16>
    %broadcast_in_dim3A_173 = vector.broadcast %jit3A_172 : bf16 to vector<128x512xbf16>
    %select_n3A = arith.select %eq3A_171, %broadcast_in_dim3A, %broadcast_in_dim3A_173 : vector<128x512xi1>, vector<128x512xbf16>
    %get3A_174 = arith.constant 0 : index
    %get3A_175 = arith.constant 1 : index
    %get3A_176 = arith.constant 0 : index
    %get3A_177 = vector.load %arg2[%get3A_174, %get3A_175, %get3A_176] : memref<1x25x512xbf16, #tpu.memory_space<vmem>>, vector<1x1x512xbf16>
    %get3A_178 = vector.shape_cast %get3A_177 : vector<1x1x512xbf16> to vector<1x512xbf16>
    %eq3A_179 = vector.broadcast %get3A_31 : vector<128x1xbf16> to vector<128x512xbf16>
    %eq3A_180 = vector.broadcast %get3A_178 : vector<1x512xbf16> to vector<128x512xbf16>
    %eq3A_181 = arith.cmpf oeq, %eq3A_179, %eq3A_180 : vector<128x512xbf16>
    %jit3A_182 = arith.constant 1.000000e+00 : bf16
    %jit3A_183 = arith.constant 0.000000e+00 : bf16
    %broadcast_in_dim3A_184 = vector.broadcast %jit3A_182 : bf16 to vector<128x512xbf16>
    %broadcast_in_dim3A_185 = vector.broadcast %jit3A_183 : bf16 to vector<128x512xbf16>
    %select_n3A_186 = arith.select %eq3A_181, %broadcast_in_dim3A_184, %broadcast_in_dim3A_185 : vector<128x512xi1>, vector<128x512xbf16>
    %get3A_187 = arith.constant 0 : index
    %get3A_188 = arith.constant 2 : index
    %get3A_189 = arith.constant 0 : index
    %get3A_190 = vector.load %arg2[%get3A_187, %get3A_188, %get3A_189] : memref<1x25x512xbf16, #tpu.memory_space<vmem>>, vector<1x1x512xbf16>
    %get3A_191 = vector.shape_cast %get3A_190 : vector<1x1x512xbf16> to vector<1x512xbf16>
    %eq3A_192 = vector.broadcast %get3A_31 : vector<128x1xbf16> to vector<128x512xbf16>
    %eq3A_193 = vector.broadcast %get3A_191 : vector<1x512xbf16> to vector<128x512xbf16>
    %eq3A_194 = arith.cmpf oeq, %eq3A_192, %eq3A_193 : vector<128x512xbf16>
    %jit3A_195 = arith.constant 1.000000e+00 : bf16
    %jit3A_196 = arith.constant 0.000000e+00 : bf16
    %broadcast_in_dim3A_197 = vector.broadcast %jit3A_195 : bf16 to vector<128x512xbf16>
    %broadcast_in_dim3A_198 = vector.broadcast %jit3A_196 : bf16 to vector<128x512xbf16>
    %select_n3A_199 = arith.select %eq3A_194, %broadcast_in_dim3A_197, %broadcast_in_dim3A_198 : vector<128x512xi1>, vector<128x512xbf16>
    %get3A_200 = arith.constant 0 : index
    %get3A_201 = arith.constant 3 : index
    %get3A_202 = arith.constant 0 : index
    %get3A_203 = vector.load %arg2[%get3A_200, %get3A_201, %get3A_202] : memref<1x25x512xbf16, #tpu.memory_space<vmem>>, vector<1x1x512xbf16>
    %get3A_204 = vector.shape_cast %get3A_203 : vector<1x1x512xbf16> to vector<1x512xbf16>
    %eq3A_205 = vector.broadcast %get3A_31 : vector<128x1xbf16> to vector<128x512xbf16>
    %eq3A_206 = vector.broadcast %get3A_204 : vector<1x512xbf16> to vector<128x512xbf16>
    %eq3A_207 = arith.cmpf oeq, %eq3A_205, %eq3A_206 : vector<128x512xbf16>
    %jit3A_208 = arith.constant 1.000000e+00 : bf16
    %jit3A_209 = arith.constant 0.000000e+00 : bf16
    %broadcast_in_dim3A_210 = vector.broadcast %jit3A_208 : bf16 to vector<128x512xbf16>
    %broadcast_in_dim3A_211 = vector.broadcast %jit3A_209 : bf16 to vector<128x512xbf16>
    %select_n3A_212 = arith.select %eq3A_207, %broadcast_in_dim3A_210, %broadcast_in_dim3A_211 : vector<128x512xi1>, vector<128x512xbf16>
    %get3A_213 = arith.constant 0 : index
    %get3A_214 = arith.constant 4 : index
    %get3A_215 = arith.constant 0 : index
    %get3A_216 = vector.load %arg2[%get3A_213, %get3A_214, %get3A_215] : memref<1x25x512xbf16, #tpu.memory_space<vmem>>, vector<1x1x512xbf16>
    %get3A_217 = vector.shape_cast %get3A_216 : vector<1x1x512xbf16> to vector<1x512xbf16>
    %eq3A_218 = vector.broadcast %get3A_31 : vector<128x1xbf16> to vector<128x512xbf16>
    %eq3A_219 = vector.broadcast %get3A_217 : vector<1x512xbf16> to vector<128x512xbf16>
    %eq3A_220 = arith.cmpf oeq, %eq3A_218, %eq3A_219 : vector<128x512xbf16>
    %jit3A_221 = arith.constant 1.000000e+00 : bf16
    %jit3A_222 = arith.constant 0.000000e+00 : bf16
    %broadcast_in_dim3A_223 = vector.broadcast %jit3A_221 : bf16 to vector<128x512xbf16>
    %broadcast_in_dim3A_224 = vector.broadcast %jit3A_222 : bf16 to vector<128x512xbf16>
    %select_n3A_225 = arith.select %eq3A_220, %broadcast_in_dim3A_223, %broadcast_in_dim3A_224 : vector<128x512xi1>, vector<128x512xbf16>
    %get3A_226 = arith.constant 0 : index
    %get3A_227 = arith.constant 5 : index
    %get3A_228 = arith.constant 0 : index
    %get3A_229 = vector.load %arg2[%get3A_226, %get3A_227, %get3A_228] : memref<1x25x512xbf16, #tpu.memory_space<vmem>>, vector<1x1x512xbf16>
    %get3A_230 = vector.shape_cast %get3A_229 : vector<1x1x512xbf16> to vector<1x512xbf16>
    %eq3A_231 = vector.broadcast %get3A_31 : vector<128x1xbf16> to vector<128x512xbf16>
    %eq3A_232 = vector.broadcast %get3A_230 : vector<1x512xbf16> to vector<128x512xbf16>
    %eq3A_233 = arith.cmpf oeq, %eq3A_231, %eq3A_232 : vector<128x512xbf16>
    %jit3A_234 = arith.constant 1.000000e+00 : bf16
    %jit3A_235 = arith.constant 0.000000e+00 : bf16
    %broadcast_in_dim3A_236 = vector.broadcast %jit3A_234 : bf16 to vector<128x512xbf16>
    %broadcast_in_dim3A_237 = vector.broadcast %jit3A_235 : bf16 to vector<128x512xbf16>
    %select_n3A_238 = arith.select %eq3A_233, %broadcast_in_dim3A_236, %broadcast_in_dim3A_237 : vector<128x512xi1>, vector<128x512xbf16>
    %get3A_239 = arith.constant 0 : index
    %get3A_240 = arith.constant 6 : index
    %get3A_241 = arith.constant 0 : index
    %get3A_242 = vector.load %arg2[%get3A_239, %get3A_240, %get3A_241] : memref<1x25x512xbf16, #tpu.memory_space<vmem>>, vector<1x1x512xbf16>
    %get3A_243 = vector.shape_cast %get3A_242 : vector<1x1x512xbf16> to vector<1x512xbf16>
    %eq3A_244 = vector.broadcast %get3A_31 : vector<128x1xbf16> to vector<128x512xbf16>
    %eq3A_245 = vector.broadcast %get3A_243 : vector<1x512xbf16> to vector<128x512xbf16>
    %eq3A_246 = arith.cmpf oeq, %eq3A_244, %eq3A_245 : vector<128x512xbf16>
    %jit3A_247 = arith.constant 1.000000e+00 : bf16
    %jit3A_248 = arith.constant 0.000000e+00 : bf16
    %broadcast_in_dim3A_249 = vector.broadcast %jit3A_247 : bf16 to vector<128x512xbf16>
    %broadcast_in_dim3A_250 = vector.broadcast %jit3A_248 : bf16 to vector<128x512xbf16>
    %select_n3A_251 = arith.select %eq3A_246, %broadcast_in_dim3A_249, %broadcast_in_dim3A_250 : vector<128x512xi1>, vector<128x512xbf16>
    %get3A_252 = arith.constant 0 : index
    %get3A_253 = arith.constant 7 : index
    %get3A_254 = arith.constant 0 : index
    %get3A_255 = vector.load %arg2[%get3A_252, %get3A_253, %get3A_254] : memref<1x25x512xbf16, #tpu.memory_space<vmem>>, vector<1x1x512xbf16>
    %get3A_256 = vector.shape_cast %get3A_255 : vector<1x1x512xbf16> to vector<1x512xbf16>
    %eq3A_257 = vector.broadcast %get3A_31 : vector<128x1xbf16> to vector<128x512xbf16>
    %eq3A_258 = vector.broadcast %get3A_256 : vector<1x512xbf16> to vector<128x512xbf16>
    %eq3A_259 = arith.cmpf oeq, %eq3A_257, %eq3A_258 : vector<128x512xbf16>
    %jit3A_260 = arith.constant 1.000000e+00 : bf16
    %jit3A_261 = arith.constant 0.000000e+00 : bf16
    %broadcast_in_dim3A_262 = vector.broadcast %jit3A_260 : bf16 to vector<128x512xbf16>
    %broadcast_in_dim3A_263 = vector.broadcast %jit3A_261 : bf16 to vector<128x512xbf16>
    %select_n3A_264 = arith.select %eq3A_259, %broadcast_in_dim3A_262, %broadcast_in_dim3A_263 : vector<128x512xi1>, vector<128x512xbf16>
    %get3A_265 = arith.constant 0 : index
    %get3A_266 = arith.constant 8 : index
    %get3A_267 = arith.constant 0 : index
    %get3A_268 = vector.load %arg2[%get3A_265, %get3A_266, %get3A_267] : memref<1x25x512xbf16, #tpu.memory_space<vmem>>, vector<1x1x512xbf16>
    %get3A_269 = vector.shape_cast %get3A_268 : vector<1x1x512xbf16> to vector<1x512xbf16>
    %eq3A_270 = vector.broadcast %get3A_31 : vector<128x1xbf16> to vector<128x512xbf16>
    %eq3A_271 = vector.broadcast %get3A_269 : vector<1x512xbf16> to vector<128x512xbf16>
    %eq3A_272 = arith.cmpf oeq, %eq3A_270, %eq3A_271 : vector<128x512xbf16>
    %jit3A_273 = arith.constant 1.000000e+00 : bf16
    %jit3A_274 = arith.constant 0.000000e+00 : bf16
    %broadcast_in_dim3A_275 = vector.broadcast %jit3A_273 : bf16 to vector<128x512xbf16>
    %broadcast_in_dim3A_276 = vector.broadcast %jit3A_274 : bf16 to vector<128x512xbf16>
    %select_n3A_277 = arith.select %eq3A_272, %broadcast_in_dim3A_275, %broadcast_in_dim3A_276 : vector<128x512xi1>, vector<128x512xbf16>
    %get3A_278 = arith.constant 0 : index
    %get3A_279 = arith.constant 9 : index
    %get3A_280 = arith.constant 0 : index
    %get3A_281 = vector.load %arg2[%get3A_278, %get3A_279, %get3A_280] : memref<1x25x512xbf16, #tpu.memory_space<vmem>>, vector<1x1x512xbf16>
    %get3A_282 = vector.shape_cast %get3A_281 : vector<1x1x512xbf16> to vector<1x512xbf16>
    %eq3A_283 = vector.broadcast %get3A_31 : vector<128x1xbf16> to vector<128x512xbf16>
    %eq3A_284 = vector.broadcast %get3A_282 : vector<1x512xbf16> to vector<128x512xbf16>
    %eq3A_285 = arith.cmpf oeq, %eq3A_283, %eq3A_284 : vector<128x512xbf16>
    %jit3A_286 = arith.constant 1.000000e+00 : bf16
    %jit3A_287 = arith.constant 0.000000e+00 : bf16
    %broadcast_in_dim3A_288 = vector.broadcast %jit3A_286 : bf16 to vector<128x512xbf16>
    %broadcast_in_dim3A_289 = vector.broadcast %jit3A_287 : bf16 to vector<128x512xbf16>
    %select_n3A_290 = arith.select %eq3A_285, %broadcast_in_dim3A_288, %broadcast_in_dim3A_289 : vector<128x512xi1>, vector<128x512xbf16>
    %get3A_291 = arith.constant 0 : index
    %get3A_292 = arith.constant 10 : index
    %get3A_293 = arith.constant 0 : index
    %get3A_294 = vector.load %arg2[%get3A_291, %get3A_292, %get3A_293] : memref<1x25x512xbf16, #tpu.memory_space<vmem>>, vector<1x1x512xbf16>
    %get3A_295 = vector.shape_cast %get3A_294 : vector<1x1x512xbf16> to vector<1x512xbf16>
    %eq3A_296 = vector.broadcast %get3A_31 : vector<128x1xbf16> to vector<128x512xbf16>
    %eq3A_297 = vector.broadcast %get3A_295 : vector<1x512xbf16> to vector<128x512xbf16>
    %eq3A_298 = arith.cmpf oeq, %eq3A_296, %eq3A_297 : vector<128x512xbf16>
    %jit3A_299 = arith.constant 1.000000e+00 : bf16
    %jit3A_300 = arith.constant 0.000000e+00 : bf16
    %broadcast_in_dim3A_301 = vector.broadcast %jit3A_299 : bf16 to vector<128x512xbf16>
    %broadcast_in_dim3A_302 = vector.broadcast %jit3A_300 : bf16 to vector<128x512xbf16>
    %select_n3A_303 = arith.select %eq3A_298, %broadcast_in_dim3A_301, %broadcast_in_dim3A_302 : vector<128x512xi1>, vector<128x512xbf16>
    %get3A_304 = arith.constant 0 : index
    %get3A_305 = arith.constant 11 : index
    %get3A_306 = arith.constant 0 : index
    %get3A_307 = vector.load %arg2[%get3A_304, %get3A_305, %get3A_306] : memref<1x25x512xbf16, #tpu.memory_space<vmem>>, vector<1x1x512xbf16>
    %get3A_308 = vector.shape_cast %get3A_307 : vector<1x1x512xbf16> to vector<1x512xbf16>
    %eq3A_309 = vector.broadcast %get3A_31 : vector<128x1xbf16> to vector<128x512xbf16>
    %eq3A_310 = vector.broadcast %get3A_308 : vector<1x512xbf16> to vector<128x512xbf16>
    %eq3A_311 = arith.cmpf oeq, %eq3A_309, %eq3A_310 : vector<128x512xbf16>
    %jit3A_312 = arith.constant 1.000000e+00 : bf16
    %jit3A_313 = arith.constant 0.000000e+00 : bf16
    %broadcast_in_dim3A_314 = vector.broadcast %jit3A_312 : bf16 to vector<128x512xbf16>
    %broadcast_in_dim3A_315 = vector.broadcast %jit3A_313 : bf16 to vector<128x512xbf16>
    %select_n3A_316 = arith.select %eq3A_311, %broadcast_in_dim3A_314, %broadcast_in_dim3A_315 : vector<128x512xi1>, vector<128x512xbf16>
    %get3A_317 = arith.constant 0 : index
    %get3A_318 = arith.constant 12 : index
    %get3A_319 = arith.constant 0 : index
    %get3A_320 = vector.load %arg2[%get3A_317, %get3A_318, %get3A_319] : memref<1x25x512xbf16, #tpu.memory_space<vmem>>, vector<1x1x512xbf16>
    %get3A_321 = vector.shape_cast %get3A_320 : vector<1x1x512xbf16> to vector<1x512xbf16>
    %eq3A_322 = vector.broadcast %get3A_31 : vector<128x1xbf16> to vector<128x512xbf16>
    %eq3A_323 = vector.broadcast %get3A_321 : vector<1x512xbf16> to vector<128x512xbf16>
    %eq3A_324 = arith.cmpf oeq, %eq3A_322, %eq3A_323 : vector<128x512xbf16>
    %jit3A_325 = arith.constant 1.000000e+00 : bf16
    %jit3A_326 = arith.constant 0.000000e+00 : bf16
    %broadcast_in_dim3A_327 = vector.broadcast %jit3A_325 : bf16 to vector<128x512xbf16>
    %broadcast_in_dim3A_328 = vector.broadcast %jit3A_326 : bf16 to vector<128x512xbf16>
    %select_n3A_329 = arith.select %eq3A_324, %broadcast_in_dim3A_327, %broadcast_in_dim3A_328 : vector<128x512xi1>, vector<128x512xbf16>
    %get3A_330 = arith.constant 0 : index
    %get3A_331 = arith.constant 13 : index
    %get3A_332 = arith.constant 0 : index
    %get3A_333 = vector.load %arg2[%get3A_330, %get3A_331, %get3A_332] : memref<1x25x512xbf16, #tpu.memory_space<vmem>>, vector<1x1x512xbf16>
    %get3A_334 = vector.shape_cast %get3A_333 : vector<1x1x512xbf16> to vector<1x512xbf16>
    %eq3A_335 = vector.broadcast %get3A_31 : vector<128x1xbf16> to vector<128x512xbf16>
    %eq3A_336 = vector.broadcast %get3A_334 : vector<1x512xbf16> to vector<128x512xbf16>
    %eq3A_337 = arith.cmpf oeq, %eq3A_335, %eq3A_336 : vector<128x512xbf16>
    %jit3A_338 = arith.constant 1.000000e+00 : bf16
    %jit3A_339 = arith.constant 0.000000e+00 : bf16
    %broadcast_in_dim3A_340 = vector.broadcast %jit3A_338 : bf16 to vector<128x512xbf16>
    %broadcast_in_dim3A_341 = vector.broadcast %jit3A_339 : bf16 to vector<128x512xbf16>
    %select_n3A_342 = arith.select %eq3A_337, %broadcast_in_dim3A_340, %broadcast_in_dim3A_341 : vector<128x512xi1>, vector<128x512xbf16>
    %get3A_343 = arith.constant 0 : index
    %get3A_344 = arith.constant 14 : index
    %get3A_345 = arith.constant 0 : index
    %get3A_346 = vector.load %arg2[%get3A_343, %get3A_344, %get3A_345] : memref<1x25x512xbf16, #tpu.memory_space<vmem>>, vector<1x1x512xbf16>
    %get3A_347 = vector.shape_cast %get3A_346 : vector<1x1x512xbf16> to vector<1x512xbf16>
    %eq3A_348 = vector.broadcast %get3A_31 : vector<128x1xbf16> to vector<128x512xbf16>
    %eq3A_349 = vector.broadcast %get3A_347 : vector<1x512xbf16> to vector<128x512xbf16>
    %eq3A_350 = arith.cmpf oeq, %eq3A_348, %eq3A_349 : vector<128x512xbf16>
    %jit3A_351 = arith.constant 1.000000e+00 : bf16
    %jit3A_352 = arith.constant 0.000000e+00 : bf16
    %broadcast_in_dim3A_353 = vector.broadcast %jit3A_351 : bf16 to vector<128x512xbf16>
    %broadcast_in_dim3A_354 = vector.broadcast %jit3A_352 : bf16 to vector<128x512xbf16>
    %select_n3A_355 = arith.select %eq3A_350, %broadcast_in_dim3A_353, %broadcast_in_dim3A_354 : vector<128x512xi1>, vector<128x512xbf16>
    %get3A_356 = arith.constant 0 : index
    %get3A_357 = arith.constant 15 : index
    %get3A_358 = arith.constant 0 : index
    %get3A_359 = vector.load %arg2[%get3A_356, %get3A_357, %get3A_358] : memref<1x25x512xbf16, #tpu.memory_space<vmem>>, vector<1x1x512xbf16>
    %get3A_360 = vector.shape_cast %get3A_359 : vector<1x1x512xbf16> to vector<1x512xbf16>
    %eq3A_361 = vector.broadcast %get3A_31 : vector<128x1xbf16> to vector<128x512xbf16>
    %eq3A_362 = vector.broadcast %get3A_360 : vector<1x512xbf16> to vector<128x512xbf16>
    %eq3A_363 = arith.cmpf oeq, %eq3A_361, %eq3A_362 : vector<128x512xbf16>
    %jit3A_364 = arith.constant 1.000000e+00 : bf16
    %jit3A_365 = arith.constant 0.000000e+00 : bf16
    %broadcast_in_dim3A_366 = vector.broadcast %jit3A_364 : bf16 to vector<128x512xbf16>
    %broadcast_in_dim3A_367 = vector.broadcast %jit3A_365 : bf16 to vector<128x512xbf16>
    %select_n3A_368 = arith.select %eq3A_363, %broadcast_in_dim3A_366, %broadcast_in_dim3A_367 : vector<128x512xi1>, vector<128x512xbf16>
    %get3A_369 = arith.constant 0 : index
    %get3A_370 = arith.constant 16 : index
    %get3A_371 = arith.constant 0 : index
    %get3A_372 = vector.load %arg2[%get3A_369, %get3A_370, %get3A_371] : memref<1x25x512xbf16, #tpu.memory_space<vmem>>, vector<1x1x512xbf16>
    %get3A_373 = vector.shape_cast %get3A_372 : vector<1x1x512xbf16> to vector<1x512xbf16>
    %eq3A_374 = vector.broadcast %get3A_31 : vector<128x1xbf16> to vector<128x512xbf16>
    %eq3A_375 = vector.broadcast %get3A_373 : vector<1x512xbf16> to vector<128x512xbf16>
    %eq3A_376 = arith.cmpf oeq, %eq3A_374, %eq3A_375 : vector<128x512xbf16>
    %jit3A_377 = arith.constant 1.000000e+00 : bf16
    %jit3A_378 = arith.constant 0.000000e+00 : bf16
    %broadcast_in_dim3A_379 = vector.broadcast %jit3A_377 : bf16 to vector<128x512xbf16>
    %broadcast_in_dim3A_380 = vector.broadcast %jit3A_378 : bf16 to vector<128x512xbf16>
    %select_n3A_381 = arith.select %eq3A_376, %broadcast_in_dim3A_379, %broadcast_in_dim3A_380 : vector<128x512xi1>, vector<128x512xbf16>
    %get3A_382 = arith.constant 0 : index
    %get3A_383 = arith.constant 17 : index
    %get3A_384 = arith.constant 0 : index
    %get3A_385 = vector.load %arg2[%get3A_382, %get3A_383, %get3A_384] : memref<1x25x512xbf16, #tpu.memory_space<vmem>>, vector<1x1x512xbf16>
    %get3A_386 = vector.shape_cast %get3A_385 : vector<1x1x512xbf16> to vector<1x512xbf16>
    %eq3A_387 = vector.broadcast %get3A_31 : vector<128x1xbf16> to vector<128x512xbf16>
    %eq3A_388 = vector.broadcast %get3A_386 : vector<1x512xbf16> to vector<128x512xbf16>
    %eq3A_389 = arith.cmpf oeq, %eq3A_387, %eq3A_388 : vector<128x512xbf16>
    %jit3A_390 = arith.constant 1.000000e+00 : bf16
    %jit3A_391 = arith.constant 0.000000e+00 : bf16
    %broadcast_in_dim3A_392 = vector.broadcast %jit3A_390 : bf16 to vector<128x512xbf16>
    %broadcast_in_dim3A_393 = vector.broadcast %jit3A_391 : bf16 to vector<128x512xbf16>
    %select_n3A_394 = arith.select %eq3A_389, %broadcast_in_dim3A_392, %broadcast_in_dim3A_393 : vector<128x512xi1>, vector<128x512xbf16>
    %get3A_395 = arith.constant 0 : index
    %get3A_396 = arith.constant 18 : index
    %get3A_397 = arith.constant 0 : index
    %get3A_398 = vector.load %arg2[%get3A_395, %get3A_396, %get3A_397] : memref<1x25x512xbf16, #tpu.memory_space<vmem>>, vector<1x1x512xbf16>
    %get3A_399 = vector.shape_cast %get3A_398 : vector<1x1x512xbf16> to vector<1x512xbf16>
    %eq3A_400 = vector.broadcast %get3A_31 : vector<128x1xbf16> to vector<128x512xbf16>
    %eq3A_401 = vector.broadcast %get3A_399 : vector<1x512xbf16> to vector<128x512xbf16>
    %eq3A_402 = arith.cmpf oeq, %eq3A_400, %eq3A_401 : vector<128x512xbf16>
    %jit3A_403 = arith.constant 1.000000e+00 : bf16
    %jit3A_404 = arith.constant 0.000000e+00 : bf16
    %broadcast_in_dim3A_405 = vector.broadcast %jit3A_403 : bf16 to vector<128x512xbf16>
    %broadcast_in_dim3A_406 = vector.broadcast %jit3A_404 : bf16 to vector<128x512xbf16>
    %select_n3A_407 = arith.select %eq3A_402, %broadcast_in_dim3A_405, %broadcast_in_dim3A_406 : vector<128x512xi1>, vector<128x512xbf16>
    %get3A_408 = arith.constant 0 : index
    %get3A_409 = arith.constant 19 : index
    %get3A_410 = arith.constant 0 : index
    %get3A_411 = vector.load %arg2[%get3A_408, %get3A_409, %get3A_410] : memref<1x25x512xbf16, #tpu.memory_space<vmem>>, vector<1x1x512xbf16>
    %get3A_412 = vector.shape_cast %get3A_411 : vector<1x1x512xbf16> to vector<1x512xbf16>
    %eq3A_413 = vector.broadcast %get3A_31 : vector<128x1xbf16> to vector<128x512xbf16>
    %eq3A_414 = vector.broadcast %get3A_412 : vector<1x512xbf16> to vector<128x512xbf16>
    %eq3A_415 = arith.cmpf oeq, %eq3A_413, %eq3A_414 : vector<128x512xbf16>
    %jit3A_416 = arith.constant 1.000000e+00 : bf16
    %jit3A_417 = arith.constant 0.000000e+00 : bf16
    %broadcast_in_dim3A_418 = vector.broadcast %jit3A_416 : bf16 to vector<128x512xbf16>
    %broadcast_in_dim3A_419 = vector.broadcast %jit3A_417 : bf16 to vector<128x512xbf16>
    %select_n3A_420 = arith.select %eq3A_415, %broadcast_in_dim3A_418, %broadcast_in_dim3A_419 : vector<128x512xi1>, vector<128x512xbf16>
    %get3A_421 = arith.constant 0 : index
    %get3A_422 = arith.constant 20 : index
    %get3A_423 = arith.constant 0 : index
    %get3A_424 = vector.load %arg2[%get3A_421, %get3A_422, %get3A_423] : memref<1x25x512xbf16, #tpu.memory_space<vmem>>, vector<1x1x512xbf16>
    %get3A_425 = vector.shape_cast %get3A_424 : vector<1x1x512xbf16> to vector<1x512xbf16>
    %eq3A_426 = vector.broadcast %get3A_31 : vector<128x1xbf16> to vector<128x512xbf16>
    %eq3A_427 = vector.broadcast %get3A_425 : vector<1x512xbf16> to vector<128x512xbf16>
    %eq3A_428 = arith.cmpf oeq, %eq3A_426, %eq3A_427 : vector<128x512xbf16>
    %jit3A_429 = arith.constant 1.000000e+00 : bf16
    %jit3A_430 = arith.constant 0.000000e+00 : bf16
    %broadcast_in_dim3A_431 = vector.broadcast %jit3A_429 : bf16 to vector<128x512xbf16>
    %broadcast_in_dim3A_432 = vector.broadcast %jit3A_430 : bf16 to vector<128x512xbf16>
    %select_n3A_433 = arith.select %eq3A_428, %broadcast_in_dim3A_431, %broadcast_in_dim3A_432 : vector<128x512xi1>, vector<128x512xbf16>
    %get3A_434 = arith.constant 0 : index
    %get3A_435 = arith.constant 21 : index
    %get3A_436 = arith.constant 0 : index
    %get3A_437 = vector.load %arg2[%get3A_434, %get3A_435, %get3A_436] : memref<1x25x512xbf16, #tpu.memory_space<vmem>>, vector<1x1x512xbf16>
    %get3A_438 = vector.shape_cast %get3A_437 : vector<1x1x512xbf16> to vector<1x512xbf16>
    %eq3A_439 = vector.broadcast %get3A_31 : vector<128x1xbf16> to vector<128x512xbf16>
    %eq3A_440 = vector.broadcast %get3A_438 : vector<1x512xbf16> to vector<128x512xbf16>
    %eq3A_441 = arith.cmpf oeq, %eq3A_439, %eq3A_440 : vector<128x512xbf16>
    %jit3A_442 = arith.constant 1.000000e+00 : bf16
    %jit3A_443 = arith.constant 0.000000e+00 : bf16
    %broadcast_in_dim3A_444 = vector.broadcast %jit3A_442 : bf16 to vector<128x512xbf16>
    %broadcast_in_dim3A_445 = vector.broadcast %jit3A_443 : bf16 to vector<128x512xbf16>
    %select_n3A_446 = arith.select %eq3A_441, %broadcast_in_dim3A_444, %broadcast_in_dim3A_445 : vector<128x512xi1>, vector<128x512xbf16>
    %get3A_447 = arith.constant 0 : index
    %get3A_448 = arith.constant 22 : index
    %get3A_449 = arith.constant 0 : index
    %get3A_450 = vector.load %arg2[%get3A_447, %get3A_448, %get3A_449] : memref<1x25x512xbf16, #tpu.memory_space<vmem>>, vector<1x1x512xbf16>
    %get3A_451 = vector.shape_cast %get3A_450 : vector<1x1x512xbf16> to vector<1x512xbf16>
    %eq3A_452 = vector.broadcast %get3A_31 : vector<128x1xbf16> to vector<128x512xbf16>
    %eq3A_453 = vector.broadcast %get3A_451 : vector<1x512xbf16> to vector<128x512xbf16>
    %eq3A_454 = arith.cmpf oeq, %eq3A_452, %eq3A_453 : vector<128x512xbf16>
    %jit3A_455 = arith.constant 1.000000e+00 : bf16
    %jit3A_456 = arith.constant 0.000000e+00 : bf16
    %broadcast_in_dim3A_457 = vector.broadcast %jit3A_455 : bf16 to vector<128x512xbf16>
    %broadcast_in_dim3A_458 = vector.broadcast %jit3A_456 : bf16 to vector<128x512xbf16>
    %select_n3A_459 = arith.select %eq3A_454, %broadcast_in_dim3A_457, %broadcast_in_dim3A_458 : vector<128x512xi1>, vector<128x512xbf16>
    %get3A_460 = arith.constant 0 : index
    %get3A_461 = arith.constant 23 : index
    %get3A_462 = arith.constant 0 : index
    %get3A_463 = vector.load %arg2[%get3A_460, %get3A_461, %get3A_462] : memref<1x25x512xbf16, #tpu.memory_space<vmem>>, vector<1x1x512xbf16>
    %get3A_464 = vector.shape_cast %get3A_463 : vector<1x1x512xbf16> to vector<1x512xbf16>
    %eq3A_465 = vector.broadcast %get3A_31 : vector<128x1xbf16> to vector<128x512xbf16>
    %eq3A_466 = vector.broadcast %get3A_464 : vector<1x512xbf16> to vector<128x512xbf16>
    %eq3A_467 = arith.cmpf oeq, %eq3A_465, %eq3A_466 : vector<128x512xbf16>
    %jit3A_468 = arith.constant 1.000000e+00 : bf16
    %jit3A_469 = arith.constant 0.000000e+00 : bf16
    %broadcast_in_dim3A_470 = vector.broadcast %jit3A_468 : bf16 to vector<128x512xbf16>
    %broadcast_in_dim3A_471 = vector.broadcast %jit3A_469 : bf16 to vector<128x512xbf16>
    %select_n3A_472 = arith.select %eq3A_467, %broadcast_in_dim3A_470, %broadcast_in_dim3A_471 : vector<128x512xi1>, vector<128x512xbf16>
    %get3A_473 = arith.constant 0 : index
    %get3A_474 = arith.constant 24 : index
    %get3A_475 = arith.constant 0 : index
    %get3A_476 = vector.load %arg2[%get3A_473, %get3A_474, %get3A_475] : memref<1x25x512xbf16, #tpu.memory_space<vmem>>, vector<1x1x512xbf16>
    %get3A_477 = vector.shape_cast %get3A_476 : vector<1x1x512xbf16> to vector<1x512xbf16>
    %eq3A_478 = vector.broadcast %get3A_31 : vector<128x1xbf16> to vector<128x512xbf16>
    %eq3A_479 = vector.broadcast %get3A_477 : vector<1x512xbf16> to vector<128x512xbf16>
    %eq3A_480 = arith.cmpf oeq, %eq3A_478, %eq3A_479 : vector<128x512xbf16>
    %jit3A_481 = arith.constant 1.000000e+00 : bf16
    %jit3A_482 = arith.constant 0.000000e+00 : bf16
    %broadcast_in_dim3A_483 = vector.broadcast %jit3A_481 : bf16 to vector<128x512xbf16>
    %broadcast_in_dim3A_484 = vector.broadcast %jit3A_482 : bf16 to vector<128x512xbf16>
    %select_n3A_485 = arith.select %eq3A_480, %broadcast_in_dim3A_483, %broadcast_in_dim3A_484 : vector<128x512xi1>, vector<128x512xbf16>
    %get3A_486 = arith.constant 0 : index
    %get3A_487 = arith.constant 0 : index
    %get3A_488 = arith.constant 0 : index
    %get3A_489 = vector.load %arg3[%get3A_486, %get3A_487, %get3A_488] : memref<1x25x512xbf16, #tpu.memory_space<vmem>>, vector<1x1x512xbf16>
    %get3A_490 = vector.shape_cast %get3A_489 : vector<1x1x512xbf16> to vector<1x512xbf16>
    %eq3A_491 = vector.broadcast %get3A_31 : vector<128x1xbf16> to vector<128x512xbf16>
    %eq3A_492 = vector.broadcast %get3A_490 : vector<1x512xbf16> to vector<128x512xbf16>
    %eq3A_493 = arith.cmpf oeq, %eq3A_491, %eq3A_492 : vector<128x512xbf16>
    %jit3A_494 = arith.constant 1.000000e+00 : bf16
    %jit3A_495 = arith.constant 0.000000e+00 : bf16
    %broadcast_in_dim3A_496 = vector.broadcast %jit3A_494 : bf16 to vector<128x512xbf16>
    %broadcast_in_dim3A_497 = vector.broadcast %jit3A_495 : bf16 to vector<128x512xbf16>
    %select_n3A_498 = arith.select %eq3A_493, %broadcast_in_dim3A_496, %broadcast_in_dim3A_497 : vector<128x512xi1>, vector<128x512xbf16>
    %get3A_499 = arith.constant 0 : index
    %get3A_500 = arith.constant 1 : index
    %get3A_501 = arith.constant 0 : index
    %get3A_502 = vector.load %arg3[%get3A_499, %get3A_500, %get3A_501] : memref<1x25x512xbf16, #tpu.memory_space<vmem>>, vector<1x1x512xbf16>
    %get3A_503 = vector.shape_cast %get3A_502 : vector<1x1x512xbf16> to vector<1x512xbf16>
    %eq3A_504 = vector.broadcast %get3A_31 : vector<128x1xbf16> to vector<128x512xbf16>
    %eq3A_505 = vector.broadcast %get3A_503 : vector<1x512xbf16> to vector<128x512xbf16>
    %eq3A_506 = arith.cmpf oeq, %eq3A_504, %eq3A_505 : vector<128x512xbf16>
    %jit3A_507 = arith.constant 1.000000e+00 : bf16
    %jit3A_508 = arith.constant 0.000000e+00 : bf16
    %broadcast_in_dim3A_509 = vector.broadcast %jit3A_507 : bf16 to vector<128x512xbf16>
    %broadcast_in_dim3A_510 = vector.broadcast %jit3A_508 : bf16 to vector<128x512xbf16>
    %select_n3A_511 = arith.select %eq3A_506, %broadcast_in_dim3A_509, %broadcast_in_dim3A_510 : vector<128x512xi1>, vector<128x512xbf16>
    %get3A_512 = arith.constant 0 : index
    %get3A_513 = arith.constant 2 : index
    %get3A_514 = arith.constant 0 : index
    %get3A_515 = vector.load %arg3[%get3A_512, %get3A_513, %get3A_514] : memref<1x25x512xbf16, #tpu.memory_space<vmem>>, vector<1x1x512xbf16>
    %get3A_516 = vector.shape_cast %get3A_515 : vector<1x1x512xbf16> to vector<1x512xbf16>
    %eq3A_517 = vector.broadcast %get3A_31 : vector<128x1xbf16> to vector<128x512xbf16>
    %eq3A_518 = vector.broadcast %get3A_516 : vector<1x512xbf16> to vector<128x512xbf16>
    %eq3A_519 = arith.cmpf oeq, %eq3A_517, %eq3A_518 : vector<128x512xbf16>
    %jit3A_520 = arith.constant 1.000000e+00 : bf16
    %jit3A_521 = arith.constant 0.000000e+00 : bf16
    %broadcast_in_dim3A_522 = vector.broadcast %jit3A_520 : bf16 to vector<128x512xbf16>
    %broadcast_in_dim3A_523 = vector.broadcast %jit3A_521 : bf16 to vector<128x512xbf16>
    %select_n3A_524 = arith.select %eq3A_519, %broadcast_in_dim3A_522, %broadcast_in_dim3A_523 : vector<128x512xi1>, vector<128x512xbf16>
    %get3A_525 = arith.constant 0 : index
    %get3A_526 = arith.constant 3 : index
    %get3A_527 = arith.constant 0 : index
    %get3A_528 = vector.load %arg3[%get3A_525, %get3A_526, %get3A_527] : memref<1x25x512xbf16, #tpu.memory_space<vmem>>, vector<1x1x512xbf16>
    %get3A_529 = vector.shape_cast %get3A_528 : vector<1x1x512xbf16> to vector<1x512xbf16>
    %eq3A_530 = vector.broadcast %get3A_31 : vector<128x1xbf16> to vector<128x512xbf16>
    %eq3A_531 = vector.broadcast %get3A_529 : vector<1x512xbf16> to vector<128x512xbf16>
    %eq3A_532 = arith.cmpf oeq, %eq3A_530, %eq3A_531 : vector<128x512xbf16>
    %jit3A_533 = arith.constant 1.000000e+00 : bf16
    %jit3A_534 = arith.constant 0.000000e+00 : bf16
    %broadcast_in_dim3A_535 = vector.broadcast %jit3A_533 : bf16 to vector<128x512xbf16>
    %broadcast_in_dim3A_536 = vector.broadcast %jit3A_534 : bf16 to vector<128x512xbf16>
    %select_n3A_537 = arith.select %eq3A_532, %broadcast_in_dim3A_535, %broadcast_in_dim3A_536 : vector<128x512xi1>, vector<128x512xbf16>
    %get3A_538 = arith.constant 0 : index
    %get3A_539 = arith.constant 4 : index
    %get3A_540 = arith.constant 0 : index
    %get3A_541 = vector.load %arg3[%get3A_538, %get3A_539, %get3A_540] : memref<1x25x512xbf16, #tpu.memory_space<vmem>>, vector<1x1x512xbf16>
    %get3A_542 = vector.shape_cast %get3A_541 : vector<1x1x512xbf16> to vector<1x512xbf16>
    %eq3A_543 = vector.broadcast %get3A_31 : vector<128x1xbf16> to vector<128x512xbf16>
    %eq3A_544 = vector.broadcast %get3A_542 : vector<1x512xbf16> to vector<128x512xbf16>
    %eq3A_545 = arith.cmpf oeq, %eq3A_543, %eq3A_544 : vector<128x512xbf16>
    %jit3A_546 = arith.constant 1.000000e+00 : bf16
    %jit3A_547 = arith.constant 0.000000e+00 : bf16
    %broadcast_in_dim3A_548 = vector.broadcast %jit3A_546 : bf16 to vector<128x512xbf16>
    %broadcast_in_dim3A_549 = vector.broadcast %jit3A_547 : bf16 to vector<128x512xbf16>
    %select_n3A_550 = arith.select %eq3A_545, %broadcast_in_dim3A_548, %broadcast_in_dim3A_549 : vector<128x512xi1>, vector<128x512xbf16>
    %get3A_551 = arith.constant 0 : index
    %get3A_552 = arith.constant 5 : index
    %get3A_553 = arith.constant 0 : index
    %get3A_554 = vector.load %arg3[%get3A_551, %get3A_552, %get3A_553] : memref<1x25x512xbf16, #tpu.memory_space<vmem>>, vector<1x1x512xbf16>
    %get3A_555 = vector.shape_cast %get3A_554 : vector<1x1x512xbf16> to vector<1x512xbf16>
    %eq3A_556 = vector.broadcast %get3A_31 : vector<128x1xbf16> to vector<128x512xbf16>
    %eq3A_557 = vector.broadcast %get3A_555 : vector<1x512xbf16> to vector<128x512xbf16>
    %eq3A_558 = arith.cmpf oeq, %eq3A_556, %eq3A_557 : vector<128x512xbf16>
    %jit3A_559 = arith.constant 1.000000e+00 : bf16
    %jit3A_560 = arith.constant 0.000000e+00 : bf16
    %broadcast_in_dim3A_561 = vector.broadcast %jit3A_559 : bf16 to vector<128x512xbf16>
    %broadcast_in_dim3A_562 = vector.broadcast %jit3A_560 : bf16 to vector<128x512xbf16>
    %select_n3A_563 = arith.select %eq3A_558, %broadcast_in_dim3A_561, %broadcast_in_dim3A_562 : vector<128x512xi1>, vector<128x512xbf16>
    %get3A_564 = arith.constant 0 : index
    %get3A_565 = arith.constant 6 : index
    %get3A_566 = arith.constant 0 : index
    %get3A_567 = vector.load %arg3[%get3A_564, %get3A_565, %get3A_566] : memref<1x25x512xbf16, #tpu.memory_space<vmem>>, vector<1x1x512xbf16>
    %get3A_568 = vector.shape_cast %get3A_567 : vector<1x1x512xbf16> to vector<1x512xbf16>
    %eq3A_569 = vector.broadcast %get3A_31 : vector<128x1xbf16> to vector<128x512xbf16>
    %eq3A_570 = vector.broadcast %get3A_568 : vector<1x512xbf16> to vector<128x512xbf16>
    %eq3A_571 = arith.cmpf oeq, %eq3A_569, %eq3A_570 : vector<128x512xbf16>
    %jit3A_572 = arith.constant 1.000000e+00 : bf16
    %jit3A_573 = arith.constant 0.000000e+00 : bf16
    %broadcast_in_dim3A_574 = vector.broadcast %jit3A_572 : bf16 to vector<128x512xbf16>
    %broadcast_in_dim3A_575 = vector.broadcast %jit3A_573 : bf16 to vector<128x512xbf16>
    %select_n3A_576 = arith.select %eq3A_571, %broadcast_in_dim3A_574, %broadcast_in_dim3A_575 : vector<128x512xi1>, vector<128x512xbf16>
    %get3A_577 = arith.constant 0 : index
    %get3A_578 = arith.constant 7 : index
    %get3A_579 = arith.constant 0 : index
    %get3A_580 = vector.load %arg3[%get3A_577, %get3A_578, %get3A_579] : memref<1x25x512xbf16, #tpu.memory_space<vmem>>, vector<1x1x512xbf16>
    %get3A_581 = vector.shape_cast %get3A_580 : vector<1x1x512xbf16> to vector<1x512xbf16>
    %eq3A_582 = vector.broadcast %get3A_31 : vector<128x1xbf16> to vector<128x512xbf16>
    %eq3A_583 = vector.broadcast %get3A_581 : vector<1x512xbf16> to vector<128x512xbf16>
    %eq3A_584 = arith.cmpf oeq, %eq3A_582, %eq3A_583 : vector<128x512xbf16>
    %jit3A_585 = arith.constant 1.000000e+00 : bf16
    %jit3A_586 = arith.constant 0.000000e+00 : bf16
    %broadcast_in_dim3A_587 = vector.broadcast %jit3A_585 : bf16 to vector<128x512xbf16>
    %broadcast_in_dim3A_588 = vector.broadcast %jit3A_586 : bf16 to vector<128x512xbf16>
    %select_n3A_589 = arith.select %eq3A_584, %broadcast_in_dim3A_587, %broadcast_in_dim3A_588 : vector<128x512xi1>, vector<128x512xbf16>
    %get3A_590 = arith.constant 0 : index
    %get3A_591 = arith.constant 8 : index
    %get3A_592 = arith.constant 0 : index
    %get3A_593 = vector.load %arg3[%get3A_590, %get3A_591, %get3A_592] : memref<1x25x512xbf16, #tpu.memory_space<vmem>>, vector<1x1x512xbf16>
    %get3A_594 = vector.shape_cast %get3A_593 : vector<1x1x512xbf16> to vector<1x512xbf16>
    %eq3A_595 = vector.broadcast %get3A_31 : vector<128x1xbf16> to vector<128x512xbf16>
    %eq3A_596 = vector.broadcast %get3A_594 : vector<1x512xbf16> to vector<128x512xbf16>
    %eq3A_597 = arith.cmpf oeq, %eq3A_595, %eq3A_596 : vector<128x512xbf16>
    %jit3A_598 = arith.constant 1.000000e+00 : bf16
    %jit3A_599 = arith.constant 0.000000e+00 : bf16
    %broadcast_in_dim3A_600 = vector.broadcast %jit3A_598 : bf16 to vector<128x512xbf16>
    %broadcast_in_dim3A_601 = vector.broadcast %jit3A_599 : bf16 to vector<128x512xbf16>
    %select_n3A_602 = arith.select %eq3A_597, %broadcast_in_dim3A_600, %broadcast_in_dim3A_601 : vector<128x512xi1>, vector<128x512xbf16>
    %get3A_603 = arith.constant 0 : index
    %get3A_604 = arith.constant 9 : index
    %get3A_605 = arith.constant 0 : index
    %get3A_606 = vector.load %arg3[%get3A_603, %get3A_604, %get3A_605] : memref<1x25x512xbf16, #tpu.memory_space<vmem>>, vector<1x1x512xbf16>
    %get3A_607 = vector.shape_cast %get3A_606 : vector<1x1x512xbf16> to vector<1x512xbf16>
    %eq3A_608 = vector.broadcast %get3A_31 : vector<128x1xbf16> to vector<128x512xbf16>
    %eq3A_609 = vector.broadcast %get3A_607 : vector<1x512xbf16> to vector<128x512xbf16>
    %eq3A_610 = arith.cmpf oeq, %eq3A_608, %eq3A_609 : vector<128x512xbf16>
    %jit3A_611 = arith.constant 1.000000e+00 : bf16
    %jit3A_612 = arith.constant 0.000000e+00 : bf16
    %broadcast_in_dim3A_613 = vector.broadcast %jit3A_611 : bf16 to vector<128x512xbf16>
    %broadcast_in_dim3A_614 = vector.broadcast %jit3A_612 : bf16 to vector<128x512xbf16>
    %select_n3A_615 = arith.select %eq3A_610, %broadcast_in_dim3A_613, %broadcast_in_dim3A_614 : vector<128x512xi1>, vector<128x512xbf16>
    %get3A_616 = arith.constant 0 : index
    %get3A_617 = arith.constant 10 : index
    %get3A_618 = arith.constant 0 : index
    %get3A_619 = vector.load %arg3[%get3A_616, %get3A_617, %get3A_618] : memref<1x25x512xbf16, #tpu.memory_space<vmem>>, vector<1x1x512xbf16>
    %get3A_620 = vector.shape_cast %get3A_619 : vector<1x1x512xbf16> to vector<1x512xbf16>
    %eq3A_621 = vector.broadcast %get3A_31 : vector<128x1xbf16> to vector<128x512xbf16>
    %eq3A_622 = vector.broadcast %get3A_620 : vector<1x512xbf16> to vector<128x512xbf16>
    %eq3A_623 = arith.cmpf oeq, %eq3A_621, %eq3A_622 : vector<128x512xbf16>
    %jit3A_624 = arith.constant 1.000000e+00 : bf16
    %jit3A_625 = arith.constant 0.000000e+00 : bf16
    %broadcast_in_dim3A_626 = vector.broadcast %jit3A_624 : bf16 to vector<128x512xbf16>
    %broadcast_in_dim3A_627 = vector.broadcast %jit3A_625 : bf16 to vector<128x512xbf16>
    %select_n3A_628 = arith.select %eq3A_623, %broadcast_in_dim3A_626, %broadcast_in_dim3A_627 : vector<128x512xi1>, vector<128x512xbf16>
    %get3A_629 = arith.constant 0 : index
    %get3A_630 = arith.constant 11 : index
    %get3A_631 = arith.constant 0 : index
    %get3A_632 = vector.load %arg3[%get3A_629, %get3A_630, %get3A_631] : memref<1x25x512xbf16, #tpu.memory_space<vmem>>, vector<1x1x512xbf16>
    %get3A_633 = vector.shape_cast %get3A_632 : vector<1x1x512xbf16> to vector<1x512xbf16>
    %eq3A_634 = vector.broadcast %get3A_31 : vector<128x1xbf16> to vector<128x512xbf16>
    %eq3A_635 = vector.broadcast %get3A_633 : vector<1x512xbf16> to vector<128x512xbf16>
    %eq3A_636 = arith.cmpf oeq, %eq3A_634, %eq3A_635 : vector<128x512xbf16>
    %jit3A_637 = arith.constant 1.000000e+00 : bf16
    %jit3A_638 = arith.constant 0.000000e+00 : bf16
    %broadcast_in_dim3A_639 = vector.broadcast %jit3A_637 : bf16 to vector<128x512xbf16>
    %broadcast_in_dim3A_640 = vector.broadcast %jit3A_638 : bf16 to vector<128x512xbf16>
    %select_n3A_641 = arith.select %eq3A_636, %broadcast_in_dim3A_639, %broadcast_in_dim3A_640 : vector<128x512xi1>, vector<128x512xbf16>
    %get3A_642 = arith.constant 0 : index
    %get3A_643 = arith.constant 12 : index
    %get3A_644 = arith.constant 0 : index
    %get3A_645 = vector.load %arg3[%get3A_642, %get3A_643, %get3A_644] : memref<1x25x512xbf16, #tpu.memory_space<vmem>>, vector<1x1x512xbf16>
    %get3A_646 = vector.shape_cast %get3A_645 : vector<1x1x512xbf16> to vector<1x512xbf16>
    %eq3A_647 = vector.broadcast %get3A_31 : vector<128x1xbf16> to vector<128x512xbf16>
    %eq3A_648 = vector.broadcast %get3A_646 : vector<1x512xbf16> to vector<128x512xbf16>
    %eq3A_649 = arith.cmpf oeq, %eq3A_647, %eq3A_648 : vector<128x512xbf16>
    %jit3A_650 = arith.constant 1.000000e+00 : bf16
    %jit3A_651 = arith.constant 0.000000e+00 : bf16
    %broadcast_in_dim3A_652 = vector.broadcast %jit3A_650 : bf16 to vector<128x512xbf16>
    %broadcast_in_dim3A_653 = vector.broadcast %jit3A_651 : bf16 to vector<128x512xbf16>
    %select_n3A_654 = arith.select %eq3A_649, %broadcast_in_dim3A_652, %broadcast_in_dim3A_653 : vector<128x512xi1>, vector<128x512xbf16>
    %get3A_655 = arith.constant 0 : index
    %get3A_656 = arith.constant 13 : index
    %get3A_657 = arith.constant 0 : index
    %get3A_658 = vector.load %arg3[%get3A_655, %get3A_656, %get3A_657] : memref<1x25x512xbf16, #tpu.memory_space<vmem>>, vector<1x1x512xbf16>
    %get3A_659 = vector.shape_cast %get3A_658 : vector<1x1x512xbf16> to vector<1x512xbf16>
    %eq3A_660 = vector.broadcast %get3A_31 : vector<128x1xbf16> to vector<128x512xbf16>
    %eq3A_661 = vector.broadcast %get3A_659 : vector<1x512xbf16> to vector<128x512xbf16>
    %eq3A_662 = arith.cmpf oeq, %eq3A_660, %eq3A_661 : vector<128x512xbf16>
    %jit3A_663 = arith.constant 1.000000e+00 : bf16
    %jit3A_664 = arith.constant 0.000000e+00 : bf16
    %broadcast_in_dim3A_665 = vector.broadcast %jit3A_663 : bf16 to vector<128x512xbf16>
    %broadcast_in_dim3A_666 = vector.broadcast %jit3A_664 : bf16 to vector<128x512xbf16>
    %select_n3A_667 = arith.select %eq3A_662, %broadcast_in_dim3A_665, %broadcast_in_dim3A_666 : vector<128x512xi1>, vector<128x512xbf16>
    %get3A_668 = arith.constant 0 : index
    %get3A_669 = arith.constant 14 : index
    %get3A_670 = arith.constant 0 : index
    %get3A_671 = vector.load %arg3[%get3A_668, %get3A_669, %get3A_670] : memref<1x25x512xbf16, #tpu.memory_space<vmem>>, vector<1x1x512xbf16>
    %get3A_672 = vector.shape_cast %get3A_671 : vector<1x1x512xbf16> to vector<1x512xbf16>
    %eq3A_673 = vector.broadcast %get3A_31 : vector<128x1xbf16> to vector<128x512xbf16>
    %eq3A_674 = vector.broadcast %get3A_672 : vector<1x512xbf16> to vector<128x512xbf16>
    %eq3A_675 = arith.cmpf oeq, %eq3A_673, %eq3A_674 : vector<128x512xbf16>
    %jit3A_676 = arith.constant 1.000000e+00 : bf16
    %jit3A_677 = arith.constant 0.000000e+00 : bf16
    %broadcast_in_dim3A_678 = vector.broadcast %jit3A_676 : bf16 to vector<128x512xbf16>
    %broadcast_in_dim3A_679 = vector.broadcast %jit3A_677 : bf16 to vector<128x512xbf16>
    %select_n3A_680 = arith.select %eq3A_675, %broadcast_in_dim3A_678, %broadcast_in_dim3A_679 : vector<128x512xi1>, vector<128x512xbf16>
    %get3A_681 = arith.constant 0 : index
    %get3A_682 = arith.constant 15 : index
    %get3A_683 = arith.constant 0 : index
    %get3A_684 = vector.load %arg3[%get3A_681, %get3A_682, %get3A_683] : memref<1x25x512xbf16, #tpu.memory_space<vmem>>, vector<1x1x512xbf16>
    %get3A_685 = vector.shape_cast %get3A_684 : vector<1x1x512xbf16> to vector<1x512xbf16>
    %eq3A_686 = vector.broadcast %get3A_31 : vector<128x1xbf16> to vector<128x512xbf16>
    %eq3A_687 = vector.broadcast %get3A_685 : vector<1x512xbf16> to vector<128x512xbf16>
    %eq3A_688 = arith.cmpf oeq, %eq3A_686, %eq3A_687 : vector<128x512xbf16>
    %jit3A_689 = arith.constant 1.000000e+00 : bf16
    %jit3A_690 = arith.constant 0.000000e+00 : bf16
    %broadcast_in_dim3A_691 = vector.broadcast %jit3A_689 : bf16 to vector<128x512xbf16>
    %broadcast_in_dim3A_692 = vector.broadcast %jit3A_690 : bf16 to vector<128x512xbf16>
    %select_n3A_693 = arith.select %eq3A_688, %broadcast_in_dim3A_691, %broadcast_in_dim3A_692 : vector<128x512xi1>, vector<128x512xbf16>
    %get3A_694 = arith.constant 0 : index
    %get3A_695 = arith.constant 16 : index
    %get3A_696 = arith.constant 0 : index
    %get3A_697 = vector.load %arg3[%get3A_694, %get3A_695, %get3A_696] : memref<1x25x512xbf16, #tpu.memory_space<vmem>>, vector<1x1x512xbf16>
    %get3A_698 = vector.shape_cast %get3A_697 : vector<1x1x512xbf16> to vector<1x512xbf16>
    %eq3A_699 = vector.broadcast %get3A_31 : vector<128x1xbf16> to vector<128x512xbf16>
    %eq3A_700 = vector.broadcast %get3A_698 : vector<1x512xbf16> to vector<128x512xbf16>
    %eq3A_701 = arith.cmpf oeq, %eq3A_699, %eq3A_700 : vector<128x512xbf16>
    %jit3A_702 = arith.constant 1.000000e+00 : bf16
    %jit3A_703 = arith.constant 0.000000e+00 : bf16
    %broadcast_in_dim3A_704 = vector.broadcast %jit3A_702 : bf16 to vector<128x512xbf16>
    %broadcast_in_dim3A_705 = vector.broadcast %jit3A_703 : bf16 to vector<128x512xbf16>
    %select_n3A_706 = arith.select %eq3A_701, %broadcast_in_dim3A_704, %broadcast_in_dim3A_705 : vector<128x512xi1>, vector<128x512xbf16>
    %get3A_707 = arith.constant 0 : index
    %get3A_708 = arith.constant 17 : index
    %get3A_709 = arith.constant 0 : index
    %get3A_710 = vector.load %arg3[%get3A_707, %get3A_708, %get3A_709] : memref<1x25x512xbf16, #tpu.memory_space<vmem>>, vector<1x1x512xbf16>
    %get3A_711 = vector.shape_cast %get3A_710 : vector<1x1x512xbf16> to vector<1x512xbf16>
    %eq3A_712 = vector.broadcast %get3A_31 : vector<128x1xbf16> to vector<128x512xbf16>
    %eq3A_713 = vector.broadcast %get3A_711 : vector<1x512xbf16> to vector<128x512xbf16>
    %eq3A_714 = arith.cmpf oeq, %eq3A_712, %eq3A_713 : vector<128x512xbf16>
    %jit3A_715 = arith.constant 1.000000e+00 : bf16
    %jit3A_716 = arith.constant 0.000000e+00 : bf16
    %broadcast_in_dim3A_717 = vector.broadcast %jit3A_715 : bf16 to vector<128x512xbf16>
    %broadcast_in_dim3A_718 = vector.broadcast %jit3A_716 : bf16 to vector<128x512xbf16>
    %select_n3A_719 = arith.select %eq3A_714, %broadcast_in_dim3A_717, %broadcast_in_dim3A_718 : vector<128x512xi1>, vector<128x512xbf16>
    %get3A_720 = arith.constant 0 : index
    %get3A_721 = arith.constant 18 : index
    %get3A_722 = arith.constant 0 : index
    %get3A_723 = vector.load %arg3[%get3A_720, %get3A_721, %get3A_722] : memref<1x25x512xbf16, #tpu.memory_space<vmem>>, vector<1x1x512xbf16>
    %get3A_724 = vector.shape_cast %get3A_723 : vector<1x1x512xbf16> to vector<1x512xbf16>
    %eq3A_725 = vector.broadcast %get3A_31 : vector<128x1xbf16> to vector<128x512xbf16>
    %eq3A_726 = vector.broadcast %get3A_724 : vector<1x512xbf16> to vector<128x512xbf16>
    %eq3A_727 = arith.cmpf oeq, %eq3A_725, %eq3A_726 : vector<128x512xbf16>
    %jit3A_728 = arith.constant 1.000000e+00 : bf16
    %jit3A_729 = arith.constant 0.000000e+00 : bf16
    %broadcast_in_dim3A_730 = vector.broadcast %jit3A_728 : bf16 to vector<128x512xbf16>
    %broadcast_in_dim3A_731 = vector.broadcast %jit3A_729 : bf16 to vector<128x512xbf16>
    %select_n3A_732 = arith.select %eq3A_727, %broadcast_in_dim3A_730, %broadcast_in_dim3A_731 : vector<128x512xi1>, vector<128x512xbf16>
    %get3A_733 = arith.constant 0 : index
    %get3A_734 = arith.constant 19 : index
    %get3A_735 = arith.constant 0 : index
    %get3A_736 = vector.load %arg3[%get3A_733, %get3A_734, %get3A_735] : memref<1x25x512xbf16, #tpu.memory_space<vmem>>, vector<1x1x512xbf16>
    %get3A_737 = vector.shape_cast %get3A_736 : vector<1x1x512xbf16> to vector<1x512xbf16>
    %eq3A_738 = vector.broadcast %get3A_31 : vector<128x1xbf16> to vector<128x512xbf16>
    %eq3A_739 = vector.broadcast %get3A_737 : vector<1x512xbf16> to vector<128x512xbf16>
    %eq3A_740 = arith.cmpf oeq, %eq3A_738, %eq3A_739 : vector<128x512xbf16>
    %jit3A_741 = arith.constant 1.000000e+00 : bf16
    %jit3A_742 = arith.constant 0.000000e+00 : bf16
    %broadcast_in_dim3A_743 = vector.broadcast %jit3A_741 : bf16 to vector<128x512xbf16>
    %broadcast_in_dim3A_744 = vector.broadcast %jit3A_742 : bf16 to vector<128x512xbf16>
    %select_n3A_745 = arith.select %eq3A_740, %broadcast_in_dim3A_743, %broadcast_in_dim3A_744 : vector<128x512xi1>, vector<128x512xbf16>
    %get3A_746 = arith.constant 0 : index
    %get3A_747 = arith.constant 20 : index
    %get3A_748 = arith.constant 0 : index
    %get3A_749 = vector.load %arg3[%get3A_746, %get3A_747, %get3A_748] : memref<1x25x512xbf16, #tpu.memory_space<vmem>>, vector<1x1x512xbf16>
    %get3A_750 = vector.shape_cast %get3A_749 : vector<1x1x512xbf16> to vector<1x512xbf16>
    %eq3A_751 = vector.broadcast %get3A_31 : vector<128x1xbf16> to vector<128x512xbf16>
    %eq3A_752 = vector.broadcast %get3A_750 : vector<1x512xbf16> to vector<128x512xbf16>
    %eq3A_753 = arith.cmpf oeq, %eq3A_751, %eq3A_752 : vector<128x512xbf16>
    %jit3A_754 = arith.constant 1.000000e+00 : bf16
    %jit3A_755 = arith.constant 0.000000e+00 : bf16
    %broadcast_in_dim3A_756 = vector.broadcast %jit3A_754 : bf16 to vector<128x512xbf16>
    %broadcast_in_dim3A_757 = vector.broadcast %jit3A_755 : bf16 to vector<128x512xbf16>
    %select_n3A_758 = arith.select %eq3A_753, %broadcast_in_dim3A_756, %broadcast_in_dim3A_757 : vector<128x512xi1>, vector<128x512xbf16>
    %get3A_759 = arith.constant 0 : index
    %get3A_760 = arith.constant 21 : index
    %get3A_761 = arith.constant 0 : index
    %get3A_762 = vector.load %arg3[%get3A_759, %get3A_760, %get3A_761] : memref<1x25x512xbf16, #tpu.memory_space<vmem>>, vector<1x1x512xbf16>
    %get3A_763 = vector.shape_cast %get3A_762 : vector<1x1x512xbf16> to vector<1x512xbf16>
    %eq3A_764 = vector.broadcast %get3A_31 : vector<128x1xbf16> to vector<128x512xbf16>
    %eq3A_765 = vector.broadcast %get3A_763 : vector<1x512xbf16> to vector<128x512xbf16>
    %eq3A_766 = arith.cmpf oeq, %eq3A_764, %eq3A_765 : vector<128x512xbf16>
    %jit3A_767 = arith.constant 1.000000e+00 : bf16
    %jit3A_768 = arith.constant 0.000000e+00 : bf16
    %broadcast_in_dim3A_769 = vector.broadcast %jit3A_767 : bf16 to vector<128x512xbf16>
    %broadcast_in_dim3A_770 = vector.broadcast %jit3A_768 : bf16 to vector<128x512xbf16>
    %select_n3A_771 = arith.select %eq3A_766, %broadcast_in_dim3A_769, %broadcast_in_dim3A_770 : vector<128x512xi1>, vector<128x512xbf16>
    %get3A_772 = arith.constant 0 : index
    %get3A_773 = arith.constant 22 : index
    %get3A_774 = arith.constant 0 : index
    %get3A_775 = vector.load %arg3[%get3A_772, %get3A_773, %get3A_774] : memref<1x25x512xbf16, #tpu.memory_space<vmem>>, vector<1x1x512xbf16>
    %get3A_776 = vector.shape_cast %get3A_775 : vector<1x1x512xbf16> to vector<1x512xbf16>
    %eq3A_777 = vector.broadcast %get3A_31 : vector<128x1xbf16> to vector<128x512xbf16>
    %eq3A_778 = vector.broadcast %get3A_776 : vector<1x512xbf16> to vector<128x512xbf16>
    %eq3A_779 = arith.cmpf oeq, %eq3A_777, %eq3A_778 : vector<128x512xbf16>
    %jit3A_780 = arith.constant 1.000000e+00 : bf16
    %jit3A_781 = arith.constant 0.000000e+00 : bf16
    %broadcast_in_dim3A_782 = vector.broadcast %jit3A_780 : bf16 to vector<128x512xbf16>
    %broadcast_in_dim3A_783 = vector.broadcast %jit3A_781 : bf16 to vector<128x512xbf16>
    %select_n3A_784 = arith.select %eq3A_779, %broadcast_in_dim3A_782, %broadcast_in_dim3A_783 : vector<128x512xi1>, vector<128x512xbf16>
    %get3A_785 = arith.constant 0 : index
    %get3A_786 = arith.constant 23 : index
    %get3A_787 = arith.constant 0 : index
    %get3A_788 = vector.load %arg3[%get3A_785, %get3A_786, %get3A_787] : memref<1x25x512xbf16, #tpu.memory_space<vmem>>, vector<1x1x512xbf16>
    %get3A_789 = vector.shape_cast %get3A_788 : vector<1x1x512xbf16> to vector<1x512xbf16>
    %eq3A_790 = vector.broadcast %get3A_31 : vector<128x1xbf16> to vector<128x512xbf16>
    %eq3A_791 = vector.broadcast %get3A_789 : vector<1x512xbf16> to vector<128x512xbf16>
    %eq3A_792 = arith.cmpf oeq, %eq3A_790, %eq3A_791 : vector<128x512xbf16>
    %jit3A_793 = arith.constant 1.000000e+00 : bf16
    %jit3A_794 = arith.constant 0.000000e+00 : bf16
    %broadcast_in_dim3A_795 = vector.broadcast %jit3A_793 : bf16 to vector<128x512xbf16>
    %broadcast_in_dim3A_796 = vector.broadcast %jit3A_794 : bf16 to vector<128x512xbf16>
    %select_n3A_797 = arith.select %eq3A_792, %broadcast_in_dim3A_795, %broadcast_in_dim3A_796 : vector<128x512xi1>, vector<128x512xbf16>
    %get3A_798 = arith.constant 0 : index
    %get3A_799 = arith.constant 24 : index
    %get3A_800 = arith.constant 0 : index
    %get3A_801 = vector.load %arg3[%get3A_798, %get3A_799, %get3A_800] : memref<1x25x512xbf16, #tpu.memory_space<vmem>>, vector<1x1x512xbf16>
    %get3A_802 = vector.shape_cast %get3A_801 : vector<1x1x512xbf16> to vector<1x512xbf16>
    %eq3A_803 = vector.broadcast %get3A_31 : vector<128x1xbf16> to vector<128x512xbf16>
    %eq3A_804 = vector.broadcast %get3A_802 : vector<1x512xbf16> to vector<128x512xbf16>
    %eq3A_805 = arith.cmpf oeq, %eq3A_803, %eq3A_804 : vector<128x512xbf16>
    %jit3A_806 = arith.constant 1.000000e+00 : bf16
    %jit3A_807 = arith.constant 0.000000e+00 : bf16
    %broadcast_in_dim3A_808 = vector.broadcast %jit3A_806 : bf16 to vector<128x512xbf16>
    %broadcast_in_dim3A_809 = vector.broadcast %jit3A_807 : bf16 to vector<128x512xbf16>
    %select_n3A_810 = arith.select %eq3A_805, %broadcast_in_dim3A_808, %broadcast_in_dim3A_809 : vector<128x512xi1>, vector<128x512xbf16>
    %dot_general3A = arith.constant dense<0.000000e+00> : vector<128x128xf32>
    %dot_general3A_811 = tpu.matmul %select_n3A_498, %select_n3A, %dot_general3A {dimension_numbers = #tpu.dot_dimension_numbers<[1], [1], [0], [0], [0, 0, 1, 0], [], []>, transpose_lhs_hint = false} : vector<128x512xbf16>, vector<128x512xbf16>, vector<128x128xf32> -> vector<128x128xf32>
    %dot_general3A_812 = arith.constant dense<0.000000e+00> : vector<128x128xf32>
    %dot_general3A_813 = tpu.matmul %select_n3A_511, %select_n3A_186, %dot_general3A_812 {dimension_numbers = #tpu.dot_dimension_numbers<[1], [1], [0], [0], [0, 0, 1, 0], [], []>, transpose_lhs_hint = false} : vector<128x512xbf16>, vector<128x512xbf16>, vector<128x128xf32> -> vector<128x128xf32>
    %dot_general3A_814 = arith.constant dense<0.000000e+00> : vector<128x128xf32>
    %dot_general3A_815 = tpu.matmul %select_n3A_524, %select_n3A_199, %dot_general3A_814 {dimension_numbers = #tpu.dot_dimension_numbers<[1], [1], [0], [0], [0, 0, 1, 0], [], []>, transpose_lhs_hint = false} : vector<128x512xbf16>, vector<128x512xbf16>, vector<128x128xf32> -> vector<128x128xf32>
    %dot_general3A_816 = arith.constant dense<0.000000e+00> : vector<128x128xf32>
    %dot_general3A_817 = tpu.matmul %select_n3A_537, %select_n3A_212, %dot_general3A_816 {dimension_numbers = #tpu.dot_dimension_numbers<[1], [1], [0], [0], [0, 0, 1, 0], [], []>, transpose_lhs_hint = false} : vector<128x512xbf16>, vector<128x512xbf16>, vector<128x128xf32> -> vector<128x128xf32>
    %dot_general3A_818 = arith.constant dense<0.000000e+00> : vector<128x128xf32>
    %dot_general3A_819 = tpu.matmul %select_n3A_550, %select_n3A_225, %dot_general3A_818 {dimension_numbers = #tpu.dot_dimension_numbers<[1], [1], [0], [0], [0, 0, 1, 0], [], []>, transpose_lhs_hint = false} : vector<128x512xbf16>, vector<128x512xbf16>, vector<128x128xf32> -> vector<128x128xf32>
    %dot_general3A_820 = arith.constant dense<0.000000e+00> : vector<128x128xf32>
    %dot_general3A_821 = tpu.matmul %select_n3A_563, %select_n3A_238, %dot_general3A_820 {dimension_numbers = #tpu.dot_dimension_numbers<[1], [1], [0], [0], [0, 0, 1, 0], [], []>, transpose_lhs_hint = false} : vector<128x512xbf16>, vector<128x512xbf16>, vector<128x128xf32> -> vector<128x128xf32>
    %dot_general3A_822 = arith.constant dense<0.000000e+00> : vector<128x128xf32>
    %dot_general3A_823 = tpu.matmul %select_n3A_576, %select_n3A_251, %dot_general3A_822 {dimension_numbers = #tpu.dot_dimension_numbers<[1], [1], [0], [0], [0, 0, 1, 0], [], []>, transpose_lhs_hint = false} : vector<128x512xbf16>, vector<128x512xbf16>, vector<128x128xf32> -> vector<128x128xf32>
    %dot_general3A_824 = arith.constant dense<0.000000e+00> : vector<128x128xf32>
    %dot_general3A_825 = tpu.matmul %select_n3A_589, %select_n3A_264, %dot_general3A_824 {dimension_numbers = #tpu.dot_dimension_numbers<[1], [1], [0], [0], [0, 0, 1, 0], [], []>, transpose_lhs_hint = false} : vector<128x512xbf16>, vector<128x512xbf16>, vector<128x128xf32> -> vector<128x128xf32>
    %dot_general3A_826 = arith.constant dense<0.000000e+00> : vector<128x128xf32>
    %dot_general3A_827 = tpu.matmul %select_n3A_602, %select_n3A_277, %dot_general3A_826 {dimension_numbers = #tpu.dot_dimension_numbers<[1], [1], [0], [0], [0, 0, 1, 0], [], []>, transpose_lhs_hint = false} : vector<128x512xbf16>, vector<128x512xbf16>, vector<128x128xf32> -> vector<128x128xf32>
    %dot_general3A_828 = arith.constant dense<0.000000e+00> : vector<128x128xf32>
    %dot_general3A_829 = tpu.matmul %select_n3A_615, %select_n3A_290, %dot_general3A_828 {dimension_numbers = #tpu.dot_dimension_numbers<[1], [1], [0], [0], [0, 0, 1, 0], [], []>, transpose_lhs_hint = false} : vector<128x512xbf16>, vector<128x512xbf16>, vector<128x128xf32> -> vector<128x128xf32>
    %dot_general3A_830 = arith.constant dense<0.000000e+00> : vector<128x128xf32>
    %dot_general3A_831 = tpu.matmul %select_n3A_628, %select_n3A_303, %dot_general3A_830 {dimension_numbers = #tpu.dot_dimension_numbers<[1], [1], [0], [0], [0, 0, 1, 0], [], []>, transpose_lhs_hint = false} : vector<128x512xbf16>, vector<128x512xbf16>, vector<128x128xf32> -> vector<128x128xf32>
    %dot_general3A_832 = arith.constant dense<0.000000e+00> : vector<128x128xf32>
    %dot_general3A_833 = tpu.matmul %select_n3A_641, %select_n3A_316, %dot_general3A_832 {dimension_numbers = #tpu.dot_dimension_numbers<[1], [1], [0], [0], [0, 0, 1, 0], [], []>, transpose_lhs_hint = false} : vector<128x512xbf16>, vector<128x512xbf16>, vector<128x128xf32> -> vector<128x128xf32>
    %dot_general3A_834 = arith.constant dense<0.000000e+00> : vector<128x128xf32>
    %dot_general3A_835 = tpu.matmul %select_n3A_654, %select_n3A_329, %dot_general3A_834 {dimension_numbers = #tpu.dot_dimension_numbers<[1], [1], [0], [0], [0, 0, 1, 0], [], []>, transpose_lhs_hint = false} : vector<128x512xbf16>, vector<128x512xbf16>, vector<128x128xf32> -> vector<128x128xf32>
    %dot_general3A_836 = arith.constant dense<0.000000e+00> : vector<128x128xf32>
    %dot_general3A_837 = tpu.matmul %select_n3A_667, %select_n3A_342, %dot_general3A_836 {dimension_numbers = #tpu.dot_dimension_numbers<[1], [1], [0], [0], [0, 0, 1, 0], [], []>, transpose_lhs_hint = false} : vector<128x512xbf16>, vector<128x512xbf16>, vector<128x128xf32> -> vector<128x128xf32>
    %dot_general3A_838 = arith.constant dense<0.000000e+00> : vector<128x128xf32>
    %dot_general3A_839 = tpu.matmul %select_n3A_680, %select_n3A_355, %dot_general3A_838 {dimension_numbers = #tpu.dot_dimension_numbers<[1], [1], [0], [0], [0, 0, 1, 0], [], []>, transpose_lhs_hint = false} : vector<128x512xbf16>, vector<128x512xbf16>, vector<128x128xf32> -> vector<128x128xf32>
    %dot_general3A_840 = arith.constant dense<0.000000e+00> : vector<128x128xf32>
    %dot_general3A_841 = tpu.matmul %select_n3A_693, %select_n3A_368, %dot_general3A_840 {dimension_numbers = #tpu.dot_dimension_numbers<[1], [1], [0], [0], [0, 0, 1, 0], [], []>, transpose_lhs_hint = false} : vector<128x512xbf16>, vector<128x512xbf16>, vector<128x128xf32> -> vector<128x128xf32>
    %dot_general3A_842 = arith.constant dense<0.000000e+00> : vector<128x128xf32>
    %dot_general3A_843 = tpu.matmul %select_n3A_706, %select_n3A_381, %dot_general3A_842 {dimension_numbers = #tpu.dot_dimension_numbers<[1], [1], [0], [0], [0, 0, 1, 0], [], []>, transpose_lhs_hint = false} : vector<128x512xbf16>, vector<128x512xbf16>, vector<128x128xf32> -> vector<128x128xf32>
    %dot_general3A_844 = arith.constant dense<0.000000e+00> : vector<128x128xf32>
    %dot_general3A_845 = tpu.matmul %select_n3A_719, %select_n3A_394, %dot_general3A_844 {dimension_numbers = #tpu.dot_dimension_numbers<[1], [1], [0], [0], [0, 0, 1, 0], [], []>, transpose_lhs_hint = false} : vector<128x512xbf16>, vector<128x512xbf16>, vector<128x128xf32> -> vector<128x128xf32>
    %dot_general3A_846 = arith.constant dense<0.000000e+00> : vector<128x128xf32>
    %dot_general3A_847 = tpu.matmul %select_n3A_732, %select_n3A_407, %dot_general3A_846 {dimension_numbers = #tpu.dot_dimension_numbers<[1], [1], [0], [0], [0, 0, 1, 0], [], []>, transpose_lhs_hint = false} : vector<128x512xbf16>, vector<128x512xbf16>, vector<128x128xf32> -> vector<128x128xf32>
    %dot_general3A_848 = arith.constant dense<0.000000e+00> : vector<128x128xf32>
    %dot_general3A_849 = tpu.matmul %select_n3A_745, %select_n3A_420, %dot_general3A_848 {dimension_numbers = #tpu.dot_dimension_numbers<[1], [1], [0], [0], [0, 0, 1, 0], [], []>, transpose_lhs_hint = false} : vector<128x512xbf16>, vector<128x512xbf16>, vector<128x128xf32> -> vector<128x128xf32>
    %dot_general3A_850 = arith.constant dense<0.000000e+00> : vector<128x128xf32>
    %dot_general3A_851 = tpu.matmul %select_n3A_758, %select_n3A_433, %dot_general3A_850 {dimension_numbers = #tpu.dot_dimension_numbers<[1], [1], [0], [0], [0, 0, 1, 0], [], []>, transpose_lhs_hint = false} : vector<128x512xbf16>, vector<128x512xbf16>, vector<128x128xf32> -> vector<128x128xf32>
    %dot_general3A_852 = arith.constant dense<0.000000e+00> : vector<128x128xf32>
    %dot_general3A_853 = tpu.matmul %select_n3A_771, %select_n3A_446, %dot_general3A_852 {dimension_numbers = #tpu.dot_dimension_numbers<[1], [1], [0], [0], [0, 0, 1, 0], [], []>, transpose_lhs_hint = false} : vector<128x512xbf16>, vector<128x512xbf16>, vector<128x128xf32> -> vector<128x128xf32>
    %dot_general3A_854 = arith.constant dense<0.000000e+00> : vector<128x128xf32>
    %dot_general3A_855 = tpu.matmul %select_n3A_784, %select_n3A_459, %dot_general3A_854 {dimension_numbers = #tpu.dot_dimension_numbers<[1], [1], [0], [0], [0, 0, 1, 0], [], []>, transpose_lhs_hint = false} : vector<128x512xbf16>, vector<128x512xbf16>, vector<128x128xf32> -> vector<128x128xf32>
    %dot_general3A_856 = arith.constant dense<0.000000e+00> : vector<128x128xf32>
    %dot_general3A_857 = tpu.matmul %select_n3A_797, %select_n3A_472, %dot_general3A_856 {dimension_numbers = #tpu.dot_dimension_numbers<[1], [1], [0], [0], [0, 0, 1, 0], [], []>, transpose_lhs_hint = false} : vector<128x512xbf16>, vector<128x512xbf16>, vector<128x128xf32> -> vector<128x128xf32>
    %dot_general3A_858 = arith.constant dense<0.000000e+00> : vector<128x128xf32>
    %dot_general3A_859 = tpu.matmul %select_n3A_810, %select_n3A_485, %dot_general3A_858 {dimension_numbers = #tpu.dot_dimension_numbers<[1], [1], [0], [0], [0, 0, 1, 0], [], []>, transpose_lhs_hint = false} : vector<128x512xbf16>, vector<128x512xbf16>, vector<128x128xf32> -> vector<128x128xf32>
    %add3A = arith.addf %dot_general3A_811, %get3A_34 : vector<128x128xf32>
    %add3A_860 = arith.addf %dot_general3A_813, %get3A_34 : vector<128x128xf32>
    %add3A_861 = arith.addf %dot_general3A_815, %get3A_34 : vector<128x128xf32>
    %add3A_862 = arith.addf %dot_general3A_817, %get3A_34 : vector<128x128xf32>
    %add3A_863 = arith.addf %dot_general3A_819, %get3A_34 : vector<128x128xf32>
    %add3A_864 = arith.addf %dot_general3A_821, %get3A_34 : vector<128x128xf32>
    %add3A_865 = arith.addf %dot_general3A_823, %get3A_34 : vector<128x128xf32>
    %add3A_866 = arith.addf %dot_general3A_825, %get3A_34 : vector<128x128xf32>
    %add3A_867 = arith.addf %dot_general3A_827, %get3A_34 : vector<128x128xf32>
    %add3A_868 = arith.addf %dot_general3A_829, %get3A_34 : vector<128x128xf32>
    %add3A_869 = arith.addf %dot_general3A_831, %get3A_34 : vector<128x128xf32>
    %add3A_870 = arith.addf %dot_general3A_833, %get3A_34 : vector<128x128xf32>
    %add3A_871 = arith.addf %dot_general3A_835, %get3A_34 : vector<128x128xf32>
    %add3A_872 = arith.addf %dot_general3A_837, %get3A_34 : vector<128x128xf32>
    %add3A_873 = arith.addf %dot_general3A_839, %get3A_34 : vector<128x128xf32>
    %add3A_874 = arith.addf %dot_general3A_841, %get3A_34 : vector<128x128xf32>
    %add3A_875 = arith.addf %dot_general3A_843, %get3A_34 : vector<128x128xf32>
    %add3A_876 = arith.addf %dot_general3A_845, %get3A_34 : vector<128x128xf32>
    %add3A_877 = arith.addf %dot_general3A_847, %get3A_34 : vector<128x128xf32>
    %add3A_878 = arith.addf %dot_general3A_849, %get3A_34 : vector<128x128xf32>
    %add3A_879 = arith.addf %dot_general3A_851, %get3A_34 : vector<128x128xf32>
    %add3A_880 = arith.addf %dot_general3A_853, %get3A_34 : vector<128x128xf32>
    %add3A_881 = arith.addf %dot_general3A_855, %get3A_34 : vector<128x128xf32>
    %add3A_882 = arith.addf %dot_general3A_857, %get3A_34 : vector<128x128xf32>
    %add3A_883 = arith.addf %dot_general3A_859, %get3A_34 : vector<128x128xf32>
    %reduce_sum3A = arith.constant dense<0.000000e+00> : vector<128xf32>
    %reduce_sum3A_884 = vector.multi_reduction <add>, %dot_general3A_811, %reduce_sum3A [1] : vector<128x128xf32> to vector<128xf32>
    %broadcast_in_dim3A_885 = vector.shape_cast %reduce_sum3A_884 : vector<128xf32> to vector<128x1xf32>
    %add3A_886 = arith.constant 1.000000e+00 : f32
    %add3A_887 = vector.broadcast %add3A_886 : f32 to vector<128x1xf32>
    %add3A_888 = arith.addf %broadcast_in_dim3A_885, %add3A_887 : vector<128x1xf32>
    %rsqrt3A = math.rsqrt %add3A_888 : vector<128x1xf32>
    %reduce_sum3A_889 = arith.constant dense<0.000000e+00> : vector<128xf32>
    %reduce_sum3A_890 = vector.multi_reduction <add>, %dot_general3A_813, %reduce_sum3A_889 [1] : vector<128x128xf32> to vector<128xf32>
    %broadcast_in_dim3A_891 = vector.shape_cast %reduce_sum3A_890 : vector<128xf32> to vector<128x1xf32>
    %add3A_892 = arith.constant 1.000000e+00 : f32
    %add3A_893 = vector.broadcast %add3A_892 : f32 to vector<128x1xf32>
    %add3A_894 = arith.addf %broadcast_in_dim3A_891, %add3A_893 : vector<128x1xf32>
    %rsqrt3A_895 = math.rsqrt %add3A_894 : vector<128x1xf32>
    %reduce_sum3A_896 = arith.constant dense<0.000000e+00> : vector<128xf32>
    %reduce_sum3A_897 = vector.multi_reduction <add>, %dot_general3A_815, %reduce_sum3A_896 [1] : vector<128x128xf32> to vector<128xf32>
    %broadcast_in_dim3A_898 = vector.shape_cast %reduce_sum3A_897 : vector<128xf32> to vector<128x1xf32>
    %add3A_899 = arith.constant 1.000000e+00 : f32
    %add3A_900 = vector.broadcast %add3A_899 : f32 to vector<128x1xf32>
    %add3A_901 = arith.addf %broadcast_in_dim3A_898, %add3A_900 : vector<128x1xf32>
    %rsqrt3A_902 = math.rsqrt %add3A_901 : vector<128x1xf32>
    %reduce_sum3A_903 = arith.constant dense<0.000000e+00> : vector<128xf32>
    %reduce_sum3A_904 = vector.multi_reduction <add>, %dot_general3A_817, %reduce_sum3A_903 [1] : vector<128x128xf32> to vector<128xf32>
    %broadcast_in_dim3A_905 = vector.shape_cast %reduce_sum3A_904 : vector<128xf32> to vector<128x1xf32>
    %add3A_906 = arith.constant 1.000000e+00 : f32
    %add3A_907 = vector.broadcast %add3A_906 : f32 to vector<128x1xf32>
    %add3A_908 = arith.addf %broadcast_in_dim3A_905, %add3A_907 : vector<128x1xf32>
    %rsqrt3A_909 = math.rsqrt %add3A_908 : vector<128x1xf32>
    %reduce_sum3A_910 = arith.constant dense<0.000000e+00> : vector<128xf32>
    %reduce_sum3A_911 = vector.multi_reduction <add>, %dot_general3A_819, %reduce_sum3A_910 [1] : vector<128x128xf32> to vector<128xf32>
    %broadcast_in_dim3A_912 = vector.shape_cast %reduce_sum3A_911 : vector<128xf32> to vector<128x1xf32>
    %add3A_913 = arith.constant 1.000000e+00 : f32
    %add3A_914 = vector.broadcast %add3A_913 : f32 to vector<128x1xf32>
    %add3A_915 = arith.addf %broadcast_in_dim3A_912, %add3A_914 : vector<128x1xf32>
    %rsqrt3A_916 = math.rsqrt %add3A_915 : vector<128x1xf32>
    %reduce_sum3A_917 = arith.constant dense<0.000000e+00> : vector<128xf32>
    %reduce_sum3A_918 = vector.multi_reduction <add>, %dot_general3A_821, %reduce_sum3A_917 [1] : vector<128x128xf32> to vector<128xf32>
    %broadcast_in_dim3A_919 = vector.shape_cast %reduce_sum3A_918 : vector<128xf32> to vector<128x1xf32>
    %add3A_920 = arith.constant 1.000000e+00 : f32
    %add3A_921 = vector.broadcast %add3A_920 : f32 to vector<128x1xf32>
    %add3A_922 = arith.addf %broadcast_in_dim3A_919, %add3A_921 : vector<128x1xf32>
    %rsqrt3A_923 = math.rsqrt %add3A_922 : vector<128x1xf32>
    %reduce_sum3A_924 = arith.constant dense<0.000000e+00> : vector<128xf32>
    %reduce_sum3A_925 = vector.multi_reduction <add>, %dot_general3A_823, %reduce_sum3A_924 [1] : vector<128x128xf32> to vector<128xf32>
    %broadcast_in_dim3A_926 = vector.shape_cast %reduce_sum3A_925 : vector<128xf32> to vector<128x1xf32>
    %add3A_927 = arith.constant 1.000000e+00 : f32
    %add3A_928 = vector.broadcast %add3A_927 : f32 to vector<128x1xf32>
    %add3A_929 = arith.addf %broadcast_in_dim3A_926, %add3A_928 : vector<128x1xf32>
    %rsqrt3A_930 = math.rsqrt %add3A_929 : vector<128x1xf32>
    %reduce_sum3A_931 = arith.constant dense<0.000000e+00> : vector<128xf32>
    %reduce_sum3A_932 = vector.multi_reduction <add>, %dot_general3A_825, %reduce_sum3A_931 [1] : vector<128x128xf32> to vector<128xf32>
    %broadcast_in_dim3A_933 = vector.shape_cast %reduce_sum3A_932 : vector<128xf32> to vector<128x1xf32>
    %add3A_934 = arith.constant 1.000000e+00 : f32
    %add3A_935 = vector.broadcast %add3A_934 : f32 to vector<128x1xf32>
    %add3A_936 = arith.addf %broadcast_in_dim3A_933, %add3A_935 : vector<128x1xf32>
    %rsqrt3A_937 = math.rsqrt %add3A_936 : vector<128x1xf32>
    %reduce_sum3A_938 = arith.constant dense<0.000000e+00> : vector<128xf32>
    %reduce_sum3A_939 = vector.multi_reduction <add>, %dot_general3A_827, %reduce_sum3A_938 [1] : vector<128x128xf32> to vector<128xf32>
    %broadcast_in_dim3A_940 = vector.shape_cast %reduce_sum3A_939 : vector<128xf32> to vector<128x1xf32>
    %add3A_941 = arith.constant 1.000000e+00 : f32
    %add3A_942 = vector.broadcast %add3A_941 : f32 to vector<128x1xf32>
    %add3A_943 = arith.addf %broadcast_in_dim3A_940, %add3A_942 : vector<128x1xf32>
    %rsqrt3A_944 = math.rsqrt %add3A_943 : vector<128x1xf32>
    %reduce_sum3A_945 = arith.constant dense<0.000000e+00> : vector<128xf32>
    %reduce_sum3A_946 = vector.multi_reduction <add>, %dot_general3A_829, %reduce_sum3A_945 [1] : vector<128x128xf32> to vector<128xf32>
    %broadcast_in_dim3A_947 = vector.shape_cast %reduce_sum3A_946 : vector<128xf32> to vector<128x1xf32>
    %add3A_948 = arith.constant 1.000000e+00 : f32
    %add3A_949 = vector.broadcast %add3A_948 : f32 to vector<128x1xf32>
    %add3A_950 = arith.addf %broadcast_in_dim3A_947, %add3A_949 : vector<128x1xf32>
    %rsqrt3A_951 = math.rsqrt %add3A_950 : vector<128x1xf32>
    %reduce_sum3A_952 = arith.constant dense<0.000000e+00> : vector<128xf32>
    %reduce_sum3A_953 = vector.multi_reduction <add>, %dot_general3A_831, %reduce_sum3A_952 [1] : vector<128x128xf32> to vector<128xf32>
    %broadcast_in_dim3A_954 = vector.shape_cast %reduce_sum3A_953 : vector<128xf32> to vector<128x1xf32>
    %add3A_955 = arith.constant 1.000000e+00 : f32
    %add3A_956 = vector.broadcast %add3A_955 : f32 to vector<128x1xf32>
    %add3A_957 = arith.addf %broadcast_in_dim3A_954, %add3A_956 : vector<128x1xf32>
    %rsqrt3A_958 = math.rsqrt %add3A_957 : vector<128x1xf32>
    %reduce_sum3A_959 = arith.constant dense<0.000000e+00> : vector<128xf32>
    %reduce_sum3A_960 = vector.multi_reduction <add>, %dot_general3A_833, %reduce_sum3A_959 [1] : vector<128x128xf32> to vector<128xf32>
    %broadcast_in_dim3A_961 = vector.shape_cast %reduce_sum3A_960 : vector<128xf32> to vector<128x1xf32>
    %add3A_962 = arith.constant 1.000000e+00 : f32
    %add3A_963 = vector.broadcast %add3A_962 : f32 to vector<128x1xf32>
    %add3A_964 = arith.addf %broadcast_in_dim3A_961, %add3A_963 : vector<128x1xf32>
    %rsqrt3A_965 = math.rsqrt %add3A_964 : vector<128x1xf32>
    %reduce_sum3A_966 = arith.constant dense<0.000000e+00> : vector<128xf32>
    %reduce_sum3A_967 = vector.multi_reduction <add>, %dot_general3A_835, %reduce_sum3A_966 [1] : vector<128x128xf32> to vector<128xf32>
    %broadcast_in_dim3A_968 = vector.shape_cast %reduce_sum3A_967 : vector<128xf32> to vector<128x1xf32>
    %add3A_969 = arith.constant 1.000000e+00 : f32
    %add3A_970 = vector.broadcast %add3A_969 : f32 to vector<128x1xf32>
    %add3A_971 = arith.addf %broadcast_in_dim3A_968, %add3A_970 : vector<128x1xf32>
    %rsqrt3A_972 = math.rsqrt %add3A_971 : vector<128x1xf32>
    %reduce_sum3A_973 = arith.constant dense<0.000000e+00> : vector<128xf32>
    %reduce_sum3A_974 = vector.multi_reduction <add>, %dot_general3A_837, %reduce_sum3A_973 [1] : vector<128x128xf32> to vector<128xf32>
    %broadcast_in_dim3A_975 = vector.shape_cast %reduce_sum3A_974 : vector<128xf32> to vector<128x1xf32>
    %add3A_976 = arith.constant 1.000000e+00 : f32
    %add3A_977 = vector.broadcast %add3A_976 : f32 to vector<128x1xf32>
    %add3A_978 = arith.addf %broadcast_in_dim3A_975, %add3A_977 : vector<128x1xf32>
    %rsqrt3A_979 = math.rsqrt %add3A_978 : vector<128x1xf32>
    %reduce_sum3A_980 = arith.constant dense<0.000000e+00> : vector<128xf32>
    %reduce_sum3A_981 = vector.multi_reduction <add>, %dot_general3A_839, %reduce_sum3A_980 [1] : vector<128x128xf32> to vector<128xf32>
    %broadcast_in_dim3A_982 = vector.shape_cast %reduce_sum3A_981 : vector<128xf32> to vector<128x1xf32>
    %add3A_983 = arith.constant 1.000000e+00 : f32
    %add3A_984 = vector.broadcast %add3A_983 : f32 to vector<128x1xf32>
    %add3A_985 = arith.addf %broadcast_in_dim3A_982, %add3A_984 : vector<128x1xf32>
    %rsqrt3A_986 = math.rsqrt %add3A_985 : vector<128x1xf32>
    %reduce_sum3A_987 = arith.constant dense<0.000000e+00> : vector<128xf32>
    %reduce_sum3A_988 = vector.multi_reduction <add>, %dot_general3A_841, %reduce_sum3A_987 [1] : vector<128x128xf32> to vector<128xf32>
    %broadcast_in_dim3A_989 = vector.shape_cast %reduce_sum3A_988 : vector<128xf32> to vector<128x1xf32>
    %add3A_990 = arith.constant 1.000000e+00 : f32
    %add3A_991 = vector.broadcast %add3A_990 : f32 to vector<128x1xf32>
    %add3A_992 = arith.addf %broadcast_in_dim3A_989, %add3A_991 : vector<128x1xf32>
    %rsqrt3A_993 = math.rsqrt %add3A_992 : vector<128x1xf32>
    %reduce_sum3A_994 = arith.constant dense<0.000000e+00> : vector<128xf32>
    %reduce_sum3A_995 = vector.multi_reduction <add>, %dot_general3A_843, %reduce_sum3A_994 [1] : vector<128x128xf32> to vector<128xf32>
    %broadcast_in_dim3A_996 = vector.shape_cast %reduce_sum3A_995 : vector<128xf32> to vector<128x1xf32>
    %add3A_997 = arith.constant 1.000000e+00 : f32
    %add3A_998 = vector.broadcast %add3A_997 : f32 to vector<128x1xf32>
    %add3A_999 = arith.addf %broadcast_in_dim3A_996, %add3A_998 : vector<128x1xf32>
    %rsqrt3A_1000 = math.rsqrt %add3A_999 : vector<128x1xf32>
    %reduce_sum3A_1001 = arith.constant dense<0.000000e+00> : vector<128xf32>
    %reduce_sum3A_1002 = vector.multi_reduction <add>, %dot_general3A_845, %reduce_sum3A_1001 [1] : vector<128x128xf32> to vector<128xf32>
    %broadcast_in_dim3A_1003 = vector.shape_cast %reduce_sum3A_1002 : vector<128xf32> to vector<128x1xf32>
    %add3A_1004 = arith.constant 1.000000e+00 : f32
    %add3A_1005 = vector.broadcast %add3A_1004 : f32 to vector<128x1xf32>
    %add3A_1006 = arith.addf %broadcast_in_dim3A_1003, %add3A_1005 : vector<128x1xf32>
    %rsqrt3A_1007 = math.rsqrt %add3A_1006 : vector<128x1xf32>
    %reduce_sum3A_1008 = arith.constant dense<0.000000e+00> : vector<128xf32>
    %reduce_sum3A_1009 = vector.multi_reduction <add>, %dot_general3A_847, %reduce_sum3A_1008 [1] : vector<128x128xf32> to vector<128xf32>
    %broadcast_in_dim3A_1010 = vector.shape_cast %reduce_sum3A_1009 : vector<128xf32> to vector<128x1xf32>
    %add3A_1011 = arith.constant 1.000000e+00 : f32
    %add3A_1012 = vector.broadcast %add3A_1011 : f32 to vector<128x1xf32>
    %add3A_1013 = arith.addf %broadcast_in_dim3A_1010, %add3A_1012 : vector<128x1xf32>
    %rsqrt3A_1014 = math.rsqrt %add3A_1013 : vector<128x1xf32>
    %reduce_sum3A_1015 = arith.constant dense<0.000000e+00> : vector<128xf32>
    %reduce_sum3A_1016 = vector.multi_reduction <add>, %dot_general3A_849, %reduce_sum3A_1015 [1] : vector<128x128xf32> to vector<128xf32>
    %broadcast_in_dim3A_1017 = vector.shape_cast %reduce_sum3A_1016 : vector<128xf32> to vector<128x1xf32>
    %add3A_1018 = arith.constant 1.000000e+00 : f32
    %add3A_1019 = vector.broadcast %add3A_1018 : f32 to vector<128x1xf32>
    %add3A_1020 = arith.addf %broadcast_in_dim3A_1017, %add3A_1019 : vector<128x1xf32>
    %rsqrt3A_1021 = math.rsqrt %add3A_1020 : vector<128x1xf32>
    %reduce_sum3A_1022 = arith.constant dense<0.000000e+00> : vector<128xf32>
    %reduce_sum3A_1023 = vector.multi_reduction <add>, %dot_general3A_851, %reduce_sum3A_1022 [1] : vector<128x128xf32> to vector<128xf32>
    %broadcast_in_dim3A_1024 = vector.shape_cast %reduce_sum3A_1023 : vector<128xf32> to vector<128x1xf32>
    %add3A_1025 = arith.constant 1.000000e+00 : f32
    %add3A_1026 = vector.broadcast %add3A_1025 : f32 to vector<128x1xf32>
    %add3A_1027 = arith.addf %broadcast_in_dim3A_1024, %add3A_1026 : vector<128x1xf32>
    %rsqrt3A_1028 = math.rsqrt %add3A_1027 : vector<128x1xf32>
    %reduce_sum3A_1029 = arith.constant dense<0.000000e+00> : vector<128xf32>
    %reduce_sum3A_1030 = vector.multi_reduction <add>, %dot_general3A_853, %reduce_sum3A_1029 [1] : vector<128x128xf32> to vector<128xf32>
    %broadcast_in_dim3A_1031 = vector.shape_cast %reduce_sum3A_1030 : vector<128xf32> to vector<128x1xf32>
    %add3A_1032 = arith.constant 1.000000e+00 : f32
    %add3A_1033 = vector.broadcast %add3A_1032 : f32 to vector<128x1xf32>
    %add3A_1034 = arith.addf %broadcast_in_dim3A_1031, %add3A_1033 : vector<128x1xf32>
    %rsqrt3A_1035 = math.rsqrt %add3A_1034 : vector<128x1xf32>
    %reduce_sum3A_1036 = arith.constant dense<0.000000e+00> : vector<128xf32>
    %reduce_sum3A_1037 = vector.multi_reduction <add>, %dot_general3A_855, %reduce_sum3A_1036 [1] : vector<128x128xf32> to vector<128xf32>
    %broadcast_in_dim3A_1038 = vector.shape_cast %reduce_sum3A_1037 : vector<128xf32> to vector<128x1xf32>
    %add3A_1039 = arith.constant 1.000000e+00 : f32
    %add3A_1040 = vector.broadcast %add3A_1039 : f32 to vector<128x1xf32>
    %add3A_1041 = arith.addf %broadcast_in_dim3A_1038, %add3A_1040 : vector<128x1xf32>
    %rsqrt3A_1042 = math.rsqrt %add3A_1041 : vector<128x1xf32>
    %reduce_sum3A_1043 = arith.constant dense<0.000000e+00> : vector<128xf32>
    %reduce_sum3A_1044 = vector.multi_reduction <add>, %dot_general3A_857, %reduce_sum3A_1043 [1] : vector<128x128xf32> to vector<128xf32>
    %broadcast_in_dim3A_1045 = vector.shape_cast %reduce_sum3A_1044 : vector<128xf32> to vector<128x1xf32>
    %add3A_1046 = arith.constant 1.000000e+00 : f32
    %add3A_1047 = vector.broadcast %add3A_1046 : f32 to vector<128x1xf32>
    %add3A_1048 = arith.addf %broadcast_in_dim3A_1045, %add3A_1047 : vector<128x1xf32>
    %rsqrt3A_1049 = math.rsqrt %add3A_1048 : vector<128x1xf32>
    %reduce_sum3A_1050 = arith.constant dense<0.000000e+00> : vector<128xf32>
    %reduce_sum3A_1051 = vector.multi_reduction <add>, %dot_general3A_859, %reduce_sum3A_1050 [1] : vector<128x128xf32> to vector<128xf32>
    %broadcast_in_dim3A_1052 = vector.shape_cast %reduce_sum3A_1051 : vector<128xf32> to vector<128x1xf32>
    %add3A_1053 = arith.constant 1.000000e+00 : f32
    %add3A_1054 = vector.broadcast %add3A_1053 : f32 to vector<128x1xf32>
    %add3A_1055 = arith.addf %broadcast_in_dim3A_1052, %add3A_1054 : vector<128x1xf32>
    %rsqrt3A_1056 = math.rsqrt %add3A_1055 : vector<128x1xf32>
    %dot_general3A_1057 = arith.constant dense<0.000000e+00> : vector<128x64xf32>
    %dot_general3A_1058 = tpu.matmul %reshape3A, %get3A_1, %dot_general3A_1057 {dimension_numbers = #tpu.dot_dimension_numbers<[1], [0], [0], [1], [0, 0, 1, 1], [], []>, transpose_lhs_hint = false} : vector<128x64xf32>, vector<64x64xf32>, vector<128x64xf32> -> vector<128x64xf32>
    %dot_general3A_1059 = arith.constant dense<0.000000e+00> : vector<128x64xf32>
    %dot_general3A_1060 = tpu.matmul %reshape3A_49, %get3A_1, %dot_general3A_1059 {dimension_numbers = #tpu.dot_dimension_numbers<[1], [0], [0], [1], [0, 0, 1, 1], [], []>, transpose_lhs_hint = false} : vector<128x64xf32>, vector<64x64xf32>, vector<128x64xf32> -> vector<128x64xf32>
    %dot_general3A_1061 = arith.constant dense<0.000000e+00> : vector<128x64xf32>
    %dot_general3A_1062 = tpu.matmul %reshape3A_54, %get3A_1, %dot_general3A_1061 {dimension_numbers = #tpu.dot_dimension_numbers<[1], [0], [0], [1], [0, 0, 1, 1], [], []>, transpose_lhs_hint = false} : vector<128x64xf32>, vector<64x64xf32>, vector<128x64xf32> -> vector<128x64xf32>
    %dot_general3A_1063 = arith.constant dense<0.000000e+00> : vector<128x64xf32>
    %dot_general3A_1064 = tpu.matmul %reshape3A_59, %get3A_1, %dot_general3A_1063 {dimension_numbers = #tpu.dot_dimension_numbers<[1], [0], [0], [1], [0, 0, 1, 1], [], []>, transpose_lhs_hint = false} : vector<128x64xf32>, vector<64x64xf32>, vector<128x64xf32> -> vector<128x64xf32>
    %dot_general3A_1065 = arith.constant dense<0.000000e+00> : vector<128x64xf32>
    %dot_general3A_1066 = tpu.matmul %reshape3A_64, %get3A_1, %dot_general3A_1065 {dimension_numbers = #tpu.dot_dimension_numbers<[1], [0], [0], [1], [0, 0, 1, 1], [], []>, transpose_lhs_hint = false} : vector<128x64xf32>, vector<64x64xf32>, vector<128x64xf32> -> vector<128x64xf32>
    %dot_general3A_1067 = arith.constant dense<0.000000e+00> : vector<128x64xf32>
    %dot_general3A_1068 = tpu.matmul %reshape3A_69, %get3A_1, %dot_general3A_1067 {dimension_numbers = #tpu.dot_dimension_numbers<[1], [0], [0], [1], [0, 0, 1, 1], [], []>, transpose_lhs_hint = false} : vector<128x64xf32>, vector<64x64xf32>, vector<128x64xf32> -> vector<128x64xf32>
    %dot_general3A_1069 = arith.constant dense<0.000000e+00> : vector<128x64xf32>
    %dot_general3A_1070 = tpu.matmul %reshape3A_74, %get3A_1, %dot_general3A_1069 {dimension_numbers = #tpu.dot_dimension_numbers<[1], [0], [0], [1], [0, 0, 1, 1], [], []>, transpose_lhs_hint = false} : vector<128x64xf32>, vector<64x64xf32>, vector<128x64xf32> -> vector<128x64xf32>
    %dot_general3A_1071 = arith.constant dense<0.000000e+00> : vector<128x64xf32>
    %dot_general3A_1072 = tpu.matmul %reshape3A_79, %get3A_1, %dot_general3A_1071 {dimension_numbers = #tpu.dot_dimension_numbers<[1], [0], [0], [1], [0, 0, 1, 1], [], []>, transpose_lhs_hint = false} : vector<128x64xf32>, vector<64x64xf32>, vector<128x64xf32> -> vector<128x64xf32>
    %dot_general3A_1073 = arith.constant dense<0.000000e+00> : vector<128x64xf32>
    %dot_general3A_1074 = tpu.matmul %reshape3A_84, %get3A_1, %dot_general3A_1073 {dimension_numbers = #tpu.dot_dimension_numbers<[1], [0], [0], [1], [0, 0, 1, 1], [], []>, transpose_lhs_hint = false} : vector<128x64xf32>, vector<64x64xf32>, vector<128x64xf32> -> vector<128x64xf32>
    %dot_general3A_1075 = arith.constant dense<0.000000e+00> : vector<128x64xf32>
    %dot_general3A_1076 = tpu.matmul %reshape3A_89, %get3A_1, %dot_general3A_1075 {dimension_numbers = #tpu.dot_dimension_numbers<[1], [0], [0], [1], [0, 0, 1, 1], [], []>, transpose_lhs_hint = false} : vector<128x64xf32>, vector<64x64xf32>, vector<128x64xf32> -> vector<128x64xf32>
    %dot_general3A_1077 = arith.constant dense<0.000000e+00> : vector<128x64xf32>
    %dot_general3A_1078 = tpu.matmul %reshape3A_94, %get3A_1, %dot_general3A_1077 {dimension_numbers = #tpu.dot_dimension_numbers<[1], [0], [0], [1], [0, 0, 1, 1], [], []>, transpose_lhs_hint = false} : vector<128x64xf32>, vector<64x64xf32>, vector<128x64xf32> -> vector<128x64xf32>
    %dot_general3A_1079 = arith.constant dense<0.000000e+00> : vector<128x64xf32>
    %dot_general3A_1080 = tpu.matmul %reshape3A_99, %get3A_1, %dot_general3A_1079 {dimension_numbers = #tpu.dot_dimension_numbers<[1], [0], [0], [1], [0, 0, 1, 1], [], []>, transpose_lhs_hint = false} : vector<128x64xf32>, vector<64x64xf32>, vector<128x64xf32> -> vector<128x64xf32>
    %dot_general3A_1081 = arith.constant dense<0.000000e+00> : vector<128x64xf32>
    %dot_general3A_1082 = tpu.matmul %reshape3A_104, %get3A_1, %dot_general3A_1081 {dimension_numbers = #tpu.dot_dimension_numbers<[1], [0], [0], [1], [0, 0, 1, 1], [], []>, transpose_lhs_hint = false} : vector<128x64xf32>, vector<64x64xf32>, vector<128x64xf32> -> vector<128x64xf32>
    %dot_general3A_1083 = arith.constant dense<0.000000e+00> : vector<128x64xf32>
    %dot_general3A_1084 = tpu.matmul %reshape3A_109, %get3A_1, %dot_general3A_1083 {dimension_numbers = #tpu.dot_dimension_numbers<[1], [0], [0], [1], [0, 0, 1, 1], [], []>, transpose_lhs_hint = false} : vector<128x64xf32>, vector<64x64xf32>, vector<128x64xf32> -> vector<128x64xf32>
    %dot_general3A_1085 = arith.constant dense<0.000000e+00> : vector<128x64xf32>
    %dot_general3A_1086 = tpu.matmul %reshape3A_114, %get3A_1, %dot_general3A_1085 {dimension_numbers = #tpu.dot_dimension_numbers<[1], [0], [0], [1], [0, 0, 1, 1], [], []>, transpose_lhs_hint = false} : vector<128x64xf32>, vector<64x64xf32>, vector<128x64xf32> -> vector<128x64xf32>
    %dot_general3A_1087 = arith.constant dense<0.000000e+00> : vector<128x64xf32>
    %dot_general3A_1088 = tpu.matmul %reshape3A_119, %get3A_1, %dot_general3A_1087 {dimension_numbers = #tpu.dot_dimension_numbers<[1], [0], [0], [1], [0, 0, 1, 1], [], []>, transpose_lhs_hint = false} : vector<128x64xf32>, vector<64x64xf32>, vector<128x64xf32> -> vector<128x64xf32>
    %dot_general3A_1089 = arith.constant dense<0.000000e+00> : vector<128x64xf32>
    %dot_general3A_1090 = tpu.matmul %reshape3A_124, %get3A_1, %dot_general3A_1089 {dimension_numbers = #tpu.dot_dimension_numbers<[1], [0], [0], [1], [0, 0, 1, 1], [], []>, transpose_lhs_hint = false} : vector<128x64xf32>, vector<64x64xf32>, vector<128x64xf32> -> vector<128x64xf32>
    %dot_general3A_1091 = arith.constant dense<0.000000e+00> : vector<128x64xf32>
    %dot_general3A_1092 = tpu.matmul %reshape3A_129, %get3A_1, %dot_general3A_1091 {dimension_numbers = #tpu.dot_dimension_numbers<[1], [0], [0], [1], [0, 0, 1, 1], [], []>, transpose_lhs_hint = false} : vector<128x64xf32>, vector<64x64xf32>, vector<128x64xf32> -> vector<128x64xf32>
    %dot_general3A_1093 = arith.constant dense<0.000000e+00> : vector<128x64xf32>
    %dot_general3A_1094 = tpu.matmul %reshape3A_134, %get3A_1, %dot_general3A_1093 {dimension_numbers = #tpu.dot_dimension_numbers<[1], [0], [0], [1], [0, 0, 1, 1], [], []>, transpose_lhs_hint = false} : vector<128x64xf32>, vector<64x64xf32>, vector<128x64xf32> -> vector<128x64xf32>
    %dot_general3A_1095 = arith.constant dense<0.000000e+00> : vector<128x64xf32>
    %dot_general3A_1096 = tpu.matmul %reshape3A_139, %get3A_1, %dot_general3A_1095 {dimension_numbers = #tpu.dot_dimension_numbers<[1], [0], [0], [1], [0, 0, 1, 1], [], []>, transpose_lhs_hint = false} : vector<128x64xf32>, vector<64x64xf32>, vector<128x64xf32> -> vector<128x64xf32>
    %dot_general3A_1097 = arith.constant dense<0.000000e+00> : vector<128x64xf32>
    %dot_general3A_1098 = tpu.matmul %reshape3A_144, %get3A_1, %dot_general3A_1097 {dimension_numbers = #tpu.dot_dimension_numbers<[1], [0], [0], [1], [0, 0, 1, 1], [], []>, transpose_lhs_hint = false} : vector<128x64xf32>, vector<64x64xf32>, vector<128x64xf32> -> vector<128x64xf32>
    %dot_general3A_1099 = arith.constant dense<0.000000e+00> : vector<128x64xf32>
    %dot_general3A_1100 = tpu.matmul %reshape3A_149, %get3A_1, %dot_general3A_1099 {dimension_numbers = #tpu.dot_dimension_numbers<[1], [0], [0], [1], [0, 0, 1, 1], [], []>, transpose_lhs_hint = false} : vector<128x64xf32>, vector<64x64xf32>, vector<128x64xf32> -> vector<128x64xf32>
    %dot_general3A_1101 = arith.constant dense<0.000000e+00> : vector<128x64xf32>
    %dot_general3A_1102 = tpu.matmul %reshape3A_154, %get3A_1, %dot_general3A_1101 {dimension_numbers = #tpu.dot_dimension_numbers<[1], [0], [0], [1], [0, 0, 1, 1], [], []>, transpose_lhs_hint = false} : vector<128x64xf32>, vector<64x64xf32>, vector<128x64xf32> -> vector<128x64xf32>
    %dot_general3A_1103 = arith.constant dense<0.000000e+00> : vector<128x64xf32>
    %dot_general3A_1104 = tpu.matmul %reshape3A_159, %get3A_1, %dot_general3A_1103 {dimension_numbers = #tpu.dot_dimension_numbers<[1], [0], [0], [1], [0, 0, 1, 1], [], []>, transpose_lhs_hint = false} : vector<128x64xf32>, vector<64x64xf32>, vector<128x64xf32> -> vector<128x64xf32>
    %dot_general3A_1105 = arith.constant dense<0.000000e+00> : vector<128x64xf32>
    %dot_general3A_1106 = tpu.matmul %reshape3A_164, %get3A_1, %dot_general3A_1105 {dimension_numbers = #tpu.dot_dimension_numbers<[1], [0], [0], [1], [0, 0, 1, 1], [], []>, transpose_lhs_hint = false} : vector<128x64xf32>, vector<64x64xf32>, vector<128x64xf32> -> vector<128x64xf32>
    %mul3A = vector.broadcast %rsqrt3A : vector<128x1xf32> to vector<128x64xf32>
    %mul3A_1107 = arith.mulf %mul3A, %dot_general3A_1058 : vector<128x64xf32>
    %mul3A_1108 = vector.broadcast %rsqrt3A_895 : vector<128x1xf32> to vector<128x64xf32>
    %mul3A_1109 = arith.mulf %mul3A_1108, %dot_general3A_1060 : vector<128x64xf32>
    %mul3A_1110 = vector.broadcast %rsqrt3A_902 : vector<128x1xf32> to vector<128x64xf32>
    %mul3A_1111 = arith.mulf %mul3A_1110, %dot_general3A_1062 : vector<128x64xf32>
    %mul3A_1112 = vector.broadcast %rsqrt3A_909 : vector<128x1xf32> to vector<128x64xf32>
    %mul3A_1113 = arith.mulf %mul3A_1112, %dot_general3A_1064 : vector<128x64xf32>
    %mul3A_1114 = vector.broadcast %rsqrt3A_916 : vector<128x1xf32> to vector<128x64xf32>
    %mul3A_1115 = arith.mulf %mul3A_1114, %dot_general3A_1066 : vector<128x64xf32>
    %mul3A_1116 = vector.broadcast %rsqrt3A_923 : vector<128x1xf32> to vector<128x64xf32>
    %mul3A_1117 = arith.mulf %mul3A_1116, %dot_general3A_1068 : vector<128x64xf32>
    %mul3A_1118 = vector.broadcast %rsqrt3A_930 : vector<128x1xf32> to vector<128x64xf32>
    %mul3A_1119 = arith.mulf %mul3A_1118, %dot_general3A_1070 : vector<128x64xf32>
    %mul3A_1120 = vector.broadcast %rsqrt3A_937 : vector<128x1xf32> to vector<128x64xf32>
    %mul3A_1121 = arith.mulf %mul3A_1120, %dot_general3A_1072 : vector<128x64xf32>
    %mul3A_1122 = vector.broadcast %rsqrt3A_944 : vector<128x1xf32> to vector<128x64xf32>
    %mul3A_1123 = arith.mulf %mul3A_1122, %dot_general3A_1074 : vector<128x64xf32>
    %mul3A_1124 = vector.broadcast %rsqrt3A_951 : vector<128x1xf32> to vector<128x64xf32>
    %mul3A_1125 = arith.mulf %mul3A_1124, %dot_general3A_1076 : vector<128x64xf32>
    %mul3A_1126 = vector.broadcast %rsqrt3A_958 : vector<128x1xf32> to vector<128x64xf32>
    %mul3A_1127 = arith.mulf %mul3A_1126, %dot_general3A_1078 : vector<128x64xf32>
    %mul3A_1128 = vector.broadcast %rsqrt3A_965 : vector<128x1xf32> to vector<128x64xf32>
    %mul3A_1129 = arith.mulf %mul3A_1128, %dot_general3A_1080 : vector<128x64xf32>
    %mul3A_1130 = vector.broadcast %rsqrt3A_972 : vector<128x1xf32> to vector<128x64xf32>
    %mul3A_1131 = arith.mulf %mul3A_1130, %dot_general3A_1082 : vector<128x64xf32>
    %mul3A_1132 = vector.broadcast %rsqrt3A_979 : vector<128x1xf32> to vector<128x64xf32>
    %mul3A_1133 = arith.mulf %mul3A_1132, %dot_general3A_1084 : vector<128x64xf32>
    %mul3A_1134 = vector.broadcast %rsqrt3A_986 : vector<128x1xf32> to vector<128x64xf32>
    %mul3A_1135 = arith.mulf %mul3A_1134, %dot_general3A_1086 : vector<128x64xf32>
    %mul3A_1136 = vector.broadcast %rsqrt3A_993 : vector<128x1xf32> to vector<128x64xf32>
    %mul3A_1137 = arith.mulf %mul3A_1136, %dot_general3A_1088 : vector<128x64xf32>
    %mul3A_1138 = vector.broadcast %rsqrt3A_1000 : vector<128x1xf32> to vector<128x64xf32>
    %mul3A_1139 = arith.mulf %mul3A_1138, %dot_general3A_1090 : vector<128x64xf32>
    %mul3A_1140 = vector.broadcast %rsqrt3A_1007 : vector<128x1xf32> to vector<128x64xf32>
    %mul3A_1141 = arith.mulf %mul3A_1140, %dot_general3A_1092 : vector<128x64xf32>
    %mul3A_1142 = vector.broadcast %rsqrt3A_1014 : vector<128x1xf32> to vector<128x64xf32>
    %mul3A_1143 = arith.mulf %mul3A_1142, %dot_general3A_1094 : vector<128x64xf32>
    %mul3A_1144 = vector.broadcast %rsqrt3A_1021 : vector<128x1xf32> to vector<128x64xf32>
    %mul3A_1145 = arith.mulf %mul3A_1144, %dot_general3A_1096 : vector<128x64xf32>
    %mul3A_1146 = vector.broadcast %rsqrt3A_1028 : vector<128x1xf32> to vector<128x64xf32>
    %mul3A_1147 = arith.mulf %mul3A_1146, %dot_general3A_1098 : vector<128x64xf32>
    %mul3A_1148 = vector.broadcast %rsqrt3A_1035 : vector<128x1xf32> to vector<128x64xf32>
    %mul3A_1149 = arith.mulf %mul3A_1148, %dot_general3A_1100 : vector<128x64xf32>
    %mul3A_1150 = vector.broadcast %rsqrt3A_1042 : vector<128x1xf32> to vector<128x64xf32>
    %mul3A_1151 = arith.mulf %mul3A_1150, %dot_general3A_1102 : vector<128x64xf32>
    %mul3A_1152 = vector.broadcast %rsqrt3A_1049 : vector<128x1xf32> to vector<128x64xf32>
    %mul3A_1153 = arith.mulf %mul3A_1152, %dot_general3A_1104 : vector<128x64xf32>
    %mul3A_1154 = vector.broadcast %rsqrt3A_1056 : vector<128x1xf32> to vector<128x64xf32>
    %mul3A_1155 = arith.mulf %mul3A_1154, %dot_general3A_1106 : vector<128x64xf32>
    %dot_general3A_1156 = arith.constant dense<0.000000e+00> : vector<128x64xf32>
    %dot_general3A_1157 = tpu.matmul %add3A, %mul3A_1107, %dot_general3A_1156 {dimension_numbers = #tpu.dot_dimension_numbers<[1], [0], [0], [1], [0, 0, 1, 1], [], []>, transpose_lhs_hint = false} : vector<128x128xf32>, vector<128x64xf32>, vector<128x64xf32> -> vector<128x64xf32>
    %dot_general3A_1158 = arith.constant dense<0.000000e+00> : vector<128x64xf32>
    %dot_general3A_1159 = tpu.matmul %add3A_860, %mul3A_1109, %dot_general3A_1158 {dimension_numbers = #tpu.dot_dimension_numbers<[1], [0], [0], [1], [0, 0, 1, 1], [], []>, transpose_lhs_hint = false} : vector<128x128xf32>, vector<128x64xf32>, vector<128x64xf32> -> vector<128x64xf32>
    %dot_general3A_1160 = arith.constant dense<0.000000e+00> : vector<128x64xf32>
    %dot_general3A_1161 = tpu.matmul %add3A_861, %mul3A_1111, %dot_general3A_1160 {dimension_numbers = #tpu.dot_dimension_numbers<[1], [0], [0], [1], [0, 0, 1, 1], [], []>, transpose_lhs_hint = false} : vector<128x128xf32>, vector<128x64xf32>, vector<128x64xf32> -> vector<128x64xf32>
    %dot_general3A_1162 = arith.constant dense<0.000000e+00> : vector<128x64xf32>
    %dot_general3A_1163 = tpu.matmul %add3A_862, %mul3A_1113, %dot_general3A_1162 {dimension_numbers = #tpu.dot_dimension_numbers<[1], [0], [0], [1], [0, 0, 1, 1], [], []>, transpose_lhs_hint = false} : vector<128x128xf32>, vector<128x64xf32>, vector<128x64xf32> -> vector<128x64xf32>
    %dot_general3A_1164 = arith.constant dense<0.000000e+00> : vector<128x64xf32>
    %dot_general3A_1165 = tpu.matmul %add3A_863, %mul3A_1115, %dot_general3A_1164 {dimension_numbers = #tpu.dot_dimension_numbers<[1], [0], [0], [1], [0, 0, 1, 1], [], []>, transpose_lhs_hint = false} : vector<128x128xf32>, vector<128x64xf32>, vector<128x64xf32> -> vector<128x64xf32>
    %dot_general3A_1166 = arith.constant dense<0.000000e+00> : vector<128x64xf32>
    %dot_general3A_1167 = tpu.matmul %add3A_864, %mul3A_1117, %dot_general3A_1166 {dimension_numbers = #tpu.dot_dimension_numbers<[1], [0], [0], [1], [0, 0, 1, 1], [], []>, transpose_lhs_hint = false} : vector<128x128xf32>, vector<128x64xf32>, vector<128x64xf32> -> vector<128x64xf32>
    %dot_general3A_1168 = arith.constant dense<0.000000e+00> : vector<128x64xf32>
    %dot_general3A_1169 = tpu.matmul %add3A_865, %mul3A_1119, %dot_general3A_1168 {dimension_numbers = #tpu.dot_dimension_numbers<[1], [0], [0], [1], [0, 0, 1, 1], [], []>, transpose_lhs_hint = false} : vector<128x128xf32>, vector<128x64xf32>, vector<128x64xf32> -> vector<128x64xf32>
    %dot_general3A_1170 = arith.constant dense<0.000000e+00> : vector<128x64xf32>
    %dot_general3A_1171 = tpu.matmul %add3A_866, %mul3A_1121, %dot_general3A_1170 {dimension_numbers = #tpu.dot_dimension_numbers<[1], [0], [0], [1], [0, 0, 1, 1], [], []>, transpose_lhs_hint = false} : vector<128x128xf32>, vector<128x64xf32>, vector<128x64xf32> -> vector<128x64xf32>
    %dot_general3A_1172 = arith.constant dense<0.000000e+00> : vector<128x64xf32>
    %dot_general3A_1173 = tpu.matmul %add3A_867, %mul3A_1123, %dot_general3A_1172 {dimension_numbers = #tpu.dot_dimension_numbers<[1], [0], [0], [1], [0, 0, 1, 1], [], []>, transpose_lhs_hint = false} : vector<128x128xf32>, vector<128x64xf32>, vector<128x64xf32> -> vector<128x64xf32>
    %dot_general3A_1174 = arith.constant dense<0.000000e+00> : vector<128x64xf32>
    %dot_general3A_1175 = tpu.matmul %add3A_868, %mul3A_1125, %dot_general3A_1174 {dimension_numbers = #tpu.dot_dimension_numbers<[1], [0], [0], [1], [0, 0, 1, 1], [], []>, transpose_lhs_hint = false} : vector<128x128xf32>, vector<128x64xf32>, vector<128x64xf32> -> vector<128x64xf32>
    %dot_general3A_1176 = arith.constant dense<0.000000e+00> : vector<128x64xf32>
    %dot_general3A_1177 = tpu.matmul %add3A_869, %mul3A_1127, %dot_general3A_1176 {dimension_numbers = #tpu.dot_dimension_numbers<[1], [0], [0], [1], [0, 0, 1, 1], [], []>, transpose_lhs_hint = false} : vector<128x128xf32>, vector<128x64xf32>, vector<128x64xf32> -> vector<128x64xf32>
    %dot_general3A_1178 = arith.constant dense<0.000000e+00> : vector<128x64xf32>
    %dot_general3A_1179 = tpu.matmul %add3A_870, %mul3A_1129, %dot_general3A_1178 {dimension_numbers = #tpu.dot_dimension_numbers<[1], [0], [0], [1], [0, 0, 1, 1], [], []>, transpose_lhs_hint = false} : vector<128x128xf32>, vector<128x64xf32>, vector<128x64xf32> -> vector<128x64xf32>
    %dot_general3A_1180 = arith.constant dense<0.000000e+00> : vector<128x64xf32>
    %dot_general3A_1181 = tpu.matmul %add3A_871, %mul3A_1131, %dot_general3A_1180 {dimension_numbers = #tpu.dot_dimension_numbers<[1], [0], [0], [1], [0, 0, 1, 1], [], []>, transpose_lhs_hint = false} : vector<128x128xf32>, vector<128x64xf32>, vector<128x64xf32> -> vector<128x64xf32>
    %dot_general3A_1182 = arith.constant dense<0.000000e+00> : vector<128x64xf32>
    %dot_general3A_1183 = tpu.matmul %add3A_872, %mul3A_1133, %dot_general3A_1182 {dimension_numbers = #tpu.dot_dimension_numbers<[1], [0], [0], [1], [0, 0, 1, 1], [], []>, transpose_lhs_hint = false} : vector<128x128xf32>, vector<128x64xf32>, vector<128x64xf32> -> vector<128x64xf32>
    %dot_general3A_1184 = arith.constant dense<0.000000e+00> : vector<128x64xf32>
    %dot_general3A_1185 = tpu.matmul %add3A_873, %mul3A_1135, %dot_general3A_1184 {dimension_numbers = #tpu.dot_dimension_numbers<[1], [0], [0], [1], [0, 0, 1, 1], [], []>, transpose_lhs_hint = false} : vector<128x128xf32>, vector<128x64xf32>, vector<128x64xf32> -> vector<128x64xf32>
    %dot_general3A_1186 = arith.constant dense<0.000000e+00> : vector<128x64xf32>
    %dot_general3A_1187 = tpu.matmul %add3A_874, %mul3A_1137, %dot_general3A_1186 {dimension_numbers = #tpu.dot_dimension_numbers<[1], [0], [0], [1], [0, 0, 1, 1], [], []>, transpose_lhs_hint = false} : vector<128x128xf32>, vector<128x64xf32>, vector<128x64xf32> -> vector<128x64xf32>
    %dot_general3A_1188 = arith.constant dense<0.000000e+00> : vector<128x64xf32>
    %dot_general3A_1189 = tpu.matmul %add3A_875, %mul3A_1139, %dot_general3A_1188 {dimension_numbers = #tpu.dot_dimension_numbers<[1], [0], [0], [1], [0, 0, 1, 1], [], []>, transpose_lhs_hint = false} : vector<128x128xf32>, vector<128x64xf32>, vector<128x64xf32> -> vector<128x64xf32>
    %dot_general3A_1190 = arith.constant dense<0.000000e+00> : vector<128x64xf32>
    %dot_general3A_1191 = tpu.matmul %add3A_876, %mul3A_1141, %dot_general3A_1190 {dimension_numbers = #tpu.dot_dimension_numbers<[1], [0], [0], [1], [0, 0, 1, 1], [], []>, transpose_lhs_hint = false} : vector<128x128xf32>, vector<128x64xf32>, vector<128x64xf32> -> vector<128x64xf32>
    %dot_general3A_1192 = arith.constant dense<0.000000e+00> : vector<128x64xf32>
    %dot_general3A_1193 = tpu.matmul %add3A_877, %mul3A_1143, %dot_general3A_1192 {dimension_numbers = #tpu.dot_dimension_numbers<[1], [0], [0], [1], [0, 0, 1, 1], [], []>, transpose_lhs_hint = false} : vector<128x128xf32>, vector<128x64xf32>, vector<128x64xf32> -> vector<128x64xf32>
    %dot_general3A_1194 = arith.constant dense<0.000000e+00> : vector<128x64xf32>
    %dot_general3A_1195 = tpu.matmul %add3A_878, %mul3A_1145, %dot_general3A_1194 {dimension_numbers = #tpu.dot_dimension_numbers<[1], [0], [0], [1], [0, 0, 1, 1], [], []>, transpose_lhs_hint = false} : vector<128x128xf32>, vector<128x64xf32>, vector<128x64xf32> -> vector<128x64xf32>
    %dot_general3A_1196 = arith.constant dense<0.000000e+00> : vector<128x64xf32>
    %dot_general3A_1197 = tpu.matmul %add3A_879, %mul3A_1147, %dot_general3A_1196 {dimension_numbers = #tpu.dot_dimension_numbers<[1], [0], [0], [1], [0, 0, 1, 1], [], []>, transpose_lhs_hint = false} : vector<128x128xf32>, vector<128x64xf32>, vector<128x64xf32> -> vector<128x64xf32>
    %dot_general3A_1198 = arith.constant dense<0.000000e+00> : vector<128x64xf32>
    %dot_general3A_1199 = tpu.matmul %add3A_880, %mul3A_1149, %dot_general3A_1198 {dimension_numbers = #tpu.dot_dimension_numbers<[1], [0], [0], [1], [0, 0, 1, 1], [], []>, transpose_lhs_hint = false} : vector<128x128xf32>, vector<128x64xf32>, vector<128x64xf32> -> vector<128x64xf32>
    %dot_general3A_1200 = arith.constant dense<0.000000e+00> : vector<128x64xf32>
    %dot_general3A_1201 = tpu.matmul %add3A_881, %mul3A_1151, %dot_general3A_1200 {dimension_numbers = #tpu.dot_dimension_numbers<[1], [0], [0], [1], [0, 0, 1, 1], [], []>, transpose_lhs_hint = false} : vector<128x128xf32>, vector<128x64xf32>, vector<128x64xf32> -> vector<128x64xf32>
    %dot_general3A_1202 = arith.constant dense<0.000000e+00> : vector<128x64xf32>
    %dot_general3A_1203 = tpu.matmul %add3A_882, %mul3A_1153, %dot_general3A_1202 {dimension_numbers = #tpu.dot_dimension_numbers<[1], [0], [0], [1], [0, 0, 1, 1], [], []>, transpose_lhs_hint = false} : vector<128x128xf32>, vector<128x64xf32>, vector<128x64xf32> -> vector<128x64xf32>
    %dot_general3A_1204 = arith.constant dense<0.000000e+00> : vector<128x64xf32>
    %dot_general3A_1205 = tpu.matmul %add3A_883, %mul3A_1155, %dot_general3A_1204 {dimension_numbers = #tpu.dot_dimension_numbers<[1], [0], [0], [1], [0, 0, 1, 1], [], []>, transpose_lhs_hint = false} : vector<128x128xf32>, vector<128x64xf32>, vector<128x64xf32> -> vector<128x64xf32>
    %mul3A_1206 = vector.broadcast %rsqrt3A : vector<128x1xf32> to vector<128x64xf32>
    %mul3A_1207 = arith.mulf %mul3A_1206, %dot_general3A_1157 : vector<128x64xf32>
    %add3A_1208 = vector.broadcast %get3A_13 : vector<1x64xf32> to vector<128x64xf32>
    %add3A_1209 = arith.addf %mul3A_1207, %add3A_1208 : vector<128x64xf32>
    %max3A = arith.constant 0.000000e+00 : f32
    %max3A_1210 = vector.broadcast %max3A : f32 to vector<128x64xf32>
    %max3A_1211 = arith.maximumf %add3A_1209, %max3A_1210 : vector<128x64xf32>
    %mul3A_1212 = vector.broadcast %rsqrt3A_895 : vector<128x1xf32> to vector<128x64xf32>
    %mul3A_1213 = arith.mulf %mul3A_1212, %dot_general3A_1159 : vector<128x64xf32>
    %add3A_1214 = vector.broadcast %get3A_13 : vector<1x64xf32> to vector<128x64xf32>
    %add3A_1215 = arith.addf %mul3A_1213, %add3A_1214 : vector<128x64xf32>
    %max3A_1216 = arith.constant 0.000000e+00 : f32
    %max3A_1217 = vector.broadcast %max3A_1216 : f32 to vector<128x64xf32>
    %max3A_1218 = arith.maximumf %add3A_1215, %max3A_1217 : vector<128x64xf32>
    %mul3A_1219 = vector.broadcast %rsqrt3A_902 : vector<128x1xf32> to vector<128x64xf32>
    %mul3A_1220 = arith.mulf %mul3A_1219, %dot_general3A_1161 : vector<128x64xf32>
    %add3A_1221 = vector.broadcast %get3A_13 : vector<1x64xf32> to vector<128x64xf32>
    %add3A_1222 = arith.addf %mul3A_1220, %add3A_1221 : vector<128x64xf32>
    %max3A_1223 = arith.constant 0.000000e+00 : f32
    %max3A_1224 = vector.broadcast %max3A_1223 : f32 to vector<128x64xf32>
    %max3A_1225 = arith.maximumf %add3A_1222, %max3A_1224 : vector<128x64xf32>
    %mul3A_1226 = vector.broadcast %rsqrt3A_909 : vector<128x1xf32> to vector<128x64xf32>
    %mul3A_1227 = arith.mulf %mul3A_1226, %dot_general3A_1163 : vector<128x64xf32>
    %add3A_1228 = vector.broadcast %get3A_13 : vector<1x64xf32> to vector<128x64xf32>
    %add3A_1229 = arith.addf %mul3A_1227, %add3A_1228 : vector<128x64xf32>
    %max3A_1230 = arith.constant 0.000000e+00 : f32
    %max3A_1231 = vector.broadcast %max3A_1230 : f32 to vector<128x64xf32>
    %max3A_1232 = arith.maximumf %add3A_1229, %max3A_1231 : vector<128x64xf32>
    %mul3A_1233 = vector.broadcast %rsqrt3A_916 : vector<128x1xf32> to vector<128x64xf32>
    %mul3A_1234 = arith.mulf %mul3A_1233, %dot_general3A_1165 : vector<128x64xf32>
    %add3A_1235 = vector.broadcast %get3A_13 : vector<1x64xf32> to vector<128x64xf32>
    %add3A_1236 = arith.addf %mul3A_1234, %add3A_1235 : vector<128x64xf32>
    %max3A_1237 = arith.constant 0.000000e+00 : f32
    %max3A_1238 = vector.broadcast %max3A_1237 : f32 to vector<128x64xf32>
    %max3A_1239 = arith.maximumf %add3A_1236, %max3A_1238 : vector<128x64xf32>
    %mul3A_1240 = vector.broadcast %rsqrt3A_923 : vector<128x1xf32> to vector<128x64xf32>
    %mul3A_1241 = arith.mulf %mul3A_1240, %dot_general3A_1167 : vector<128x64xf32>
    %add3A_1242 = vector.broadcast %get3A_13 : vector<1x64xf32> to vector<128x64xf32>
    %add3A_1243 = arith.addf %mul3A_1241, %add3A_1242 : vector<128x64xf32>
    %max3A_1244 = arith.constant 0.000000e+00 : f32
    %max3A_1245 = vector.broadcast %max3A_1244 : f32 to vector<128x64xf32>
    %max3A_1246 = arith.maximumf %add3A_1243, %max3A_1245 : vector<128x64xf32>
    %mul3A_1247 = vector.broadcast %rsqrt3A_930 : vector<128x1xf32> to vector<128x64xf32>
    %mul3A_1248 = arith.mulf %mul3A_1247, %dot_general3A_1169 : vector<128x64xf32>
    %add3A_1249 = vector.broadcast %get3A_13 : vector<1x64xf32> to vector<128x64xf32>
    %add3A_1250 = arith.addf %mul3A_1248, %add3A_1249 : vector<128x64xf32>
    %max3A_1251 = arith.constant 0.000000e+00 : f32
    %max3A_1252 = vector.broadcast %max3A_1251 : f32 to vector<128x64xf32>
    %max3A_1253 = arith.maximumf %add3A_1250, %max3A_1252 : vector<128x64xf32>
    %mul3A_1254 = vector.broadcast %rsqrt3A_937 : vector<128x1xf32> to vector<128x64xf32>
    %mul3A_1255 = arith.mulf %mul3A_1254, %dot_general3A_1171 : vector<128x64xf32>
    %add3A_1256 = vector.broadcast %get3A_13 : vector<1x64xf32> to vector<128x64xf32>
    %add3A_1257 = arith.addf %mul3A_1255, %add3A_1256 : vector<128x64xf32>
    %max3A_1258 = arith.constant 0.000000e+00 : f32
    %max3A_1259 = vector.broadcast %max3A_1258 : f32 to vector<128x64xf32>
    %max3A_1260 = arith.maximumf %add3A_1257, %max3A_1259 : vector<128x64xf32>
    %mul3A_1261 = vector.broadcast %rsqrt3A_944 : vector<128x1xf32> to vector<128x64xf32>
    %mul3A_1262 = arith.mulf %mul3A_1261, %dot_general3A_1173 : vector<128x64xf32>
    %add3A_1263 = vector.broadcast %get3A_13 : vector<1x64xf32> to vector<128x64xf32>
    %add3A_1264 = arith.addf %mul3A_1262, %add3A_1263 : vector<128x64xf32>
    %max3A_1265 = arith.constant 0.000000e+00 : f32
    %max3A_1266 = vector.broadcast %max3A_1265 : f32 to vector<128x64xf32>
    %max3A_1267 = arith.maximumf %add3A_1264, %max3A_1266 : vector<128x64xf32>
    %mul3A_1268 = vector.broadcast %rsqrt3A_951 : vector<128x1xf32> to vector<128x64xf32>
    %mul3A_1269 = arith.mulf %mul3A_1268, %dot_general3A_1175 : vector<128x64xf32>
    %add3A_1270 = vector.broadcast %get3A_13 : vector<1x64xf32> to vector<128x64xf32>
    %add3A_1271 = arith.addf %mul3A_1269, %add3A_1270 : vector<128x64xf32>
    %max3A_1272 = arith.constant 0.000000e+00 : f32
    %max3A_1273 = vector.broadcast %max3A_1272 : f32 to vector<128x64xf32>
    %max3A_1274 = arith.maximumf %add3A_1271, %max3A_1273 : vector<128x64xf32>
    %mul3A_1275 = vector.broadcast %rsqrt3A_958 : vector<128x1xf32> to vector<128x64xf32>
    %mul3A_1276 = arith.mulf %mul3A_1275, %dot_general3A_1177 : vector<128x64xf32>
    %add3A_1277 = vector.broadcast %get3A_13 : vector<1x64xf32> to vector<128x64xf32>
    %add3A_1278 = arith.addf %mul3A_1276, %add3A_1277 : vector<128x64xf32>
    %max3A_1279 = arith.constant 0.000000e+00 : f32
    %max3A_1280 = vector.broadcast %max3A_1279 : f32 to vector<128x64xf32>
    %max3A_1281 = arith.maximumf %add3A_1278, %max3A_1280 : vector<128x64xf32>
    %mul3A_1282 = vector.broadcast %rsqrt3A_965 : vector<128x1xf32> to vector<128x64xf32>
    %mul3A_1283 = arith.mulf %mul3A_1282, %dot_general3A_1179 : vector<128x64xf32>
    %add3A_1284 = vector.broadcast %get3A_13 : vector<1x64xf32> to vector<128x64xf32>
    %add3A_1285 = arith.addf %mul3A_1283, %add3A_1284 : vector<128x64xf32>
    %max3A_1286 = arith.constant 0.000000e+00 : f32
    %max3A_1287 = vector.broadcast %max3A_1286 : f32 to vector<128x64xf32>
    %max3A_1288 = arith.maximumf %add3A_1285, %max3A_1287 : vector<128x64xf32>
    %mul3A_1289 = vector.broadcast %rsqrt3A_972 : vector<128x1xf32> to vector<128x64xf32>
    %mul3A_1290 = arith.mulf %mul3A_1289, %dot_general3A_1181 : vector<128x64xf32>
    %add3A_1291 = vector.broadcast %get3A_13 : vector<1x64xf32> to vector<128x64xf32>
    %add3A_1292 = arith.addf %mul3A_1290, %add3A_1291 : vector<128x64xf32>
    %max3A_1293 = arith.constant 0.000000e+00 : f32
    %max3A_1294 = vector.broadcast %max3A_1293 : f32 to vector<128x64xf32>
    %max3A_1295 = arith.maximumf %add3A_1292, %max3A_1294 : vector<128x64xf32>
    %mul3A_1296 = vector.broadcast %rsqrt3A_979 : vector<128x1xf32> to vector<128x64xf32>
    %mul3A_1297 = arith.mulf %mul3A_1296, %dot_general3A_1183 : vector<128x64xf32>
    %add3A_1298 = vector.broadcast %get3A_13 : vector<1x64xf32> to vector<128x64xf32>
    %add3A_1299 = arith.addf %mul3A_1297, %add3A_1298 : vector<128x64xf32>
    %max3A_1300 = arith.constant 0.000000e+00 : f32
    %max3A_1301 = vector.broadcast %max3A_1300 : f32 to vector<128x64xf32>
    %max3A_1302 = arith.maximumf %add3A_1299, %max3A_1301 : vector<128x64xf32>
    %mul3A_1303 = vector.broadcast %rsqrt3A_986 : vector<128x1xf32> to vector<128x64xf32>
    %mul3A_1304 = arith.mulf %mul3A_1303, %dot_general3A_1185 : vector<128x64xf32>
    %add3A_1305 = vector.broadcast %get3A_13 : vector<1x64xf32> to vector<128x64xf32>
    %add3A_1306 = arith.addf %mul3A_1304, %add3A_1305 : vector<128x64xf32>
    %max3A_1307 = arith.constant 0.000000e+00 : f32
    %max3A_1308 = vector.broadcast %max3A_1307 : f32 to vector<128x64xf32>
    %max3A_1309 = arith.maximumf %add3A_1306, %max3A_1308 : vector<128x64xf32>
    %mul3A_1310 = vector.broadcast %rsqrt3A_993 : vector<128x1xf32> to vector<128x64xf32>
    %mul3A_1311 = arith.mulf %mul3A_1310, %dot_general3A_1187 : vector<128x64xf32>
    %add3A_1312 = vector.broadcast %get3A_13 : vector<1x64xf32> to vector<128x64xf32>
    %add3A_1313 = arith.addf %mul3A_1311, %add3A_1312 : vector<128x64xf32>
    %max3A_1314 = arith.constant 0.000000e+00 : f32
    %max3A_1315 = vector.broadcast %max3A_1314 : f32 to vector<128x64xf32>
    %max3A_1316 = arith.maximumf %add3A_1313, %max3A_1315 : vector<128x64xf32>
    %mul3A_1317 = vector.broadcast %rsqrt3A_1000 : vector<128x1xf32> to vector<128x64xf32>
    %mul3A_1318 = arith.mulf %mul3A_1317, %dot_general3A_1189 : vector<128x64xf32>
    %add3A_1319 = vector.broadcast %get3A_13 : vector<1x64xf32> to vector<128x64xf32>
    %add3A_1320 = arith.addf %mul3A_1318, %add3A_1319 : vector<128x64xf32>
    %max3A_1321 = arith.constant 0.000000e+00 : f32
    %max3A_1322 = vector.broadcast %max3A_1321 : f32 to vector<128x64xf32>
    %max3A_1323 = arith.maximumf %add3A_1320, %max3A_1322 : vector<128x64xf32>
    %mul3A_1324 = vector.broadcast %rsqrt3A_1007 : vector<128x1xf32> to vector<128x64xf32>
    %mul3A_1325 = arith.mulf %mul3A_1324, %dot_general3A_1191 : vector<128x64xf32>
    %add3A_1326 = vector.broadcast %get3A_13 : vector<1x64xf32> to vector<128x64xf32>
    %add3A_1327 = arith.addf %mul3A_1325, %add3A_1326 : vector<128x64xf32>
    %max3A_1328 = arith.constant 0.000000e+00 : f32
    %max3A_1329 = vector.broadcast %max3A_1328 : f32 to vector<128x64xf32>
    %max3A_1330 = arith.maximumf %add3A_1327, %max3A_1329 : vector<128x64xf32>
    %mul3A_1331 = vector.broadcast %rsqrt3A_1014 : vector<128x1xf32> to vector<128x64xf32>
    %mul3A_1332 = arith.mulf %mul3A_1331, %dot_general3A_1193 : vector<128x64xf32>
    %add3A_1333 = vector.broadcast %get3A_13 : vector<1x64xf32> to vector<128x64xf32>
    %add3A_1334 = arith.addf %mul3A_1332, %add3A_1333 : vector<128x64xf32>
    %max3A_1335 = arith.constant 0.000000e+00 : f32
    %max3A_1336 = vector.broadcast %max3A_1335 : f32 to vector<128x64xf32>
    %max3A_1337 = arith.maximumf %add3A_1334, %max3A_1336 : vector<128x64xf32>
    %mul3A_1338 = vector.broadcast %rsqrt3A_1021 : vector<128x1xf32> to vector<128x64xf32>
    %mul3A_1339 = arith.mulf %mul3A_1338, %dot_general3A_1195 : vector<128x64xf32>
    %add3A_1340 = vector.broadcast %get3A_13 : vector<1x64xf32> to vector<128x64xf32>
    %add3A_1341 = arith.addf %mul3A_1339, %add3A_1340 : vector<128x64xf32>
    %max3A_1342 = arith.constant 0.000000e+00 : f32
    %max3A_1343 = vector.broadcast %max3A_1342 : f32 to vector<128x64xf32>
    %max3A_1344 = arith.maximumf %add3A_1341, %max3A_1343 : vector<128x64xf32>
    %mul3A_1345 = vector.broadcast %rsqrt3A_1028 : vector<128x1xf32> to vector<128x64xf32>
    %mul3A_1346 = arith.mulf %mul3A_1345, %dot_general3A_1197 : vector<128x64xf32>
    %add3A_1347 = vector.broadcast %get3A_13 : vector<1x64xf32> to vector<128x64xf32>
    %add3A_1348 = arith.addf %mul3A_1346, %add3A_1347 : vector<128x64xf32>
    %max3A_1349 = arith.constant 0.000000e+00 : f32
    %max3A_1350 = vector.broadcast %max3A_1349 : f32 to vector<128x64xf32>
    %max3A_1351 = arith.maximumf %add3A_1348, %max3A_1350 : vector<128x64xf32>
    %mul3A_1352 = vector.broadcast %rsqrt3A_1035 : vector<128x1xf32> to vector<128x64xf32>
    %mul3A_1353 = arith.mulf %mul3A_1352, %dot_general3A_1199 : vector<128x64xf32>
    %add3A_1354 = vector.broadcast %get3A_13 : vector<1x64xf32> to vector<128x64xf32>
    %add3A_1355 = arith.addf %mul3A_1353, %add3A_1354 : vector<128x64xf32>
    %max3A_1356 = arith.constant 0.000000e+00 : f32
    %max3A_1357 = vector.broadcast %max3A_1356 : f32 to vector<128x64xf32>
    %max3A_1358 = arith.maximumf %add3A_1355, %max3A_1357 : vector<128x64xf32>
    %mul3A_1359 = vector.broadcast %rsqrt3A_1042 : vector<128x1xf32> to vector<128x64xf32>
    %mul3A_1360 = arith.mulf %mul3A_1359, %dot_general3A_1201 : vector<128x64xf32>
    %add3A_1361 = vector.broadcast %get3A_13 : vector<1x64xf32> to vector<128x64xf32>
    %add3A_1362 = arith.addf %mul3A_1360, %add3A_1361 : vector<128x64xf32>
    %max3A_1363 = arith.constant 0.000000e+00 : f32
    %max3A_1364 = vector.broadcast %max3A_1363 : f32 to vector<128x64xf32>
    %max3A_1365 = arith.maximumf %add3A_1362, %max3A_1364 : vector<128x64xf32>
    %mul3A_1366 = vector.broadcast %rsqrt3A_1049 : vector<128x1xf32> to vector<128x64xf32>
    %mul3A_1367 = arith.mulf %mul3A_1366, %dot_general3A_1203 : vector<128x64xf32>
    %add3A_1368 = vector.broadcast %get3A_13 : vector<1x64xf32> to vector<128x64xf32>
    %add3A_1369 = arith.addf %mul3A_1367, %add3A_1368 : vector<128x64xf32>
    %max3A_1370 = arith.constant 0.000000e+00 : f32
    %max3A_1371 = vector.broadcast %max3A_1370 : f32 to vector<128x64xf32>
    %max3A_1372 = arith.maximumf %add3A_1369, %max3A_1371 : vector<128x64xf32>
    %mul3A_1373 = vector.broadcast %rsqrt3A_1056 : vector<128x1xf32> to vector<128x64xf32>
    %mul3A_1374 = arith.mulf %mul3A_1373, %dot_general3A_1205 : vector<128x64xf32>
    %add3A_1375 = vector.broadcast %get3A_13 : vector<1x64xf32> to vector<128x64xf32>
    %add3A_1376 = arith.addf %mul3A_1374, %add3A_1375 : vector<128x64xf32>
    %max3A_1377 = arith.constant 0.000000e+00 : f32
    %max3A_1378 = vector.broadcast %max3A_1377 : f32 to vector<128x64xf32>
    %max3A_1379 = arith.maximumf %add3A_1376, %max3A_1378 : vector<128x64xf32>
    %dot_general3A_1380 = arith.constant dense<0.000000e+00> : vector<128x64xf32>
    %dot_general3A_1381 = tpu.matmul %max3A_1211, %get3A_4, %dot_general3A_1380 {dimension_numbers = #tpu.dot_dimension_numbers<[1], [0], [0], [1], [0, 0, 1, 1], [], []>, transpose_lhs_hint = false} : vector<128x64xf32>, vector<64x64xf32>, vector<128x64xf32> -> vector<128x64xf32>
    %dot_general3A_1382 = arith.constant dense<0.000000e+00> : vector<128x64xf32>
    %dot_general3A_1383 = tpu.matmul %max3A_1218, %get3A_4, %dot_general3A_1382 {dimension_numbers = #tpu.dot_dimension_numbers<[1], [0], [0], [1], [0, 0, 1, 1], [], []>, transpose_lhs_hint = false} : vector<128x64xf32>, vector<64x64xf32>, vector<128x64xf32> -> vector<128x64xf32>
    %dot_general3A_1384 = arith.constant dense<0.000000e+00> : vector<128x64xf32>
    %dot_general3A_1385 = tpu.matmul %max3A_1225, %get3A_4, %dot_general3A_1384 {dimension_numbers = #tpu.dot_dimension_numbers<[1], [0], [0], [1], [0, 0, 1, 1], [], []>, transpose_lhs_hint = false} : vector<128x64xf32>, vector<64x64xf32>, vector<128x64xf32> -> vector<128x64xf32>
    %dot_general3A_1386 = arith.constant dense<0.000000e+00> : vector<128x64xf32>
    %dot_general3A_1387 = tpu.matmul %max3A_1232, %get3A_4, %dot_general3A_1386 {dimension_numbers = #tpu.dot_dimension_numbers<[1], [0], [0], [1], [0, 0, 1, 1], [], []>, transpose_lhs_hint = false} : vector<128x64xf32>, vector<64x64xf32>, vector<128x64xf32> -> vector<128x64xf32>
    %dot_general3A_1388 = arith.constant dense<0.000000e+00> : vector<128x64xf32>
    %dot_general3A_1389 = tpu.matmul %max3A_1239, %get3A_4, %dot_general3A_1388 {dimension_numbers = #tpu.dot_dimension_numbers<[1], [0], [0], [1], [0, 0, 1, 1], [], []>, transpose_lhs_hint = false} : vector<128x64xf32>, vector<64x64xf32>, vector<128x64xf32> -> vector<128x64xf32>
    %dot_general3A_1390 = arith.constant dense<0.000000e+00> : vector<128x64xf32>
    %dot_general3A_1391 = tpu.matmul %max3A_1246, %get3A_4, %dot_general3A_1390 {dimension_numbers = #tpu.dot_dimension_numbers<[1], [0], [0], [1], [0, 0, 1, 1], [], []>, transpose_lhs_hint = false} : vector<128x64xf32>, vector<64x64xf32>, vector<128x64xf32> -> vector<128x64xf32>
    %dot_general3A_1392 = arith.constant dense<0.000000e+00> : vector<128x64xf32>
    %dot_general3A_1393 = tpu.matmul %max3A_1253, %get3A_4, %dot_general3A_1392 {dimension_numbers = #tpu.dot_dimension_numbers<[1], [0], [0], [1], [0, 0, 1, 1], [], []>, transpose_lhs_hint = false} : vector<128x64xf32>, vector<64x64xf32>, vector<128x64xf32> -> vector<128x64xf32>
    %dot_general3A_1394 = arith.constant dense<0.000000e+00> : vector<128x64xf32>
    %dot_general3A_1395 = tpu.matmul %max3A_1260, %get3A_4, %dot_general3A_1394 {dimension_numbers = #tpu.dot_dimension_numbers<[1], [0], [0], [1], [0, 0, 1, 1], [], []>, transpose_lhs_hint = false} : vector<128x64xf32>, vector<64x64xf32>, vector<128x64xf32> -> vector<128x64xf32>
    %dot_general3A_1396 = arith.constant dense<0.000000e+00> : vector<128x64xf32>
    %dot_general3A_1397 = tpu.matmul %max3A_1267, %get3A_4, %dot_general3A_1396 {dimension_numbers = #tpu.dot_dimension_numbers<[1], [0], [0], [1], [0, 0, 1, 1], [], []>, transpose_lhs_hint = false} : vector<128x64xf32>, vector<64x64xf32>, vector<128x64xf32> -> vector<128x64xf32>
    %dot_general3A_1398 = arith.constant dense<0.000000e+00> : vector<128x64xf32>
    %dot_general3A_1399 = tpu.matmul %max3A_1274, %get3A_4, %dot_general3A_1398 {dimension_numbers = #tpu.dot_dimension_numbers<[1], [0], [0], [1], [0, 0, 1, 1], [], []>, transpose_lhs_hint = false} : vector<128x64xf32>, vector<64x64xf32>, vector<128x64xf32> -> vector<128x64xf32>
    %dot_general3A_1400 = arith.constant dense<0.000000e+00> : vector<128x64xf32>
    %dot_general3A_1401 = tpu.matmul %max3A_1281, %get3A_4, %dot_general3A_1400 {dimension_numbers = #tpu.dot_dimension_numbers<[1], [0], [0], [1], [0, 0, 1, 1], [], []>, transpose_lhs_hint = false} : vector<128x64xf32>, vector<64x64xf32>, vector<128x64xf32> -> vector<128x64xf32>
    %dot_general3A_1402 = arith.constant dense<0.000000e+00> : vector<128x64xf32>
    %dot_general3A_1403 = tpu.matmul %max3A_1288, %get3A_4, %dot_general3A_1402 {dimension_numbers = #tpu.dot_dimension_numbers<[1], [0], [0], [1], [0, 0, 1, 1], [], []>, transpose_lhs_hint = false} : vector<128x64xf32>, vector<64x64xf32>, vector<128x64xf32> -> vector<128x64xf32>
    %dot_general3A_1404 = arith.constant dense<0.000000e+00> : vector<128x64xf32>
    %dot_general3A_1405 = tpu.matmul %max3A_1295, %get3A_4, %dot_general3A_1404 {dimension_numbers = #tpu.dot_dimension_numbers<[1], [0], [0], [1], [0, 0, 1, 1], [], []>, transpose_lhs_hint = false} : vector<128x64xf32>, vector<64x64xf32>, vector<128x64xf32> -> vector<128x64xf32>
    %dot_general3A_1406 = arith.constant dense<0.000000e+00> : vector<128x64xf32>
    %dot_general3A_1407 = tpu.matmul %max3A_1302, %get3A_4, %dot_general3A_1406 {dimension_numbers = #tpu.dot_dimension_numbers<[1], [0], [0], [1], [0, 0, 1, 1], [], []>, transpose_lhs_hint = false} : vector<128x64xf32>, vector<64x64xf32>, vector<128x64xf32> -> vector<128x64xf32>
    %dot_general3A_1408 = arith.constant dense<0.000000e+00> : vector<128x64xf32>
    %dot_general3A_1409 = tpu.matmul %max3A_1309, %get3A_4, %dot_general3A_1408 {dimension_numbers = #tpu.dot_dimension_numbers<[1], [0], [0], [1], [0, 0, 1, 1], [], []>, transpose_lhs_hint = false} : vector<128x64xf32>, vector<64x64xf32>, vector<128x64xf32> -> vector<128x64xf32>
    %dot_general3A_1410 = arith.constant dense<0.000000e+00> : vector<128x64xf32>
    %dot_general3A_1411 = tpu.matmul %max3A_1316, %get3A_4, %dot_general3A_1410 {dimension_numbers = #tpu.dot_dimension_numbers<[1], [0], [0], [1], [0, 0, 1, 1], [], []>, transpose_lhs_hint = false} : vector<128x64xf32>, vector<64x64xf32>, vector<128x64xf32> -> vector<128x64xf32>
    %dot_general3A_1412 = arith.constant dense<0.000000e+00> : vector<128x64xf32>
    %dot_general3A_1413 = tpu.matmul %max3A_1323, %get3A_4, %dot_general3A_1412 {dimension_numbers = #tpu.dot_dimension_numbers<[1], [0], [0], [1], [0, 0, 1, 1], [], []>, transpose_lhs_hint = false} : vector<128x64xf32>, vector<64x64xf32>, vector<128x64xf32> -> vector<128x64xf32>
    %dot_general3A_1414 = arith.constant dense<0.000000e+00> : vector<128x64xf32>
    %dot_general3A_1415 = tpu.matmul %max3A_1330, %get3A_4, %dot_general3A_1414 {dimension_numbers = #tpu.dot_dimension_numbers<[1], [0], [0], [1], [0, 0, 1, 1], [], []>, transpose_lhs_hint = false} : vector<128x64xf32>, vector<64x64xf32>, vector<128x64xf32> -> vector<128x64xf32>
    %dot_general3A_1416 = arith.constant dense<0.000000e+00> : vector<128x64xf32>
    %dot_general3A_1417 = tpu.matmul %max3A_1337, %get3A_4, %dot_general3A_1416 {dimension_numbers = #tpu.dot_dimension_numbers<[1], [0], [0], [1], [0, 0, 1, 1], [], []>, transpose_lhs_hint = false} : vector<128x64xf32>, vector<64x64xf32>, vector<128x64xf32> -> vector<128x64xf32>
    %dot_general3A_1418 = arith.constant dense<0.000000e+00> : vector<128x64xf32>
    %dot_general3A_1419 = tpu.matmul %max3A_1344, %get3A_4, %dot_general3A_1418 {dimension_numbers = #tpu.dot_dimension_numbers<[1], [0], [0], [1], [0, 0, 1, 1], [], []>, transpose_lhs_hint = false} : vector<128x64xf32>, vector<64x64xf32>, vector<128x64xf32> -> vector<128x64xf32>
    %dot_general3A_1420 = arith.constant dense<0.000000e+00> : vector<128x64xf32>
    %dot_general3A_1421 = tpu.matmul %max3A_1351, %get3A_4, %dot_general3A_1420 {dimension_numbers = #tpu.dot_dimension_numbers<[1], [0], [0], [1], [0, 0, 1, 1], [], []>, transpose_lhs_hint = false} : vector<128x64xf32>, vector<64x64xf32>, vector<128x64xf32> -> vector<128x64xf32>
    %dot_general3A_1422 = arith.constant dense<0.000000e+00> : vector<128x64xf32>
    %dot_general3A_1423 = tpu.matmul %max3A_1358, %get3A_4, %dot_general3A_1422 {dimension_numbers = #tpu.dot_dimension_numbers<[1], [0], [0], [1], [0, 0, 1, 1], [], []>, transpose_lhs_hint = false} : vector<128x64xf32>, vector<64x64xf32>, vector<128x64xf32> -> vector<128x64xf32>
    %dot_general3A_1424 = arith.constant dense<0.000000e+00> : vector<128x64xf32>
    %dot_general3A_1425 = tpu.matmul %max3A_1365, %get3A_4, %dot_general3A_1424 {dimension_numbers = #tpu.dot_dimension_numbers<[1], [0], [0], [1], [0, 0, 1, 1], [], []>, transpose_lhs_hint = false} : vector<128x64xf32>, vector<64x64xf32>, vector<128x64xf32> -> vector<128x64xf32>
    %dot_general3A_1426 = arith.constant dense<0.000000e+00> : vector<128x64xf32>
    %dot_general3A_1427 = tpu.matmul %max3A_1372, %get3A_4, %dot_general3A_1426 {dimension_numbers = #tpu.dot_dimension_numbers<[1], [0], [0], [1], [0, 0, 1, 1], [], []>, transpose_lhs_hint = false} : vector<128x64xf32>, vector<64x64xf32>, vector<128x64xf32> -> vector<128x64xf32>
    %dot_general3A_1428 = arith.constant dense<0.000000e+00> : vector<128x64xf32>
    %dot_general3A_1429 = tpu.matmul %max3A_1379, %get3A_4, %dot_general3A_1428 {dimension_numbers = #tpu.dot_dimension_numbers<[1], [0], [0], [1], [0, 0, 1, 1], [], []>, transpose_lhs_hint = false} : vector<128x64xf32>, vector<64x64xf32>, vector<128x64xf32> -> vector<128x64xf32>
    %mul3A_1430 = vector.broadcast %rsqrt3A : vector<128x1xf32> to vector<128x64xf32>
    %mul3A_1431 = arith.mulf %mul3A_1430, %dot_general3A_1381 : vector<128x64xf32>
    %mul3A_1432 = vector.broadcast %rsqrt3A_895 : vector<128x1xf32> to vector<128x64xf32>
    %mul3A_1433 = arith.mulf %mul3A_1432, %dot_general3A_1383 : vector<128x64xf32>
    %mul3A_1434 = vector.broadcast %rsqrt3A_902 : vector<128x1xf32> to vector<128x64xf32>
    %mul3A_1435 = arith.mulf %mul3A_1434, %dot_general3A_1385 : vector<128x64xf32>
    %mul3A_1436 = vector.broadcast %rsqrt3A_909 : vector<128x1xf32> to vector<128x64xf32>
    %mul3A_1437 = arith.mulf %mul3A_1436, %dot_general3A_1387 : vector<128x64xf32>
    %mul3A_1438 = vector.broadcast %rsqrt3A_916 : vector<128x1xf32> to vector<128x64xf32>
    %mul3A_1439 = arith.mulf %mul3A_1438, %dot_general3A_1389 : vector<128x64xf32>
    %mul3A_1440 = vector.broadcast %rsqrt3A_923 : vector<128x1xf32> to vector<128x64xf32>
    %mul3A_1441 = arith.mulf %mul3A_1440, %dot_general3A_1391 : vector<128x64xf32>
    %mul3A_1442 = vector.broadcast %rsqrt3A_930 : vector<128x1xf32> to vector<128x64xf32>
    %mul3A_1443 = arith.mulf %mul3A_1442, %dot_general3A_1393 : vector<128x64xf32>
    %mul3A_1444 = vector.broadcast %rsqrt3A_937 : vector<128x1xf32> to vector<128x64xf32>
    %mul3A_1445 = arith.mulf %mul3A_1444, %dot_general3A_1395 : vector<128x64xf32>
    %mul3A_1446 = vector.broadcast %rsqrt3A_944 : vector<128x1xf32> to vector<128x64xf32>
    %mul3A_1447 = arith.mulf %mul3A_1446, %dot_general3A_1397 : vector<128x64xf32>
    %mul3A_1448 = vector.broadcast %rsqrt3A_951 : vector<128x1xf32> to vector<128x64xf32>
    %mul3A_1449 = arith.mulf %mul3A_1448, %dot_general3A_1399 : vector<128x64xf32>
    %mul3A_1450 = vector.broadcast %rsqrt3A_958 : vector<128x1xf32> to vector<128x64xf32>
    %mul3A_1451 = arith.mulf %mul3A_1450, %dot_general3A_1401 : vector<128x64xf32>
    %mul3A_1452 = vector.broadcast %rsqrt3A_965 : vector<128x1xf32> to vector<128x64xf32>
    %mul3A_1453 = arith.mulf %mul3A_1452, %dot_general3A_1403 : vector<128x64xf32>
    %mul3A_1454 = vector.broadcast %rsqrt3A_972 : vector<128x1xf32> to vector<128x64xf32>
    %mul3A_1455 = arith.mulf %mul3A_1454, %dot_general3A_1405 : vector<128x64xf32>
    %mul3A_1456 = vector.broadcast %rsqrt3A_979 : vector<128x1xf32> to vector<128x64xf32>
    %mul3A_1457 = arith.mulf %mul3A_1456, %dot_general3A_1407 : vector<128x64xf32>
    %mul3A_1458 = vector.broadcast %rsqrt3A_986 : vector<128x1xf32> to vector<128x64xf32>
    %mul3A_1459 = arith.mulf %mul3A_1458, %dot_general3A_1409 : vector<128x64xf32>
    %mul3A_1460 = vector.broadcast %rsqrt3A_993 : vector<128x1xf32> to vector<128x64xf32>
    %mul3A_1461 = arith.mulf %mul3A_1460, %dot_general3A_1411 : vector<128x64xf32>
    %mul3A_1462 = vector.broadcast %rsqrt3A_1000 : vector<128x1xf32> to vector<128x64xf32>
    %mul3A_1463 = arith.mulf %mul3A_1462, %dot_general3A_1413 : vector<128x64xf32>
    %mul3A_1464 = vector.broadcast %rsqrt3A_1007 : vector<128x1xf32> to vector<128x64xf32>
    %mul3A_1465 = arith.mulf %mul3A_1464, %dot_general3A_1415 : vector<128x64xf32>
    %mul3A_1466 = vector.broadcast %rsqrt3A_1014 : vector<128x1xf32> to vector<128x64xf32>
    %mul3A_1467 = arith.mulf %mul3A_1466, %dot_general3A_1417 : vector<128x64xf32>
    %mul3A_1468 = vector.broadcast %rsqrt3A_1021 : vector<128x1xf32> to vector<128x64xf32>
    %mul3A_1469 = arith.mulf %mul3A_1468, %dot_general3A_1419 : vector<128x64xf32>
    %mul3A_1470 = vector.broadcast %rsqrt3A_1028 : vector<128x1xf32> to vector<128x64xf32>
    %mul3A_1471 = arith.mulf %mul3A_1470, %dot_general3A_1421 : vector<128x64xf32>
    %mul3A_1472 = vector.broadcast %rsqrt3A_1035 : vector<128x1xf32> to vector<128x64xf32>
    %mul3A_1473 = arith.mulf %mul3A_1472, %dot_general3A_1423 : vector<128x64xf32>
    %mul3A_1474 = vector.broadcast %rsqrt3A_1042 : vector<128x1xf32> to vector<128x64xf32>
    %mul3A_1475 = arith.mulf %mul3A_1474, %dot_general3A_1425 : vector<128x64xf32>
    %mul3A_1476 = vector.broadcast %rsqrt3A_1049 : vector<128x1xf32> to vector<128x64xf32>
    %mul3A_1477 = arith.mulf %mul3A_1476, %dot_general3A_1427 : vector<128x64xf32>
    %mul3A_1478 = vector.broadcast %rsqrt3A_1056 : vector<128x1xf32> to vector<128x64xf32>
    %mul3A_1479 = arith.mulf %mul3A_1478, %dot_general3A_1429 : vector<128x64xf32>
    %dot_general3A_1480 = arith.constant dense<0.000000e+00> : vector<128x64xf32>
    %dot_general3A_1481 = tpu.matmul %add3A, %mul3A_1431, %dot_general3A_1480 {dimension_numbers = #tpu.dot_dimension_numbers<[1], [0], [0], [1], [0, 0, 1, 1], [], []>, transpose_lhs_hint = false} : vector<128x128xf32>, vector<128x64xf32>, vector<128x64xf32> -> vector<128x64xf32>
    %dot_general3A_1482 = arith.constant dense<0.000000e+00> : vector<128x64xf32>
    %dot_general3A_1483 = tpu.matmul %add3A_860, %mul3A_1433, %dot_general3A_1482 {dimension_numbers = #tpu.dot_dimension_numbers<[1], [0], [0], [1], [0, 0, 1, 1], [], []>, transpose_lhs_hint = false} : vector<128x128xf32>, vector<128x64xf32>, vector<128x64xf32> -> vector<128x64xf32>
    %dot_general3A_1484 = arith.constant dense<0.000000e+00> : vector<128x64xf32>
    %dot_general3A_1485 = tpu.matmul %add3A_861, %mul3A_1435, %dot_general3A_1484 {dimension_numbers = #tpu.dot_dimension_numbers<[1], [0], [0], [1], [0, 0, 1, 1], [], []>, transpose_lhs_hint = false} : vector<128x128xf32>, vector<128x64xf32>, vector<128x64xf32> -> vector<128x64xf32>
    %dot_general3A_1486 = arith.constant dense<0.000000e+00> : vector<128x64xf32>
    %dot_general3A_1487 = tpu.matmul %add3A_862, %mul3A_1437, %dot_general3A_1486 {dimension_numbers = #tpu.dot_dimension_numbers<[1], [0], [0], [1], [0, 0, 1, 1], [], []>, transpose_lhs_hint = false} : vector<128x128xf32>, vector<128x64xf32>, vector<128x64xf32> -> vector<128x64xf32>
    %dot_general3A_1488 = arith.constant dense<0.000000e+00> : vector<128x64xf32>
    %dot_general3A_1489 = tpu.matmul %add3A_863, %mul3A_1439, %dot_general3A_1488 {dimension_numbers = #tpu.dot_dimension_numbers<[1], [0], [0], [1], [0, 0, 1, 1], [], []>, transpose_lhs_hint = false} : vector<128x128xf32>, vector<128x64xf32>, vector<128x64xf32> -> vector<128x64xf32>
    %dot_general3A_1490 = arith.constant dense<0.000000e+00> : vector<128x64xf32>
    %dot_general3A_1491 = tpu.matmul %add3A_864, %mul3A_1441, %dot_general3A_1490 {dimension_numbers = #tpu.dot_dimension_numbers<[1], [0], [0], [1], [0, 0, 1, 1], [], []>, transpose_lhs_hint = false} : vector<128x128xf32>, vector<128x64xf32>, vector<128x64xf32> -> vector<128x64xf32>
    %dot_general3A_1492 = arith.constant dense<0.000000e+00> : vector<128x64xf32>
    %dot_general3A_1493 = tpu.matmul %add3A_865, %mul3A_1443, %dot_general3A_1492 {dimension_numbers = #tpu.dot_dimension_numbers<[1], [0], [0], [1], [0, 0, 1, 1], [], []>, transpose_lhs_hint = false} : vector<128x128xf32>, vector<128x64xf32>, vector<128x64xf32> -> vector<128x64xf32>
    %dot_general3A_1494 = arith.constant dense<0.000000e+00> : vector<128x64xf32>
    %dot_general3A_1495 = tpu.matmul %add3A_866, %mul3A_1445, %dot_general3A_1494 {dimension_numbers = #tpu.dot_dimension_numbers<[1], [0], [0], [1], [0, 0, 1, 1], [], []>, transpose_lhs_hint = false} : vector<128x128xf32>, vector<128x64xf32>, vector<128x64xf32> -> vector<128x64xf32>
    %dot_general3A_1496 = arith.constant dense<0.000000e+00> : vector<128x64xf32>
    %dot_general3A_1497 = tpu.matmul %add3A_867, %mul3A_1447, %dot_general3A_1496 {dimension_numbers = #tpu.dot_dimension_numbers<[1], [0], [0], [1], [0, 0, 1, 1], [], []>, transpose_lhs_hint = false} : vector<128x128xf32>, vector<128x64xf32>, vector<128x64xf32> -> vector<128x64xf32>
    %dot_general3A_1498 = arith.constant dense<0.000000e+00> : vector<128x64xf32>
    %dot_general3A_1499 = tpu.matmul %add3A_868, %mul3A_1449, %dot_general3A_1498 {dimension_numbers = #tpu.dot_dimension_numbers<[1], [0], [0], [1], [0, 0, 1, 1], [], []>, transpose_lhs_hint = false} : vector<128x128xf32>, vector<128x64xf32>, vector<128x64xf32> -> vector<128x64xf32>
    %dot_general3A_1500 = arith.constant dense<0.000000e+00> : vector<128x64xf32>
    %dot_general3A_1501 = tpu.matmul %add3A_869, %mul3A_1451, %dot_general3A_1500 {dimension_numbers = #tpu.dot_dimension_numbers<[1], [0], [0], [1], [0, 0, 1, 1], [], []>, transpose_lhs_hint = false} : vector<128x128xf32>, vector<128x64xf32>, vector<128x64xf32> -> vector<128x64xf32>
    %dot_general3A_1502 = arith.constant dense<0.000000e+00> : vector<128x64xf32>
    %dot_general3A_1503 = tpu.matmul %add3A_870, %mul3A_1453, %dot_general3A_1502 {dimension_numbers = #tpu.dot_dimension_numbers<[1], [0], [0], [1], [0, 0, 1, 1], [], []>, transpose_lhs_hint = false} : vector<128x128xf32>, vector<128x64xf32>, vector<128x64xf32> -> vector<128x64xf32>
    %dot_general3A_1504 = arith.constant dense<0.000000e+00> : vector<128x64xf32>
    %dot_general3A_1505 = tpu.matmul %add3A_871, %mul3A_1455, %dot_general3A_1504 {dimension_numbers = #tpu.dot_dimension_numbers<[1], [0], [0], [1], [0, 0, 1, 1], [], []>, transpose_lhs_hint = false} : vector<128x128xf32>, vector<128x64xf32>, vector<128x64xf32> -> vector<128x64xf32>
    %dot_general3A_1506 = arith.constant dense<0.000000e+00> : vector<128x64xf32>
    %dot_general3A_1507 = tpu.matmul %add3A_872, %mul3A_1457, %dot_general3A_1506 {dimension_numbers = #tpu.dot_dimension_numbers<[1], [0], [0], [1], [0, 0, 1, 1], [], []>, transpose_lhs_hint = false} : vector<128x128xf32>, vector<128x64xf32>, vector<128x64xf32> -> vector<128x64xf32>
    %dot_general3A_1508 = arith.constant dense<0.000000e+00> : vector<128x64xf32>
    %dot_general3A_1509 = tpu.matmul %add3A_873, %mul3A_1459, %dot_general3A_1508 {dimension_numbers = #tpu.dot_dimension_numbers<[1], [0], [0], [1], [0, 0, 1, 1], [], []>, transpose_lhs_hint = false} : vector<128x128xf32>, vector<128x64xf32>, vector<128x64xf32> -> vector<128x64xf32>
    %dot_general3A_1510 = arith.constant dense<0.000000e+00> : vector<128x64xf32>
    %dot_general3A_1511 = tpu.matmul %add3A_874, %mul3A_1461, %dot_general3A_1510 {dimension_numbers = #tpu.dot_dimension_numbers<[1], [0], [0], [1], [0, 0, 1, 1], [], []>, transpose_lhs_hint = false} : vector<128x128xf32>, vector<128x64xf32>, vector<128x64xf32> -> vector<128x64xf32>
    %dot_general3A_1512 = arith.constant dense<0.000000e+00> : vector<128x64xf32>
    %dot_general3A_1513 = tpu.matmul %add3A_875, %mul3A_1463, %dot_general3A_1512 {dimension_numbers = #tpu.dot_dimension_numbers<[1], [0], [0], [1], [0, 0, 1, 1], [], []>, transpose_lhs_hint = false} : vector<128x128xf32>, vector<128x64xf32>, vector<128x64xf32> -> vector<128x64xf32>
    %dot_general3A_1514 = arith.constant dense<0.000000e+00> : vector<128x64xf32>
    %dot_general3A_1515 = tpu.matmul %add3A_876, %mul3A_1465, %dot_general3A_1514 {dimension_numbers = #tpu.dot_dimension_numbers<[1], [0], [0], [1], [0, 0, 1, 1], [], []>, transpose_lhs_hint = false} : vector<128x128xf32>, vector<128x64xf32>, vector<128x64xf32> -> vector<128x64xf32>
    %dot_general3A_1516 = arith.constant dense<0.000000e+00> : vector<128x64xf32>
    %dot_general3A_1517 = tpu.matmul %add3A_877, %mul3A_1467, %dot_general3A_1516 {dimension_numbers = #tpu.dot_dimension_numbers<[1], [0], [0], [1], [0, 0, 1, 1], [], []>, transpose_lhs_hint = false} : vector<128x128xf32>, vector<128x64xf32>, vector<128x64xf32> -> vector<128x64xf32>
    %dot_general3A_1518 = arith.constant dense<0.000000e+00> : vector<128x64xf32>
    %dot_general3A_1519 = tpu.matmul %add3A_878, %mul3A_1469, %dot_general3A_1518 {dimension_numbers = #tpu.dot_dimension_numbers<[1], [0], [0], [1], [0, 0, 1, 1], [], []>, transpose_lhs_hint = false} : vector<128x128xf32>, vector<128x64xf32>, vector<128x64xf32> -> vector<128x64xf32>
    %dot_general3A_1520 = arith.constant dense<0.000000e+00> : vector<128x64xf32>
    %dot_general3A_1521 = tpu.matmul %add3A_879, %mul3A_1471, %dot_general3A_1520 {dimension_numbers = #tpu.dot_dimension_numbers<[1], [0], [0], [1], [0, 0, 1, 1], [], []>, transpose_lhs_hint = false} : vector<128x128xf32>, vector<128x64xf32>, vector<128x64xf32> -> vector<128x64xf32>
    %dot_general3A_1522 = arith.constant dense<0.000000e+00> : vector<128x64xf32>
    %dot_general3A_1523 = tpu.matmul %add3A_880, %mul3A_1473, %dot_general3A_1522 {dimension_numbers = #tpu.dot_dimension_numbers<[1], [0], [0], [1], [0, 0, 1, 1], [], []>, transpose_lhs_hint = false} : vector<128x128xf32>, vector<128x64xf32>, vector<128x64xf32> -> vector<128x64xf32>
    %dot_general3A_1524 = arith.constant dense<0.000000e+00> : vector<128x64xf32>
    %dot_general3A_1525 = tpu.matmul %add3A_881, %mul3A_1475, %dot_general3A_1524 {dimension_numbers = #tpu.dot_dimension_numbers<[1], [0], [0], [1], [0, 0, 1, 1], [], []>, transpose_lhs_hint = false} : vector<128x128xf32>, vector<128x64xf32>, vector<128x64xf32> -> vector<128x64xf32>
    %dot_general3A_1526 = arith.constant dense<0.000000e+00> : vector<128x64xf32>
    %dot_general3A_1527 = tpu.matmul %add3A_882, %mul3A_1477, %dot_general3A_1526 {dimension_numbers = #tpu.dot_dimension_numbers<[1], [0], [0], [1], [0, 0, 1, 1], [], []>, transpose_lhs_hint = false} : vector<128x128xf32>, vector<128x64xf32>, vector<128x64xf32> -> vector<128x64xf32>
    %dot_general3A_1528 = arith.constant dense<0.000000e+00> : vector<128x64xf32>
    %dot_general3A_1529 = tpu.matmul %add3A_883, %mul3A_1479, %dot_general3A_1528 {dimension_numbers = #tpu.dot_dimension_numbers<[1], [0], [0], [1], [0, 0, 1, 1], [], []>, transpose_lhs_hint = false} : vector<128x128xf32>, vector<128x64xf32>, vector<128x64xf32> -> vector<128x64xf32>
    %mul3A_1530 = vector.broadcast %rsqrt3A : vector<128x1xf32> to vector<128x64xf32>
    %mul3A_1531 = arith.mulf %mul3A_1530, %dot_general3A_1481 : vector<128x64xf32>
    %add3A_1532 = vector.broadcast %get3A_16 : vector<1x64xf32> to vector<128x64xf32>
    %add3A_1533 = arith.addf %mul3A_1531, %add3A_1532 : vector<128x64xf32>
    %mul3A_1534 = vector.broadcast %rsqrt3A_895 : vector<128x1xf32> to vector<128x64xf32>
    %mul3A_1535 = arith.mulf %mul3A_1534, %dot_general3A_1483 : vector<128x64xf32>
    %add3A_1536 = vector.broadcast %get3A_16 : vector<1x64xf32> to vector<128x64xf32>
    %add3A_1537 = arith.addf %mul3A_1535, %add3A_1536 : vector<128x64xf32>
    %mul3A_1538 = vector.broadcast %rsqrt3A_902 : vector<128x1xf32> to vector<128x64xf32>
    %mul3A_1539 = arith.mulf %mul3A_1538, %dot_general3A_1485 : vector<128x64xf32>
    %add3A_1540 = vector.broadcast %get3A_16 : vector<1x64xf32> to vector<128x64xf32>
    %add3A_1541 = arith.addf %mul3A_1539, %add3A_1540 : vector<128x64xf32>
    %mul3A_1542 = vector.broadcast %rsqrt3A_909 : vector<128x1xf32> to vector<128x64xf32>
    %mul3A_1543 = arith.mulf %mul3A_1542, %dot_general3A_1487 : vector<128x64xf32>
    %add3A_1544 = vector.broadcast %get3A_16 : vector<1x64xf32> to vector<128x64xf32>
    %add3A_1545 = arith.addf %mul3A_1543, %add3A_1544 : vector<128x64xf32>
    %mul3A_1546 = vector.broadcast %rsqrt3A_916 : vector<128x1xf32> to vector<128x64xf32>
    %mul3A_1547 = arith.mulf %mul3A_1546, %dot_general3A_1489 : vector<128x64xf32>
    %add3A_1548 = vector.broadcast %get3A_16 : vector<1x64xf32> to vector<128x64xf32>
    %add3A_1549 = arith.addf %mul3A_1547, %add3A_1548 : vector<128x64xf32>
    %mul3A_1550 = vector.broadcast %rsqrt3A_923 : vector<128x1xf32> to vector<128x64xf32>
    %mul3A_1551 = arith.mulf %mul3A_1550, %dot_general3A_1491 : vector<128x64xf32>
    %add3A_1552 = vector.broadcast %get3A_16 : vector<1x64xf32> to vector<128x64xf32>
    %add3A_1553 = arith.addf %mul3A_1551, %add3A_1552 : vector<128x64xf32>
    %mul3A_1554 = vector.broadcast %rsqrt3A_930 : vector<128x1xf32> to vector<128x64xf32>
    %mul3A_1555 = arith.mulf %mul3A_1554, %dot_general3A_1493 : vector<128x64xf32>
    %add3A_1556 = vector.broadcast %get3A_16 : vector<1x64xf32> to vector<128x64xf32>
    %add3A_1557 = arith.addf %mul3A_1555, %add3A_1556 : vector<128x64xf32>
    %mul3A_1558 = vector.broadcast %rsqrt3A_937 : vector<128x1xf32> to vector<128x64xf32>
    %mul3A_1559 = arith.mulf %mul3A_1558, %dot_general3A_1495 : vector<128x64xf32>
    %add3A_1560 = vector.broadcast %get3A_16 : vector<1x64xf32> to vector<128x64xf32>
    %add3A_1561 = arith.addf %mul3A_1559, %add3A_1560 : vector<128x64xf32>
    %mul3A_1562 = vector.broadcast %rsqrt3A_944 : vector<128x1xf32> to vector<128x64xf32>
    %mul3A_1563 = arith.mulf %mul3A_1562, %dot_general3A_1497 : vector<128x64xf32>
    %add3A_1564 = vector.broadcast %get3A_16 : vector<1x64xf32> to vector<128x64xf32>
    %add3A_1565 = arith.addf %mul3A_1563, %add3A_1564 : vector<128x64xf32>
    %mul3A_1566 = vector.broadcast %rsqrt3A_951 : vector<128x1xf32> to vector<128x64xf32>
    %mul3A_1567 = arith.mulf %mul3A_1566, %dot_general3A_1499 : vector<128x64xf32>
    %add3A_1568 = vector.broadcast %get3A_16 : vector<1x64xf32> to vector<128x64xf32>
    %add3A_1569 = arith.addf %mul3A_1567, %add3A_1568 : vector<128x64xf32>
    %mul3A_1570 = vector.broadcast %rsqrt3A_958 : vector<128x1xf32> to vector<128x64xf32>
    %mul3A_1571 = arith.mulf %mul3A_1570, %dot_general3A_1501 : vector<128x64xf32>
    %add3A_1572 = vector.broadcast %get3A_16 : vector<1x64xf32> to vector<128x64xf32>
    %add3A_1573 = arith.addf %mul3A_1571, %add3A_1572 : vector<128x64xf32>
    %mul3A_1574 = vector.broadcast %rsqrt3A_965 : vector<128x1xf32> to vector<128x64xf32>
    %mul3A_1575 = arith.mulf %mul3A_1574, %dot_general3A_1503 : vector<128x64xf32>
    %add3A_1576 = vector.broadcast %get3A_16 : vector<1x64xf32> to vector<128x64xf32>
    %add3A_1577 = arith.addf %mul3A_1575, %add3A_1576 : vector<128x64xf32>
    %mul3A_1578 = vector.broadcast %rsqrt3A_972 : vector<128x1xf32> to vector<128x64xf32>
    %mul3A_1579 = arith.mulf %mul3A_1578, %dot_general3A_1505 : vector<128x64xf32>
    %add3A_1580 = vector.broadcast %get3A_16 : vector<1x64xf32> to vector<128x64xf32>
    %add3A_1581 = arith.addf %mul3A_1579, %add3A_1580 : vector<128x64xf32>
    %mul3A_1582 = vector.broadcast %rsqrt3A_979 : vector<128x1xf32> to vector<128x64xf32>
    %mul3A_1583 = arith.mulf %mul3A_1582, %dot_general3A_1507 : vector<128x64xf32>
    %add3A_1584 = vector.broadcast %get3A_16 : vector<1x64xf32> to vector<128x64xf32>
    %add3A_1585 = arith.addf %mul3A_1583, %add3A_1584 : vector<128x64xf32>
    %mul3A_1586 = vector.broadcast %rsqrt3A_986 : vector<128x1xf32> to vector<128x64xf32>
    %mul3A_1587 = arith.mulf %mul3A_1586, %dot_general3A_1509 : vector<128x64xf32>
    %add3A_1588 = vector.broadcast %get3A_16 : vector<1x64xf32> to vector<128x64xf32>
    %add3A_1589 = arith.addf %mul3A_1587, %add3A_1588 : vector<128x64xf32>
    %mul3A_1590 = vector.broadcast %rsqrt3A_993 : vector<128x1xf32> to vector<128x64xf32>
    %mul3A_1591 = arith.mulf %mul3A_1590, %dot_general3A_1511 : vector<128x64xf32>
    %add3A_1592 = vector.broadcast %get3A_16 : vector<1x64xf32> to vector<128x64xf32>
    %add3A_1593 = arith.addf %mul3A_1591, %add3A_1592 : vector<128x64xf32>
    %mul3A_1594 = vector.broadcast %rsqrt3A_1000 : vector<128x1xf32> to vector<128x64xf32>
    %mul3A_1595 = arith.mulf %mul3A_1594, %dot_general3A_1513 : vector<128x64xf32>
    %add3A_1596 = vector.broadcast %get3A_16 : vector<1x64xf32> to vector<128x64xf32>
    %add3A_1597 = arith.addf %mul3A_1595, %add3A_1596 : vector<128x64xf32>
    %mul3A_1598 = vector.broadcast %rsqrt3A_1007 : vector<128x1xf32> to vector<128x64xf32>
    %mul3A_1599 = arith.mulf %mul3A_1598, %dot_general3A_1515 : vector<128x64xf32>
    %add3A_1600 = vector.broadcast %get3A_16 : vector<1x64xf32> to vector<128x64xf32>
    %add3A_1601 = arith.addf %mul3A_1599, %add3A_1600 : vector<128x64xf32>
    %mul3A_1602 = vector.broadcast %rsqrt3A_1014 : vector<128x1xf32> to vector<128x64xf32>
    %mul3A_1603 = arith.mulf %mul3A_1602, %dot_general3A_1517 : vector<128x64xf32>
    %add3A_1604 = vector.broadcast %get3A_16 : vector<1x64xf32> to vector<128x64xf32>
    %add3A_1605 = arith.addf %mul3A_1603, %add3A_1604 : vector<128x64xf32>
    %mul3A_1606 = vector.broadcast %rsqrt3A_1021 : vector<128x1xf32> to vector<128x64xf32>
    %mul3A_1607 = arith.mulf %mul3A_1606, %dot_general3A_1519 : vector<128x64xf32>
    %add3A_1608 = vector.broadcast %get3A_16 : vector<1x64xf32> to vector<128x64xf32>
    %add3A_1609 = arith.addf %mul3A_1607, %add3A_1608 : vector<128x64xf32>
    %mul3A_1610 = vector.broadcast %rsqrt3A_1028 : vector<128x1xf32> to vector<128x64xf32>
    %mul3A_1611 = arith.mulf %mul3A_1610, %dot_general3A_1521 : vector<128x64xf32>
    %add3A_1612 = vector.broadcast %get3A_16 : vector<1x64xf32> to vector<128x64xf32>
    %add3A_1613 = arith.addf %mul3A_1611, %add3A_1612 : vector<128x64xf32>
    %mul3A_1614 = vector.broadcast %rsqrt3A_1035 : vector<128x1xf32> to vector<128x64xf32>
    %mul3A_1615 = arith.mulf %mul3A_1614, %dot_general3A_1523 : vector<128x64xf32>
    %add3A_1616 = vector.broadcast %get3A_16 : vector<1x64xf32> to vector<128x64xf32>
    %add3A_1617 = arith.addf %mul3A_1615, %add3A_1616 : vector<128x64xf32>
    %mul3A_1618 = vector.broadcast %rsqrt3A_1042 : vector<128x1xf32> to vector<128x64xf32>
    %mul3A_1619 = arith.mulf %mul3A_1618, %dot_general3A_1525 : vector<128x64xf32>
    %add3A_1620 = vector.broadcast %get3A_16 : vector<1x64xf32> to vector<128x64xf32>
    %add3A_1621 = arith.addf %mul3A_1619, %add3A_1620 : vector<128x64xf32>
    %mul3A_1622 = vector.broadcast %rsqrt3A_1049 : vector<128x1xf32> to vector<128x64xf32>
    %mul3A_1623 = arith.mulf %mul3A_1622, %dot_general3A_1527 : vector<128x64xf32>
    %add3A_1624 = vector.broadcast %get3A_16 : vector<1x64xf32> to vector<128x64xf32>
    %add3A_1625 = arith.addf %mul3A_1623, %add3A_1624 : vector<128x64xf32>
    %mul3A_1626 = vector.broadcast %rsqrt3A_1056 : vector<128x1xf32> to vector<128x64xf32>
    %mul3A_1627 = arith.mulf %mul3A_1626, %dot_general3A_1529 : vector<128x64xf32>
    %add3A_1628 = vector.broadcast %get3A_16 : vector<1x64xf32> to vector<128x64xf32>
    %add3A_1629 = arith.addf %mul3A_1627, %add3A_1628 : vector<128x64xf32>
    %dot_general3A_1630 = arith.constant dense<0.000000e+00> : vector<128x32xf32>
    %dot_general3A_1631 = tpu.matmul %add3A_1533, %get3A_7, %dot_general3A_1630 {dimension_numbers = #tpu.dot_dimension_numbers<[1], [0], [0], [1], [0, 0, 1, 1], [], []>, transpose_lhs_hint = false} : vector<128x64xf32>, vector<64x32xf32>, vector<128x32xf32> -> vector<128x32xf32>
    %add3A_1632 = vector.broadcast %get3A_19 : vector<1x32xf32> to vector<128x32xf32>
    %add3A_1633 = arith.addf %dot_general3A_1631, %add3A_1632 : vector<128x32xf32>
    %tanh3A = math.tanh %add3A_1633 : vector<128x32xf32>
    %dot_general3A_1634 = arith.constant dense<0.000000e+00> : vector<128x32xf32>
    %dot_general3A_1635 = tpu.matmul %add3A_1537, %get3A_7, %dot_general3A_1634 {dimension_numbers = #tpu.dot_dimension_numbers<[1], [0], [0], [1], [0, 0, 1, 1], [], []>, transpose_lhs_hint = false} : vector<128x64xf32>, vector<64x32xf32>, vector<128x32xf32> -> vector<128x32xf32>
    %add3A_1636 = vector.broadcast %get3A_19 : vector<1x32xf32> to vector<128x32xf32>
    %add3A_1637 = arith.addf %dot_general3A_1635, %add3A_1636 : vector<128x32xf32>
    %tanh3A_1638 = math.tanh %add3A_1637 : vector<128x32xf32>
    %dot_general3A_1639 = arith.constant dense<0.000000e+00> : vector<128x32xf32>
    %dot_general3A_1640 = tpu.matmul %add3A_1541, %get3A_7, %dot_general3A_1639 {dimension_numbers = #tpu.dot_dimension_numbers<[1], [0], [0], [1], [0, 0, 1, 1], [], []>, transpose_lhs_hint = false} : vector<128x64xf32>, vector<64x32xf32>, vector<128x32xf32> -> vector<128x32xf32>
    %add3A_1641 = vector.broadcast %get3A_19 : vector<1x32xf32> to vector<128x32xf32>
    %add3A_1642 = arith.addf %dot_general3A_1640, %add3A_1641 : vector<128x32xf32>
    %tanh3A_1643 = math.tanh %add3A_1642 : vector<128x32xf32>
    %dot_general3A_1644 = arith.constant dense<0.000000e+00> : vector<128x32xf32>
    %dot_general3A_1645 = tpu.matmul %add3A_1545, %get3A_7, %dot_general3A_1644 {dimension_numbers = #tpu.dot_dimension_numbers<[1], [0], [0], [1], [0, 0, 1, 1], [], []>, transpose_lhs_hint = false} : vector<128x64xf32>, vector<64x32xf32>, vector<128x32xf32> -> vector<128x32xf32>
    %add3A_1646 = vector.broadcast %get3A_19 : vector<1x32xf32> to vector<128x32xf32>
    %add3A_1647 = arith.addf %dot_general3A_1645, %add3A_1646 : vector<128x32xf32>
    %tanh3A_1648 = math.tanh %add3A_1647 : vector<128x32xf32>
    %dot_general3A_1649 = arith.constant dense<0.000000e+00> : vector<128x32xf32>
    %dot_general3A_1650 = tpu.matmul %add3A_1549, %get3A_7, %dot_general3A_1649 {dimension_numbers = #tpu.dot_dimension_numbers<[1], [0], [0], [1], [0, 0, 1, 1], [], []>, transpose_lhs_hint = false} : vector<128x64xf32>, vector<64x32xf32>, vector<128x32xf32> -> vector<128x32xf32>
    %add3A_1651 = vector.broadcast %get3A_19 : vector<1x32xf32> to vector<128x32xf32>
    %add3A_1652 = arith.addf %dot_general3A_1650, %add3A_1651 : vector<128x32xf32>
    %tanh3A_1653 = math.tanh %add3A_1652 : vector<128x32xf32>
    %dot_general3A_1654 = arith.constant dense<0.000000e+00> : vector<128x32xf32>
    %dot_general3A_1655 = tpu.matmul %add3A_1553, %get3A_7, %dot_general3A_1654 {dimension_numbers = #tpu.dot_dimension_numbers<[1], [0], [0], [1], [0, 0, 1, 1], [], []>, transpose_lhs_hint = false} : vector<128x64xf32>, vector<64x32xf32>, vector<128x32xf32> -> vector<128x32xf32>
    %add3A_1656 = vector.broadcast %get3A_19 : vector<1x32xf32> to vector<128x32xf32>
    %add3A_1657 = arith.addf %dot_general3A_1655, %add3A_1656 : vector<128x32xf32>
    %tanh3A_1658 = math.tanh %add3A_1657 : vector<128x32xf32>
    %dot_general3A_1659 = arith.constant dense<0.000000e+00> : vector<128x32xf32>
    %dot_general3A_1660 = tpu.matmul %add3A_1557, %get3A_7, %dot_general3A_1659 {dimension_numbers = #tpu.dot_dimension_numbers<[1], [0], [0], [1], [0, 0, 1, 1], [], []>, transpose_lhs_hint = false} : vector<128x64xf32>, vector<64x32xf32>, vector<128x32xf32> -> vector<128x32xf32>
    %add3A_1661 = vector.broadcast %get3A_19 : vector<1x32xf32> to vector<128x32xf32>
    %add3A_1662 = arith.addf %dot_general3A_1660, %add3A_1661 : vector<128x32xf32>
    %tanh3A_1663 = math.tanh %add3A_1662 : vector<128x32xf32>
    %dot_general3A_1664 = arith.constant dense<0.000000e+00> : vector<128x32xf32>
    %dot_general3A_1665 = tpu.matmul %add3A_1561, %get3A_7, %dot_general3A_1664 {dimension_numbers = #tpu.dot_dimension_numbers<[1], [0], [0], [1], [0, 0, 1, 1], [], []>, transpose_lhs_hint = false} : vector<128x64xf32>, vector<64x32xf32>, vector<128x32xf32> -> vector<128x32xf32>
    %add3A_1666 = vector.broadcast %get3A_19 : vector<1x32xf32> to vector<128x32xf32>
    %add3A_1667 = arith.addf %dot_general3A_1665, %add3A_1666 : vector<128x32xf32>
    %tanh3A_1668 = math.tanh %add3A_1667 : vector<128x32xf32>
    %dot_general3A_1669 = arith.constant dense<0.000000e+00> : vector<128x32xf32>
    %dot_general3A_1670 = tpu.matmul %add3A_1565, %get3A_7, %dot_general3A_1669 {dimension_numbers = #tpu.dot_dimension_numbers<[1], [0], [0], [1], [0, 0, 1, 1], [], []>, transpose_lhs_hint = false} : vector<128x64xf32>, vector<64x32xf32>, vector<128x32xf32> -> vector<128x32xf32>
    %add3A_1671 = vector.broadcast %get3A_19 : vector<1x32xf32> to vector<128x32xf32>
    %add3A_1672 = arith.addf %dot_general3A_1670, %add3A_1671 : vector<128x32xf32>
    %tanh3A_1673 = math.tanh %add3A_1672 : vector<128x32xf32>
    %dot_general3A_1674 = arith.constant dense<0.000000e+00> : vector<128x32xf32>
    %dot_general3A_1675 = tpu.matmul %add3A_1569, %get3A_7, %dot_general3A_1674 {dimension_numbers = #tpu.dot_dimension_numbers<[1], [0], [0], [1], [0, 0, 1, 1], [], []>, transpose_lhs_hint = false} : vector<128x64xf32>, vector<64x32xf32>, vector<128x32xf32> -> vector<128x32xf32>
    %add3A_1676 = vector.broadcast %get3A_19 : vector<1x32xf32> to vector<128x32xf32>
    %add3A_1677 = arith.addf %dot_general3A_1675, %add3A_1676 : vector<128x32xf32>
    %tanh3A_1678 = math.tanh %add3A_1677 : vector<128x32xf32>
    %dot_general3A_1679 = arith.constant dense<0.000000e+00> : vector<128x32xf32>
    %dot_general3A_1680 = tpu.matmul %add3A_1573, %get3A_7, %dot_general3A_1679 {dimension_numbers = #tpu.dot_dimension_numbers<[1], [0], [0], [1], [0, 0, 1, 1], [], []>, transpose_lhs_hint = false} : vector<128x64xf32>, vector<64x32xf32>, vector<128x32xf32> -> vector<128x32xf32>
    %add3A_1681 = vector.broadcast %get3A_19 : vector<1x32xf32> to vector<128x32xf32>
    %add3A_1682 = arith.addf %dot_general3A_1680, %add3A_1681 : vector<128x32xf32>
    %tanh3A_1683 = math.tanh %add3A_1682 : vector<128x32xf32>
    %dot_general3A_1684 = arith.constant dense<0.000000e+00> : vector<128x32xf32>
    %dot_general3A_1685 = tpu.matmul %add3A_1577, %get3A_7, %dot_general3A_1684 {dimension_numbers = #tpu.dot_dimension_numbers<[1], [0], [0], [1], [0, 0, 1, 1], [], []>, transpose_lhs_hint = false} : vector<128x64xf32>, vector<64x32xf32>, vector<128x32xf32> -> vector<128x32xf32>
    %add3A_1686 = vector.broadcast %get3A_19 : vector<1x32xf32> to vector<128x32xf32>
    %add3A_1687 = arith.addf %dot_general3A_1685, %add3A_1686 : vector<128x32xf32>
    %tanh3A_1688 = math.tanh %add3A_1687 : vector<128x32xf32>
    %dot_general3A_1689 = arith.constant dense<0.000000e+00> : vector<128x32xf32>
    %dot_general3A_1690 = tpu.matmul %add3A_1581, %get3A_7, %dot_general3A_1689 {dimension_numbers = #tpu.dot_dimension_numbers<[1], [0], [0], [1], [0, 0, 1, 1], [], []>, transpose_lhs_hint = false} : vector<128x64xf32>, vector<64x32xf32>, vector<128x32xf32> -> vector<128x32xf32>
    %add3A_1691 = vector.broadcast %get3A_19 : vector<1x32xf32> to vector<128x32xf32>
    %add3A_1692 = arith.addf %dot_general3A_1690, %add3A_1691 : vector<128x32xf32>
    %tanh3A_1693 = math.tanh %add3A_1692 : vector<128x32xf32>
    %dot_general3A_1694 = arith.constant dense<0.000000e+00> : vector<128x32xf32>
    %dot_general3A_1695 = tpu.matmul %add3A_1585, %get3A_7, %dot_general3A_1694 {dimension_numbers = #tpu.dot_dimension_numbers<[1], [0], [0], [1], [0, 0, 1, 1], [], []>, transpose_lhs_hint = false} : vector<128x64xf32>, vector<64x32xf32>, vector<128x32xf32> -> vector<128x32xf32>
    %add3A_1696 = vector.broadcast %get3A_19 : vector<1x32xf32> to vector<128x32xf32>
    %add3A_1697 = arith.addf %dot_general3A_1695, %add3A_1696 : vector<128x32xf32>
    %tanh3A_1698 = math.tanh %add3A_1697 : vector<128x32xf32>
    %dot_general3A_1699 = arith.constant dense<0.000000e+00> : vector<128x32xf32>
    %dot_general3A_1700 = tpu.matmul %add3A_1589, %get3A_7, %dot_general3A_1699 {dimension_numbers = #tpu.dot_dimension_numbers<[1], [0], [0], [1], [0, 0, 1, 1], [], []>, transpose_lhs_hint = false} : vector<128x64xf32>, vector<64x32xf32>, vector<128x32xf32> -> vector<128x32xf32>
    %add3A_1701 = vector.broadcast %get3A_19 : vector<1x32xf32> to vector<128x32xf32>
    %add3A_1702 = arith.addf %dot_general3A_1700, %add3A_1701 : vector<128x32xf32>
    %tanh3A_1703 = math.tanh %add3A_1702 : vector<128x32xf32>
    %dot_general3A_1704 = arith.constant dense<0.000000e+00> : vector<128x32xf32>
    %dot_general3A_1705 = tpu.matmul %add3A_1593, %get3A_7, %dot_general3A_1704 {dimension_numbers = #tpu.dot_dimension_numbers<[1], [0], [0], [1], [0, 0, 1, 1], [], []>, transpose_lhs_hint = false} : vector<128x64xf32>, vector<64x32xf32>, vector<128x32xf32> -> vector<128x32xf32>
    %add3A_1706 = vector.broadcast %get3A_19 : vector<1x32xf32> to vector<128x32xf32>
    %add3A_1707 = arith.addf %dot_general3A_1705, %add3A_1706 : vector<128x32xf32>
    %tanh3A_1708 = math.tanh %add3A_1707 : vector<128x32xf32>
    %dot_general3A_1709 = arith.constant dense<0.000000e+00> : vector<128x32xf32>
    %dot_general3A_1710 = tpu.matmul %add3A_1597, %get3A_7, %dot_general3A_1709 {dimension_numbers = #tpu.dot_dimension_numbers<[1], [0], [0], [1], [0, 0, 1, 1], [], []>, transpose_lhs_hint = false} : vector<128x64xf32>, vector<64x32xf32>, vector<128x32xf32> -> vector<128x32xf32>
    %add3A_1711 = vector.broadcast %get3A_19 : vector<1x32xf32> to vector<128x32xf32>
    %add3A_1712 = arith.addf %dot_general3A_1710, %add3A_1711 : vector<128x32xf32>
    %tanh3A_1713 = math.tanh %add3A_1712 : vector<128x32xf32>
    %dot_general3A_1714 = arith.constant dense<0.000000e+00> : vector<128x32xf32>
    %dot_general3A_1715 = tpu.matmul %add3A_1601, %get3A_7, %dot_general3A_1714 {dimension_numbers = #tpu.dot_dimension_numbers<[1], [0], [0], [1], [0, 0, 1, 1], [], []>, transpose_lhs_hint = false} : vector<128x64xf32>, vector<64x32xf32>, vector<128x32xf32> -> vector<128x32xf32>
    %add3A_1716 = vector.broadcast %get3A_19 : vector<1x32xf32> to vector<128x32xf32>
    %add3A_1717 = arith.addf %dot_general3A_1715, %add3A_1716 : vector<128x32xf32>
    %tanh3A_1718 = math.tanh %add3A_1717 : vector<128x32xf32>
    %dot_general3A_1719 = arith.constant dense<0.000000e+00> : vector<128x32xf32>
    %dot_general3A_1720 = tpu.matmul %add3A_1605, %get3A_7, %dot_general3A_1719 {dimension_numbers = #tpu.dot_dimension_numbers<[1], [0], [0], [1], [0, 0, 1, 1], [], []>, transpose_lhs_hint = false} : vector<128x64xf32>, vector<64x32xf32>, vector<128x32xf32> -> vector<128x32xf32>
    %add3A_1721 = vector.broadcast %get3A_19 : vector<1x32xf32> to vector<128x32xf32>
    %add3A_1722 = arith.addf %dot_general3A_1720, %add3A_1721 : vector<128x32xf32>
    %tanh3A_1723 = math.tanh %add3A_1722 : vector<128x32xf32>
    %dot_general3A_1724 = arith.constant dense<0.000000e+00> : vector<128x32xf32>
    %dot_general3A_1725 = tpu.matmul %add3A_1609, %get3A_7, %dot_general3A_1724 {dimension_numbers = #tpu.dot_dimension_numbers<[1], [0], [0], [1], [0, 0, 1, 1], [], []>, transpose_lhs_hint = false} : vector<128x64xf32>, vector<64x32xf32>, vector<128x32xf32> -> vector<128x32xf32>
    %add3A_1726 = vector.broadcast %get3A_19 : vector<1x32xf32> to vector<128x32xf32>
    %add3A_1727 = arith.addf %dot_general3A_1725, %add3A_1726 : vector<128x32xf32>
    %tanh3A_1728 = math.tanh %add3A_1727 : vector<128x32xf32>
    %dot_general3A_1729 = arith.constant dense<0.000000e+00> : vector<128x32xf32>
    %dot_general3A_1730 = tpu.matmul %add3A_1613, %get3A_7, %dot_general3A_1729 {dimension_numbers = #tpu.dot_dimension_numbers<[1], [0], [0], [1], [0, 0, 1, 1], [], []>, transpose_lhs_hint = false} : vector<128x64xf32>, vector<64x32xf32>, vector<128x32xf32> -> vector<128x32xf32>
    %add3A_1731 = vector.broadcast %get3A_19 : vector<1x32xf32> to vector<128x32xf32>
    %add3A_1732 = arith.addf %dot_general3A_1730, %add3A_1731 : vector<128x32xf32>
    %tanh3A_1733 = math.tanh %add3A_1732 : vector<128x32xf32>
    %dot_general3A_1734 = arith.constant dense<0.000000e+00> : vector<128x32xf32>
    %dot_general3A_1735 = tpu.matmul %add3A_1617, %get3A_7, %dot_general3A_1734 {dimension_numbers = #tpu.dot_dimension_numbers<[1], [0], [0], [1], [0, 0, 1, 1], [], []>, transpose_lhs_hint = false} : vector<128x64xf32>, vector<64x32xf32>, vector<128x32xf32> -> vector<128x32xf32>
    %add3A_1736 = vector.broadcast %get3A_19 : vector<1x32xf32> to vector<128x32xf32>
    %add3A_1737 = arith.addf %dot_general3A_1735, %add3A_1736 : vector<128x32xf32>
    %tanh3A_1738 = math.tanh %add3A_1737 : vector<128x32xf32>
    %dot_general3A_1739 = arith.constant dense<0.000000e+00> : vector<128x32xf32>
    %dot_general3A_1740 = tpu.matmul %add3A_1621, %get3A_7, %dot_general3A_1739 {dimension_numbers = #tpu.dot_dimension_numbers<[1], [0], [0], [1], [0, 0, 1, 1], [], []>, transpose_lhs_hint = false} : vector<128x64xf32>, vector<64x32xf32>, vector<128x32xf32> -> vector<128x32xf32>
    %add3A_1741 = vector.broadcast %get3A_19 : vector<1x32xf32> to vector<128x32xf32>
    %add3A_1742 = arith.addf %dot_general3A_1740, %add3A_1741 : vector<128x32xf32>
    %tanh3A_1743 = math.tanh %add3A_1742 : vector<128x32xf32>
    %dot_general3A_1744 = arith.constant dense<0.000000e+00> : vector<128x32xf32>
    %dot_general3A_1745 = tpu.matmul %add3A_1625, %get3A_7, %dot_general3A_1744 {dimension_numbers = #tpu.dot_dimension_numbers<[1], [0], [0], [1], [0, 0, 1, 1], [], []>, transpose_lhs_hint = false} : vector<128x64xf32>, vector<64x32xf32>, vector<128x32xf32> -> vector<128x32xf32>
    %add3A_1746 = vector.broadcast %get3A_19 : vector<1x32xf32> to vector<128x32xf32>
    %add3A_1747 = arith.addf %dot_general3A_1745, %add3A_1746 : vector<128x32xf32>
    %tanh3A_1748 = math.tanh %add3A_1747 : vector<128x32xf32>
    %dot_general3A_1749 = arith.constant dense<0.000000e+00> : vector<128x32xf32>
    %dot_general3A_1750 = tpu.matmul %add3A_1629, %get3A_7, %dot_general3A_1749 {dimension_numbers = #tpu.dot_dimension_numbers<[1], [0], [0], [1], [0, 0, 1, 1], [], []>, transpose_lhs_hint = false} : vector<128x64xf32>, vector<64x32xf32>, vector<128x32xf32> -> vector<128x32xf32>
    %add3A_1751 = vector.broadcast %get3A_19 : vector<1x32xf32> to vector<128x32xf32>
    %add3A_1752 = arith.addf %dot_general3A_1750, %add3A_1751 : vector<128x32xf32>
    %tanh3A_1753 = math.tanh %add3A_1752 : vector<128x32xf32>
    %dot_general3A_1754 = arith.constant dense<0.000000e+00> : vector<128x4xf32>
    %dot_general3A_1755 = tpu.matmul %tanh3A, %get3A_22, %dot_general3A_1754 {dimension_numbers = #tpu.dot_dimension_numbers<[1], [0], [0], [1], [0, 0, 1, 1], [], []>, transpose_lhs_hint = false} : vector<128x32xf32>, vector<32x4xf32>, vector<128x4xf32> -> vector<128x4xf32>
    %add3A_1756 = vector.broadcast %get3A_25 : vector<1x4xf32> to vector<128x4xf32>
    %add3A_1757 = arith.addf %dot_general3A_1755, %add3A_1756 : vector<128x4xf32>
    %dot_general3A_1758 = arith.constant dense<0.000000e+00> : vector<128x4xf32>
    %dot_general3A_1759 = tpu.matmul %tanh3A_1638, %get3A_22, %dot_general3A_1758 {dimension_numbers = #tpu.dot_dimension_numbers<[1], [0], [0], [1], [0, 0, 1, 1], [], []>, transpose_lhs_hint = false} : vector<128x32xf32>, vector<32x4xf32>, vector<128x4xf32> -> vector<128x4xf32>
    %add3A_1760 = vector.broadcast %get3A_25 : vector<1x4xf32> to vector<128x4xf32>
    %add3A_1761 = arith.addf %dot_general3A_1759, %add3A_1760 : vector<128x4xf32>
    %dot_general3A_1762 = arith.constant dense<0.000000e+00> : vector<128x4xf32>
    %dot_general3A_1763 = tpu.matmul %tanh3A_1643, %get3A_22, %dot_general3A_1762 {dimension_numbers = #tpu.dot_dimension_numbers<[1], [0], [0], [1], [0, 0, 1, 1], [], []>, transpose_lhs_hint = false} : vector<128x32xf32>, vector<32x4xf32>, vector<128x4xf32> -> vector<128x4xf32>
    %add3A_1764 = vector.broadcast %get3A_25 : vector<1x4xf32> to vector<128x4xf32>
    %add3A_1765 = arith.addf %dot_general3A_1763, %add3A_1764 : vector<128x4xf32>
    %dot_general3A_1766 = arith.constant dense<0.000000e+00> : vector<128x4xf32>
    %dot_general3A_1767 = tpu.matmul %tanh3A_1648, %get3A_22, %dot_general3A_1766 {dimension_numbers = #tpu.dot_dimension_numbers<[1], [0], [0], [1], [0, 0, 1, 1], [], []>, transpose_lhs_hint = false} : vector<128x32xf32>, vector<32x4xf32>, vector<128x4xf32> -> vector<128x4xf32>
    %add3A_1768 = vector.broadcast %get3A_25 : vector<1x4xf32> to vector<128x4xf32>
    %add3A_1769 = arith.addf %dot_general3A_1767, %add3A_1768 : vector<128x4xf32>
    %dot_general3A_1770 = arith.constant dense<0.000000e+00> : vector<128x4xf32>
    %dot_general3A_1771 = tpu.matmul %tanh3A_1653, %get3A_22, %dot_general3A_1770 {dimension_numbers = #tpu.dot_dimension_numbers<[1], [0], [0], [1], [0, 0, 1, 1], [], []>, transpose_lhs_hint = false} : vector<128x32xf32>, vector<32x4xf32>, vector<128x4xf32> -> vector<128x4xf32>
    %add3A_1772 = vector.broadcast %get3A_25 : vector<1x4xf32> to vector<128x4xf32>
    %add3A_1773 = arith.addf %dot_general3A_1771, %add3A_1772 : vector<128x4xf32>
    %dot_general3A_1774 = arith.constant dense<0.000000e+00> : vector<128x4xf32>
    %dot_general3A_1775 = tpu.matmul %tanh3A_1658, %get3A_22, %dot_general3A_1774 {dimension_numbers = #tpu.dot_dimension_numbers<[1], [0], [0], [1], [0, 0, 1, 1], [], []>, transpose_lhs_hint = false} : vector<128x32xf32>, vector<32x4xf32>, vector<128x4xf32> -> vector<128x4xf32>
    %add3A_1776 = vector.broadcast %get3A_25 : vector<1x4xf32> to vector<128x4xf32>
    %add3A_1777 = arith.addf %dot_general3A_1775, %add3A_1776 : vector<128x4xf32>
    %dot_general3A_1778 = arith.constant dense<0.000000e+00> : vector<128x4xf32>
    %dot_general3A_1779 = tpu.matmul %tanh3A_1663, %get3A_22, %dot_general3A_1778 {dimension_numbers = #tpu.dot_dimension_numbers<[1], [0], [0], [1], [0, 0, 1, 1], [], []>, transpose_lhs_hint = false} : vector<128x32xf32>, vector<32x4xf32>, vector<128x4xf32> -> vector<128x4xf32>
    %add3A_1780 = vector.broadcast %get3A_25 : vector<1x4xf32> to vector<128x4xf32>
    %add3A_1781 = arith.addf %dot_general3A_1779, %add3A_1780 : vector<128x4xf32>
    %dot_general3A_1782 = arith.constant dense<0.000000e+00> : vector<128x4xf32>
    %dot_general3A_1783 = tpu.matmul %tanh3A_1668, %get3A_22, %dot_general3A_1782 {dimension_numbers = #tpu.dot_dimension_numbers<[1], [0], [0], [1], [0, 0, 1, 1], [], []>, transpose_lhs_hint = false} : vector<128x32xf32>, vector<32x4xf32>, vector<128x4xf32> -> vector<128x4xf32>
    %add3A_1784 = vector.broadcast %get3A_25 : vector<1x4xf32> to vector<128x4xf32>
    %add3A_1785 = arith.addf %dot_general3A_1783, %add3A_1784 : vector<128x4xf32>
    %dot_general3A_1786 = arith.constant dense<0.000000e+00> : vector<128x4xf32>
    %dot_general3A_1787 = tpu.matmul %tanh3A_1673, %get3A_22, %dot_general3A_1786 {dimension_numbers = #tpu.dot_dimension_numbers<[1], [0], [0], [1], [0, 0, 1, 1], [], []>, transpose_lhs_hint = false} : vector<128x32xf32>, vector<32x4xf32>, vector<128x4xf32> -> vector<128x4xf32>
    %add3A_1788 = vector.broadcast %get3A_25 : vector<1x4xf32> to vector<128x4xf32>
    %add3A_1789 = arith.addf %dot_general3A_1787, %add3A_1788 : vector<128x4xf32>
    %dot_general3A_1790 = arith.constant dense<0.000000e+00> : vector<128x4xf32>
    %dot_general3A_1791 = tpu.matmul %tanh3A_1678, %get3A_22, %dot_general3A_1790 {dimension_numbers = #tpu.dot_dimension_numbers<[1], [0], [0], [1], [0, 0, 1, 1], [], []>, transpose_lhs_hint = false} : vector<128x32xf32>, vector<32x4xf32>, vector<128x4xf32> -> vector<128x4xf32>
    %add3A_1792 = vector.broadcast %get3A_25 : vector<1x4xf32> to vector<128x4xf32>
    %add3A_1793 = arith.addf %dot_general3A_1791, %add3A_1792 : vector<128x4xf32>
    %dot_general3A_1794 = arith.constant dense<0.000000e+00> : vector<128x4xf32>
    %dot_general3A_1795 = tpu.matmul %tanh3A_1683, %get3A_22, %dot_general3A_1794 {dimension_numbers = #tpu.dot_dimension_numbers<[1], [0], [0], [1], [0, 0, 1, 1], [], []>, transpose_lhs_hint = false} : vector<128x32xf32>, vector<32x4xf32>, vector<128x4xf32> -> vector<128x4xf32>
    %add3A_1796 = vector.broadcast %get3A_25 : vector<1x4xf32> to vector<128x4xf32>
    %add3A_1797 = arith.addf %dot_general3A_1795, %add3A_1796 : vector<128x4xf32>
    %dot_general3A_1798 = arith.constant dense<0.000000e+00> : vector<128x4xf32>
    %dot_general3A_1799 = tpu.matmul %tanh3A_1688, %get3A_22, %dot_general3A_1798 {dimension_numbers = #tpu.dot_dimension_numbers<[1], [0], [0], [1], [0, 0, 1, 1], [], []>, transpose_lhs_hint = false} : vector<128x32xf32>, vector<32x4xf32>, vector<128x4xf32> -> vector<128x4xf32>
    %add3A_1800 = vector.broadcast %get3A_25 : vector<1x4xf32> to vector<128x4xf32>
    %add3A_1801 = arith.addf %dot_general3A_1799, %add3A_1800 : vector<128x4xf32>
    %dot_general3A_1802 = arith.constant dense<0.000000e+00> : vector<128x4xf32>
    %dot_general3A_1803 = tpu.matmul %tanh3A_1693, %get3A_22, %dot_general3A_1802 {dimension_numbers = #tpu.dot_dimension_numbers<[1], [0], [0], [1], [0, 0, 1, 1], [], []>, transpose_lhs_hint = false} : vector<128x32xf32>, vector<32x4xf32>, vector<128x4xf32> -> vector<128x4xf32>
    %add3A_1804 = vector.broadcast %get3A_25 : vector<1x4xf32> to vector<128x4xf32>
    %add3A_1805 = arith.addf %dot_general3A_1803, %add3A_1804 : vector<128x4xf32>
    %dot_general3A_1806 = arith.constant dense<0.000000e+00> : vector<128x4xf32>
    %dot_general3A_1807 = tpu.matmul %tanh3A_1698, %get3A_22, %dot_general3A_1806 {dimension_numbers = #tpu.dot_dimension_numbers<[1], [0], [0], [1], [0, 0, 1, 1], [], []>, transpose_lhs_hint = false} : vector<128x32xf32>, vector<32x4xf32>, vector<128x4xf32> -> vector<128x4xf32>
    %add3A_1808 = vector.broadcast %get3A_25 : vector<1x4xf32> to vector<128x4xf32>
    %add3A_1809 = arith.addf %dot_general3A_1807, %add3A_1808 : vector<128x4xf32>
    %dot_general3A_1810 = arith.constant dense<0.000000e+00> : vector<128x4xf32>
    %dot_general3A_1811 = tpu.matmul %tanh3A_1703, %get3A_22, %dot_general3A_1810 {dimension_numbers = #tpu.dot_dimension_numbers<[1], [0], [0], [1], [0, 0, 1, 1], [], []>, transpose_lhs_hint = false} : vector<128x32xf32>, vector<32x4xf32>, vector<128x4xf32> -> vector<128x4xf32>
    %add3A_1812 = vector.broadcast %get3A_25 : vector<1x4xf32> to vector<128x4xf32>
    %add3A_1813 = arith.addf %dot_general3A_1811, %add3A_1812 : vector<128x4xf32>
    %dot_general3A_1814 = arith.constant dense<0.000000e+00> : vector<128x4xf32>
    %dot_general3A_1815 = tpu.matmul %tanh3A_1708, %get3A_22, %dot_general3A_1814 {dimension_numbers = #tpu.dot_dimension_numbers<[1], [0], [0], [1], [0, 0, 1, 1], [], []>, transpose_lhs_hint = false} : vector<128x32xf32>, vector<32x4xf32>, vector<128x4xf32> -> vector<128x4xf32>
    %add3A_1816 = vector.broadcast %get3A_25 : vector<1x4xf32> to vector<128x4xf32>
    %add3A_1817 = arith.addf %dot_general3A_1815, %add3A_1816 : vector<128x4xf32>
    %dot_general3A_1818 = arith.constant dense<0.000000e+00> : vector<128x4xf32>
    %dot_general3A_1819 = tpu.matmul %tanh3A_1713, %get3A_22, %dot_general3A_1818 {dimension_numbers = #tpu.dot_dimension_numbers<[1], [0], [0], [1], [0, 0, 1, 1], [], []>, transpose_lhs_hint = false} : vector<128x32xf32>, vector<32x4xf32>, vector<128x4xf32> -> vector<128x4xf32>
    %add3A_1820 = vector.broadcast %get3A_25 : vector<1x4xf32> to vector<128x4xf32>
    %add3A_1821 = arith.addf %dot_general3A_1819, %add3A_1820 : vector<128x4xf32>
    %dot_general3A_1822 = arith.constant dense<0.000000e+00> : vector<128x4xf32>
    %dot_general3A_1823 = tpu.matmul %tanh3A_1718, %get3A_22, %dot_general3A_1822 {dimension_numbers = #tpu.dot_dimension_numbers<[1], [0], [0], [1], [0, 0, 1, 1], [], []>, transpose_lhs_hint = false} : vector<128x32xf32>, vector<32x4xf32>, vector<128x4xf32> -> vector<128x4xf32>
    %add3A_1824 = vector.broadcast %get3A_25 : vector<1x4xf32> to vector<128x4xf32>
    %add3A_1825 = arith.addf %dot_general3A_1823, %add3A_1824 : vector<128x4xf32>
    %dot_general3A_1826 = arith.constant dense<0.000000e+00> : vector<128x4xf32>
    %dot_general3A_1827 = tpu.matmul %tanh3A_1723, %get3A_22, %dot_general3A_1826 {dimension_numbers = #tpu.dot_dimension_numbers<[1], [0], [0], [1], [0, 0, 1, 1], [], []>, transpose_lhs_hint = false} : vector<128x32xf32>, vector<32x4xf32>, vector<128x4xf32> -> vector<128x4xf32>
    %add3A_1828 = vector.broadcast %get3A_25 : vector<1x4xf32> to vector<128x4xf32>
    %add3A_1829 = arith.addf %dot_general3A_1827, %add3A_1828 : vector<128x4xf32>
    %dot_general3A_1830 = arith.constant dense<0.000000e+00> : vector<128x4xf32>
    %dot_general3A_1831 = tpu.matmul %tanh3A_1728, %get3A_22, %dot_general3A_1830 {dimension_numbers = #tpu.dot_dimension_numbers<[1], [0], [0], [1], [0, 0, 1, 1], [], []>, transpose_lhs_hint = false} : vector<128x32xf32>, vector<32x4xf32>, vector<128x4xf32> -> vector<128x4xf32>
    %add3A_1832 = vector.broadcast %get3A_25 : vector<1x4xf32> to vector<128x4xf32>
    %add3A_1833 = arith.addf %dot_general3A_1831, %add3A_1832 : vector<128x4xf32>
    %dot_general3A_1834 = arith.constant dense<0.000000e+00> : vector<128x4xf32>
    %dot_general3A_1835 = tpu.matmul %tanh3A_1733, %get3A_22, %dot_general3A_1834 {dimension_numbers = #tpu.dot_dimension_numbers<[1], [0], [0], [1], [0, 0, 1, 1], [], []>, transpose_lhs_hint = false} : vector<128x32xf32>, vector<32x4xf32>, vector<128x4xf32> -> vector<128x4xf32>
    %add3A_1836 = vector.broadcast %get3A_25 : vector<1x4xf32> to vector<128x4xf32>
    %add3A_1837 = arith.addf %dot_general3A_1835, %add3A_1836 : vector<128x4xf32>
    %dot_general3A_1838 = arith.constant dense<0.000000e+00> : vector<128x4xf32>
    %dot_general3A_1839 = tpu.matmul %tanh3A_1738, %get3A_22, %dot_general3A_1838 {dimension_numbers = #tpu.dot_dimension_numbers<[1], [0], [0], [1], [0, 0, 1, 1], [], []>, transpose_lhs_hint = false} : vector<128x32xf32>, vector<32x4xf32>, vector<128x4xf32> -> vector<128x4xf32>
    %add3A_1840 = vector.broadcast %get3A_25 : vector<1x4xf32> to vector<128x4xf32>
    %add3A_1841 = arith.addf %dot_general3A_1839, %add3A_1840 : vector<128x4xf32>
    %dot_general3A_1842 = arith.constant dense<0.000000e+00> : vector<128x4xf32>
    %dot_general3A_1843 = tpu.matmul %tanh3A_1743, %get3A_22, %dot_general3A_1842 {dimension_numbers = #tpu.dot_dimension_numbers<[1], [0], [0], [1], [0, 0, 1, 1], [], []>, transpose_lhs_hint = false} : vector<128x32xf32>, vector<32x4xf32>, vector<128x4xf32> -> vector<128x4xf32>
    %add3A_1844 = vector.broadcast %get3A_25 : vector<1x4xf32> to vector<128x4xf32>
    %add3A_1845 = arith.addf %dot_general3A_1843, %add3A_1844 : vector<128x4xf32>
    %dot_general3A_1846 = arith.constant dense<0.000000e+00> : vector<128x4xf32>
    %dot_general3A_1847 = tpu.matmul %tanh3A_1748, %get3A_22, %dot_general3A_1846 {dimension_numbers = #tpu.dot_dimension_numbers<[1], [0], [0], [1], [0, 0, 1, 1], [], []>, transpose_lhs_hint = false} : vector<128x32xf32>, vector<32x4xf32>, vector<128x4xf32> -> vector<128x4xf32>
    %add3A_1848 = vector.broadcast %get3A_25 : vector<1x4xf32> to vector<128x4xf32>
    %add3A_1849 = arith.addf %dot_general3A_1847, %add3A_1848 : vector<128x4xf32>
    %dot_general3A_1850 = arith.constant dense<0.000000e+00> : vector<128x4xf32>
    %dot_general3A_1851 = tpu.matmul %tanh3A_1753, %get3A_22, %dot_general3A_1850 {dimension_numbers = #tpu.dot_dimension_numbers<[1], [0], [0], [1], [0, 0, 1, 1], [], []>, transpose_lhs_hint = false} : vector<128x32xf32>, vector<32x4xf32>, vector<128x4xf32> -> vector<128x4xf32>
    %add3A_1852 = vector.broadcast %get3A_25 : vector<1x4xf32> to vector<128x4xf32>
    %add3A_1853 = arith.addf %dot_general3A_1851, %add3A_1852 : vector<128x4xf32>
    %reshape3A_1854 = vector.shape_cast %add3A_1757 : vector<128x4xf32> to vector<4x32x4xf32>
    %reshape3A_1855 = vector.shape_cast %add3A_1761 : vector<128x4xf32> to vector<4x32x4xf32>
    %reshape3A_1856 = vector.shape_cast %add3A_1765 : vector<128x4xf32> to vector<4x32x4xf32>
    %reshape3A_1857 = vector.shape_cast %add3A_1769 : vector<128x4xf32> to vector<4x32x4xf32>
    %reshape3A_1858 = vector.shape_cast %add3A_1773 : vector<128x4xf32> to vector<4x32x4xf32>
    %reshape3A_1859 = vector.shape_cast %add3A_1777 : vector<128x4xf32> to vector<4x32x4xf32>
    %reshape3A_1860 = vector.shape_cast %add3A_1781 : vector<128x4xf32> to vector<4x32x4xf32>
    %reshape3A_1861 = vector.shape_cast %add3A_1785 : vector<128x4xf32> to vector<4x32x4xf32>
    %reshape3A_1862 = vector.shape_cast %add3A_1789 : vector<128x4xf32> to vector<4x32x4xf32>
    %reshape3A_1863 = vector.shape_cast %add3A_1793 : vector<128x4xf32> to vector<4x32x4xf32>
    %reshape3A_1864 = vector.shape_cast %add3A_1797 : vector<128x4xf32> to vector<4x32x4xf32>
    %reshape3A_1865 = vector.shape_cast %add3A_1801 : vector<128x4xf32> to vector<4x32x4xf32>
    %reshape3A_1866 = vector.shape_cast %add3A_1805 : vector<128x4xf32> to vector<4x32x4xf32>
    %reshape3A_1867 = vector.shape_cast %add3A_1809 : vector<128x4xf32> to vector<4x32x4xf32>
    %reshape3A_1868 = vector.shape_cast %add3A_1813 : vector<128x4xf32> to vector<4x32x4xf32>
    %reshape3A_1869 = vector.shape_cast %add3A_1817 : vector<128x4xf32> to vector<4x32x4xf32>
    %reshape3A_1870 = vector.shape_cast %add3A_1821 : vector<128x4xf32> to vector<4x32x4xf32>
    %reshape3A_1871 = vector.shape_cast %add3A_1825 : vector<128x4xf32> to vector<4x32x4xf32>
    %reshape3A_1872 = vector.shape_cast %add3A_1829 : vector<128x4xf32> to vector<4x32x4xf32>
    %reshape3A_1873 = vector.shape_cast %add3A_1833 : vector<128x4xf32> to vector<4x32x4xf32>
    %reshape3A_1874 = vector.shape_cast %add3A_1837 : vector<128x4xf32> to vector<4x32x4xf32>
    %reshape3A_1875 = vector.shape_cast %add3A_1841 : vector<128x4xf32> to vector<4x32x4xf32>
    %reshape3A_1876 = vector.shape_cast %add3A_1845 : vector<128x4xf32> to vector<4x32x4xf32>
    %reshape3A_1877 = vector.shape_cast %add3A_1849 : vector<128x4xf32> to vector<4x32x4xf32>
    %reshape3A_1878 = vector.shape_cast %add3A_1853 : vector<128x4xf32> to vector<4x32x4xf32>
    %reduce_max3A = arith.constant dense<0xFF800000> : vector<4x4xf32>
    %reduce_max3A_1879 = vector.multi_reduction <maximumf>, %reshape3A_1854, %reduce_max3A [1] : vector<4x32x4xf32> to vector<4x4xf32>
    %broadcast_in_dim3A_1880 = vector.shape_cast %reduce_max3A_1879 : vector<4x4xf32> to vector<4x1x4xf32>
    %reduce_max3A_1881 = arith.constant dense<0xFF800000> : vector<4x4xf32>
    %reduce_max3A_1882 = vector.multi_reduction <maximumf>, %reshape3A_1855, %reduce_max3A_1881 [1] : vector<4x32x4xf32> to vector<4x4xf32>
    %broadcast_in_dim3A_1883 = vector.shape_cast %reduce_max3A_1882 : vector<4x4xf32> to vector<4x1x4xf32>
    %reduce_max3A_1884 = arith.constant dense<0xFF800000> : vector<4x4xf32>
    %reduce_max3A_1885 = vector.multi_reduction <maximumf>, %reshape3A_1856, %reduce_max3A_1884 [1] : vector<4x32x4xf32> to vector<4x4xf32>
    %broadcast_in_dim3A_1886 = vector.shape_cast %reduce_max3A_1885 : vector<4x4xf32> to vector<4x1x4xf32>
    %reduce_max3A_1887 = arith.constant dense<0xFF800000> : vector<4x4xf32>
    %reduce_max3A_1888 = vector.multi_reduction <maximumf>, %reshape3A_1857, %reduce_max3A_1887 [1] : vector<4x32x4xf32> to vector<4x4xf32>
    %broadcast_in_dim3A_1889 = vector.shape_cast %reduce_max3A_1888 : vector<4x4xf32> to vector<4x1x4xf32>
    %reduce_max3A_1890 = arith.constant dense<0xFF800000> : vector<4x4xf32>
    %reduce_max3A_1891 = vector.multi_reduction <maximumf>, %reshape3A_1858, %reduce_max3A_1890 [1] : vector<4x32x4xf32> to vector<4x4xf32>
    %broadcast_in_dim3A_1892 = vector.shape_cast %reduce_max3A_1891 : vector<4x4xf32> to vector<4x1x4xf32>
    %reduce_max3A_1893 = arith.constant dense<0xFF800000> : vector<4x4xf32>
    %reduce_max3A_1894 = vector.multi_reduction <maximumf>, %reshape3A_1859, %reduce_max3A_1893 [1] : vector<4x32x4xf32> to vector<4x4xf32>
    %broadcast_in_dim3A_1895 = vector.shape_cast %reduce_max3A_1894 : vector<4x4xf32> to vector<4x1x4xf32>
    %reduce_max3A_1896 = arith.constant dense<0xFF800000> : vector<4x4xf32>
    %reduce_max3A_1897 = vector.multi_reduction <maximumf>, %reshape3A_1860, %reduce_max3A_1896 [1] : vector<4x32x4xf32> to vector<4x4xf32>
    %broadcast_in_dim3A_1898 = vector.shape_cast %reduce_max3A_1897 : vector<4x4xf32> to vector<4x1x4xf32>
    %reduce_max3A_1899 = arith.constant dense<0xFF800000> : vector<4x4xf32>
    %reduce_max3A_1900 = vector.multi_reduction <maximumf>, %reshape3A_1861, %reduce_max3A_1899 [1] : vector<4x32x4xf32> to vector<4x4xf32>
    %broadcast_in_dim3A_1901 = vector.shape_cast %reduce_max3A_1900 : vector<4x4xf32> to vector<4x1x4xf32>
    %reduce_max3A_1902 = arith.constant dense<0xFF800000> : vector<4x4xf32>
    %reduce_max3A_1903 = vector.multi_reduction <maximumf>, %reshape3A_1862, %reduce_max3A_1902 [1] : vector<4x32x4xf32> to vector<4x4xf32>
    %broadcast_in_dim3A_1904 = vector.shape_cast %reduce_max3A_1903 : vector<4x4xf32> to vector<4x1x4xf32>
    %reduce_max3A_1905 = arith.constant dense<0xFF800000> : vector<4x4xf32>
    %reduce_max3A_1906 = vector.multi_reduction <maximumf>, %reshape3A_1863, %reduce_max3A_1905 [1] : vector<4x32x4xf32> to vector<4x4xf32>
    %broadcast_in_dim3A_1907 = vector.shape_cast %reduce_max3A_1906 : vector<4x4xf32> to vector<4x1x4xf32>
    %reduce_max3A_1908 = arith.constant dense<0xFF800000> : vector<4x4xf32>
    %reduce_max3A_1909 = vector.multi_reduction <maximumf>, %reshape3A_1864, %reduce_max3A_1908 [1] : vector<4x32x4xf32> to vector<4x4xf32>
    %broadcast_in_dim3A_1910 = vector.shape_cast %reduce_max3A_1909 : vector<4x4xf32> to vector<4x1x4xf32>
    %reduce_max3A_1911 = arith.constant dense<0xFF800000> : vector<4x4xf32>
    %reduce_max3A_1912 = vector.multi_reduction <maximumf>, %reshape3A_1865, %reduce_max3A_1911 [1] : vector<4x32x4xf32> to vector<4x4xf32>
    %broadcast_in_dim3A_1913 = vector.shape_cast %reduce_max3A_1912 : vector<4x4xf32> to vector<4x1x4xf32>
    %reduce_max3A_1914 = arith.constant dense<0xFF800000> : vector<4x4xf32>
    %reduce_max3A_1915 = vector.multi_reduction <maximumf>, %reshape3A_1866, %reduce_max3A_1914 [1] : vector<4x32x4xf32> to vector<4x4xf32>
    %broadcast_in_dim3A_1916 = vector.shape_cast %reduce_max3A_1915 : vector<4x4xf32> to vector<4x1x4xf32>
    %reduce_max3A_1917 = arith.constant dense<0xFF800000> : vector<4x4xf32>
    %reduce_max3A_1918 = vector.multi_reduction <maximumf>, %reshape3A_1867, %reduce_max3A_1917 [1] : vector<4x32x4xf32> to vector<4x4xf32>
    %broadcast_in_dim3A_1919 = vector.shape_cast %reduce_max3A_1918 : vector<4x4xf32> to vector<4x1x4xf32>
    %reduce_max3A_1920 = arith.constant dense<0xFF800000> : vector<4x4xf32>
    %reduce_max3A_1921 = vector.multi_reduction <maximumf>, %reshape3A_1868, %reduce_max3A_1920 [1] : vector<4x32x4xf32> to vector<4x4xf32>
    %broadcast_in_dim3A_1922 = vector.shape_cast %reduce_max3A_1921 : vector<4x4xf32> to vector<4x1x4xf32>
    %reduce_max3A_1923 = arith.constant dense<0xFF800000> : vector<4x4xf32>
    %reduce_max3A_1924 = vector.multi_reduction <maximumf>, %reshape3A_1869, %reduce_max3A_1923 [1] : vector<4x32x4xf32> to vector<4x4xf32>
    %broadcast_in_dim3A_1925 = vector.shape_cast %reduce_max3A_1924 : vector<4x4xf32> to vector<4x1x4xf32>
    %reduce_max3A_1926 = arith.constant dense<0xFF800000> : vector<4x4xf32>
    %reduce_max3A_1927 = vector.multi_reduction <maximumf>, %reshape3A_1870, %reduce_max3A_1926 [1] : vector<4x32x4xf32> to vector<4x4xf32>
    %broadcast_in_dim3A_1928 = vector.shape_cast %reduce_max3A_1927 : vector<4x4xf32> to vector<4x1x4xf32>
    %reduce_max3A_1929 = arith.constant dense<0xFF800000> : vector<4x4xf32>
    %reduce_max3A_1930 = vector.multi_reduction <maximumf>, %reshape3A_1871, %reduce_max3A_1929 [1] : vector<4x32x4xf32> to vector<4x4xf32>
    %broadcast_in_dim3A_1931 = vector.shape_cast %reduce_max3A_1930 : vector<4x4xf32> to vector<4x1x4xf32>
    %reduce_max3A_1932 = arith.constant dense<0xFF800000> : vector<4x4xf32>
    %reduce_max3A_1933 = vector.multi_reduction <maximumf>, %reshape3A_1872, %reduce_max3A_1932 [1] : vector<4x32x4xf32> to vector<4x4xf32>
    %broadcast_in_dim3A_1934 = vector.shape_cast %reduce_max3A_1933 : vector<4x4xf32> to vector<4x1x4xf32>
    %reduce_max3A_1935 = arith.constant dense<0xFF800000> : vector<4x4xf32>
    %reduce_max3A_1936 = vector.multi_reduction <maximumf>, %reshape3A_1873, %reduce_max3A_1935 [1] : vector<4x32x4xf32> to vector<4x4xf32>
    %broadcast_in_dim3A_1937 = vector.shape_cast %reduce_max3A_1936 : vector<4x4xf32> to vector<4x1x4xf32>
    %reduce_max3A_1938 = arith.constant dense<0xFF800000> : vector<4x4xf32>
    %reduce_max3A_1939 = vector.multi_reduction <maximumf>, %reshape3A_1874, %reduce_max3A_1938 [1] : vector<4x32x4xf32> to vector<4x4xf32>
    %broadcast_in_dim3A_1940 = vector.shape_cast %reduce_max3A_1939 : vector<4x4xf32> to vector<4x1x4xf32>
    %reduce_max3A_1941 = arith.constant dense<0xFF800000> : vector<4x4xf32>
    %reduce_max3A_1942 = vector.multi_reduction <maximumf>, %reshape3A_1875, %reduce_max3A_1941 [1] : vector<4x32x4xf32> to vector<4x4xf32>
    %broadcast_in_dim3A_1943 = vector.shape_cast %reduce_max3A_1942 : vector<4x4xf32> to vector<4x1x4xf32>
    %reduce_max3A_1944 = arith.constant dense<0xFF800000> : vector<4x4xf32>
    %reduce_max3A_1945 = vector.multi_reduction <maximumf>, %reshape3A_1876, %reduce_max3A_1944 [1] : vector<4x32x4xf32> to vector<4x4xf32>
    %broadcast_in_dim3A_1946 = vector.shape_cast %reduce_max3A_1945 : vector<4x4xf32> to vector<4x1x4xf32>
    %reduce_max3A_1947 = arith.constant dense<0xFF800000> : vector<4x4xf32>
    %reduce_max3A_1948 = vector.multi_reduction <maximumf>, %reshape3A_1877, %reduce_max3A_1947 [1] : vector<4x32x4xf32> to vector<4x4xf32>
    %broadcast_in_dim3A_1949 = vector.shape_cast %reduce_max3A_1948 : vector<4x4xf32> to vector<4x1x4xf32>
    %reduce_max3A_1950 = arith.constant dense<0xFF800000> : vector<4x4xf32>
    %reduce_max3A_1951 = vector.multi_reduction <maximumf>, %reshape3A_1878, %reduce_max3A_1950 [1] : vector<4x32x4xf32> to vector<4x4xf32>
    %broadcast_in_dim3A_1952 = vector.shape_cast %reduce_max3A_1951 : vector<4x4xf32> to vector<4x1x4xf32>
    %sub3A = vector.broadcast %broadcast_in_dim3A_1880 : vector<4x1x4xf32> to vector<4x32x4xf32>
    %sub3A_1953 = arith.subf %reshape3A_1854, %sub3A : vector<4x32x4xf32>
    %exp3A = math.exp %sub3A_1953 : vector<4x32x4xf32>
    %sub3A_1954 = vector.broadcast %broadcast_in_dim3A_1883 : vector<4x1x4xf32> to vector<4x32x4xf32>
    %sub3A_1955 = arith.subf %reshape3A_1855, %sub3A_1954 : vector<4x32x4xf32>
    %exp3A_1956 = math.exp %sub3A_1955 : vector<4x32x4xf32>
    %sub3A_1957 = vector.broadcast %broadcast_in_dim3A_1886 : vector<4x1x4xf32> to vector<4x32x4xf32>
    %sub3A_1958 = arith.subf %reshape3A_1856, %sub3A_1957 : vector<4x32x4xf32>
    %exp3A_1959 = math.exp %sub3A_1958 : vector<4x32x4xf32>
    %sub3A_1960 = vector.broadcast %broadcast_in_dim3A_1889 : vector<4x1x4xf32> to vector<4x32x4xf32>
    %sub3A_1961 = arith.subf %reshape3A_1857, %sub3A_1960 : vector<4x32x4xf32>
    %exp3A_1962 = math.exp %sub3A_1961 : vector<4x32x4xf32>
    %sub3A_1963 = vector.broadcast %broadcast_in_dim3A_1892 : vector<4x1x4xf32> to vector<4x32x4xf32>
    %sub3A_1964 = arith.subf %reshape3A_1858, %sub3A_1963 : vector<4x32x4xf32>
    %exp3A_1965 = math.exp %sub3A_1964 : vector<4x32x4xf32>
    %sub3A_1966 = vector.broadcast %broadcast_in_dim3A_1895 : vector<4x1x4xf32> to vector<4x32x4xf32>
    %sub3A_1967 = arith.subf %reshape3A_1859, %sub3A_1966 : vector<4x32x4xf32>
    %exp3A_1968 = math.exp %sub3A_1967 : vector<4x32x4xf32>
    %sub3A_1969 = vector.broadcast %broadcast_in_dim3A_1898 : vector<4x1x4xf32> to vector<4x32x4xf32>
    %sub3A_1970 = arith.subf %reshape3A_1860, %sub3A_1969 : vector<4x32x4xf32>
    %exp3A_1971 = math.exp %sub3A_1970 : vector<4x32x4xf32>
    %sub3A_1972 = vector.broadcast %broadcast_in_dim3A_1901 : vector<4x1x4xf32> to vector<4x32x4xf32>
    %sub3A_1973 = arith.subf %reshape3A_1861, %sub3A_1972 : vector<4x32x4xf32>
    %exp3A_1974 = math.exp %sub3A_1973 : vector<4x32x4xf32>
    %sub3A_1975 = vector.broadcast %broadcast_in_dim3A_1904 : vector<4x1x4xf32> to vector<4x32x4xf32>
    %sub3A_1976 = arith.subf %reshape3A_1862, %sub3A_1975 : vector<4x32x4xf32>
    %exp3A_1977 = math.exp %sub3A_1976 : vector<4x32x4xf32>
    %sub3A_1978 = vector.broadcast %broadcast_in_dim3A_1907 : vector<4x1x4xf32> to vector<4x32x4xf32>
    %sub3A_1979 = arith.subf %reshape3A_1863, %sub3A_1978 : vector<4x32x4xf32>
    %exp3A_1980 = math.exp %sub3A_1979 : vector<4x32x4xf32>
    %sub3A_1981 = vector.broadcast %broadcast_in_dim3A_1910 : vector<4x1x4xf32> to vector<4x32x4xf32>
    %sub3A_1982 = arith.subf %reshape3A_1864, %sub3A_1981 : vector<4x32x4xf32>
    %exp3A_1983 = math.exp %sub3A_1982 : vector<4x32x4xf32>
    %sub3A_1984 = vector.broadcast %broadcast_in_dim3A_1913 : vector<4x1x4xf32> to vector<4x32x4xf32>
    %sub3A_1985 = arith.subf %reshape3A_1865, %sub3A_1984 : vector<4x32x4xf32>
    %exp3A_1986 = math.exp %sub3A_1985 : vector<4x32x4xf32>
    %sub3A_1987 = vector.broadcast %broadcast_in_dim3A_1916 : vector<4x1x4xf32> to vector<4x32x4xf32>
    %sub3A_1988 = arith.subf %reshape3A_1866, %sub3A_1987 : vector<4x32x4xf32>
    %exp3A_1989 = math.exp %sub3A_1988 : vector<4x32x4xf32>
    %sub3A_1990 = vector.broadcast %broadcast_in_dim3A_1919 : vector<4x1x4xf32> to vector<4x32x4xf32>
    %sub3A_1991 = arith.subf %reshape3A_1867, %sub3A_1990 : vector<4x32x4xf32>
    %exp3A_1992 = math.exp %sub3A_1991 : vector<4x32x4xf32>
    %sub3A_1993 = vector.broadcast %broadcast_in_dim3A_1922 : vector<4x1x4xf32> to vector<4x32x4xf32>
    %sub3A_1994 = arith.subf %reshape3A_1868, %sub3A_1993 : vector<4x32x4xf32>
    %exp3A_1995 = math.exp %sub3A_1994 : vector<4x32x4xf32>
    %sub3A_1996 = vector.broadcast %broadcast_in_dim3A_1925 : vector<4x1x4xf32> to vector<4x32x4xf32>
    %sub3A_1997 = arith.subf %reshape3A_1869, %sub3A_1996 : vector<4x32x4xf32>
    %exp3A_1998 = math.exp %sub3A_1997 : vector<4x32x4xf32>
    %sub3A_1999 = vector.broadcast %broadcast_in_dim3A_1928 : vector<4x1x4xf32> to vector<4x32x4xf32>
    %sub3A_2000 = arith.subf %reshape3A_1870, %sub3A_1999 : vector<4x32x4xf32>
    %exp3A_2001 = math.exp %sub3A_2000 : vector<4x32x4xf32>
    %sub3A_2002 = vector.broadcast %broadcast_in_dim3A_1931 : vector<4x1x4xf32> to vector<4x32x4xf32>
    %sub3A_2003 = arith.subf %reshape3A_1871, %sub3A_2002 : vector<4x32x4xf32>
    %exp3A_2004 = math.exp %sub3A_2003 : vector<4x32x4xf32>
    %sub3A_2005 = vector.broadcast %broadcast_in_dim3A_1934 : vector<4x1x4xf32> to vector<4x32x4xf32>
    %sub3A_2006 = arith.subf %reshape3A_1872, %sub3A_2005 : vector<4x32x4xf32>
    %exp3A_2007 = math.exp %sub3A_2006 : vector<4x32x4xf32>
    %sub3A_2008 = vector.broadcast %broadcast_in_dim3A_1937 : vector<4x1x4xf32> to vector<4x32x4xf32>
    %sub3A_2009 = arith.subf %reshape3A_1873, %sub3A_2008 : vector<4x32x4xf32>
    %exp3A_2010 = math.exp %sub3A_2009 : vector<4x32x4xf32>
    %sub3A_2011 = vector.broadcast %broadcast_in_dim3A_1940 : vector<4x1x4xf32> to vector<4x32x4xf32>
    %sub3A_2012 = arith.subf %reshape3A_1874, %sub3A_2011 : vector<4x32x4xf32>
    %exp3A_2013 = math.exp %sub3A_2012 : vector<4x32x4xf32>
    %sub3A_2014 = vector.broadcast %broadcast_in_dim3A_1943 : vector<4x1x4xf32> to vector<4x32x4xf32>
    %sub3A_2015 = arith.subf %reshape3A_1875, %sub3A_2014 : vector<4x32x4xf32>
    %exp3A_2016 = math.exp %sub3A_2015 : vector<4x32x4xf32>
    %sub3A_2017 = vector.broadcast %broadcast_in_dim3A_1946 : vector<4x1x4xf32> to vector<4x32x4xf32>
    %sub3A_2018 = arith.subf %reshape3A_1876, %sub3A_2017 : vector<4x32x4xf32>
    %exp3A_2019 = math.exp %sub3A_2018 : vector<4x32x4xf32>
    %sub3A_2020 = vector.broadcast %broadcast_in_dim3A_1949 : vector<4x1x4xf32> to vector<4x32x4xf32>
    %sub3A_2021 = arith.subf %reshape3A_1877, %sub3A_2020 : vector<4x32x4xf32>
    %exp3A_2022 = math.exp %sub3A_2021 : vector<4x32x4xf32>
    %sub3A_2023 = vector.broadcast %broadcast_in_dim3A_1952 : vector<4x1x4xf32> to vector<4x32x4xf32>
    %sub3A_2024 = arith.subf %reshape3A_1878, %sub3A_2023 : vector<4x32x4xf32>
    %exp3A_2025 = math.exp %sub3A_2024 : vector<4x32x4xf32>
    %reduce_sum3A_2026 = arith.constant dense<0.000000e+00> : vector<4x4xf32>
    %reduce_sum3A_2027 = vector.multi_reduction <add>, %exp3A, %reduce_sum3A_2026 [1] : vector<4x32x4xf32> to vector<4x4xf32>
    %broadcast_in_dim3A_2028 = vector.shape_cast %reduce_sum3A_2027 : vector<4x4xf32> to vector<4x1x4xf32>
    %div3A = vector.broadcast %broadcast_in_dim3A_2028 : vector<4x1x4xf32> to vector<4x32x4xf32>
    %div3A_2029 = arith.divf %exp3A, %div3A : vector<4x32x4xf32>
    %reshape3A_2030 = vector.shape_cast %div3A_2029 : vector<4x32x4xf32> to vector<128x4xf32>
    %reduce_sum3A_2031 = arith.constant dense<0.000000e+00> : vector<4x4xf32>
    %reduce_sum3A_2032 = vector.multi_reduction <add>, %exp3A_1956, %reduce_sum3A_2031 [1] : vector<4x32x4xf32> to vector<4x4xf32>
    %broadcast_in_dim3A_2033 = vector.shape_cast %reduce_sum3A_2032 : vector<4x4xf32> to vector<4x1x4xf32>
    %div3A_2034 = vector.broadcast %broadcast_in_dim3A_2033 : vector<4x1x4xf32> to vector<4x32x4xf32>
    %div3A_2035 = arith.divf %exp3A_1956, %div3A_2034 : vector<4x32x4xf32>
    %reshape3A_2036 = vector.shape_cast %div3A_2035 : vector<4x32x4xf32> to vector<128x4xf32>
    %reduce_sum3A_2037 = arith.constant dense<0.000000e+00> : vector<4x4xf32>
    %reduce_sum3A_2038 = vector.multi_reduction <add>, %exp3A_1959, %reduce_sum3A_2037 [1] : vector<4x32x4xf32> to vector<4x4xf32>
    %broadcast_in_dim3A_2039 = vector.shape_cast %reduce_sum3A_2038 : vector<4x4xf32> to vector<4x1x4xf32>
    %div3A_2040 = vector.broadcast %broadcast_in_dim3A_2039 : vector<4x1x4xf32> to vector<4x32x4xf32>
    %div3A_2041 = arith.divf %exp3A_1959, %div3A_2040 : vector<4x32x4xf32>
    %reshape3A_2042 = vector.shape_cast %div3A_2041 : vector<4x32x4xf32> to vector<128x4xf32>
    %reduce_sum3A_2043 = arith.constant dense<0.000000e+00> : vector<4x4xf32>
    %reduce_sum3A_2044 = vector.multi_reduction <add>, %exp3A_1962, %reduce_sum3A_2043 [1] : vector<4x32x4xf32> to vector<4x4xf32>
    %broadcast_in_dim3A_2045 = vector.shape_cast %reduce_sum3A_2044 : vector<4x4xf32> to vector<4x1x4xf32>
    %div3A_2046 = vector.broadcast %broadcast_in_dim3A_2045 : vector<4x1x4xf32> to vector<4x32x4xf32>
    %div3A_2047 = arith.divf %exp3A_1962, %div3A_2046 : vector<4x32x4xf32>
    %reshape3A_2048 = vector.shape_cast %div3A_2047 : vector<4x32x4xf32> to vector<128x4xf32>
    %reduce_sum3A_2049 = arith.constant dense<0.000000e+00> : vector<4x4xf32>
    %reduce_sum3A_2050 = vector.multi_reduction <add>, %exp3A_1965, %reduce_sum3A_2049 [1] : vector<4x32x4xf32> to vector<4x4xf32>
    %broadcast_in_dim3A_2051 = vector.shape_cast %reduce_sum3A_2050 : vector<4x4xf32> to vector<4x1x4xf32>
    %div3A_2052 = vector.broadcast %broadcast_in_dim3A_2051 : vector<4x1x4xf32> to vector<4x32x4xf32>
    %div3A_2053 = arith.divf %exp3A_1965, %div3A_2052 : vector<4x32x4xf32>
    %reshape3A_2054 = vector.shape_cast %div3A_2053 : vector<4x32x4xf32> to vector<128x4xf32>
    %reduce_sum3A_2055 = arith.constant dense<0.000000e+00> : vector<4x4xf32>
    %reduce_sum3A_2056 = vector.multi_reduction <add>, %exp3A_1968, %reduce_sum3A_2055 [1] : vector<4x32x4xf32> to vector<4x4xf32>
    %broadcast_in_dim3A_2057 = vector.shape_cast %reduce_sum3A_2056 : vector<4x4xf32> to vector<4x1x4xf32>
    %div3A_2058 = vector.broadcast %broadcast_in_dim3A_2057 : vector<4x1x4xf32> to vector<4x32x4xf32>
    %div3A_2059 = arith.divf %exp3A_1968, %div3A_2058 : vector<4x32x4xf32>
    %reshape3A_2060 = vector.shape_cast %div3A_2059 : vector<4x32x4xf32> to vector<128x4xf32>
    %reduce_sum3A_2061 = arith.constant dense<0.000000e+00> : vector<4x4xf32>
    %reduce_sum3A_2062 = vector.multi_reduction <add>, %exp3A_1971, %reduce_sum3A_2061 [1] : vector<4x32x4xf32> to vector<4x4xf32>
    %broadcast_in_dim3A_2063 = vector.shape_cast %reduce_sum3A_2062 : vector<4x4xf32> to vector<4x1x4xf32>
    %div3A_2064 = vector.broadcast %broadcast_in_dim3A_2063 : vector<4x1x4xf32> to vector<4x32x4xf32>
    %div3A_2065 = arith.divf %exp3A_1971, %div3A_2064 : vector<4x32x4xf32>
    %reshape3A_2066 = vector.shape_cast %div3A_2065 : vector<4x32x4xf32> to vector<128x4xf32>
    %reduce_sum3A_2067 = arith.constant dense<0.000000e+00> : vector<4x4xf32>
    %reduce_sum3A_2068 = vector.multi_reduction <add>, %exp3A_1974, %reduce_sum3A_2067 [1] : vector<4x32x4xf32> to vector<4x4xf32>
    %broadcast_in_dim3A_2069 = vector.shape_cast %reduce_sum3A_2068 : vector<4x4xf32> to vector<4x1x4xf32>
    %div3A_2070 = vector.broadcast %broadcast_in_dim3A_2069 : vector<4x1x4xf32> to vector<4x32x4xf32>
    %div3A_2071 = arith.divf %exp3A_1974, %div3A_2070 : vector<4x32x4xf32>
    %reshape3A_2072 = vector.shape_cast %div3A_2071 : vector<4x32x4xf32> to vector<128x4xf32>
    %reduce_sum3A_2073 = arith.constant dense<0.000000e+00> : vector<4x4xf32>
    %reduce_sum3A_2074 = vector.multi_reduction <add>, %exp3A_1977, %reduce_sum3A_2073 [1] : vector<4x32x4xf32> to vector<4x4xf32>
    %broadcast_in_dim3A_2075 = vector.shape_cast %reduce_sum3A_2074 : vector<4x4xf32> to vector<4x1x4xf32>
    %div3A_2076 = vector.broadcast %broadcast_in_dim3A_2075 : vector<4x1x4xf32> to vector<4x32x4xf32>
    %div3A_2077 = arith.divf %exp3A_1977, %div3A_2076 : vector<4x32x4xf32>
    %reshape3A_2078 = vector.shape_cast %div3A_2077 : vector<4x32x4xf32> to vector<128x4xf32>
    %reduce_sum3A_2079 = arith.constant dense<0.000000e+00> : vector<4x4xf32>
    %reduce_sum3A_2080 = vector.multi_reduction <add>, %exp3A_1980, %reduce_sum3A_2079 [1] : vector<4x32x4xf32> to vector<4x4xf32>
    %broadcast_in_dim3A_2081 = vector.shape_cast %reduce_sum3A_2080 : vector<4x4xf32> to vector<4x1x4xf32>
    %div3A_2082 = vector.broadcast %broadcast_in_dim3A_2081 : vector<4x1x4xf32> to vector<4x32x4xf32>
    %div3A_2083 = arith.divf %exp3A_1980, %div3A_2082 : vector<4x32x4xf32>
    %reshape3A_2084 = vector.shape_cast %div3A_2083 : vector<4x32x4xf32> to vector<128x4xf32>
    %reduce_sum3A_2085 = arith.constant dense<0.000000e+00> : vector<4x4xf32>
    %reduce_sum3A_2086 = vector.multi_reduction <add>, %exp3A_1983, %reduce_sum3A_2085 [1] : vector<4x32x4xf32> to vector<4x4xf32>
    %broadcast_in_dim3A_2087 = vector.shape_cast %reduce_sum3A_2086 : vector<4x4xf32> to vector<4x1x4xf32>
    %div3A_2088 = vector.broadcast %broadcast_in_dim3A_2087 : vector<4x1x4xf32> to vector<4x32x4xf32>
    %div3A_2089 = arith.divf %exp3A_1983, %div3A_2088 : vector<4x32x4xf32>
    %reshape3A_2090 = vector.shape_cast %div3A_2089 : vector<4x32x4xf32> to vector<128x4xf32>
    %reduce_sum3A_2091 = arith.constant dense<0.000000e+00> : vector<4x4xf32>
    %reduce_sum3A_2092 = vector.multi_reduction <add>, %exp3A_1986, %reduce_sum3A_2091 [1] : vector<4x32x4xf32> to vector<4x4xf32>
    %broadcast_in_dim3A_2093 = vector.shape_cast %reduce_sum3A_2092 : vector<4x4xf32> to vector<4x1x4xf32>
    %div3A_2094 = vector.broadcast %broadcast_in_dim3A_2093 : vector<4x1x4xf32> to vector<4x32x4xf32>
    %div3A_2095 = arith.divf %exp3A_1986, %div3A_2094 : vector<4x32x4xf32>
    %reshape3A_2096 = vector.shape_cast %div3A_2095 : vector<4x32x4xf32> to vector<128x4xf32>
    %reduce_sum3A_2097 = arith.constant dense<0.000000e+00> : vector<4x4xf32>
    %reduce_sum3A_2098 = vector.multi_reduction <add>, %exp3A_1989, %reduce_sum3A_2097 [1] : vector<4x32x4xf32> to vector<4x4xf32>
    %broadcast_in_dim3A_2099 = vector.shape_cast %reduce_sum3A_2098 : vector<4x4xf32> to vector<4x1x4xf32>
    %div3A_2100 = vector.broadcast %broadcast_in_dim3A_2099 : vector<4x1x4xf32> to vector<4x32x4xf32>
    %div3A_2101 = arith.divf %exp3A_1989, %div3A_2100 : vector<4x32x4xf32>
    %reshape3A_2102 = vector.shape_cast %div3A_2101 : vector<4x32x4xf32> to vector<128x4xf32>
    %reduce_sum3A_2103 = arith.constant dense<0.000000e+00> : vector<4x4xf32>
    %reduce_sum3A_2104 = vector.multi_reduction <add>, %exp3A_1992, %reduce_sum3A_2103 [1] : vector<4x32x4xf32> to vector<4x4xf32>
    %broadcast_in_dim3A_2105 = vector.shape_cast %reduce_sum3A_2104 : vector<4x4xf32> to vector<4x1x4xf32>
    %div3A_2106 = vector.broadcast %broadcast_in_dim3A_2105 : vector<4x1x4xf32> to vector<4x32x4xf32>
    %div3A_2107 = arith.divf %exp3A_1992, %div3A_2106 : vector<4x32x4xf32>
    %reshape3A_2108 = vector.shape_cast %div3A_2107 : vector<4x32x4xf32> to vector<128x4xf32>
    %reduce_sum3A_2109 = arith.constant dense<0.000000e+00> : vector<4x4xf32>
    %reduce_sum3A_2110 = vector.multi_reduction <add>, %exp3A_1995, %reduce_sum3A_2109 [1] : vector<4x32x4xf32> to vector<4x4xf32>
    %broadcast_in_dim3A_2111 = vector.shape_cast %reduce_sum3A_2110 : vector<4x4xf32> to vector<4x1x4xf32>
    %div3A_2112 = vector.broadcast %broadcast_in_dim3A_2111 : vector<4x1x4xf32> to vector<4x32x4xf32>
    %div3A_2113 = arith.divf %exp3A_1995, %div3A_2112 : vector<4x32x4xf32>
    %reshape3A_2114 = vector.shape_cast %div3A_2113 : vector<4x32x4xf32> to vector<128x4xf32>
    %reduce_sum3A_2115 = arith.constant dense<0.000000e+00> : vector<4x4xf32>
    %reduce_sum3A_2116 = vector.multi_reduction <add>, %exp3A_1998, %reduce_sum3A_2115 [1] : vector<4x32x4xf32> to vector<4x4xf32>
    %broadcast_in_dim3A_2117 = vector.shape_cast %reduce_sum3A_2116 : vector<4x4xf32> to vector<4x1x4xf32>
    %div3A_2118 = vector.broadcast %broadcast_in_dim3A_2117 : vector<4x1x4xf32> to vector<4x32x4xf32>
    %div3A_2119 = arith.divf %exp3A_1998, %div3A_2118 : vector<4x32x4xf32>
    %reshape3A_2120 = vector.shape_cast %div3A_2119 : vector<4x32x4xf32> to vector<128x4xf32>
    %reduce_sum3A_2121 = arith.constant dense<0.000000e+00> : vector<4x4xf32>
    %reduce_sum3A_2122 = vector.multi_reduction <add>, %exp3A_2001, %reduce_sum3A_2121 [1] : vector<4x32x4xf32> to vector<4x4xf32>
    %broadcast_in_dim3A_2123 = vector.shape_cast %reduce_sum3A_2122 : vector<4x4xf32> to vector<4x1x4xf32>
    %div3A_2124 = vector.broadcast %broadcast_in_dim3A_2123 : vector<4x1x4xf32> to vector<4x32x4xf32>
    %div3A_2125 = arith.divf %exp3A_2001, %div3A_2124 : vector<4x32x4xf32>
    %reshape3A_2126 = vector.shape_cast %div3A_2125 : vector<4x32x4xf32> to vector<128x4xf32>
    %reduce_sum3A_2127 = arith.constant dense<0.000000e+00> : vector<4x4xf32>
    %reduce_sum3A_2128 = vector.multi_reduction <add>, %exp3A_2004, %reduce_sum3A_2127 [1] : vector<4x32x4xf32> to vector<4x4xf32>
    %broadcast_in_dim3A_2129 = vector.shape_cast %reduce_sum3A_2128 : vector<4x4xf32> to vector<4x1x4xf32>
    %div3A_2130 = vector.broadcast %broadcast_in_dim3A_2129 : vector<4x1x4xf32> to vector<4x32x4xf32>
    %div3A_2131 = arith.divf %exp3A_2004, %div3A_2130 : vector<4x32x4xf32>
    %reshape3A_2132 = vector.shape_cast %div3A_2131 : vector<4x32x4xf32> to vector<128x4xf32>
    %reduce_sum3A_2133 = arith.constant dense<0.000000e+00> : vector<4x4xf32>
    %reduce_sum3A_2134 = vector.multi_reduction <add>, %exp3A_2007, %reduce_sum3A_2133 [1] : vector<4x32x4xf32> to vector<4x4xf32>
    %broadcast_in_dim3A_2135 = vector.shape_cast %reduce_sum3A_2134 : vector<4x4xf32> to vector<4x1x4xf32>
    %div3A_2136 = vector.broadcast %broadcast_in_dim3A_2135 : vector<4x1x4xf32> to vector<4x32x4xf32>
    %div3A_2137 = arith.divf %exp3A_2007, %div3A_2136 : vector<4x32x4xf32>
    %reshape3A_2138 = vector.shape_cast %div3A_2137 : vector<4x32x4xf32> to vector<128x4xf32>
    %reduce_sum3A_2139 = arith.constant dense<0.000000e+00> : vector<4x4xf32>
    %reduce_sum3A_2140 = vector.multi_reduction <add>, %exp3A_2010, %reduce_sum3A_2139 [1] : vector<4x32x4xf32> to vector<4x4xf32>
    %broadcast_in_dim3A_2141 = vector.shape_cast %reduce_sum3A_2140 : vector<4x4xf32> to vector<4x1x4xf32>
    %div3A_2142 = vector.broadcast %broadcast_in_dim3A_2141 : vector<4x1x4xf32> to vector<4x32x4xf32>
    %div3A_2143 = arith.divf %exp3A_2010, %div3A_2142 : vector<4x32x4xf32>
    %reshape3A_2144 = vector.shape_cast %div3A_2143 : vector<4x32x4xf32> to vector<128x4xf32>
    %reduce_sum3A_2145 = arith.constant dense<0.000000e+00> : vector<4x4xf32>
    %reduce_sum3A_2146 = vector.multi_reduction <add>, %exp3A_2013, %reduce_sum3A_2145 [1] : vector<4x32x4xf32> to vector<4x4xf32>
    %broadcast_in_dim3A_2147 = vector.shape_cast %reduce_sum3A_2146 : vector<4x4xf32> to vector<4x1x4xf32>
    %div3A_2148 = vector.broadcast %broadcast_in_dim3A_2147 : vector<4x1x4xf32> to vector<4x32x4xf32>
    %div3A_2149 = arith.divf %exp3A_2013, %div3A_2148 : vector<4x32x4xf32>
    %reshape3A_2150 = vector.shape_cast %div3A_2149 : vector<4x32x4xf32> to vector<128x4xf32>
    %reduce_sum3A_2151 = arith.constant dense<0.000000e+00> : vector<4x4xf32>
    %reduce_sum3A_2152 = vector.multi_reduction <add>, %exp3A_2016, %reduce_sum3A_2151 [1] : vector<4x32x4xf32> to vector<4x4xf32>
    %broadcast_in_dim3A_2153 = vector.shape_cast %reduce_sum3A_2152 : vector<4x4xf32> to vector<4x1x4xf32>
    %div3A_2154 = vector.broadcast %broadcast_in_dim3A_2153 : vector<4x1x4xf32> to vector<4x32x4xf32>
    %div3A_2155 = arith.divf %exp3A_2016, %div3A_2154 : vector<4x32x4xf32>
    %reshape3A_2156 = vector.shape_cast %div3A_2155 : vector<4x32x4xf32> to vector<128x4xf32>
    %reduce_sum3A_2157 = arith.constant dense<0.000000e+00> : vector<4x4xf32>
    %reduce_sum3A_2158 = vector.multi_reduction <add>, %exp3A_2019, %reduce_sum3A_2157 [1] : vector<4x32x4xf32> to vector<4x4xf32>
    %broadcast_in_dim3A_2159 = vector.shape_cast %reduce_sum3A_2158 : vector<4x4xf32> to vector<4x1x4xf32>
    %div3A_2160 = vector.broadcast %broadcast_in_dim3A_2159 : vector<4x1x4xf32> to vector<4x32x4xf32>
    %div3A_2161 = arith.divf %exp3A_2019, %div3A_2160 : vector<4x32x4xf32>
    %reshape3A_2162 = vector.shape_cast %div3A_2161 : vector<4x32x4xf32> to vector<128x4xf32>
    %reduce_sum3A_2163 = arith.constant dense<0.000000e+00> : vector<4x4xf32>
    %reduce_sum3A_2164 = vector.multi_reduction <add>, %exp3A_2022, %reduce_sum3A_2163 [1] : vector<4x32x4xf32> to vector<4x4xf32>
    %broadcast_in_dim3A_2165 = vector.shape_cast %reduce_sum3A_2164 : vector<4x4xf32> to vector<4x1x4xf32>
    %div3A_2166 = vector.broadcast %broadcast_in_dim3A_2165 : vector<4x1x4xf32> to vector<4x32x4xf32>
    %div3A_2167 = arith.divf %exp3A_2022, %div3A_2166 : vector<4x32x4xf32>
    %reshape3A_2168 = vector.shape_cast %div3A_2167 : vector<4x32x4xf32> to vector<128x4xf32>
    %reduce_sum3A_2169 = arith.constant dense<0.000000e+00> : vector<4x4xf32>
    %reduce_sum3A_2170 = vector.multi_reduction <add>, %exp3A_2025, %reduce_sum3A_2169 [1] : vector<4x32x4xf32> to vector<4x4xf32>
    %broadcast_in_dim3A_2171 = vector.shape_cast %reduce_sum3A_2170 : vector<4x4xf32> to vector<4x1x4xf32>
    %div3A_2172 = vector.broadcast %broadcast_in_dim3A_2171 : vector<4x1x4xf32> to vector<4x32x4xf32>
    %div3A_2173 = arith.divf %exp3A_2025, %div3A_2172 : vector<4x32x4xf32>
    %reshape3A_2174 = vector.shape_cast %div3A_2173 : vector<4x32x4xf32> to vector<128x4xf32>
    %dot_general3A_2175 = arith.constant dense<0.000000e+00> : vector<128x16xf32>
    %dot_general3A_2176 = tpu.matmul %reshape3A_2030, %get3A_28, %dot_general3A_2175 {dimension_numbers = #tpu.dot_dimension_numbers<[1], [0], [0], [1], [0, 0, 1, 1], [], []>, transpose_lhs_hint = false} : vector<128x4xf32>, vector<4x16xf32>, vector<128x16xf32> -> vector<128x16xf32>
    %mul3A_2177 = arith.mulf %dot_general3A_2176, %get3A_37 : vector<128x16xf32>
    %dot_general3A_2178 = arith.constant dense<0.000000e+00> : vector<128x16xf32>
    %dot_general3A_2179 = tpu.matmul %reshape3A_2036, %get3A_28, %dot_general3A_2178 {dimension_numbers = #tpu.dot_dimension_numbers<[1], [0], [0], [1], [0, 0, 1, 1], [], []>, transpose_lhs_hint = false} : vector<128x4xf32>, vector<4x16xf32>, vector<128x16xf32> -> vector<128x16xf32>
    %mul3A_2180 = arith.mulf %dot_general3A_2179, %get3A_37 : vector<128x16xf32>
    %dot_general3A_2181 = arith.constant dense<0.000000e+00> : vector<128x16xf32>
    %dot_general3A_2182 = tpu.matmul %reshape3A_2042, %get3A_28, %dot_general3A_2181 {dimension_numbers = #tpu.dot_dimension_numbers<[1], [0], [0], [1], [0, 0, 1, 1], [], []>, transpose_lhs_hint = false} : vector<128x4xf32>, vector<4x16xf32>, vector<128x16xf32> -> vector<128x16xf32>
    %mul3A_2183 = arith.mulf %dot_general3A_2182, %get3A_37 : vector<128x16xf32>
    %dot_general3A_2184 = arith.constant dense<0.000000e+00> : vector<128x16xf32>
    %dot_general3A_2185 = tpu.matmul %reshape3A_2048, %get3A_28, %dot_general3A_2184 {dimension_numbers = #tpu.dot_dimension_numbers<[1], [0], [0], [1], [0, 0, 1, 1], [], []>, transpose_lhs_hint = false} : vector<128x4xf32>, vector<4x16xf32>, vector<128x16xf32> -> vector<128x16xf32>
    %mul3A_2186 = arith.mulf %dot_general3A_2185, %get3A_37 : vector<128x16xf32>
    %dot_general3A_2187 = arith.constant dense<0.000000e+00> : vector<128x16xf32>
    %dot_general3A_2188 = tpu.matmul %reshape3A_2054, %get3A_28, %dot_general3A_2187 {dimension_numbers = #tpu.dot_dimension_numbers<[1], [0], [0], [1], [0, 0, 1, 1], [], []>, transpose_lhs_hint = false} : vector<128x4xf32>, vector<4x16xf32>, vector<128x16xf32> -> vector<128x16xf32>
    %mul3A_2189 = arith.mulf %dot_general3A_2188, %get3A_37 : vector<128x16xf32>
    %dot_general3A_2190 = arith.constant dense<0.000000e+00> : vector<128x16xf32>
    %dot_general3A_2191 = tpu.matmul %reshape3A_2060, %get3A_28, %dot_general3A_2190 {dimension_numbers = #tpu.dot_dimension_numbers<[1], [0], [0], [1], [0, 0, 1, 1], [], []>, transpose_lhs_hint = false} : vector<128x4xf32>, vector<4x16xf32>, vector<128x16xf32> -> vector<128x16xf32>
    %mul3A_2192 = arith.mulf %dot_general3A_2191, %get3A_37 : vector<128x16xf32>
    %dot_general3A_2193 = arith.constant dense<0.000000e+00> : vector<128x16xf32>
    %dot_general3A_2194 = tpu.matmul %reshape3A_2066, %get3A_28, %dot_general3A_2193 {dimension_numbers = #tpu.dot_dimension_numbers<[1], [0], [0], [1], [0, 0, 1, 1], [], []>, transpose_lhs_hint = false} : vector<128x4xf32>, vector<4x16xf32>, vector<128x16xf32> -> vector<128x16xf32>
    %mul3A_2195 = arith.mulf %dot_general3A_2194, %get3A_37 : vector<128x16xf32>
    %dot_general3A_2196 = arith.constant dense<0.000000e+00> : vector<128x16xf32>
    %dot_general3A_2197 = tpu.matmul %reshape3A_2072, %get3A_28, %dot_general3A_2196 {dimension_numbers = #tpu.dot_dimension_numbers<[1], [0], [0], [1], [0, 0, 1, 1], [], []>, transpose_lhs_hint = false} : vector<128x4xf32>, vector<4x16xf32>, vector<128x16xf32> -> vector<128x16xf32>
    %mul3A_2198 = arith.mulf %dot_general3A_2197, %get3A_37 : vector<128x16xf32>
    %dot_general3A_2199 = arith.constant dense<0.000000e+00> : vector<128x16xf32>
    %dot_general3A_2200 = tpu.matmul %reshape3A_2078, %get3A_28, %dot_general3A_2199 {dimension_numbers = #tpu.dot_dimension_numbers<[1], [0], [0], [1], [0, 0, 1, 1], [], []>, transpose_lhs_hint = false} : vector<128x4xf32>, vector<4x16xf32>, vector<128x16xf32> -> vector<128x16xf32>
    %mul3A_2201 = arith.mulf %dot_general3A_2200, %get3A_37 : vector<128x16xf32>
    %dot_general3A_2202 = arith.constant dense<0.000000e+00> : vector<128x16xf32>
    %dot_general3A_2203 = tpu.matmul %reshape3A_2084, %get3A_28, %dot_general3A_2202 {dimension_numbers = #tpu.dot_dimension_numbers<[1], [0], [0], [1], [0, 0, 1, 1], [], []>, transpose_lhs_hint = false} : vector<128x4xf32>, vector<4x16xf32>, vector<128x16xf32> -> vector<128x16xf32>
    %mul3A_2204 = arith.mulf %dot_general3A_2203, %get3A_37 : vector<128x16xf32>
    %dot_general3A_2205 = arith.constant dense<0.000000e+00> : vector<128x16xf32>
    %dot_general3A_2206 = tpu.matmul %reshape3A_2090, %get3A_28, %dot_general3A_2205 {dimension_numbers = #tpu.dot_dimension_numbers<[1], [0], [0], [1], [0, 0, 1, 1], [], []>, transpose_lhs_hint = false} : vector<128x4xf32>, vector<4x16xf32>, vector<128x16xf32> -> vector<128x16xf32>
    %mul3A_2207 = arith.mulf %dot_general3A_2206, %get3A_37 : vector<128x16xf32>
    %dot_general3A_2208 = arith.constant dense<0.000000e+00> : vector<128x16xf32>
    %dot_general3A_2209 = tpu.matmul %reshape3A_2096, %get3A_28, %dot_general3A_2208 {dimension_numbers = #tpu.dot_dimension_numbers<[1], [0], [0], [1], [0, 0, 1, 1], [], []>, transpose_lhs_hint = false} : vector<128x4xf32>, vector<4x16xf32>, vector<128x16xf32> -> vector<128x16xf32>
    %mul3A_2210 = arith.mulf %dot_general3A_2209, %get3A_37 : vector<128x16xf32>
    %dot_general3A_2211 = arith.constant dense<0.000000e+00> : vector<128x16xf32>
    %dot_general3A_2212 = tpu.matmul %reshape3A_2102, %get3A_28, %dot_general3A_2211 {dimension_numbers = #tpu.dot_dimension_numbers<[1], [0], [0], [1], [0, 0, 1, 1], [], []>, transpose_lhs_hint = false} : vector<128x4xf32>, vector<4x16xf32>, vector<128x16xf32> -> vector<128x16xf32>
    %mul3A_2213 = arith.mulf %dot_general3A_2212, %get3A_37 : vector<128x16xf32>
    %dot_general3A_2214 = arith.constant dense<0.000000e+00> : vector<128x16xf32>
    %dot_general3A_2215 = tpu.matmul %reshape3A_2108, %get3A_28, %dot_general3A_2214 {dimension_numbers = #tpu.dot_dimension_numbers<[1], [0], [0], [1], [0, 0, 1, 1], [], []>, transpose_lhs_hint = false} : vector<128x4xf32>, vector<4x16xf32>, vector<128x16xf32> -> vector<128x16xf32>
    %mul3A_2216 = arith.mulf %dot_general3A_2215, %get3A_37 : vector<128x16xf32>
    %dot_general3A_2217 = arith.constant dense<0.000000e+00> : vector<128x16xf32>
    %dot_general3A_2218 = tpu.matmul %reshape3A_2114, %get3A_28, %dot_general3A_2217 {dimension_numbers = #tpu.dot_dimension_numbers<[1], [0], [0], [1], [0, 0, 1, 1], [], []>, transpose_lhs_hint = false} : vector<128x4xf32>, vector<4x16xf32>, vector<128x16xf32> -> vector<128x16xf32>
    %mul3A_2219 = arith.mulf %dot_general3A_2218, %get3A_37 : vector<128x16xf32>
    %dot_general3A_2220 = arith.constant dense<0.000000e+00> : vector<128x16xf32>
    %dot_general3A_2221 = tpu.matmul %reshape3A_2120, %get3A_28, %dot_general3A_2220 {dimension_numbers = #tpu.dot_dimension_numbers<[1], [0], [0], [1], [0, 0, 1, 1], [], []>, transpose_lhs_hint = false} : vector<128x4xf32>, vector<4x16xf32>, vector<128x16xf32> -> vector<128x16xf32>
    %mul3A_2222 = arith.mulf %dot_general3A_2221, %get3A_37 : vector<128x16xf32>
    %dot_general3A_2223 = arith.constant dense<0.000000e+00> : vector<128x16xf32>
    %dot_general3A_2224 = tpu.matmul %reshape3A_2126, %get3A_28, %dot_general3A_2223 {dimension_numbers = #tpu.dot_dimension_numbers<[1], [0], [0], [1], [0, 0, 1, 1], [], []>, transpose_lhs_hint = false} : vector<128x4xf32>, vector<4x16xf32>, vector<128x16xf32> -> vector<128x16xf32>
    %mul3A_2225 = arith.mulf %dot_general3A_2224, %get3A_37 : vector<128x16xf32>
    %dot_general3A_2226 = arith.constant dense<0.000000e+00> : vector<128x16xf32>
    %dot_general3A_2227 = tpu.matmul %reshape3A_2132, %get3A_28, %dot_general3A_2226 {dimension_numbers = #tpu.dot_dimension_numbers<[1], [0], [0], [1], [0, 0, 1, 1], [], []>, transpose_lhs_hint = false} : vector<128x4xf32>, vector<4x16xf32>, vector<128x16xf32> -> vector<128x16xf32>
    %mul3A_2228 = arith.mulf %dot_general3A_2227, %get3A_37 : vector<128x16xf32>
    %dot_general3A_2229 = arith.constant dense<0.000000e+00> : vector<128x16xf32>
    %dot_general3A_2230 = tpu.matmul %reshape3A_2138, %get3A_28, %dot_general3A_2229 {dimension_numbers = #tpu.dot_dimension_numbers<[1], [0], [0], [1], [0, 0, 1, 1], [], []>, transpose_lhs_hint = false} : vector<128x4xf32>, vector<4x16xf32>, vector<128x16xf32> -> vector<128x16xf32>
    %mul3A_2231 = arith.mulf %dot_general3A_2230, %get3A_37 : vector<128x16xf32>
    %dot_general3A_2232 = arith.constant dense<0.000000e+00> : vector<128x16xf32>
    %dot_general3A_2233 = tpu.matmul %reshape3A_2144, %get3A_28, %dot_general3A_2232 {dimension_numbers = #tpu.dot_dimension_numbers<[1], [0], [0], [1], [0, 0, 1, 1], [], []>, transpose_lhs_hint = false} : vector<128x4xf32>, vector<4x16xf32>, vector<128x16xf32> -> vector<128x16xf32>
    %mul3A_2234 = arith.mulf %dot_general3A_2233, %get3A_37 : vector<128x16xf32>
    %dot_general3A_2235 = arith.constant dense<0.000000e+00> : vector<128x16xf32>
    %dot_general3A_2236 = tpu.matmul %reshape3A_2150, %get3A_28, %dot_general3A_2235 {dimension_numbers = #tpu.dot_dimension_numbers<[1], [0], [0], [1], [0, 0, 1, 1], [], []>, transpose_lhs_hint = false} : vector<128x4xf32>, vector<4x16xf32>, vector<128x16xf32> -> vector<128x16xf32>
    %mul3A_2237 = arith.mulf %dot_general3A_2236, %get3A_37 : vector<128x16xf32>
    %dot_general3A_2238 = arith.constant dense<0.000000e+00> : vector<128x16xf32>
    %dot_general3A_2239 = tpu.matmul %reshape3A_2156, %get3A_28, %dot_general3A_2238 {dimension_numbers = #tpu.dot_dimension_numbers<[1], [0], [0], [1], [0, 0, 1, 1], [], []>, transpose_lhs_hint = false} : vector<128x4xf32>, vector<4x16xf32>, vector<128x16xf32> -> vector<128x16xf32>
    %mul3A_2240 = arith.mulf %dot_general3A_2239, %get3A_37 : vector<128x16xf32>
    %dot_general3A_2241 = arith.constant dense<0.000000e+00> : vector<128x16xf32>
    %dot_general3A_2242 = tpu.matmul %reshape3A_2162, %get3A_28, %dot_general3A_2241 {dimension_numbers = #tpu.dot_dimension_numbers<[1], [0], [0], [1], [0, 0, 1, 1], [], []>, transpose_lhs_hint = false} : vector<128x4xf32>, vector<4x16xf32>, vector<128x16xf32> -> vector<128x16xf32>
    %mul3A_2243 = arith.mulf %dot_general3A_2242, %get3A_37 : vector<128x16xf32>
    %dot_general3A_2244 = arith.constant dense<0.000000e+00> : vector<128x16xf32>
    %dot_general3A_2245 = tpu.matmul %reshape3A_2168, %get3A_28, %dot_general3A_2244 {dimension_numbers = #tpu.dot_dimension_numbers<[1], [0], [0], [1], [0, 0, 1, 1], [], []>, transpose_lhs_hint = false} : vector<128x4xf32>, vector<4x16xf32>, vector<128x16xf32> -> vector<128x16xf32>
    %mul3A_2246 = arith.mulf %dot_general3A_2245, %get3A_37 : vector<128x16xf32>
    %dot_general3A_2247 = arith.constant dense<0.000000e+00> : vector<128x16xf32>
    %dot_general3A_2248 = tpu.matmul %reshape3A_2174, %get3A_28, %dot_general3A_2247 {dimension_numbers = #tpu.dot_dimension_numbers<[1], [0], [0], [1], [0, 0, 1, 1], [], []>, transpose_lhs_hint = false} : vector<128x4xf32>, vector<4x16xf32>, vector<128x16xf32> -> vector<128x16xf32>
    %mul3A_2249 = arith.mulf %dot_general3A_2248, %get3A_37 : vector<128x16xf32>
    %dot_general3A_2250 = arith.constant dense<0.000000e+00> : vector<16x64xf32>
    %dot_general3A_2251 = tpu.matmul %mul3A_2177, %add3A_1533, %dot_general3A_2250 {dimension_numbers = #tpu.dot_dimension_numbers<[0], [0], [1], [1], [0, 1, 1, 1], [], []>, transpose_lhs_hint = false} : vector<128x16xf32>, vector<128x64xf32>, vector<16x64xf32> -> vector<16x64xf32>
    %dot_general3A_2252 = arith.constant dense<0.000000e+00> : vector<16x64xf32>
    %dot_general3A_2253 = tpu.matmul %mul3A_2180, %add3A_1537, %dot_general3A_2252 {dimension_numbers = #tpu.dot_dimension_numbers<[0], [0], [1], [1], [0, 1, 1, 1], [], []>, transpose_lhs_hint = false} : vector<128x16xf32>, vector<128x64xf32>, vector<16x64xf32> -> vector<16x64xf32>
    %dot_general3A_2254 = arith.constant dense<0.000000e+00> : vector<16x64xf32>
    %dot_general3A_2255 = tpu.matmul %mul3A_2183, %add3A_1541, %dot_general3A_2254 {dimension_numbers = #tpu.dot_dimension_numbers<[0], [0], [1], [1], [0, 1, 1, 1], [], []>, transpose_lhs_hint = false} : vector<128x16xf32>, vector<128x64xf32>, vector<16x64xf32> -> vector<16x64xf32>
    %dot_general3A_2256 = arith.constant dense<0.000000e+00> : vector<16x64xf32>
    %dot_general3A_2257 = tpu.matmul %mul3A_2186, %add3A_1545, %dot_general3A_2256 {dimension_numbers = #tpu.dot_dimension_numbers<[0], [0], [1], [1], [0, 1, 1, 1], [], []>, transpose_lhs_hint = false} : vector<128x16xf32>, vector<128x64xf32>, vector<16x64xf32> -> vector<16x64xf32>
    %dot_general3A_2258 = arith.constant dense<0.000000e+00> : vector<16x64xf32>
    %dot_general3A_2259 = tpu.matmul %mul3A_2189, %add3A_1549, %dot_general3A_2258 {dimension_numbers = #tpu.dot_dimension_numbers<[0], [0], [1], [1], [0, 1, 1, 1], [], []>, transpose_lhs_hint = false} : vector<128x16xf32>, vector<128x64xf32>, vector<16x64xf32> -> vector<16x64xf32>
    %dot_general3A_2260 = arith.constant dense<0.000000e+00> : vector<16x64xf32>
    %dot_general3A_2261 = tpu.matmul %mul3A_2192, %add3A_1553, %dot_general3A_2260 {dimension_numbers = #tpu.dot_dimension_numbers<[0], [0], [1], [1], [0, 1, 1, 1], [], []>, transpose_lhs_hint = false} : vector<128x16xf32>, vector<128x64xf32>, vector<16x64xf32> -> vector<16x64xf32>
    %dot_general3A_2262 = arith.constant dense<0.000000e+00> : vector<16x64xf32>
    %dot_general3A_2263 = tpu.matmul %mul3A_2195, %add3A_1557, %dot_general3A_2262 {dimension_numbers = #tpu.dot_dimension_numbers<[0], [0], [1], [1], [0, 1, 1, 1], [], []>, transpose_lhs_hint = false} : vector<128x16xf32>, vector<128x64xf32>, vector<16x64xf32> -> vector<16x64xf32>
    %dot_general3A_2264 = arith.constant dense<0.000000e+00> : vector<16x64xf32>
    %dot_general3A_2265 = tpu.matmul %mul3A_2198, %add3A_1561, %dot_general3A_2264 {dimension_numbers = #tpu.dot_dimension_numbers<[0], [0], [1], [1], [0, 1, 1, 1], [], []>, transpose_lhs_hint = false} : vector<128x16xf32>, vector<128x64xf32>, vector<16x64xf32> -> vector<16x64xf32>
    %dot_general3A_2266 = arith.constant dense<0.000000e+00> : vector<16x64xf32>
    %dot_general3A_2267 = tpu.matmul %mul3A_2201, %add3A_1565, %dot_general3A_2266 {dimension_numbers = #tpu.dot_dimension_numbers<[0], [0], [1], [1], [0, 1, 1, 1], [], []>, transpose_lhs_hint = false} : vector<128x16xf32>, vector<128x64xf32>, vector<16x64xf32> -> vector<16x64xf32>
    %dot_general3A_2268 = arith.constant dense<0.000000e+00> : vector<16x64xf32>
    %dot_general3A_2269 = tpu.matmul %mul3A_2204, %add3A_1569, %dot_general3A_2268 {dimension_numbers = #tpu.dot_dimension_numbers<[0], [0], [1], [1], [0, 1, 1, 1], [], []>, transpose_lhs_hint = false} : vector<128x16xf32>, vector<128x64xf32>, vector<16x64xf32> -> vector<16x64xf32>
    %dot_general3A_2270 = arith.constant dense<0.000000e+00> : vector<16x64xf32>
    %dot_general3A_2271 = tpu.matmul %mul3A_2207, %add3A_1573, %dot_general3A_2270 {dimension_numbers = #tpu.dot_dimension_numbers<[0], [0], [1], [1], [0, 1, 1, 1], [], []>, transpose_lhs_hint = false} : vector<128x16xf32>, vector<128x64xf32>, vector<16x64xf32> -> vector<16x64xf32>
    %dot_general3A_2272 = arith.constant dense<0.000000e+00> : vector<16x64xf32>
    %dot_general3A_2273 = tpu.matmul %mul3A_2210, %add3A_1577, %dot_general3A_2272 {dimension_numbers = #tpu.dot_dimension_numbers<[0], [0], [1], [1], [0, 1, 1, 1], [], []>, transpose_lhs_hint = false} : vector<128x16xf32>, vector<128x64xf32>, vector<16x64xf32> -> vector<16x64xf32>
    %dot_general3A_2274 = arith.constant dense<0.000000e+00> : vector<16x64xf32>
    %dot_general3A_2275 = tpu.matmul %mul3A_2213, %add3A_1581, %dot_general3A_2274 {dimension_numbers = #tpu.dot_dimension_numbers<[0], [0], [1], [1], [0, 1, 1, 1], [], []>, transpose_lhs_hint = false} : vector<128x16xf32>, vector<128x64xf32>, vector<16x64xf32> -> vector<16x64xf32>
    %dot_general3A_2276 = arith.constant dense<0.000000e+00> : vector<16x64xf32>
    %dot_general3A_2277 = tpu.matmul %mul3A_2216, %add3A_1585, %dot_general3A_2276 {dimension_numbers = #tpu.dot_dimension_numbers<[0], [0], [1], [1], [0, 1, 1, 1], [], []>, transpose_lhs_hint = false} : vector<128x16xf32>, vector<128x64xf32>, vector<16x64xf32> -> vector<16x64xf32>
    %dot_general3A_2278 = arith.constant dense<0.000000e+00> : vector<16x64xf32>
    %dot_general3A_2279 = tpu.matmul %mul3A_2219, %add3A_1589, %dot_general3A_2278 {dimension_numbers = #tpu.dot_dimension_numbers<[0], [0], [1], [1], [0, 1, 1, 1], [], []>, transpose_lhs_hint = false} : vector<128x16xf32>, vector<128x64xf32>, vector<16x64xf32> -> vector<16x64xf32>
    %dot_general3A_2280 = arith.constant dense<0.000000e+00> : vector<16x64xf32>
    %dot_general3A_2281 = tpu.matmul %mul3A_2222, %add3A_1593, %dot_general3A_2280 {dimension_numbers = #tpu.dot_dimension_numbers<[0], [0], [1], [1], [0, 1, 1, 1], [], []>, transpose_lhs_hint = false} : vector<128x16xf32>, vector<128x64xf32>, vector<16x64xf32> -> vector<16x64xf32>
    %dot_general3A_2282 = arith.constant dense<0.000000e+00> : vector<16x64xf32>
    %dot_general3A_2283 = tpu.matmul %mul3A_2225, %add3A_1597, %dot_general3A_2282 {dimension_numbers = #tpu.dot_dimension_numbers<[0], [0], [1], [1], [0, 1, 1, 1], [], []>, transpose_lhs_hint = false} : vector<128x16xf32>, vector<128x64xf32>, vector<16x64xf32> -> vector<16x64xf32>
    %dot_general3A_2284 = arith.constant dense<0.000000e+00> : vector<16x64xf32>
    %dot_general3A_2285 = tpu.matmul %mul3A_2228, %add3A_1601, %dot_general3A_2284 {dimension_numbers = #tpu.dot_dimension_numbers<[0], [0], [1], [1], [0, 1, 1, 1], [], []>, transpose_lhs_hint = false} : vector<128x16xf32>, vector<128x64xf32>, vector<16x64xf32> -> vector<16x64xf32>
    %dot_general3A_2286 = arith.constant dense<0.000000e+00> : vector<16x64xf32>
    %dot_general3A_2287 = tpu.matmul %mul3A_2231, %add3A_1605, %dot_general3A_2286 {dimension_numbers = #tpu.dot_dimension_numbers<[0], [0], [1], [1], [0, 1, 1, 1], [], []>, transpose_lhs_hint = false} : vector<128x16xf32>, vector<128x64xf32>, vector<16x64xf32> -> vector<16x64xf32>
    %dot_general3A_2288 = arith.constant dense<0.000000e+00> : vector<16x64xf32>
    %dot_general3A_2289 = tpu.matmul %mul3A_2234, %add3A_1609, %dot_general3A_2288 {dimension_numbers = #tpu.dot_dimension_numbers<[0], [0], [1], [1], [0, 1, 1, 1], [], []>, transpose_lhs_hint = false} : vector<128x16xf32>, vector<128x64xf32>, vector<16x64xf32> -> vector<16x64xf32>
    %dot_general3A_2290 = arith.constant dense<0.000000e+00> : vector<16x64xf32>
    %dot_general3A_2291 = tpu.matmul %mul3A_2237, %add3A_1613, %dot_general3A_2290 {dimension_numbers = #tpu.dot_dimension_numbers<[0], [0], [1], [1], [0, 1, 1, 1], [], []>, transpose_lhs_hint = false} : vector<128x16xf32>, vector<128x64xf32>, vector<16x64xf32> -> vector<16x64xf32>
    %dot_general3A_2292 = arith.constant dense<0.000000e+00> : vector<16x64xf32>
    %dot_general3A_2293 = tpu.matmul %mul3A_2240, %add3A_1617, %dot_general3A_2292 {dimension_numbers = #tpu.dot_dimension_numbers<[0], [0], [1], [1], [0, 1, 1, 1], [], []>, transpose_lhs_hint = false} : vector<128x16xf32>, vector<128x64xf32>, vector<16x64xf32> -> vector<16x64xf32>
    %dot_general3A_2294 = arith.constant dense<0.000000e+00> : vector<16x64xf32>
    %dot_general3A_2295 = tpu.matmul %mul3A_2243, %add3A_1621, %dot_general3A_2294 {dimension_numbers = #tpu.dot_dimension_numbers<[0], [0], [1], [1], [0, 1, 1, 1], [], []>, transpose_lhs_hint = false} : vector<128x16xf32>, vector<128x64xf32>, vector<16x64xf32> -> vector<16x64xf32>
    %dot_general3A_2296 = arith.constant dense<0.000000e+00> : vector<16x64xf32>
    %dot_general3A_2297 = tpu.matmul %mul3A_2246, %add3A_1625, %dot_general3A_2296 {dimension_numbers = #tpu.dot_dimension_numbers<[0], [0], [1], [1], [0, 1, 1, 1], [], []>, transpose_lhs_hint = false} : vector<128x16xf32>, vector<128x64xf32>, vector<16x64xf32> -> vector<16x64xf32>
    %dot_general3A_2298 = arith.constant dense<0.000000e+00> : vector<16x64xf32>
    %dot_general3A_2299 = tpu.matmul %mul3A_2249, %add3A_1629, %dot_general3A_2298 {dimension_numbers = #tpu.dot_dimension_numbers<[0], [0], [1], [1], [0, 1, 1, 1], [], []>, transpose_lhs_hint = false} : vector<128x16xf32>, vector<128x64xf32>, vector<16x64xf32> -> vector<16x64xf32>
    %dot_general3A_2300 = arith.constant dense<0.000000e+00> : vector<16x16xf32>
    %dot_general3A_2301 = tpu.matmul %mul3A_2177, %mul3A_2177, %dot_general3A_2300 {dimension_numbers = #tpu.dot_dimension_numbers<[0], [0], [1], [1], [0, 1, 1, 1], [], []>, transpose_lhs_hint = false} : vector<128x16xf32>, vector<128x16xf32>, vector<16x16xf32> -> vector<16x16xf32>
    %dot_general3A_2302 = arith.constant dense<0.000000e+00> : vector<16x16xf32>
    %dot_general3A_2303 = tpu.matmul %mul3A_2180, %mul3A_2180, %dot_general3A_2302 {dimension_numbers = #tpu.dot_dimension_numbers<[0], [0], [1], [1], [0, 1, 1, 1], [], []>, transpose_lhs_hint = false} : vector<128x16xf32>, vector<128x16xf32>, vector<16x16xf32> -> vector<16x16xf32>
    %dot_general3A_2304 = arith.constant dense<0.000000e+00> : vector<16x16xf32>
    %dot_general3A_2305 = tpu.matmul %mul3A_2183, %mul3A_2183, %dot_general3A_2304 {dimension_numbers = #tpu.dot_dimension_numbers<[0], [0], [1], [1], [0, 1, 1, 1], [], []>, transpose_lhs_hint = false} : vector<128x16xf32>, vector<128x16xf32>, vector<16x16xf32> -> vector<16x16xf32>
    %dot_general3A_2306 = arith.constant dense<0.000000e+00> : vector<16x16xf32>
    %dot_general3A_2307 = tpu.matmul %mul3A_2186, %mul3A_2186, %dot_general3A_2306 {dimension_numbers = #tpu.dot_dimension_numbers<[0], [0], [1], [1], [0, 1, 1, 1], [], []>, transpose_lhs_hint = false} : vector<128x16xf32>, vector<128x16xf32>, vector<16x16xf32> -> vector<16x16xf32>
    %dot_general3A_2308 = arith.constant dense<0.000000e+00> : vector<16x16xf32>
    %dot_general3A_2309 = tpu.matmul %mul3A_2189, %mul3A_2189, %dot_general3A_2308 {dimension_numbers = #tpu.dot_dimension_numbers<[0], [0], [1], [1], [0, 1, 1, 1], [], []>, transpose_lhs_hint = false} : vector<128x16xf32>, vector<128x16xf32>, vector<16x16xf32> -> vector<16x16xf32>
    %dot_general3A_2310 = arith.constant dense<0.000000e+00> : vector<16x16xf32>
    %dot_general3A_2311 = tpu.matmul %mul3A_2192, %mul3A_2192, %dot_general3A_2310 {dimension_numbers = #tpu.dot_dimension_numbers<[0], [0], [1], [1], [0, 1, 1, 1], [], []>, transpose_lhs_hint = false} : vector<128x16xf32>, vector<128x16xf32>, vector<16x16xf32> -> vector<16x16xf32>
    %dot_general3A_2312 = arith.constant dense<0.000000e+00> : vector<16x16xf32>
    %dot_general3A_2313 = tpu.matmul %mul3A_2195, %mul3A_2195, %dot_general3A_2312 {dimension_numbers = #tpu.dot_dimension_numbers<[0], [0], [1], [1], [0, 1, 1, 1], [], []>, transpose_lhs_hint = false} : vector<128x16xf32>, vector<128x16xf32>, vector<16x16xf32> -> vector<16x16xf32>
    %dot_general3A_2314 = arith.constant dense<0.000000e+00> : vector<16x16xf32>
    %dot_general3A_2315 = tpu.matmul %mul3A_2198, %mul3A_2198, %dot_general3A_2314 {dimension_numbers = #tpu.dot_dimension_numbers<[0], [0], [1], [1], [0, 1, 1, 1], [], []>, transpose_lhs_hint = false} : vector<128x16xf32>, vector<128x16xf32>, vector<16x16xf32> -> vector<16x16xf32>
    %dot_general3A_2316 = arith.constant dense<0.000000e+00> : vector<16x16xf32>
    %dot_general3A_2317 = tpu.matmul %mul3A_2201, %mul3A_2201, %dot_general3A_2316 {dimension_numbers = #tpu.dot_dimension_numbers<[0], [0], [1], [1], [0, 1, 1, 1], [], []>, transpose_lhs_hint = false} : vector<128x16xf32>, vector<128x16xf32>, vector<16x16xf32> -> vector<16x16xf32>
    %dot_general3A_2318 = arith.constant dense<0.000000e+00> : vector<16x16xf32>
    %dot_general3A_2319 = tpu.matmul %mul3A_2204, %mul3A_2204, %dot_general3A_2318 {dimension_numbers = #tpu.dot_dimension_numbers<[0], [0], [1], [1], [0, 1, 1, 1], [], []>, transpose_lhs_hint = false} : vector<128x16xf32>, vector<128x16xf32>, vector<16x16xf32> -> vector<16x16xf32>
    %dot_general3A_2320 = arith.constant dense<0.000000e+00> : vector<16x16xf32>
    %dot_general3A_2321 = tpu.matmul %mul3A_2207, %mul3A_2207, %dot_general3A_2320 {dimension_numbers = #tpu.dot_dimension_numbers<[0], [0], [1], [1], [0, 1, 1, 1], [], []>, transpose_lhs_hint = false} : vector<128x16xf32>, vector<128x16xf32>, vector<16x16xf32> -> vector<16x16xf32>
    %dot_general3A_2322 = arith.constant dense<0.000000e+00> : vector<16x16xf32>
    %dot_general3A_2323 = tpu.matmul %mul3A_2210, %mul3A_2210, %dot_general3A_2322 {dimension_numbers = #tpu.dot_dimension_numbers<[0], [0], [1], [1], [0, 1, 1, 1], [], []>, transpose_lhs_hint = false} : vector<128x16xf32>, vector<128x16xf32>, vector<16x16xf32> -> vector<16x16xf32>
    %dot_general3A_2324 = arith.constant dense<0.000000e+00> : vector<16x16xf32>
    %dot_general3A_2325 = tpu.matmul %mul3A_2213, %mul3A_2213, %dot_general3A_2324 {dimension_numbers = #tpu.dot_dimension_numbers<[0], [0], [1], [1], [0, 1, 1, 1], [], []>, transpose_lhs_hint = false} : vector<128x16xf32>, vector<128x16xf32>, vector<16x16xf32> -> vector<16x16xf32>
    %dot_general3A_2326 = arith.constant dense<0.000000e+00> : vector<16x16xf32>
    %dot_general3A_2327 = tpu.matmul %mul3A_2216, %mul3A_2216, %dot_general3A_2326 {dimension_numbers = #tpu.dot_dimension_numbers<[0], [0], [1], [1], [0, 1, 1, 1], [], []>, transpose_lhs_hint = false} : vector<128x16xf32>, vector<128x16xf32>, vector<16x16xf32> -> vector<16x16xf32>
    %dot_general3A_2328 = arith.constant dense<0.000000e+00> : vector<16x16xf32>
    %dot_general3A_2329 = tpu.matmul %mul3A_2219, %mul3A_2219, %dot_general3A_2328 {dimension_numbers = #tpu.dot_dimension_numbers<[0], [0], [1], [1], [0, 1, 1, 1], [], []>, transpose_lhs_hint = false} : vector<128x16xf32>, vector<128x16xf32>, vector<16x16xf32> -> vector<16x16xf32>
    %dot_general3A_2330 = arith.constant dense<0.000000e+00> : vector<16x16xf32>
    %dot_general3A_2331 = tpu.matmul %mul3A_2222, %mul3A_2222, %dot_general3A_2330 {dimension_numbers = #tpu.dot_dimension_numbers<[0], [0], [1], [1], [0, 1, 1, 1], [], []>, transpose_lhs_hint = false} : vector<128x16xf32>, vector<128x16xf32>, vector<16x16xf32> -> vector<16x16xf32>
    %dot_general3A_2332 = arith.constant dense<0.000000e+00> : vector<16x16xf32>
    %dot_general3A_2333 = tpu.matmul %mul3A_2225, %mul3A_2225, %dot_general3A_2332 {dimension_numbers = #tpu.dot_dimension_numbers<[0], [0], [1], [1], [0, 1, 1, 1], [], []>, transpose_lhs_hint = false} : vector<128x16xf32>, vector<128x16xf32>, vector<16x16xf32> -> vector<16x16xf32>
    %dot_general3A_2334 = arith.constant dense<0.000000e+00> : vector<16x16xf32>
    %dot_general3A_2335 = tpu.matmul %mul3A_2228, %mul3A_2228, %dot_general3A_2334 {dimension_numbers = #tpu.dot_dimension_numbers<[0], [0], [1], [1], [0, 1, 1, 1], [], []>, transpose_lhs_hint = false} : vector<128x16xf32>, vector<128x16xf32>, vector<16x16xf32> -> vector<16x16xf32>
    %dot_general3A_2336 = arith.constant dense<0.000000e+00> : vector<16x16xf32>
    %dot_general3A_2337 = tpu.matmul %mul3A_2231, %mul3A_2231, %dot_general3A_2336 {dimension_numbers = #tpu.dot_dimension_numbers<[0], [0], [1], [1], [0, 1, 1, 1], [], []>, transpose_lhs_hint = false} : vector<128x16xf32>, vector<128x16xf32>, vector<16x16xf32> -> vector<16x16xf32>
    %dot_general3A_2338 = arith.constant dense<0.000000e+00> : vector<16x16xf32>
    %dot_general3A_2339 = tpu.matmul %mul3A_2234, %mul3A_2234, %dot_general3A_2338 {dimension_numbers = #tpu.dot_dimension_numbers<[0], [0], [1], [1], [0, 1, 1, 1], [], []>, transpose_lhs_hint = false} : vector<128x16xf32>, vector<128x16xf32>, vector<16x16xf32> -> vector<16x16xf32>
    %dot_general3A_2340 = arith.constant dense<0.000000e+00> : vector<16x16xf32>
    %dot_general3A_2341 = tpu.matmul %mul3A_2237, %mul3A_2237, %dot_general3A_2340 {dimension_numbers = #tpu.dot_dimension_numbers<[0], [0], [1], [1], [0, 1, 1, 1], [], []>, transpose_lhs_hint = false} : vector<128x16xf32>, vector<128x16xf32>, vector<16x16xf32> -> vector<16x16xf32>
    %dot_general3A_2342 = arith.constant dense<0.000000e+00> : vector<16x16xf32>
    %dot_general3A_2343 = tpu.matmul %mul3A_2240, %mul3A_2240, %dot_general3A_2342 {dimension_numbers = #tpu.dot_dimension_numbers<[0], [0], [1], [1], [0, 1, 1, 1], [], []>, transpose_lhs_hint = false} : vector<128x16xf32>, vector<128x16xf32>, vector<16x16xf32> -> vector<16x16xf32>
    %dot_general3A_2344 = arith.constant dense<0.000000e+00> : vector<16x16xf32>
    %dot_general3A_2345 = tpu.matmul %mul3A_2243, %mul3A_2243, %dot_general3A_2344 {dimension_numbers = #tpu.dot_dimension_numbers<[0], [0], [1], [1], [0, 1, 1, 1], [], []>, transpose_lhs_hint = false} : vector<128x16xf32>, vector<128x16xf32>, vector<16x16xf32> -> vector<16x16xf32>
    %dot_general3A_2346 = arith.constant dense<0.000000e+00> : vector<16x16xf32>
    %dot_general3A_2347 = tpu.matmul %mul3A_2246, %mul3A_2246, %dot_general3A_2346 {dimension_numbers = #tpu.dot_dimension_numbers<[0], [0], [1], [1], [0, 1, 1, 1], [], []>, transpose_lhs_hint = false} : vector<128x16xf32>, vector<128x16xf32>, vector<16x16xf32> -> vector<16x16xf32>
    %dot_general3A_2348 = arith.constant dense<0.000000e+00> : vector<16x16xf32>
    %dot_general3A_2349 = tpu.matmul %mul3A_2249, %mul3A_2249, %dot_general3A_2348 {dimension_numbers = #tpu.dot_dimension_numbers<[0], [0], [1], [1], [0, 1, 1, 1], [], []>, transpose_lhs_hint = false} : vector<128x16xf32>, vector<128x16xf32>, vector<16x16xf32> -> vector<16x16xf32>
    %sub3A_2350 = arith.subf %dot_general3A_2301, %get3A_40 : vector<16x16xf32>
    %sub3A_2351 = arith.subf %dot_general3A_2303, %get3A_40 : vector<16x16xf32>
    %sub3A_2352 = arith.subf %dot_general3A_2305, %get3A_40 : vector<16x16xf32>
    %sub3A_2353 = arith.subf %dot_general3A_2307, %get3A_40 : vector<16x16xf32>
    %sub3A_2354 = arith.subf %dot_general3A_2309, %get3A_40 : vector<16x16xf32>
    %sub3A_2355 = arith.subf %dot_general3A_2311, %get3A_40 : vector<16x16xf32>
    %sub3A_2356 = arith.subf %dot_general3A_2313, %get3A_40 : vector<16x16xf32>
    %sub3A_2357 = arith.subf %dot_general3A_2315, %get3A_40 : vector<16x16xf32>
    %sub3A_2358 = arith.subf %dot_general3A_2317, %get3A_40 : vector<16x16xf32>
    %sub3A_2359 = arith.subf %dot_general3A_2319, %get3A_40 : vector<16x16xf32>
    %sub3A_2360 = arith.subf %dot_general3A_2321, %get3A_40 : vector<16x16xf32>
    %sub3A_2361 = arith.subf %dot_general3A_2323, %get3A_40 : vector<16x16xf32>
    %sub3A_2362 = arith.subf %dot_general3A_2325, %get3A_40 : vector<16x16xf32>
    %sub3A_2363 = arith.subf %dot_general3A_2327, %get3A_40 : vector<16x16xf32>
    %sub3A_2364 = arith.subf %dot_general3A_2329, %get3A_40 : vector<16x16xf32>
    %sub3A_2365 = arith.subf %dot_general3A_2331, %get3A_40 : vector<16x16xf32>
    %sub3A_2366 = arith.subf %dot_general3A_2333, %get3A_40 : vector<16x16xf32>
    %sub3A_2367 = arith.subf %dot_general3A_2335, %get3A_40 : vector<16x16xf32>
    %sub3A_2368 = arith.subf %dot_general3A_2337, %get3A_40 : vector<16x16xf32>
    %sub3A_2369 = arith.subf %dot_general3A_2339, %get3A_40 : vector<16x16xf32>
    %sub3A_2370 = arith.subf %dot_general3A_2341, %get3A_40 : vector<16x16xf32>
    %sub3A_2371 = arith.subf %dot_general3A_2343, %get3A_40 : vector<16x16xf32>
    %sub3A_2372 = arith.subf %dot_general3A_2345, %get3A_40 : vector<16x16xf32>
    %sub3A_2373 = arith.subf %dot_general3A_2347, %get3A_40 : vector<16x16xf32>
    %sub3A_2374 = arith.subf %dot_general3A_2349, %get3A_40 : vector<16x16xf32>
    %mul3A_2375 = arith.mulf %sub3A_2350, %sub3A_2350 : vector<16x16xf32>
    %reduce_sum3A_2376 = arith.constant dense<0.000000e+00> : vector<16xf32>
    %reduce_sum3A_2377 = vector.multi_reduction <add>, %mul3A_2375, %reduce_sum3A_2376 [1] : vector<16x16xf32> to vector<16xf32>
    %broadcast_in_dim3A_2378 = vector.shape_cast %reduce_sum3A_2377 : vector<16xf32> to vector<16x1xf32>
    %sqrt3A = math.sqrt %broadcast_in_dim3A_2378 : vector<16x1xf32>
    %mul3A_2379 = arith.mulf %sub3A_2351, %sub3A_2351 : vector<16x16xf32>
    %reduce_sum3A_2380 = arith.constant dense<0.000000e+00> : vector<16xf32>
    %reduce_sum3A_2381 = vector.multi_reduction <add>, %mul3A_2379, %reduce_sum3A_2380 [1] : vector<16x16xf32> to vector<16xf32>
    %broadcast_in_dim3A_2382 = vector.shape_cast %reduce_sum3A_2381 : vector<16xf32> to vector<16x1xf32>
    %sqrt3A_2383 = math.sqrt %broadcast_in_dim3A_2382 : vector<16x1xf32>
    %mul3A_2384 = arith.mulf %sub3A_2352, %sub3A_2352 : vector<16x16xf32>
    %reduce_sum3A_2385 = arith.constant dense<0.000000e+00> : vector<16xf32>
    %reduce_sum3A_2386 = vector.multi_reduction <add>, %mul3A_2384, %reduce_sum3A_2385 [1] : vector<16x16xf32> to vector<16xf32>
    %broadcast_in_dim3A_2387 = vector.shape_cast %reduce_sum3A_2386 : vector<16xf32> to vector<16x1xf32>
    %sqrt3A_2388 = math.sqrt %broadcast_in_dim3A_2387 : vector<16x1xf32>
    %mul3A_2389 = arith.mulf %sub3A_2353, %sub3A_2353 : vector<16x16xf32>
    %reduce_sum3A_2390 = arith.constant dense<0.000000e+00> : vector<16xf32>
    %reduce_sum3A_2391 = vector.multi_reduction <add>, %mul3A_2389, %reduce_sum3A_2390 [1] : vector<16x16xf32> to vector<16xf32>
    %broadcast_in_dim3A_2392 = vector.shape_cast %reduce_sum3A_2391 : vector<16xf32> to vector<16x1xf32>
    %sqrt3A_2393 = math.sqrt %broadcast_in_dim3A_2392 : vector<16x1xf32>
    %mul3A_2394 = arith.mulf %sub3A_2354, %sub3A_2354 : vector<16x16xf32>
    %reduce_sum3A_2395 = arith.constant dense<0.000000e+00> : vector<16xf32>
    %reduce_sum3A_2396 = vector.multi_reduction <add>, %mul3A_2394, %reduce_sum3A_2395 [1] : vector<16x16xf32> to vector<16xf32>
    %broadcast_in_dim3A_2397 = vector.shape_cast %reduce_sum3A_2396 : vector<16xf32> to vector<16x1xf32>
    %sqrt3A_2398 = math.sqrt %broadcast_in_dim3A_2397 : vector<16x1xf32>
    %mul3A_2399 = arith.mulf %sub3A_2355, %sub3A_2355 : vector<16x16xf32>
    %reduce_sum3A_2400 = arith.constant dense<0.000000e+00> : vector<16xf32>
    %reduce_sum3A_2401 = vector.multi_reduction <add>, %mul3A_2399, %reduce_sum3A_2400 [1] : vector<16x16xf32> to vector<16xf32>
    %broadcast_in_dim3A_2402 = vector.shape_cast %reduce_sum3A_2401 : vector<16xf32> to vector<16x1xf32>
    %sqrt3A_2403 = math.sqrt %broadcast_in_dim3A_2402 : vector<16x1xf32>
    %mul3A_2404 = arith.mulf %sub3A_2356, %sub3A_2356 : vector<16x16xf32>
    %reduce_sum3A_2405 = arith.constant dense<0.000000e+00> : vector<16xf32>
    %reduce_sum3A_2406 = vector.multi_reduction <add>, %mul3A_2404, %reduce_sum3A_2405 [1] : vector<16x16xf32> to vector<16xf32>
    %broadcast_in_dim3A_2407 = vector.shape_cast %reduce_sum3A_2406 : vector<16xf32> to vector<16x1xf32>
    %sqrt3A_2408 = math.sqrt %broadcast_in_dim3A_2407 : vector<16x1xf32>
    %mul3A_2409 = arith.mulf %sub3A_2357, %sub3A_2357 : vector<16x16xf32>
    %reduce_sum3A_2410 = arith.constant dense<0.000000e+00> : vector<16xf32>
    %reduce_sum3A_2411 = vector.multi_reduction <add>, %mul3A_2409, %reduce_sum3A_2410 [1] : vector<16x16xf32> to vector<16xf32>
    %broadcast_in_dim3A_2412 = vector.shape_cast %reduce_sum3A_2411 : vector<16xf32> to vector<16x1xf32>
    %sqrt3A_2413 = math.sqrt %broadcast_in_dim3A_2412 : vector<16x1xf32>
    %mul3A_2414 = arith.mulf %sub3A_2358, %sub3A_2358 : vector<16x16xf32>
    %reduce_sum3A_2415 = arith.constant dense<0.000000e+00> : vector<16xf32>
    %reduce_sum3A_2416 = vector.multi_reduction <add>, %mul3A_2414, %reduce_sum3A_2415 [1] : vector<16x16xf32> to vector<16xf32>
    %broadcast_in_dim3A_2417 = vector.shape_cast %reduce_sum3A_2416 : vector<16xf32> to vector<16x1xf32>
    %sqrt3A_2418 = math.sqrt %broadcast_in_dim3A_2417 : vector<16x1xf32>
    %mul3A_2419 = arith.mulf %sub3A_2359, %sub3A_2359 : vector<16x16xf32>
    %reduce_sum3A_2420 = arith.constant dense<0.000000e+00> : vector<16xf32>
    %reduce_sum3A_2421 = vector.multi_reduction <add>, %mul3A_2419, %reduce_sum3A_2420 [1] : vector<16x16xf32> to vector<16xf32>
    %broadcast_in_dim3A_2422 = vector.shape_cast %reduce_sum3A_2421 : vector<16xf32> to vector<16x1xf32>
    %sqrt3A_2423 = math.sqrt %broadcast_in_dim3A_2422 : vector<16x1xf32>
    %mul3A_2424 = arith.mulf %sub3A_2360, %sub3A_2360 : vector<16x16xf32>
    %reduce_sum3A_2425 = arith.constant dense<0.000000e+00> : vector<16xf32>
    %reduce_sum3A_2426 = vector.multi_reduction <add>, %mul3A_2424, %reduce_sum3A_2425 [1] : vector<16x16xf32> to vector<16xf32>
    %broadcast_in_dim3A_2427 = vector.shape_cast %reduce_sum3A_2426 : vector<16xf32> to vector<16x1xf32>
    %sqrt3A_2428 = math.sqrt %broadcast_in_dim3A_2427 : vector<16x1xf32>
    %mul3A_2429 = arith.mulf %sub3A_2361, %sub3A_2361 : vector<16x16xf32>
    %reduce_sum3A_2430 = arith.constant dense<0.000000e+00> : vector<16xf32>
    %reduce_sum3A_2431 = vector.multi_reduction <add>, %mul3A_2429, %reduce_sum3A_2430 [1] : vector<16x16xf32> to vector<16xf32>
    %broadcast_in_dim3A_2432 = vector.shape_cast %reduce_sum3A_2431 : vector<16xf32> to vector<16x1xf32>
    %sqrt3A_2433 = math.sqrt %broadcast_in_dim3A_2432 : vector<16x1xf32>
    %mul3A_2434 = arith.mulf %sub3A_2362, %sub3A_2362 : vector<16x16xf32>
    %reduce_sum3A_2435 = arith.constant dense<0.000000e+00> : vector<16xf32>
    %reduce_sum3A_2436 = vector.multi_reduction <add>, %mul3A_2434, %reduce_sum3A_2435 [1] : vector<16x16xf32> to vector<16xf32>
    %broadcast_in_dim3A_2437 = vector.shape_cast %reduce_sum3A_2436 : vector<16xf32> to vector<16x1xf32>
    %sqrt3A_2438 = math.sqrt %broadcast_in_dim3A_2437 : vector<16x1xf32>
    %mul3A_2439 = arith.mulf %sub3A_2363, %sub3A_2363 : vector<16x16xf32>
    %reduce_sum3A_2440 = arith.constant dense<0.000000e+00> : vector<16xf32>
    %reduce_sum3A_2441 = vector.multi_reduction <add>, %mul3A_2439, %reduce_sum3A_2440 [1] : vector<16x16xf32> to vector<16xf32>
    %broadcast_in_dim3A_2442 = vector.shape_cast %reduce_sum3A_2441 : vector<16xf32> to vector<16x1xf32>
    %sqrt3A_2443 = math.sqrt %broadcast_in_dim3A_2442 : vector<16x1xf32>
    %mul3A_2444 = arith.mulf %sub3A_2364, %sub3A_2364 : vector<16x16xf32>
    %reduce_sum3A_2445 = arith.constant dense<0.000000e+00> : vector<16xf32>
    %reduce_sum3A_2446 = vector.multi_reduction <add>, %mul3A_2444, %reduce_sum3A_2445 [1] : vector<16x16xf32> to vector<16xf32>
    %broadcast_in_dim3A_2447 = vector.shape_cast %reduce_sum3A_2446 : vector<16xf32> to vector<16x1xf32>
    %sqrt3A_2448 = math.sqrt %broadcast_in_dim3A_2447 : vector<16x1xf32>
    %mul3A_2449 = arith.mulf %sub3A_2365, %sub3A_2365 : vector<16x16xf32>
    %reduce_sum3A_2450 = arith.constant dense<0.000000e+00> : vector<16xf32>
    %reduce_sum3A_2451 = vector.multi_reduction <add>, %mul3A_2449, %reduce_sum3A_2450 [1] : vector<16x16xf32> to vector<16xf32>
    %broadcast_in_dim3A_2452 = vector.shape_cast %reduce_sum3A_2451 : vector<16xf32> to vector<16x1xf32>
    %sqrt3A_2453 = math.sqrt %broadcast_in_dim3A_2452 : vector<16x1xf32>
    %mul3A_2454 = arith.mulf %sub3A_2366, %sub3A_2366 : vector<16x16xf32>
    %reduce_sum3A_2455 = arith.constant dense<0.000000e+00> : vector<16xf32>
    %reduce_sum3A_2456 = vector.multi_reduction <add>, %mul3A_2454, %reduce_sum3A_2455 [1] : vector<16x16xf32> to vector<16xf32>
    %broadcast_in_dim3A_2457 = vector.shape_cast %reduce_sum3A_2456 : vector<16xf32> to vector<16x1xf32>
    %sqrt3A_2458 = math.sqrt %broadcast_in_dim3A_2457 : vector<16x1xf32>
    %mul3A_2459 = arith.mulf %sub3A_2367, %sub3A_2367 : vector<16x16xf32>
    %reduce_sum3A_2460 = arith.constant dense<0.000000e+00> : vector<16xf32>
    %reduce_sum3A_2461 = vector.multi_reduction <add>, %mul3A_2459, %reduce_sum3A_2460 [1] : vector<16x16xf32> to vector<16xf32>
    %broadcast_in_dim3A_2462 = vector.shape_cast %reduce_sum3A_2461 : vector<16xf32> to vector<16x1xf32>
    %sqrt3A_2463 = math.sqrt %broadcast_in_dim3A_2462 : vector<16x1xf32>
    %mul3A_2464 = arith.mulf %sub3A_2368, %sub3A_2368 : vector<16x16xf32>
    %reduce_sum3A_2465 = arith.constant dense<0.000000e+00> : vector<16xf32>
    %reduce_sum3A_2466 = vector.multi_reduction <add>, %mul3A_2464, %reduce_sum3A_2465 [1] : vector<16x16xf32> to vector<16xf32>
    %broadcast_in_dim3A_2467 = vector.shape_cast %reduce_sum3A_2466 : vector<16xf32> to vector<16x1xf32>
    %sqrt3A_2468 = math.sqrt %broadcast_in_dim3A_2467 : vector<16x1xf32>
    %mul3A_2469 = arith.mulf %sub3A_2369, %sub3A_2369 : vector<16x16xf32>
    %reduce_sum3A_2470 = arith.constant dense<0.000000e+00> : vector<16xf32>
    %reduce_sum3A_2471 = vector.multi_reduction <add>, %mul3A_2469, %reduce_sum3A_2470 [1] : vector<16x16xf32> to vector<16xf32>
    %broadcast_in_dim3A_2472 = vector.shape_cast %reduce_sum3A_2471 : vector<16xf32> to vector<16x1xf32>
    %sqrt3A_2473 = math.sqrt %broadcast_in_dim3A_2472 : vector<16x1xf32>
    %mul3A_2474 = arith.mulf %sub3A_2370, %sub3A_2370 : vector<16x16xf32>
    %reduce_sum3A_2475 = arith.constant dense<0.000000e+00> : vector<16xf32>
    %reduce_sum3A_2476 = vector.multi_reduction <add>, %mul3A_2474, %reduce_sum3A_2475 [1] : vector<16x16xf32> to vector<16xf32>
    %broadcast_in_dim3A_2477 = vector.shape_cast %reduce_sum3A_2476 : vector<16xf32> to vector<16x1xf32>
    %sqrt3A_2478 = math.sqrt %broadcast_in_dim3A_2477 : vector<16x1xf32>
    %mul3A_2479 = arith.mulf %sub3A_2371, %sub3A_2371 : vector<16x16xf32>
    %reduce_sum3A_2480 = arith.constant dense<0.000000e+00> : vector<16xf32>
    %reduce_sum3A_2481 = vector.multi_reduction <add>, %mul3A_2479, %reduce_sum3A_2480 [1] : vector<16x16xf32> to vector<16xf32>
    %broadcast_in_dim3A_2482 = vector.shape_cast %reduce_sum3A_2481 : vector<16xf32> to vector<16x1xf32>
    %sqrt3A_2483 = math.sqrt %broadcast_in_dim3A_2482 : vector<16x1xf32>
    %mul3A_2484 = arith.mulf %sub3A_2372, %sub3A_2372 : vector<16x16xf32>
    %reduce_sum3A_2485 = arith.constant dense<0.000000e+00> : vector<16xf32>
    %reduce_sum3A_2486 = vector.multi_reduction <add>, %mul3A_2484, %reduce_sum3A_2485 [1] : vector<16x16xf32> to vector<16xf32>
    %broadcast_in_dim3A_2487 = vector.shape_cast %reduce_sum3A_2486 : vector<16xf32> to vector<16x1xf32>
    %sqrt3A_2488 = math.sqrt %broadcast_in_dim3A_2487 : vector<16x1xf32>
    %mul3A_2489 = arith.mulf %sub3A_2373, %sub3A_2373 : vector<16x16xf32>
    %reduce_sum3A_2490 = arith.constant dense<0.000000e+00> : vector<16xf32>
    %reduce_sum3A_2491 = vector.multi_reduction <add>, %mul3A_2489, %reduce_sum3A_2490 [1] : vector<16x16xf32> to vector<16xf32>
    %broadcast_in_dim3A_2492 = vector.shape_cast %reduce_sum3A_2491 : vector<16xf32> to vector<16x1xf32>
    %sqrt3A_2493 = math.sqrt %broadcast_in_dim3A_2492 : vector<16x1xf32>
    %mul3A_2494 = arith.mulf %sub3A_2374, %sub3A_2374 : vector<16x16xf32>
    %reduce_sum3A_2495 = arith.constant dense<0.000000e+00> : vector<16xf32>
    %reduce_sum3A_2496 = vector.multi_reduction <add>, %mul3A_2494, %reduce_sum3A_2495 [1] : vector<16x16xf32> to vector<16xf32>
    %broadcast_in_dim3A_2497 = vector.shape_cast %reduce_sum3A_2496 : vector<16xf32> to vector<16x1xf32>
    %sqrt3A_2498 = math.sqrt %broadcast_in_dim3A_2497 : vector<16x1xf32>
    %reduce_sum3A_2499 = arith.constant dense<0.000000e+00> : vector<1xf32>
    %reduce_sum3A_2500 = vector.multi_reduction <add>, %sqrt3A, %reduce_sum3A_2499 [0] : vector<16x1xf32> to vector<1xf32>
    %broadcast_in_dim3A_2501 = vector.shape_cast %reduce_sum3A_2500 : vector<1xf32> to vector<1x1xf32>
    %reduce_sum3A_2502 = arith.constant dense<0.000000e+00> : vector<1xf32>
    %reduce_sum3A_2503 = vector.multi_reduction <add>, %sqrt3A_2383, %reduce_sum3A_2502 [0] : vector<16x1xf32> to vector<1xf32>
    %broadcast_in_dim3A_2504 = vector.shape_cast %reduce_sum3A_2503 : vector<1xf32> to vector<1x1xf32>
    %reduce_sum3A_2505 = arith.constant dense<0.000000e+00> : vector<1xf32>
    %reduce_sum3A_2506 = vector.multi_reduction <add>, %sqrt3A_2388, %reduce_sum3A_2505 [0] : vector<16x1xf32> to vector<1xf32>
    %broadcast_in_dim3A_2507 = vector.shape_cast %reduce_sum3A_2506 : vector<1xf32> to vector<1x1xf32>
    %reduce_sum3A_2508 = arith.constant dense<0.000000e+00> : vector<1xf32>
    %reduce_sum3A_2509 = vector.multi_reduction <add>, %sqrt3A_2393, %reduce_sum3A_2508 [0] : vector<16x1xf32> to vector<1xf32>
    %broadcast_in_dim3A_2510 = vector.shape_cast %reduce_sum3A_2509 : vector<1xf32> to vector<1x1xf32>
    %reduce_sum3A_2511 = arith.constant dense<0.000000e+00> : vector<1xf32>
    %reduce_sum3A_2512 = vector.multi_reduction <add>, %sqrt3A_2398, %reduce_sum3A_2511 [0] : vector<16x1xf32> to vector<1xf32>
    %broadcast_in_dim3A_2513 = vector.shape_cast %reduce_sum3A_2512 : vector<1xf32> to vector<1x1xf32>
    %reduce_sum3A_2514 = arith.constant dense<0.000000e+00> : vector<1xf32>
    %reduce_sum3A_2515 = vector.multi_reduction <add>, %sqrt3A_2403, %reduce_sum3A_2514 [0] : vector<16x1xf32> to vector<1xf32>
    %broadcast_in_dim3A_2516 = vector.shape_cast %reduce_sum3A_2515 : vector<1xf32> to vector<1x1xf32>
    %reduce_sum3A_2517 = arith.constant dense<0.000000e+00> : vector<1xf32>
    %reduce_sum3A_2518 = vector.multi_reduction <add>, %sqrt3A_2408, %reduce_sum3A_2517 [0] : vector<16x1xf32> to vector<1xf32>
    %broadcast_in_dim3A_2519 = vector.shape_cast %reduce_sum3A_2518 : vector<1xf32> to vector<1x1xf32>
    %reduce_sum3A_2520 = arith.constant dense<0.000000e+00> : vector<1xf32>
    %reduce_sum3A_2521 = vector.multi_reduction <add>, %sqrt3A_2413, %reduce_sum3A_2520 [0] : vector<16x1xf32> to vector<1xf32>
    %broadcast_in_dim3A_2522 = vector.shape_cast %reduce_sum3A_2521 : vector<1xf32> to vector<1x1xf32>
    %reduce_sum3A_2523 = arith.constant dense<0.000000e+00> : vector<1xf32>
    %reduce_sum3A_2524 = vector.multi_reduction <add>, %sqrt3A_2418, %reduce_sum3A_2523 [0] : vector<16x1xf32> to vector<1xf32>
    %broadcast_in_dim3A_2525 = vector.shape_cast %reduce_sum3A_2524 : vector<1xf32> to vector<1x1xf32>
    %reduce_sum3A_2526 = arith.constant dense<0.000000e+00> : vector<1xf32>
    %reduce_sum3A_2527 = vector.multi_reduction <add>, %sqrt3A_2423, %reduce_sum3A_2526 [0] : vector<16x1xf32> to vector<1xf32>
    %broadcast_in_dim3A_2528 = vector.shape_cast %reduce_sum3A_2527 : vector<1xf32> to vector<1x1xf32>
    %reduce_sum3A_2529 = arith.constant dense<0.000000e+00> : vector<1xf32>
    %reduce_sum3A_2530 = vector.multi_reduction <add>, %sqrt3A_2428, %reduce_sum3A_2529 [0] : vector<16x1xf32> to vector<1xf32>
    %broadcast_in_dim3A_2531 = vector.shape_cast %reduce_sum3A_2530 : vector<1xf32> to vector<1x1xf32>
    %reduce_sum3A_2532 = arith.constant dense<0.000000e+00> : vector<1xf32>
    %reduce_sum3A_2533 = vector.multi_reduction <add>, %sqrt3A_2433, %reduce_sum3A_2532 [0] : vector<16x1xf32> to vector<1xf32>
    %broadcast_in_dim3A_2534 = vector.shape_cast %reduce_sum3A_2533 : vector<1xf32> to vector<1x1xf32>
    %reduce_sum3A_2535 = arith.constant dense<0.000000e+00> : vector<1xf32>
    %reduce_sum3A_2536 = vector.multi_reduction <add>, %sqrt3A_2438, %reduce_sum3A_2535 [0] : vector<16x1xf32> to vector<1xf32>
    %broadcast_in_dim3A_2537 = vector.shape_cast %reduce_sum3A_2536 : vector<1xf32> to vector<1x1xf32>
    %reduce_sum3A_2538 = arith.constant dense<0.000000e+00> : vector<1xf32>
    %reduce_sum3A_2539 = vector.multi_reduction <add>, %sqrt3A_2443, %reduce_sum3A_2538 [0] : vector<16x1xf32> to vector<1xf32>
    %broadcast_in_dim3A_2540 = vector.shape_cast %reduce_sum3A_2539 : vector<1xf32> to vector<1x1xf32>
    %reduce_sum3A_2541 = arith.constant dense<0.000000e+00> : vector<1xf32>
    %reduce_sum3A_2542 = vector.multi_reduction <add>, %sqrt3A_2448, %reduce_sum3A_2541 [0] : vector<16x1xf32> to vector<1xf32>
    %broadcast_in_dim3A_2543 = vector.shape_cast %reduce_sum3A_2542 : vector<1xf32> to vector<1x1xf32>
    %reduce_sum3A_2544 = arith.constant dense<0.000000e+00> : vector<1xf32>
    %reduce_sum3A_2545 = vector.multi_reduction <add>, %sqrt3A_2453, %reduce_sum3A_2544 [0] : vector<16x1xf32> to vector<1xf32>
    %broadcast_in_dim3A_2546 = vector.shape_cast %reduce_sum3A_2545 : vector<1xf32> to vector<1x1xf32>
    %reduce_sum3A_2547 = arith.constant dense<0.000000e+00> : vector<1xf32>
    %reduce_sum3A_2548 = vector.multi_reduction <add>, %sqrt3A_2458, %reduce_sum3A_2547 [0] : vector<16x1xf32> to vector<1xf32>
    %broadcast_in_dim3A_2549 = vector.shape_cast %reduce_sum3A_2548 : vector<1xf32> to vector<1x1xf32>
    %reduce_sum3A_2550 = arith.constant dense<0.000000e+00> : vector<1xf32>
    %reduce_sum3A_2551 = vector.multi_reduction <add>, %sqrt3A_2463, %reduce_sum3A_2550 [0] : vector<16x1xf32> to vector<1xf32>
    %broadcast_in_dim3A_2552 = vector.shape_cast %reduce_sum3A_2551 : vector<1xf32> to vector<1x1xf32>
    %reduce_sum3A_2553 = arith.constant dense<0.000000e+00> : vector<1xf32>
    %reduce_sum3A_2554 = vector.multi_reduction <add>, %sqrt3A_2468, %reduce_sum3A_2553 [0] : vector<16x1xf32> to vector<1xf32>
    %broadcast_in_dim3A_2555 = vector.shape_cast %reduce_sum3A_2554 : vector<1xf32> to vector<1x1xf32>
    %reduce_sum3A_2556 = arith.constant dense<0.000000e+00> : vector<1xf32>
    %reduce_sum3A_2557 = vector.multi_reduction <add>, %sqrt3A_2473, %reduce_sum3A_2556 [0] : vector<16x1xf32> to vector<1xf32>
    %broadcast_in_dim3A_2558 = vector.shape_cast %reduce_sum3A_2557 : vector<1xf32> to vector<1x1xf32>
    %reduce_sum3A_2559 = arith.constant dense<0.000000e+00> : vector<1xf32>
    %reduce_sum3A_2560 = vector.multi_reduction <add>, %sqrt3A_2478, %reduce_sum3A_2559 [0] : vector<16x1xf32> to vector<1xf32>
    %broadcast_in_dim3A_2561 = vector.shape_cast %reduce_sum3A_2560 : vector<1xf32> to vector<1x1xf32>
    %reduce_sum3A_2562 = arith.constant dense<0.000000e+00> : vector<1xf32>
    %reduce_sum3A_2563 = vector.multi_reduction <add>, %sqrt3A_2483, %reduce_sum3A_2562 [0] : vector<16x1xf32> to vector<1xf32>
    %broadcast_in_dim3A_2564 = vector.shape_cast %reduce_sum3A_2563 : vector<1xf32> to vector<1x1xf32>
    %reduce_sum3A_2565 = arith.constant dense<0.000000e+00> : vector<1xf32>
    %reduce_sum3A_2566 = vector.multi_reduction <add>, %sqrt3A_2488, %reduce_sum3A_2565 [0] : vector<16x1xf32> to vector<1xf32>
    %broadcast_in_dim3A_2567 = vector.shape_cast %reduce_sum3A_2566 : vector<1xf32> to vector<1x1xf32>
    %reduce_sum3A_2568 = arith.constant dense<0.000000e+00> : vector<1xf32>
    %reduce_sum3A_2569 = vector.multi_reduction <add>, %sqrt3A_2493, %reduce_sum3A_2568 [0] : vector<16x1xf32> to vector<1xf32>
    %broadcast_in_dim3A_2570 = vector.shape_cast %reduce_sum3A_2569 : vector<1xf32> to vector<1x1xf32>
    %reduce_sum3A_2571 = arith.constant dense<0.000000e+00> : vector<1xf32>
    %reduce_sum3A_2572 = vector.multi_reduction <add>, %sqrt3A_2498, %reduce_sum3A_2571 [0] : vector<16x1xf32> to vector<1xf32>
    %broadcast_in_dim3A_2573 = vector.shape_cast %reduce_sum3A_2572 : vector<1xf32> to vector<1x1xf32>
    %slice3A = vector.extract_strided_slice %dot_general3A_2251 {offsets = [0, 0], sizes = [4, 64], strides = [1, 1]} : vector<16x64xf32> to vector<4x64xf32>
    %slice3A_2574 = vector.extract_strided_slice %get3A_10 {offsets = [0, 0], sizes = [64, 128], strides = [1, 1]} : vector<256x128xf32> to vector<64x128xf32>
    %dot_general3A_2575 = arith.constant dense<0.000000e+00> : vector<4x128xf32>
    %dot_general3A_2576 = tpu.matmul %slice3A, %slice3A_2574, %dot_general3A_2575 {dimension_numbers = #tpu.dot_dimension_numbers<[1], [0], [0], [1], [0, 0, 1, 1], [], []>, transpose_lhs_hint = false} : vector<4x64xf32>, vector<64x128xf32>, vector<4x128xf32> -> vector<4x128xf32>
    %slice3A_2577 = vector.extract_strided_slice %dot_general3A_2253 {offsets = [0, 0], sizes = [4, 64], strides = [1, 1]} : vector<16x64xf32> to vector<4x64xf32>
    %slice3A_2578 = vector.extract_strided_slice %get3A_10 {offsets = [0, 0], sizes = [64, 128], strides = [1, 1]} : vector<256x128xf32> to vector<64x128xf32>
    %dot_general3A_2579 = arith.constant dense<0.000000e+00> : vector<4x128xf32>
    %dot_general3A_2580 = tpu.matmul %slice3A_2577, %slice3A_2578, %dot_general3A_2579 {dimension_numbers = #tpu.dot_dimension_numbers<[1], [0], [0], [1], [0, 0, 1, 1], [], []>, transpose_lhs_hint = false} : vector<4x64xf32>, vector<64x128xf32>, vector<4x128xf32> -> vector<4x128xf32>
    %slice3A_2581 = vector.extract_strided_slice %dot_general3A_2255 {offsets = [0, 0], sizes = [4, 64], strides = [1, 1]} : vector<16x64xf32> to vector<4x64xf32>
    %slice3A_2582 = vector.extract_strided_slice %get3A_10 {offsets = [0, 0], sizes = [64, 128], strides = [1, 1]} : vector<256x128xf32> to vector<64x128xf32>
    %dot_general3A_2583 = arith.constant dense<0.000000e+00> : vector<4x128xf32>
    %dot_general3A_2584 = tpu.matmul %slice3A_2581, %slice3A_2582, %dot_general3A_2583 {dimension_numbers = #tpu.dot_dimension_numbers<[1], [0], [0], [1], [0, 0, 1, 1], [], []>, transpose_lhs_hint = false} : vector<4x64xf32>, vector<64x128xf32>, vector<4x128xf32> -> vector<4x128xf32>
    %slice3A_2585 = vector.extract_strided_slice %dot_general3A_2257 {offsets = [0, 0], sizes = [4, 64], strides = [1, 1]} : vector<16x64xf32> to vector<4x64xf32>
    %slice3A_2586 = vector.extract_strided_slice %get3A_10 {offsets = [0, 0], sizes = [64, 128], strides = [1, 1]} : vector<256x128xf32> to vector<64x128xf32>
    %dot_general3A_2587 = arith.constant dense<0.000000e+00> : vector<4x128xf32>
    %dot_general3A_2588 = tpu.matmul %slice3A_2585, %slice3A_2586, %dot_general3A_2587 {dimension_numbers = #tpu.dot_dimension_numbers<[1], [0], [0], [1], [0, 0, 1, 1], [], []>, transpose_lhs_hint = false} : vector<4x64xf32>, vector<64x128xf32>, vector<4x128xf32> -> vector<4x128xf32>
    %slice3A_2589 = vector.extract_strided_slice %dot_general3A_2259 {offsets = [0, 0], sizes = [4, 64], strides = [1, 1]} : vector<16x64xf32> to vector<4x64xf32>
    %slice3A_2590 = vector.extract_strided_slice %get3A_10 {offsets = [0, 0], sizes = [64, 128], strides = [1, 1]} : vector<256x128xf32> to vector<64x128xf32>
    %dot_general3A_2591 = arith.constant dense<0.000000e+00> : vector<4x128xf32>
    %dot_general3A_2592 = tpu.matmul %slice3A_2589, %slice3A_2590, %dot_general3A_2591 {dimension_numbers = #tpu.dot_dimension_numbers<[1], [0], [0], [1], [0, 0, 1, 1], [], []>, transpose_lhs_hint = false} : vector<4x64xf32>, vector<64x128xf32>, vector<4x128xf32> -> vector<4x128xf32>
    %slice3A_2593 = vector.extract_strided_slice %dot_general3A_2261 {offsets = [0, 0], sizes = [4, 64], strides = [1, 1]} : vector<16x64xf32> to vector<4x64xf32>
    %slice3A_2594 = vector.extract_strided_slice %get3A_10 {offsets = [0, 0], sizes = [64, 128], strides = [1, 1]} : vector<256x128xf32> to vector<64x128xf32>
    %dot_general3A_2595 = arith.constant dense<0.000000e+00> : vector<4x128xf32>
    %dot_general3A_2596 = tpu.matmul %slice3A_2593, %slice3A_2594, %dot_general3A_2595 {dimension_numbers = #tpu.dot_dimension_numbers<[1], [0], [0], [1], [0, 0, 1, 1], [], []>, transpose_lhs_hint = false} : vector<4x64xf32>, vector<64x128xf32>, vector<4x128xf32> -> vector<4x128xf32>
    %slice3A_2597 = vector.extract_strided_slice %dot_general3A_2263 {offsets = [0, 0], sizes = [4, 64], strides = [1, 1]} : vector<16x64xf32> to vector<4x64xf32>
    %slice3A_2598 = vector.extract_strided_slice %get3A_10 {offsets = [0, 0], sizes = [64, 128], strides = [1, 1]} : vector<256x128xf32> to vector<64x128xf32>
    %dot_general3A_2599 = arith.constant dense<0.000000e+00> : vector<4x128xf32>
    %dot_general3A_2600 = tpu.matmul %slice3A_2597, %slice3A_2598, %dot_general3A_2599 {dimension_numbers = #tpu.dot_dimension_numbers<[1], [0], [0], [1], [0, 0, 1, 1], [], []>, transpose_lhs_hint = false} : vector<4x64xf32>, vector<64x128xf32>, vector<4x128xf32> -> vector<4x128xf32>
    %slice3A_2601 = vector.extract_strided_slice %dot_general3A_2265 {offsets = [0, 0], sizes = [4, 64], strides = [1, 1]} : vector<16x64xf32> to vector<4x64xf32>
    %slice3A_2602 = vector.extract_strided_slice %get3A_10 {offsets = [0, 0], sizes = [64, 128], strides = [1, 1]} : vector<256x128xf32> to vector<64x128xf32>
    %dot_general3A_2603 = arith.constant dense<0.000000e+00> : vector<4x128xf32>
    %dot_general3A_2604 = tpu.matmul %slice3A_2601, %slice3A_2602, %dot_general3A_2603 {dimension_numbers = #tpu.dot_dimension_numbers<[1], [0], [0], [1], [0, 0, 1, 1], [], []>, transpose_lhs_hint = false} : vector<4x64xf32>, vector<64x128xf32>, vector<4x128xf32> -> vector<4x128xf32>
    %slice3A_2605 = vector.extract_strided_slice %dot_general3A_2267 {offsets = [0, 0], sizes = [4, 64], strides = [1, 1]} : vector<16x64xf32> to vector<4x64xf32>
    %slice3A_2606 = vector.extract_strided_slice %get3A_10 {offsets = [0, 0], sizes = [64, 128], strides = [1, 1]} : vector<256x128xf32> to vector<64x128xf32>
    %dot_general3A_2607 = arith.constant dense<0.000000e+00> : vector<4x128xf32>
    %dot_general3A_2608 = tpu.matmul %slice3A_2605, %slice3A_2606, %dot_general3A_2607 {dimension_numbers = #tpu.dot_dimension_numbers<[1], [0], [0], [1], [0, 0, 1, 1], [], []>, transpose_lhs_hint = false} : vector<4x64xf32>, vector<64x128xf32>, vector<4x128xf32> -> vector<4x128xf32>
    %slice3A_2609 = vector.extract_strided_slice %dot_general3A_2269 {offsets = [0, 0], sizes = [4, 64], strides = [1, 1]} : vector<16x64xf32> to vector<4x64xf32>
    %slice3A_2610 = vector.extract_strided_slice %get3A_10 {offsets = [0, 0], sizes = [64, 128], strides = [1, 1]} : vector<256x128xf32> to vector<64x128xf32>
    %dot_general3A_2611 = arith.constant dense<0.000000e+00> : vector<4x128xf32>
    %dot_general3A_2612 = tpu.matmul %slice3A_2609, %slice3A_2610, %dot_general3A_2611 {dimension_numbers = #tpu.dot_dimension_numbers<[1], [0], [0], [1], [0, 0, 1, 1], [], []>, transpose_lhs_hint = false} : vector<4x64xf32>, vector<64x128xf32>, vector<4x128xf32> -> vector<4x128xf32>
    %slice3A_2613 = vector.extract_strided_slice %dot_general3A_2271 {offsets = [0, 0], sizes = [4, 64], strides = [1, 1]} : vector<16x64xf32> to vector<4x64xf32>
    %slice3A_2614 = vector.extract_strided_slice %get3A_10 {offsets = [0, 0], sizes = [64, 128], strides = [1, 1]} : vector<256x128xf32> to vector<64x128xf32>
    %dot_general3A_2615 = arith.constant dense<0.000000e+00> : vector<4x128xf32>
    %dot_general3A_2616 = tpu.matmul %slice3A_2613, %slice3A_2614, %dot_general3A_2615 {dimension_numbers = #tpu.dot_dimension_numbers<[1], [0], [0], [1], [0, 0, 1, 1], [], []>, transpose_lhs_hint = false} : vector<4x64xf32>, vector<64x128xf32>, vector<4x128xf32> -> vector<4x128xf32>
    %slice3A_2617 = vector.extract_strided_slice %dot_general3A_2273 {offsets = [0, 0], sizes = [4, 64], strides = [1, 1]} : vector<16x64xf32> to vector<4x64xf32>
    %slice3A_2618 = vector.extract_strided_slice %get3A_10 {offsets = [0, 0], sizes = [64, 128], strides = [1, 1]} : vector<256x128xf32> to vector<64x128xf32>
    %dot_general3A_2619 = arith.constant dense<0.000000e+00> : vector<4x128xf32>
    %dot_general3A_2620 = tpu.matmul %slice3A_2617, %slice3A_2618, %dot_general3A_2619 {dimension_numbers = #tpu.dot_dimension_numbers<[1], [0], [0], [1], [0, 0, 1, 1], [], []>, transpose_lhs_hint = false} : vector<4x64xf32>, vector<64x128xf32>, vector<4x128xf32> -> vector<4x128xf32>
    %slice3A_2621 = vector.extract_strided_slice %dot_general3A_2275 {offsets = [0, 0], sizes = [4, 64], strides = [1, 1]} : vector<16x64xf32> to vector<4x64xf32>
    %slice3A_2622 = vector.extract_strided_slice %get3A_10 {offsets = [0, 0], sizes = [64, 128], strides = [1, 1]} : vector<256x128xf32> to vector<64x128xf32>
    %dot_general3A_2623 = arith.constant dense<0.000000e+00> : vector<4x128xf32>
    %dot_general3A_2624 = tpu.matmul %slice3A_2621, %slice3A_2622, %dot_general3A_2623 {dimension_numbers = #tpu.dot_dimension_numbers<[1], [0], [0], [1], [0, 0, 1, 1], [], []>, transpose_lhs_hint = false} : vector<4x64xf32>, vector<64x128xf32>, vector<4x128xf32> -> vector<4x128xf32>
    %slice3A_2625 = vector.extract_strided_slice %dot_general3A_2277 {offsets = [0, 0], sizes = [4, 64], strides = [1, 1]} : vector<16x64xf32> to vector<4x64xf32>
    %slice3A_2626 = vector.extract_strided_slice %get3A_10 {offsets = [0, 0], sizes = [64, 128], strides = [1, 1]} : vector<256x128xf32> to vector<64x128xf32>
    %dot_general3A_2627 = arith.constant dense<0.000000e+00> : vector<4x128xf32>
    %dot_general3A_2628 = tpu.matmul %slice3A_2625, %slice3A_2626, %dot_general3A_2627 {dimension_numbers = #tpu.dot_dimension_numbers<[1], [0], [0], [1], [0, 0, 1, 1], [], []>, transpose_lhs_hint = false} : vector<4x64xf32>, vector<64x128xf32>, vector<4x128xf32> -> vector<4x128xf32>
    %slice3A_2629 = vector.extract_strided_slice %dot_general3A_2279 {offsets = [0, 0], sizes = [4, 64], strides = [1, 1]} : vector<16x64xf32> to vector<4x64xf32>
    %slice3A_2630 = vector.extract_strided_slice %get3A_10 {offsets = [0, 0], sizes = [64, 128], strides = [1, 1]} : vector<256x128xf32> to vector<64x128xf32>
    %dot_general3A_2631 = arith.constant dense<0.000000e+00> : vector<4x128xf32>
    %dot_general3A_2632 = tpu.matmul %slice3A_2629, %slice3A_2630, %dot_general3A_2631 {dimension_numbers = #tpu.dot_dimension_numbers<[1], [0], [0], [1], [0, 0, 1, 1], [], []>, transpose_lhs_hint = false} : vector<4x64xf32>, vector<64x128xf32>, vector<4x128xf32> -> vector<4x128xf32>
    %slice3A_2633 = vector.extract_strided_slice %dot_general3A_2281 {offsets = [0, 0], sizes = [4, 64], strides = [1, 1]} : vector<16x64xf32> to vector<4x64xf32>
    %slice3A_2634 = vector.extract_strided_slice %get3A_10 {offsets = [0, 0], sizes = [64, 128], strides = [1, 1]} : vector<256x128xf32> to vector<64x128xf32>
    %dot_general3A_2635 = arith.constant dense<0.000000e+00> : vector<4x128xf32>
    %dot_general3A_2636 = tpu.matmul %slice3A_2633, %slice3A_2634, %dot_general3A_2635 {dimension_numbers = #tpu.dot_dimension_numbers<[1], [0], [0], [1], [0, 0, 1, 1], [], []>, transpose_lhs_hint = false} : vector<4x64xf32>, vector<64x128xf32>, vector<4x128xf32> -> vector<4x128xf32>
    %slice3A_2637 = vector.extract_strided_slice %dot_general3A_2283 {offsets = [0, 0], sizes = [4, 64], strides = [1, 1]} : vector<16x64xf32> to vector<4x64xf32>
    %slice3A_2638 = vector.extract_strided_slice %get3A_10 {offsets = [0, 0], sizes = [64, 128], strides = [1, 1]} : vector<256x128xf32> to vector<64x128xf32>
    %dot_general3A_2639 = arith.constant dense<0.000000e+00> : vector<4x128xf32>
    %dot_general3A_2640 = tpu.matmul %slice3A_2637, %slice3A_2638, %dot_general3A_2639 {dimension_numbers = #tpu.dot_dimension_numbers<[1], [0], [0], [1], [0, 0, 1, 1], [], []>, transpose_lhs_hint = false} : vector<4x64xf32>, vector<64x128xf32>, vector<4x128xf32> -> vector<4x128xf32>
    %slice3A_2641 = vector.extract_strided_slice %dot_general3A_2285 {offsets = [0, 0], sizes = [4, 64], strides = [1, 1]} : vector<16x64xf32> to vector<4x64xf32>
    %slice3A_2642 = vector.extract_strided_slice %get3A_10 {offsets = [0, 0], sizes = [64, 128], strides = [1, 1]} : vector<256x128xf32> to vector<64x128xf32>
    %dot_general3A_2643 = arith.constant dense<0.000000e+00> : vector<4x128xf32>
    %dot_general3A_2644 = tpu.matmul %slice3A_2641, %slice3A_2642, %dot_general3A_2643 {dimension_numbers = #tpu.dot_dimension_numbers<[1], [0], [0], [1], [0, 0, 1, 1], [], []>, transpose_lhs_hint = false} : vector<4x64xf32>, vector<64x128xf32>, vector<4x128xf32> -> vector<4x128xf32>
    %slice3A_2645 = vector.extract_strided_slice %dot_general3A_2287 {offsets = [0, 0], sizes = [4, 64], strides = [1, 1]} : vector<16x64xf32> to vector<4x64xf32>
    %slice3A_2646 = vector.extract_strided_slice %get3A_10 {offsets = [0, 0], sizes = [64, 128], strides = [1, 1]} : vector<256x128xf32> to vector<64x128xf32>
    %dot_general3A_2647 = arith.constant dense<0.000000e+00> : vector<4x128xf32>
    %dot_general3A_2648 = tpu.matmul %slice3A_2645, %slice3A_2646, %dot_general3A_2647 {dimension_numbers = #tpu.dot_dimension_numbers<[1], [0], [0], [1], [0, 0, 1, 1], [], []>, transpose_lhs_hint = false} : vector<4x64xf32>, vector<64x128xf32>, vector<4x128xf32> -> vector<4x128xf32>
    %slice3A_2649 = vector.extract_strided_slice %dot_general3A_2289 {offsets = [0, 0], sizes = [4, 64], strides = [1, 1]} : vector<16x64xf32> to vector<4x64xf32>
    %slice3A_2650 = vector.extract_strided_slice %get3A_10 {offsets = [0, 0], sizes = [64, 128], strides = [1, 1]} : vector<256x128xf32> to vector<64x128xf32>
    %dot_general3A_2651 = arith.constant dense<0.000000e+00> : vector<4x128xf32>
    %dot_general3A_2652 = tpu.matmul %slice3A_2649, %slice3A_2650, %dot_general3A_2651 {dimension_numbers = #tpu.dot_dimension_numbers<[1], [0], [0], [1], [0, 0, 1, 1], [], []>, transpose_lhs_hint = false} : vector<4x64xf32>, vector<64x128xf32>, vector<4x128xf32> -> vector<4x128xf32>
    %slice3A_2653 = vector.extract_strided_slice %dot_general3A_2291 {offsets = [0, 0], sizes = [4, 64], strides = [1, 1]} : vector<16x64xf32> to vector<4x64xf32>
    %slice3A_2654 = vector.extract_strided_slice %get3A_10 {offsets = [0, 0], sizes = [64, 128], strides = [1, 1]} : vector<256x128xf32> to vector<64x128xf32>
    %dot_general3A_2655 = arith.constant dense<0.000000e+00> : vector<4x128xf32>
    %dot_general3A_2656 = tpu.matmul %slice3A_2653, %slice3A_2654, %dot_general3A_2655 {dimension_numbers = #tpu.dot_dimension_numbers<[1], [0], [0], [1], [0, 0, 1, 1], [], []>, transpose_lhs_hint = false} : vector<4x64xf32>, vector<64x128xf32>, vector<4x128xf32> -> vector<4x128xf32>
    %slice3A_2657 = vector.extract_strided_slice %dot_general3A_2293 {offsets = [0, 0], sizes = [4, 64], strides = [1, 1]} : vector<16x64xf32> to vector<4x64xf32>
    %slice3A_2658 = vector.extract_strided_slice %get3A_10 {offsets = [0, 0], sizes = [64, 128], strides = [1, 1]} : vector<256x128xf32> to vector<64x128xf32>
    %dot_general3A_2659 = arith.constant dense<0.000000e+00> : vector<4x128xf32>
    %dot_general3A_2660 = tpu.matmul %slice3A_2657, %slice3A_2658, %dot_general3A_2659 {dimension_numbers = #tpu.dot_dimension_numbers<[1], [0], [0], [1], [0, 0, 1, 1], [], []>, transpose_lhs_hint = false} : vector<4x64xf32>, vector<64x128xf32>, vector<4x128xf32> -> vector<4x128xf32>
    %slice3A_2661 = vector.extract_strided_slice %dot_general3A_2295 {offsets = [0, 0], sizes = [4, 64], strides = [1, 1]} : vector<16x64xf32> to vector<4x64xf32>
    %slice3A_2662 = vector.extract_strided_slice %get3A_10 {offsets = [0, 0], sizes = [64, 128], strides = [1, 1]} : vector<256x128xf32> to vector<64x128xf32>
    %dot_general3A_2663 = arith.constant dense<0.000000e+00> : vector<4x128xf32>
    %dot_general3A_2664 = tpu.matmul %slice3A_2661, %slice3A_2662, %dot_general3A_2663 {dimension_numbers = #tpu.dot_dimension_numbers<[1], [0], [0], [1], [0, 0, 1, 1], [], []>, transpose_lhs_hint = false} : vector<4x64xf32>, vector<64x128xf32>, vector<4x128xf32> -> vector<4x128xf32>
    %slice3A_2665 = vector.extract_strided_slice %dot_general3A_2297 {offsets = [0, 0], sizes = [4, 64], strides = [1, 1]} : vector<16x64xf32> to vector<4x64xf32>
    %slice3A_2666 = vector.extract_strided_slice %get3A_10 {offsets = [0, 0], sizes = [64, 128], strides = [1, 1]} : vector<256x128xf32> to vector<64x128xf32>
    %dot_general3A_2667 = arith.constant dense<0.000000e+00> : vector<4x128xf32>
    %dot_general3A_2668 = tpu.matmul %slice3A_2665, %slice3A_2666, %dot_general3A_2667 {dimension_numbers = #tpu.dot_dimension_numbers<[1], [0], [0], [1], [0, 0, 1, 1], [], []>, transpose_lhs_hint = false} : vector<4x64xf32>, vector<64x128xf32>, vector<4x128xf32> -> vector<4x128xf32>
    %slice3A_2669 = vector.extract_strided_slice %dot_general3A_2299 {offsets = [0, 0], sizes = [4, 64], strides = [1, 1]} : vector<16x64xf32> to vector<4x64xf32>
    %slice3A_2670 = vector.extract_strided_slice %get3A_10 {offsets = [0, 0], sizes = [64, 128], strides = [1, 1]} : vector<256x128xf32> to vector<64x128xf32>
    %dot_general3A_2671 = arith.constant dense<0.000000e+00> : vector<4x128xf32>
    %dot_general3A_2672 = tpu.matmul %slice3A_2669, %slice3A_2670, %dot_general3A_2671 {dimension_numbers = #tpu.dot_dimension_numbers<[1], [0], [0], [1], [0, 0, 1, 1], [], []>, transpose_lhs_hint = false} : vector<4x64xf32>, vector<64x128xf32>, vector<4x128xf32> -> vector<4x128xf32>
    %slice3A_2673 = vector.extract_strided_slice %dot_general3A_2251 {offsets = [4, 0], sizes = [4, 64], strides = [1, 1]} : vector<16x64xf32> to vector<4x64xf32>
    %slice3A_2674 = vector.extract_strided_slice %get3A_10 {offsets = [64, 0], sizes = [64, 128], strides = [1, 1]} : vector<256x128xf32> to vector<64x128xf32>
    %dot_general3A_2675 = arith.constant dense<0.000000e+00> : vector<4x128xf32>
    %dot_general3A_2676 = tpu.matmul %slice3A_2673, %slice3A_2674, %dot_general3A_2675 {dimension_numbers = #tpu.dot_dimension_numbers<[1], [0], [0], [1], [0, 0, 1, 1], [], []>, transpose_lhs_hint = false} : vector<4x64xf32>, vector<64x128xf32>, vector<4x128xf32> -> vector<4x128xf32>
    %add3A_2677 = arith.addf %dot_general3A_2576, %dot_general3A_2676 : vector<4x128xf32>
    %slice3A_2678 = vector.extract_strided_slice %dot_general3A_2253 {offsets = [4, 0], sizes = [4, 64], strides = [1, 1]} : vector<16x64xf32> to vector<4x64xf32>
    %slice3A_2679 = vector.extract_strided_slice %get3A_10 {offsets = [64, 0], sizes = [64, 128], strides = [1, 1]} : vector<256x128xf32> to vector<64x128xf32>
    %dot_general3A_2680 = arith.constant dense<0.000000e+00> : vector<4x128xf32>
    %dot_general3A_2681 = tpu.matmul %slice3A_2678, %slice3A_2679, %dot_general3A_2680 {dimension_numbers = #tpu.dot_dimension_numbers<[1], [0], [0], [1], [0, 0, 1, 1], [], []>, transpose_lhs_hint = false} : vector<4x64xf32>, vector<64x128xf32>, vector<4x128xf32> -> vector<4x128xf32>
    %add3A_2682 = arith.addf %dot_general3A_2580, %dot_general3A_2681 : vector<4x128xf32>
    %slice3A_2683 = vector.extract_strided_slice %dot_general3A_2255 {offsets = [4, 0], sizes = [4, 64], strides = [1, 1]} : vector<16x64xf32> to vector<4x64xf32>
    %slice3A_2684 = vector.extract_strided_slice %get3A_10 {offsets = [64, 0], sizes = [64, 128], strides = [1, 1]} : vector<256x128xf32> to vector<64x128xf32>
    %dot_general3A_2685 = arith.constant dense<0.000000e+00> : vector<4x128xf32>
    %dot_general3A_2686 = tpu.matmul %slice3A_2683, %slice3A_2684, %dot_general3A_2685 {dimension_numbers = #tpu.dot_dimension_numbers<[1], [0], [0], [1], [0, 0, 1, 1], [], []>, transpose_lhs_hint = false} : vector<4x64xf32>, vector<64x128xf32>, vector<4x128xf32> -> vector<4x128xf32>
    %add3A_2687 = arith.addf %dot_general3A_2584, %dot_general3A_2686 : vector<4x128xf32>
    %slice3A_2688 = vector.extract_strided_slice %dot_general3A_2257 {offsets = [4, 0], sizes = [4, 64], strides = [1, 1]} : vector<16x64xf32> to vector<4x64xf32>
    %slice3A_2689 = vector.extract_strided_slice %get3A_10 {offsets = [64, 0], sizes = [64, 128], strides = [1, 1]} : vector<256x128xf32> to vector<64x128xf32>
    %dot_general3A_2690 = arith.constant dense<0.000000e+00> : vector<4x128xf32>
    %dot_general3A_2691 = tpu.matmul %slice3A_2688, %slice3A_2689, %dot_general3A_2690 {dimension_numbers = #tpu.dot_dimension_numbers<[1], [0], [0], [1], [0, 0, 1, 1], [], []>, transpose_lhs_hint = false} : vector<4x64xf32>, vector<64x128xf32>, vector<4x128xf32> -> vector<4x128xf32>
    %add3A_2692 = arith.addf %dot_general3A_2588, %dot_general3A_2691 : vector<4x128xf32>
    %slice3A_2693 = vector.extract_strided_slice %dot_general3A_2259 {offsets = [4, 0], sizes = [4, 64], strides = [1, 1]} : vector<16x64xf32> to vector<4x64xf32>
    %slice3A_2694 = vector.extract_strided_slice %get3A_10 {offsets = [64, 0], sizes = [64, 128], strides = [1, 1]} : vector<256x128xf32> to vector<64x128xf32>
    %dot_general3A_2695 = arith.constant dense<0.000000e+00> : vector<4x128xf32>
    %dot_general3A_2696 = tpu.matmul %slice3A_2693, %slice3A_2694, %dot_general3A_2695 {dimension_numbers = #tpu.dot_dimension_numbers<[1], [0], [0], [1], [0, 0, 1, 1], [], []>, transpose_lhs_hint = false} : vector<4x64xf32>, vector<64x128xf32>, vector<4x128xf32> -> vector<4x128xf32>
    %add3A_2697 = arith.addf %dot_general3A_2592, %dot_general3A_2696 : vector<4x128xf32>
    %slice3A_2698 = vector.extract_strided_slice %dot_general3A_2261 {offsets = [4, 0], sizes = [4, 64], strides = [1, 1]} : vector<16x64xf32> to vector<4x64xf32>
    %slice3A_2699 = vector.extract_strided_slice %get3A_10 {offsets = [64, 0], sizes = [64, 128], strides = [1, 1]} : vector<256x128xf32> to vector<64x128xf32>
    %dot_general3A_2700 = arith.constant dense<0.000000e+00> : vector<4x128xf32>
    %dot_general3A_2701 = tpu.matmul %slice3A_2698, %slice3A_2699, %dot_general3A_2700 {dimension_numbers = #tpu.dot_dimension_numbers<[1], [0], [0], [1], [0, 0, 1, 1], [], []>, transpose_lhs_hint = false} : vector<4x64xf32>, vector<64x128xf32>, vector<4x128xf32> -> vector<4x128xf32>
    %add3A_2702 = arith.addf %dot_general3A_2596, %dot_general3A_2701 : vector<4x128xf32>
    %slice3A_2703 = vector.extract_strided_slice %dot_general3A_2263 {offsets = [4, 0], sizes = [4, 64], strides = [1, 1]} : vector<16x64xf32> to vector<4x64xf32>
    %slice3A_2704 = vector.extract_strided_slice %get3A_10 {offsets = [64, 0], sizes = [64, 128], strides = [1, 1]} : vector<256x128xf32> to vector<64x128xf32>
    %dot_general3A_2705 = arith.constant dense<0.000000e+00> : vector<4x128xf32>
    %dot_general3A_2706 = tpu.matmul %slice3A_2703, %slice3A_2704, %dot_general3A_2705 {dimension_numbers = #tpu.dot_dimension_numbers<[1], [0], [0], [1], [0, 0, 1, 1], [], []>, transpose_lhs_hint = false} : vector<4x64xf32>, vector<64x128xf32>, vector<4x128xf32> -> vector<4x128xf32>
    %add3A_2707 = arith.addf %dot_general3A_2600, %dot_general3A_2706 : vector<4x128xf32>
    %slice3A_2708 = vector.extract_strided_slice %dot_general3A_2265 {offsets = [4, 0], sizes = [4, 64], strides = [1, 1]} : vector<16x64xf32> to vector<4x64xf32>
    %slice3A_2709 = vector.extract_strided_slice %get3A_10 {offsets = [64, 0], sizes = [64, 128], strides = [1, 1]} : vector<256x128xf32> to vector<64x128xf32>
    %dot_general3A_2710 = arith.constant dense<0.000000e+00> : vector<4x128xf32>
    %dot_general3A_2711 = tpu.matmul %slice3A_2708, %slice3A_2709, %dot_general3A_2710 {dimension_numbers = #tpu.dot_dimension_numbers<[1], [0], [0], [1], [0, 0, 1, 1], [], []>, transpose_lhs_hint = false} : vector<4x64xf32>, vector<64x128xf32>, vector<4x128xf32> -> vector<4x128xf32>
    %add3A_2712 = arith.addf %dot_general3A_2604, %dot_general3A_2711 : vector<4x128xf32>
    %slice3A_2713 = vector.extract_strided_slice %dot_general3A_2267 {offsets = [4, 0], sizes = [4, 64], strides = [1, 1]} : vector<16x64xf32> to vector<4x64xf32>
    %slice3A_2714 = vector.extract_strided_slice %get3A_10 {offsets = [64, 0], sizes = [64, 128], strides = [1, 1]} : vector<256x128xf32> to vector<64x128xf32>
    %dot_general3A_2715 = arith.constant dense<0.000000e+00> : vector<4x128xf32>
    %dot_general3A_2716 = tpu.matmul %slice3A_2713, %slice3A_2714, %dot_general3A_2715 {dimension_numbers = #tpu.dot_dimension_numbers<[1], [0], [0], [1], [0, 0, 1, 1], [], []>, transpose_lhs_hint = false} : vector<4x64xf32>, vector<64x128xf32>, vector<4x128xf32> -> vector<4x128xf32>
    %add3A_2717 = arith.addf %dot_general3A_2608, %dot_general3A_2716 : vector<4x128xf32>
    %slice3A_2718 = vector.extract_strided_slice %dot_general3A_2269 {offsets = [4, 0], sizes = [4, 64], strides = [1, 1]} : vector<16x64xf32> to vector<4x64xf32>
    %slice3A_2719 = vector.extract_strided_slice %get3A_10 {offsets = [64, 0], sizes = [64, 128], strides = [1, 1]} : vector<256x128xf32> to vector<64x128xf32>
    %dot_general3A_2720 = arith.constant dense<0.000000e+00> : vector<4x128xf32>
    %dot_general3A_2721 = tpu.matmul %slice3A_2718, %slice3A_2719, %dot_general3A_2720 {dimension_numbers = #tpu.dot_dimension_numbers<[1], [0], [0], [1], [0, 0, 1, 1], [], []>, transpose_lhs_hint = false} : vector<4x64xf32>, vector<64x128xf32>, vector<4x128xf32> -> vector<4x128xf32>
    %add3A_2722 = arith.addf %dot_general3A_2612, %dot_general3A_2721 : vector<4x128xf32>
    %slice3A_2723 = vector.extract_strided_slice %dot_general3A_2271 {offsets = [4, 0], sizes = [4, 64], strides = [1, 1]} : vector<16x64xf32> to vector<4x64xf32>
    %slice3A_2724 = vector.extract_strided_slice %get3A_10 {offsets = [64, 0], sizes = [64, 128], strides = [1, 1]} : vector<256x128xf32> to vector<64x128xf32>
    %dot_general3A_2725 = arith.constant dense<0.000000e+00> : vector<4x128xf32>
    %dot_general3A_2726 = tpu.matmul %slice3A_2723, %slice3A_2724, %dot_general3A_2725 {dimension_numbers = #tpu.dot_dimension_numbers<[1], [0], [0], [1], [0, 0, 1, 1], [], []>, transpose_lhs_hint = false} : vector<4x64xf32>, vector<64x128xf32>, vector<4x128xf32> -> vector<4x128xf32>
    %add3A_2727 = arith.addf %dot_general3A_2616, %dot_general3A_2726 : vector<4x128xf32>
    %slice3A_2728 = vector.extract_strided_slice %dot_general3A_2273 {offsets = [4, 0], sizes = [4, 64], strides = [1, 1]} : vector<16x64xf32> to vector<4x64xf32>
    %slice3A_2729 = vector.extract_strided_slice %get3A_10 {offsets = [64, 0], sizes = [64, 128], strides = [1, 1]} : vector<256x128xf32> to vector<64x128xf32>
    %dot_general3A_2730 = arith.constant dense<0.000000e+00> : vector<4x128xf32>
    %dot_general3A_2731 = tpu.matmul %slice3A_2728, %slice3A_2729, %dot_general3A_2730 {dimension_numbers = #tpu.dot_dimension_numbers<[1], [0], [0], [1], [0, 0, 1, 1], [], []>, transpose_lhs_hint = false} : vector<4x64xf32>, vector<64x128xf32>, vector<4x128xf32> -> vector<4x128xf32>
    %add3A_2732 = arith.addf %dot_general3A_2620, %dot_general3A_2731 : vector<4x128xf32>
    %slice3A_2733 = vector.extract_strided_slice %dot_general3A_2275 {offsets = [4, 0], sizes = [4, 64], strides = [1, 1]} : vector<16x64xf32> to vector<4x64xf32>
    %slice3A_2734 = vector.extract_strided_slice %get3A_10 {offsets = [64, 0], sizes = [64, 128], strides = [1, 1]} : vector<256x128xf32> to vector<64x128xf32>
    %dot_general3A_2735 = arith.constant dense<0.000000e+00> : vector<4x128xf32>
    %dot_general3A_2736 = tpu.matmul %slice3A_2733, %slice3A_2734, %dot_general3A_2735 {dimension_numbers = #tpu.dot_dimension_numbers<[1], [0], [0], [1], [0, 0, 1, 1], [], []>, transpose_lhs_hint = false} : vector<4x64xf32>, vector<64x128xf32>, vector<4x128xf32> -> vector<4x128xf32>
    %add3A_2737 = arith.addf %dot_general3A_2624, %dot_general3A_2736 : vector<4x128xf32>
    %slice3A_2738 = vector.extract_strided_slice %dot_general3A_2277 {offsets = [4, 0], sizes = [4, 64], strides = [1, 1]} : vector<16x64xf32> to vector<4x64xf32>
    %slice3A_2739 = vector.extract_strided_slice %get3A_10 {offsets = [64, 0], sizes = [64, 128], strides = [1, 1]} : vector<256x128xf32> to vector<64x128xf32>
    %dot_general3A_2740 = arith.constant dense<0.000000e+00> : vector<4x128xf32>
    %dot_general3A_2741 = tpu.matmul %slice3A_2738, %slice3A_2739, %dot_general3A_2740 {dimension_numbers = #tpu.dot_dimension_numbers<[1], [0], [0], [1], [0, 0, 1, 1], [], []>, transpose_lhs_hint = false} : vector<4x64xf32>, vector<64x128xf32>, vector<4x128xf32> -> vector<4x128xf32>
    %add3A_2742 = arith.addf %dot_general3A_2628, %dot_general3A_2741 : vector<4x128xf32>
    %slice3A_2743 = vector.extract_strided_slice %dot_general3A_2279 {offsets = [4, 0], sizes = [4, 64], strides = [1, 1]} : vector<16x64xf32> to vector<4x64xf32>
    %slice3A_2744 = vector.extract_strided_slice %get3A_10 {offsets = [64, 0], sizes = [64, 128], strides = [1, 1]} : vector<256x128xf32> to vector<64x128xf32>
    %dot_general3A_2745 = arith.constant dense<0.000000e+00> : vector<4x128xf32>
    %dot_general3A_2746 = tpu.matmul %slice3A_2743, %slice3A_2744, %dot_general3A_2745 {dimension_numbers = #tpu.dot_dimension_numbers<[1], [0], [0], [1], [0, 0, 1, 1], [], []>, transpose_lhs_hint = false} : vector<4x64xf32>, vector<64x128xf32>, vector<4x128xf32> -> vector<4x128xf32>
    %add3A_2747 = arith.addf %dot_general3A_2632, %dot_general3A_2746 : vector<4x128xf32>
    %slice3A_2748 = vector.extract_strided_slice %dot_general3A_2281 {offsets = [4, 0], sizes = [4, 64], strides = [1, 1]} : vector<16x64xf32> to vector<4x64xf32>
    %slice3A_2749 = vector.extract_strided_slice %get3A_10 {offsets = [64, 0], sizes = [64, 128], strides = [1, 1]} : vector<256x128xf32> to vector<64x128xf32>
    %dot_general3A_2750 = arith.constant dense<0.000000e+00> : vector<4x128xf32>
    %dot_general3A_2751 = tpu.matmul %slice3A_2748, %slice3A_2749, %dot_general3A_2750 {dimension_numbers = #tpu.dot_dimension_numbers<[1], [0], [0], [1], [0, 0, 1, 1], [], []>, transpose_lhs_hint = false} : vector<4x64xf32>, vector<64x128xf32>, vector<4x128xf32> -> vector<4x128xf32>
    %add3A_2752 = arith.addf %dot_general3A_2636, %dot_general3A_2751 : vector<4x128xf32>
    %slice3A_2753 = vector.extract_strided_slice %dot_general3A_2283 {offsets = [4, 0], sizes = [4, 64], strides = [1, 1]} : vector<16x64xf32> to vector<4x64xf32>
    %slice3A_2754 = vector.extract_strided_slice %get3A_10 {offsets = [64, 0], sizes = [64, 128], strides = [1, 1]} : vector<256x128xf32> to vector<64x128xf32>
    %dot_general3A_2755 = arith.constant dense<0.000000e+00> : vector<4x128xf32>
    %dot_general3A_2756 = tpu.matmul %slice3A_2753, %slice3A_2754, %dot_general3A_2755 {dimension_numbers = #tpu.dot_dimension_numbers<[1], [0], [0], [1], [0, 0, 1, 1], [], []>, transpose_lhs_hint = false} : vector<4x64xf32>, vector<64x128xf32>, vector<4x128xf32> -> vector<4x128xf32>
    %add3A_2757 = arith.addf %dot_general3A_2640, %dot_general3A_2756 : vector<4x128xf32>
    %slice3A_2758 = vector.extract_strided_slice %dot_general3A_2285 {offsets = [4, 0], sizes = [4, 64], strides = [1, 1]} : vector<16x64xf32> to vector<4x64xf32>
    %slice3A_2759 = vector.extract_strided_slice %get3A_10 {offsets = [64, 0], sizes = [64, 128], strides = [1, 1]} : vector<256x128xf32> to vector<64x128xf32>
    %dot_general3A_2760 = arith.constant dense<0.000000e+00> : vector<4x128xf32>
    %dot_general3A_2761 = tpu.matmul %slice3A_2758, %slice3A_2759, %dot_general3A_2760 {dimension_numbers = #tpu.dot_dimension_numbers<[1], [0], [0], [1], [0, 0, 1, 1], [], []>, transpose_lhs_hint = false} : vector<4x64xf32>, vector<64x128xf32>, vector<4x128xf32> -> vector<4x128xf32>
    %add3A_2762 = arith.addf %dot_general3A_2644, %dot_general3A_2761 : vector<4x128xf32>
    %slice3A_2763 = vector.extract_strided_slice %dot_general3A_2287 {offsets = [4, 0], sizes = [4, 64], strides = [1, 1]} : vector<16x64xf32> to vector<4x64xf32>
    %slice3A_2764 = vector.extract_strided_slice %get3A_10 {offsets = [64, 0], sizes = [64, 128], strides = [1, 1]} : vector<256x128xf32> to vector<64x128xf32>
    %dot_general3A_2765 = arith.constant dense<0.000000e+00> : vector<4x128xf32>
    %dot_general3A_2766 = tpu.matmul %slice3A_2763, %slice3A_2764, %dot_general3A_2765 {dimension_numbers = #tpu.dot_dimension_numbers<[1], [0], [0], [1], [0, 0, 1, 1], [], []>, transpose_lhs_hint = false} : vector<4x64xf32>, vector<64x128xf32>, vector<4x128xf32> -> vector<4x128xf32>
    %add3A_2767 = arith.addf %dot_general3A_2648, %dot_general3A_2766 : vector<4x128xf32>
    %slice3A_2768 = vector.extract_strided_slice %dot_general3A_2289 {offsets = [4, 0], sizes = [4, 64], strides = [1, 1]} : vector<16x64xf32> to vector<4x64xf32>
    %slice3A_2769 = vector.extract_strided_slice %get3A_10 {offsets = [64, 0], sizes = [64, 128], strides = [1, 1]} : vector<256x128xf32> to vector<64x128xf32>
    %dot_general3A_2770 = arith.constant dense<0.000000e+00> : vector<4x128xf32>
    %dot_general3A_2771 = tpu.matmul %slice3A_2768, %slice3A_2769, %dot_general3A_2770 {dimension_numbers = #tpu.dot_dimension_numbers<[1], [0], [0], [1], [0, 0, 1, 1], [], []>, transpose_lhs_hint = false} : vector<4x64xf32>, vector<64x128xf32>, vector<4x128xf32> -> vector<4x128xf32>
    %add3A_2772 = arith.addf %dot_general3A_2652, %dot_general3A_2771 : vector<4x128xf32>
    %slice3A_2773 = vector.extract_strided_slice %dot_general3A_2291 {offsets = [4, 0], sizes = [4, 64], strides = [1, 1]} : vector<16x64xf32> to vector<4x64xf32>
    %slice3A_2774 = vector.extract_strided_slice %get3A_10 {offsets = [64, 0], sizes = [64, 128], strides = [1, 1]} : vector<256x128xf32> to vector<64x128xf32>
    %dot_general3A_2775 = arith.constant dense<0.000000e+00> : vector<4x128xf32>
    %dot_general3A_2776 = tpu.matmul %slice3A_2773, %slice3A_2774, %dot_general3A_2775 {dimension_numbers = #tpu.dot_dimension_numbers<[1], [0], [0], [1], [0, 0, 1, 1], [], []>, transpose_lhs_hint = false} : vector<4x64xf32>, vector<64x128xf32>, vector<4x128xf32> -> vector<4x128xf32>
    %add3A_2777 = arith.addf %dot_general3A_2656, %dot_general3A_2776 : vector<4x128xf32>
    %slice3A_2778 = vector.extract_strided_slice %dot_general3A_2293 {offsets = [4, 0], sizes = [4, 64], strides = [1, 1]} : vector<16x64xf32> to vector<4x64xf32>
    %slice3A_2779 = vector.extract_strided_slice %get3A_10 {offsets = [64, 0], sizes = [64, 128], strides = [1, 1]} : vector<256x128xf32> to vector<64x128xf32>
    %dot_general3A_2780 = arith.constant dense<0.000000e+00> : vector<4x128xf32>
    %dot_general3A_2781 = tpu.matmul %slice3A_2778, %slice3A_2779, %dot_general3A_2780 {dimension_numbers = #tpu.dot_dimension_numbers<[1], [0], [0], [1], [0, 0, 1, 1], [], []>, transpose_lhs_hint = false} : vector<4x64xf32>, vector<64x128xf32>, vector<4x128xf32> -> vector<4x128xf32>
    %add3A_2782 = arith.addf %dot_general3A_2660, %dot_general3A_2781 : vector<4x128xf32>
    %slice3A_2783 = vector.extract_strided_slice %dot_general3A_2295 {offsets = [4, 0], sizes = [4, 64], strides = [1, 1]} : vector<16x64xf32> to vector<4x64xf32>
    %slice3A_2784 = vector.extract_strided_slice %get3A_10 {offsets = [64, 0], sizes = [64, 128], strides = [1, 1]} : vector<256x128xf32> to vector<64x128xf32>
    %dot_general3A_2785 = arith.constant dense<0.000000e+00> : vector<4x128xf32>
    %dot_general3A_2786 = tpu.matmul %slice3A_2783, %slice3A_2784, %dot_general3A_2785 {dimension_numbers = #tpu.dot_dimension_numbers<[1], [0], [0], [1], [0, 0, 1, 1], [], []>, transpose_lhs_hint = false} : vector<4x64xf32>, vector<64x128xf32>, vector<4x128xf32> -> vector<4x128xf32>
    %add3A_2787 = arith.addf %dot_general3A_2664, %dot_general3A_2786 : vector<4x128xf32>
    %slice3A_2788 = vector.extract_strided_slice %dot_general3A_2297 {offsets = [4, 0], sizes = [4, 64], strides = [1, 1]} : vector<16x64xf32> to vector<4x64xf32>
    %slice3A_2789 = vector.extract_strided_slice %get3A_10 {offsets = [64, 0], sizes = [64, 128], strides = [1, 1]} : vector<256x128xf32> to vector<64x128xf32>
    %dot_general3A_2790 = arith.constant dense<0.000000e+00> : vector<4x128xf32>
    %dot_general3A_2791 = tpu.matmul %slice3A_2788, %slice3A_2789, %dot_general3A_2790 {dimension_numbers = #tpu.dot_dimension_numbers<[1], [0], [0], [1], [0, 0, 1, 1], [], []>, transpose_lhs_hint = false} : vector<4x64xf32>, vector<64x128xf32>, vector<4x128xf32> -> vector<4x128xf32>
    %add3A_2792 = arith.addf %dot_general3A_2668, %dot_general3A_2791 : vector<4x128xf32>
    %slice3A_2793 = vector.extract_strided_slice %dot_general3A_2299 {offsets = [4, 0], sizes = [4, 64], strides = [1, 1]} : vector<16x64xf32> to vector<4x64xf32>
    %slice3A_2794 = vector.extract_strided_slice %get3A_10 {offsets = [64, 0], sizes = [64, 128], strides = [1, 1]} : vector<256x128xf32> to vector<64x128xf32>
    %dot_general3A_2795 = arith.constant dense<0.000000e+00> : vector<4x128xf32>
    %dot_general3A_2796 = tpu.matmul %slice3A_2793, %slice3A_2794, %dot_general3A_2795 {dimension_numbers = #tpu.dot_dimension_numbers<[1], [0], [0], [1], [0, 0, 1, 1], [], []>, transpose_lhs_hint = false} : vector<4x64xf32>, vector<64x128xf32>, vector<4x128xf32> -> vector<4x128xf32>
    %add3A_2797 = arith.addf %dot_general3A_2672, %dot_general3A_2796 : vector<4x128xf32>
    %slice3A_2798 = vector.extract_strided_slice %dot_general3A_2251 {offsets = [8, 0], sizes = [4, 64], strides = [1, 1]} : vector<16x64xf32> to vector<4x64xf32>
    %slice3A_2799 = vector.extract_strided_slice %get3A_10 {offsets = [128, 0], sizes = [64, 128], strides = [1, 1]} : vector<256x128xf32> to vector<64x128xf32>
    %dot_general3A_2800 = arith.constant dense<0.000000e+00> : vector<4x128xf32>
    %dot_general3A_2801 = tpu.matmul %slice3A_2798, %slice3A_2799, %dot_general3A_2800 {dimension_numbers = #tpu.dot_dimension_numbers<[1], [0], [0], [1], [0, 0, 1, 1], [], []>, transpose_lhs_hint = false} : vector<4x64xf32>, vector<64x128xf32>, vector<4x128xf32> -> vector<4x128xf32>
    %add3A_2802 = arith.addf %add3A_2677, %dot_general3A_2801 : vector<4x128xf32>
    %slice3A_2803 = vector.extract_strided_slice %dot_general3A_2253 {offsets = [8, 0], sizes = [4, 64], strides = [1, 1]} : vector<16x64xf32> to vector<4x64xf32>
    %slice3A_2804 = vector.extract_strided_slice %get3A_10 {offsets = [128, 0], sizes = [64, 128], strides = [1, 1]} : vector<256x128xf32> to vector<64x128xf32>
    %dot_general3A_2805 = arith.constant dense<0.000000e+00> : vector<4x128xf32>
    %dot_general3A_2806 = tpu.matmul %slice3A_2803, %slice3A_2804, %dot_general3A_2805 {dimension_numbers = #tpu.dot_dimension_numbers<[1], [0], [0], [1], [0, 0, 1, 1], [], []>, transpose_lhs_hint = false} : vector<4x64xf32>, vector<64x128xf32>, vector<4x128xf32> -> vector<4x128xf32>
    %add3A_2807 = arith.addf %add3A_2682, %dot_general3A_2806 : vector<4x128xf32>
    %slice3A_2808 = vector.extract_strided_slice %dot_general3A_2255 {offsets = [8, 0], sizes = [4, 64], strides = [1, 1]} : vector<16x64xf32> to vector<4x64xf32>
    %slice3A_2809 = vector.extract_strided_slice %get3A_10 {offsets = [128, 0], sizes = [64, 128], strides = [1, 1]} : vector<256x128xf32> to vector<64x128xf32>
    %dot_general3A_2810 = arith.constant dense<0.000000e+00> : vector<4x128xf32>
    %dot_general3A_2811 = tpu.matmul %slice3A_2808, %slice3A_2809, %dot_general3A_2810 {dimension_numbers = #tpu.dot_dimension_numbers<[1], [0], [0], [1], [0, 0, 1, 1], [], []>, transpose_lhs_hint = false} : vector<4x64xf32>, vector<64x128xf32>, vector<4x128xf32> -> vector<4x128xf32>
    %add3A_2812 = arith.addf %add3A_2687, %dot_general3A_2811 : vector<4x128xf32>
    %slice3A_2813 = vector.extract_strided_slice %dot_general3A_2257 {offsets = [8, 0], sizes = [4, 64], strides = [1, 1]} : vector<16x64xf32> to vector<4x64xf32>
    %slice3A_2814 = vector.extract_strided_slice %get3A_10 {offsets = [128, 0], sizes = [64, 128], strides = [1, 1]} : vector<256x128xf32> to vector<64x128xf32>
    %dot_general3A_2815 = arith.constant dense<0.000000e+00> : vector<4x128xf32>
    %dot_general3A_2816 = tpu.matmul %slice3A_2813, %slice3A_2814, %dot_general3A_2815 {dimension_numbers = #tpu.dot_dimension_numbers<[1], [0], [0], [1], [0, 0, 1, 1], [], []>, transpose_lhs_hint = false} : vector<4x64xf32>, vector<64x128xf32>, vector<4x128xf32> -> vector<4x128xf32>
    %add3A_2817 = arith.addf %add3A_2692, %dot_general3A_2816 : vector<4x128xf32>
    %slice3A_2818 = vector.extract_strided_slice %dot_general3A_2259 {offsets = [8, 0], sizes = [4, 64], strides = [1, 1]} : vector<16x64xf32> to vector<4x64xf32>
    %slice3A_2819 = vector.extract_strided_slice %get3A_10 {offsets = [128, 0], sizes = [64, 128], strides = [1, 1]} : vector<256x128xf32> to vector<64x128xf32>
    %dot_general3A_2820 = arith.constant dense<0.000000e+00> : vector<4x128xf32>
    %dot_general3A_2821 = tpu.matmul %slice3A_2818, %slice3A_2819, %dot_general3A_2820 {dimension_numbers = #tpu.dot_dimension_numbers<[1], [0], [0], [1], [0, 0, 1, 1], [], []>, transpose_lhs_hint = false} : vector<4x64xf32>, vector<64x128xf32>, vector<4x128xf32> -> vector<4x128xf32>
    %add3A_2822 = arith.addf %add3A_2697, %dot_general3A_2821 : vector<4x128xf32>
    %slice3A_2823 = vector.extract_strided_slice %dot_general3A_2261 {offsets = [8, 0], sizes = [4, 64], strides = [1, 1]} : vector<16x64xf32> to vector<4x64xf32>
    %slice3A_2824 = vector.extract_strided_slice %get3A_10 {offsets = [128, 0], sizes = [64, 128], strides = [1, 1]} : vector<256x128xf32> to vector<64x128xf32>
    %dot_general3A_2825 = arith.constant dense<0.000000e+00> : vector<4x128xf32>
    %dot_general3A_2826 = tpu.matmul %slice3A_2823, %slice3A_2824, %dot_general3A_2825 {dimension_numbers = #tpu.dot_dimension_numbers<[1], [0], [0], [1], [0, 0, 1, 1], [], []>, transpose_lhs_hint = false} : vector<4x64xf32>, vector<64x128xf32>, vector<4x128xf32> -> vector<4x128xf32>
    %add3A_2827 = arith.addf %add3A_2702, %dot_general3A_2826 : vector<4x128xf32>
    %slice3A_2828 = vector.extract_strided_slice %dot_general3A_2263 {offsets = [8, 0], sizes = [4, 64], strides = [1, 1]} : vector<16x64xf32> to vector<4x64xf32>
    %slice3A_2829 = vector.extract_strided_slice %get3A_10 {offsets = [128, 0], sizes = [64, 128], strides = [1, 1]} : vector<256x128xf32> to vector<64x128xf32>
    %dot_general3A_2830 = arith.constant dense<0.000000e+00> : vector<4x128xf32>
    %dot_general3A_2831 = tpu.matmul %slice3A_2828, %slice3A_2829, %dot_general3A_2830 {dimension_numbers = #tpu.dot_dimension_numbers<[1], [0], [0], [1], [0, 0, 1, 1], [], []>, transpose_lhs_hint = false} : vector<4x64xf32>, vector<64x128xf32>, vector<4x128xf32> -> vector<4x128xf32>
    %add3A_2832 = arith.addf %add3A_2707, %dot_general3A_2831 : vector<4x128xf32>
    %slice3A_2833 = vector.extract_strided_slice %dot_general3A_2265 {offsets = [8, 0], sizes = [4, 64], strides = [1, 1]} : vector<16x64xf32> to vector<4x64xf32>
    %slice3A_2834 = vector.extract_strided_slice %get3A_10 {offsets = [128, 0], sizes = [64, 128], strides = [1, 1]} : vector<256x128xf32> to vector<64x128xf32>
    %dot_general3A_2835 = arith.constant dense<0.000000e+00> : vector<4x128xf32>
    %dot_general3A_2836 = tpu.matmul %slice3A_2833, %slice3A_2834, %dot_general3A_2835 {dimension_numbers = #tpu.dot_dimension_numbers<[1], [0], [0], [1], [0, 0, 1, 1], [], []>, transpose_lhs_hint = false} : vector<4x64xf32>, vector<64x128xf32>, vector<4x128xf32> -> vector<4x128xf32>
    %add3A_2837 = arith.addf %add3A_2712, %dot_general3A_2836 : vector<4x128xf32>
    %slice3A_2838 = vector.extract_strided_slice %dot_general3A_2267 {offsets = [8, 0], sizes = [4, 64], strides = [1, 1]} : vector<16x64xf32> to vector<4x64xf32>
    %slice3A_2839 = vector.extract_strided_slice %get3A_10 {offsets = [128, 0], sizes = [64, 128], strides = [1, 1]} : vector<256x128xf32> to vector<64x128xf32>
    %dot_general3A_2840 = arith.constant dense<0.000000e+00> : vector<4x128xf32>
    %dot_general3A_2841 = tpu.matmul %slice3A_2838, %slice3A_2839, %dot_general3A_2840 {dimension_numbers = #tpu.dot_dimension_numbers<[1], [0], [0], [1], [0, 0, 1, 1], [], []>, transpose_lhs_hint = false} : vector<4x64xf32>, vector<64x128xf32>, vector<4x128xf32> -> vector<4x128xf32>
    %add3A_2842 = arith.addf %add3A_2717, %dot_general3A_2841 : vector<4x128xf32>
    %slice3A_2843 = vector.extract_strided_slice %dot_general3A_2269 {offsets = [8, 0], sizes = [4, 64], strides = [1, 1]} : vector<16x64xf32> to vector<4x64xf32>
    %slice3A_2844 = vector.extract_strided_slice %get3A_10 {offsets = [128, 0], sizes = [64, 128], strides = [1, 1]} : vector<256x128xf32> to vector<64x128xf32>
    %dot_general3A_2845 = arith.constant dense<0.000000e+00> : vector<4x128xf32>
    %dot_general3A_2846 = tpu.matmul %slice3A_2843, %slice3A_2844, %dot_general3A_2845 {dimension_numbers = #tpu.dot_dimension_numbers<[1], [0], [0], [1], [0, 0, 1, 1], [], []>, transpose_lhs_hint = false} : vector<4x64xf32>, vector<64x128xf32>, vector<4x128xf32> -> vector<4x128xf32>
    %add3A_2847 = arith.addf %add3A_2722, %dot_general3A_2846 : vector<4x128xf32>
    %slice3A_2848 = vector.extract_strided_slice %dot_general3A_2271 {offsets = [8, 0], sizes = [4, 64], strides = [1, 1]} : vector<16x64xf32> to vector<4x64xf32>
    %slice3A_2849 = vector.extract_strided_slice %get3A_10 {offsets = [128, 0], sizes = [64, 128], strides = [1, 1]} : vector<256x128xf32> to vector<64x128xf32>
    %dot_general3A_2850 = arith.constant dense<0.000000e+00> : vector<4x128xf32>
    %dot_general3A_2851 = tpu.matmul %slice3A_2848, %slice3A_2849, %dot_general3A_2850 {dimension_numbers = #tpu.dot_dimension_numbers<[1], [0], [0], [1], [0, 0, 1, 1], [], []>, transpose_lhs_hint = false} : vector<4x64xf32>, vector<64x128xf32>, vector<4x128xf32> -> vector<4x128xf32>
    %add3A_2852 = arith.addf %add3A_2727, %dot_general3A_2851 : vector<4x128xf32>
    %slice3A_2853 = vector.extract_strided_slice %dot_general3A_2273 {offsets = [8, 0], sizes = [4, 64], strides = [1, 1]} : vector<16x64xf32> to vector<4x64xf32>
    %slice3A_2854 = vector.extract_strided_slice %get3A_10 {offsets = [128, 0], sizes = [64, 128], strides = [1, 1]} : vector<256x128xf32> to vector<64x128xf32>
    %dot_general3A_2855 = arith.constant dense<0.000000e+00> : vector<4x128xf32>
    %dot_general3A_2856 = tpu.matmul %slice3A_2853, %slice3A_2854, %dot_general3A_2855 {dimension_numbers = #tpu.dot_dimension_numbers<[1], [0], [0], [1], [0, 0, 1, 1], [], []>, transpose_lhs_hint = false} : vector<4x64xf32>, vector<64x128xf32>, vector<4x128xf32> -> vector<4x128xf32>
    %add3A_2857 = arith.addf %add3A_2732, %dot_general3A_2856 : vector<4x128xf32>
    %slice3A_2858 = vector.extract_strided_slice %dot_general3A_2275 {offsets = [8, 0], sizes = [4, 64], strides = [1, 1]} : vector<16x64xf32> to vector<4x64xf32>
    %slice3A_2859 = vector.extract_strided_slice %get3A_10 {offsets = [128, 0], sizes = [64, 128], strides = [1, 1]} : vector<256x128xf32> to vector<64x128xf32>
    %dot_general3A_2860 = arith.constant dense<0.000000e+00> : vector<4x128xf32>
    %dot_general3A_2861 = tpu.matmul %slice3A_2858, %slice3A_2859, %dot_general3A_2860 {dimension_numbers = #tpu.dot_dimension_numbers<[1], [0], [0], [1], [0, 0, 1, 1], [], []>, transpose_lhs_hint = false} : vector<4x64xf32>, vector<64x128xf32>, vector<4x128xf32> -> vector<4x128xf32>
    %add3A_2862 = arith.addf %add3A_2737, %dot_general3A_2861 : vector<4x128xf32>
    %slice3A_2863 = vector.extract_strided_slice %dot_general3A_2277 {offsets = [8, 0], sizes = [4, 64], strides = [1, 1]} : vector<16x64xf32> to vector<4x64xf32>
    %slice3A_2864 = vector.extract_strided_slice %get3A_10 {offsets = [128, 0], sizes = [64, 128], strides = [1, 1]} : vector<256x128xf32> to vector<64x128xf32>
    %dot_general3A_2865 = arith.constant dense<0.000000e+00> : vector<4x128xf32>
    %dot_general3A_2866 = tpu.matmul %slice3A_2863, %slice3A_2864, %dot_general3A_2865 {dimension_numbers = #tpu.dot_dimension_numbers<[1], [0], [0], [1], [0, 0, 1, 1], [], []>, transpose_lhs_hint = false} : vector<4x64xf32>, vector<64x128xf32>, vector<4x128xf32> -> vector<4x128xf32>
    %add3A_2867 = arith.addf %add3A_2742, %dot_general3A_2866 : vector<4x128xf32>
    %slice3A_2868 = vector.extract_strided_slice %dot_general3A_2279 {offsets = [8, 0], sizes = [4, 64], strides = [1, 1]} : vector<16x64xf32> to vector<4x64xf32>
    %slice3A_2869 = vector.extract_strided_slice %get3A_10 {offsets = [128, 0], sizes = [64, 128], strides = [1, 1]} : vector<256x128xf32> to vector<64x128xf32>
    %dot_general3A_2870 = arith.constant dense<0.000000e+00> : vector<4x128xf32>
    %dot_general3A_2871 = tpu.matmul %slice3A_2868, %slice3A_2869, %dot_general3A_2870 {dimension_numbers = #tpu.dot_dimension_numbers<[1], [0], [0], [1], [0, 0, 1, 1], [], []>, transpose_lhs_hint = false} : vector<4x64xf32>, vector<64x128xf32>, vector<4x128xf32> -> vector<4x128xf32>
    %add3A_2872 = arith.addf %add3A_2747, %dot_general3A_2871 : vector<4x128xf32>
    %slice3A_2873 = vector.extract_strided_slice %dot_general3A_2281 {offsets = [8, 0], sizes = [4, 64], strides = [1, 1]} : vector<16x64xf32> to vector<4x64xf32>
    %slice3A_2874 = vector.extract_strided_slice %get3A_10 {offsets = [128, 0], sizes = [64, 128], strides = [1, 1]} : vector<256x128xf32> to vector<64x128xf32>
    %dot_general3A_2875 = arith.constant dense<0.000000e+00> : vector<4x128xf32>
    %dot_general3A_2876 = tpu.matmul %slice3A_2873, %slice3A_2874, %dot_general3A_2875 {dimension_numbers = #tpu.dot_dimension_numbers<[1], [0], [0], [1], [0, 0, 1, 1], [], []>, transpose_lhs_hint = false} : vector<4x64xf32>, vector<64x128xf32>, vector<4x128xf32> -> vector<4x128xf32>
    %add3A_2877 = arith.addf %add3A_2752, %dot_general3A_2876 : vector<4x128xf32>
    %slice3A_2878 = vector.extract_strided_slice %dot_general3A_2283 {offsets = [8, 0], sizes = [4, 64], strides = [1, 1]} : vector<16x64xf32> to vector<4x64xf32>
    %slice3A_2879 = vector.extract_strided_slice %get3A_10 {offsets = [128, 0], sizes = [64, 128], strides = [1, 1]} : vector<256x128xf32> to vector<64x128xf32>
    %dot_general3A_2880 = arith.constant dense<0.000000e+00> : vector<4x128xf32>
    %dot_general3A_2881 = tpu.matmul %slice3A_2878, %slice3A_2879, %dot_general3A_2880 {dimension_numbers = #tpu.dot_dimension_numbers<[1], [0], [0], [1], [0, 0, 1, 1], [], []>, transpose_lhs_hint = false} : vector<4x64xf32>, vector<64x128xf32>, vector<4x128xf32> -> vector<4x128xf32>
    %add3A_2882 = arith.addf %add3A_2757, %dot_general3A_2881 : vector<4x128xf32>
    %slice3A_2883 = vector.extract_strided_slice %dot_general3A_2285 {offsets = [8, 0], sizes = [4, 64], strides = [1, 1]} : vector<16x64xf32> to vector<4x64xf32>
    %slice3A_2884 = vector.extract_strided_slice %get3A_10 {offsets = [128, 0], sizes = [64, 128], strides = [1, 1]} : vector<256x128xf32> to vector<64x128xf32>
    %dot_general3A_2885 = arith.constant dense<0.000000e+00> : vector<4x128xf32>
    %dot_general3A_2886 = tpu.matmul %slice3A_2883, %slice3A_2884, %dot_general3A_2885 {dimension_numbers = #tpu.dot_dimension_numbers<[1], [0], [0], [1], [0, 0, 1, 1], [], []>, transpose_lhs_hint = false} : vector<4x64xf32>, vector<64x128xf32>, vector<4x128xf32> -> vector<4x128xf32>
    %add3A_2887 = arith.addf %add3A_2762, %dot_general3A_2886 : vector<4x128xf32>
    %slice3A_2888 = vector.extract_strided_slice %dot_general3A_2287 {offsets = [8, 0], sizes = [4, 64], strides = [1, 1]} : vector<16x64xf32> to vector<4x64xf32>
    %slice3A_2889 = vector.extract_strided_slice %get3A_10 {offsets = [128, 0], sizes = [64, 128], strides = [1, 1]} : vector<256x128xf32> to vector<64x128xf32>
    %dot_general3A_2890 = arith.constant dense<0.000000e+00> : vector<4x128xf32>
    %dot_general3A_2891 = tpu.matmul %slice3A_2888, %slice3A_2889, %dot_general3A_2890 {dimension_numbers = #tpu.dot_dimension_numbers<[1], [0], [0], [1], [0, 0, 1, 1], [], []>, transpose_lhs_hint = false} : vector<4x64xf32>, vector<64x128xf32>, vector<4x128xf32> -> vector<4x128xf32>
    %add3A_2892 = arith.addf %add3A_2767, %dot_general3A_2891 : vector<4x128xf32>
    %slice3A_2893 = vector.extract_strided_slice %dot_general3A_2289 {offsets = [8, 0], sizes = [4, 64], strides = [1, 1]} : vector<16x64xf32> to vector<4x64xf32>
    %slice3A_2894 = vector.extract_strided_slice %get3A_10 {offsets = [128, 0], sizes = [64, 128], strides = [1, 1]} : vector<256x128xf32> to vector<64x128xf32>
    %dot_general3A_2895 = arith.constant dense<0.000000e+00> : vector<4x128xf32>
    %dot_general3A_2896 = tpu.matmul %slice3A_2893, %slice3A_2894, %dot_general3A_2895 {dimension_numbers = #tpu.dot_dimension_numbers<[1], [0], [0], [1], [0, 0, 1, 1], [], []>, transpose_lhs_hint = false} : vector<4x64xf32>, vector<64x128xf32>, vector<4x128xf32> -> vector<4x128xf32>
    %add3A_2897 = arith.addf %add3A_2772, %dot_general3A_2896 : vector<4x128xf32>
    %slice3A_2898 = vector.extract_strided_slice %dot_general3A_2291 {offsets = [8, 0], sizes = [4, 64], strides = [1, 1]} : vector<16x64xf32> to vector<4x64xf32>
    %slice3A_2899 = vector.extract_strided_slice %get3A_10 {offsets = [128, 0], sizes = [64, 128], strides = [1, 1]} : vector<256x128xf32> to vector<64x128xf32>
    %dot_general3A_2900 = arith.constant dense<0.000000e+00> : vector<4x128xf32>
    %dot_general3A_2901 = tpu.matmul %slice3A_2898, %slice3A_2899, %dot_general3A_2900 {dimension_numbers = #tpu.dot_dimension_numbers<[1], [0], [0], [1], [0, 0, 1, 1], [], []>, transpose_lhs_hint = false} : vector<4x64xf32>, vector<64x128xf32>, vector<4x128xf32> -> vector<4x128xf32>
    %add3A_2902 = arith.addf %add3A_2777, %dot_general3A_2901 : vector<4x128xf32>
    %slice3A_2903 = vector.extract_strided_slice %dot_general3A_2293 {offsets = [8, 0], sizes = [4, 64], strides = [1, 1]} : vector<16x64xf32> to vector<4x64xf32>
    %slice3A_2904 = vector.extract_strided_slice %get3A_10 {offsets = [128, 0], sizes = [64, 128], strides = [1, 1]} : vector<256x128xf32> to vector<64x128xf32>
    %dot_general3A_2905 = arith.constant dense<0.000000e+00> : vector<4x128xf32>
    %dot_general3A_2906 = tpu.matmul %slice3A_2903, %slice3A_2904, %dot_general3A_2905 {dimension_numbers = #tpu.dot_dimension_numbers<[1], [0], [0], [1], [0, 0, 1, 1], [], []>, transpose_lhs_hint = false} : vector<4x64xf32>, vector<64x128xf32>, vector<4x128xf32> -> vector<4x128xf32>
    %add3A_2907 = arith.addf %add3A_2782, %dot_general3A_2906 : vector<4x128xf32>
    %slice3A_2908 = vector.extract_strided_slice %dot_general3A_2295 {offsets = [8, 0], sizes = [4, 64], strides = [1, 1]} : vector<16x64xf32> to vector<4x64xf32>
    %slice3A_2909 = vector.extract_strided_slice %get3A_10 {offsets = [128, 0], sizes = [64, 128], strides = [1, 1]} : vector<256x128xf32> to vector<64x128xf32>
    %dot_general3A_2910 = arith.constant dense<0.000000e+00> : vector<4x128xf32>
    %dot_general3A_2911 = tpu.matmul %slice3A_2908, %slice3A_2909, %dot_general3A_2910 {dimension_numbers = #tpu.dot_dimension_numbers<[1], [0], [0], [1], [0, 0, 1, 1], [], []>, transpose_lhs_hint = false} : vector<4x64xf32>, vector<64x128xf32>, vector<4x128xf32> -> vector<4x128xf32>
    %add3A_2912 = arith.addf %add3A_2787, %dot_general3A_2911 : vector<4x128xf32>
    %slice3A_2913 = vector.extract_strided_slice %dot_general3A_2297 {offsets = [8, 0], sizes = [4, 64], strides = [1, 1]} : vector<16x64xf32> to vector<4x64xf32>
    %slice3A_2914 = vector.extract_strided_slice %get3A_10 {offsets = [128, 0], sizes = [64, 128], strides = [1, 1]} : vector<256x128xf32> to vector<64x128xf32>
    %dot_general3A_2915 = arith.constant dense<0.000000e+00> : vector<4x128xf32>
    %dot_general3A_2916 = tpu.matmul %slice3A_2913, %slice3A_2914, %dot_general3A_2915 {dimension_numbers = #tpu.dot_dimension_numbers<[1], [0], [0], [1], [0, 0, 1, 1], [], []>, transpose_lhs_hint = false} : vector<4x64xf32>, vector<64x128xf32>, vector<4x128xf32> -> vector<4x128xf32>
    %add3A_2917 = arith.addf %add3A_2792, %dot_general3A_2916 : vector<4x128xf32>
    %slice3A_2918 = vector.extract_strided_slice %dot_general3A_2299 {offsets = [8, 0], sizes = [4, 64], strides = [1, 1]} : vector<16x64xf32> to vector<4x64xf32>
    %slice3A_2919 = vector.extract_strided_slice %get3A_10 {offsets = [128, 0], sizes = [64, 128], strides = [1, 1]} : vector<256x128xf32> to vector<64x128xf32>
    %dot_general3A_2920 = arith.constant dense<0.000000e+00> : vector<4x128xf32>
    %dot_general3A_2921 = tpu.matmul %slice3A_2918, %slice3A_2919, %dot_general3A_2920 {dimension_numbers = #tpu.dot_dimension_numbers<[1], [0], [0], [1], [0, 0, 1, 1], [], []>, transpose_lhs_hint = false} : vector<4x64xf32>, vector<64x128xf32>, vector<4x128xf32> -> vector<4x128xf32>
    %add3A_2922 = arith.addf %add3A_2797, %dot_general3A_2921 : vector<4x128xf32>
    %slice3A_2923 = vector.extract_strided_slice %dot_general3A_2251 {offsets = [12, 0], sizes = [4, 64], strides = [1, 1]} : vector<16x64xf32> to vector<4x64xf32>
    %slice3A_2924 = vector.extract_strided_slice %get3A_10 {offsets = [192, 0], sizes = [64, 128], strides = [1, 1]} : vector<256x128xf32> to vector<64x128xf32>
    %dot_general3A_2925 = arith.constant dense<0.000000e+00> : vector<4x128xf32>
    %dot_general3A_2926 = tpu.matmul %slice3A_2923, %slice3A_2924, %dot_general3A_2925 {dimension_numbers = #tpu.dot_dimension_numbers<[1], [0], [0], [1], [0, 0, 1, 1], [], []>, transpose_lhs_hint = false} : vector<4x64xf32>, vector<64x128xf32>, vector<4x128xf32> -> vector<4x128xf32>
    %add3A_2927 = arith.addf %add3A_2802, %dot_general3A_2926 : vector<4x128xf32>
    %slice3A_2928 = vector.extract_strided_slice %dot_general3A_2253 {offsets = [12, 0], sizes = [4, 64], strides = [1, 1]} : vector<16x64xf32> to vector<4x64xf32>
    %slice3A_2929 = vector.extract_strided_slice %get3A_10 {offsets = [192, 0], sizes = [64, 128], strides = [1, 1]} : vector<256x128xf32> to vector<64x128xf32>
    %dot_general3A_2930 = arith.constant dense<0.000000e+00> : vector<4x128xf32>
    %dot_general3A_2931 = tpu.matmul %slice3A_2928, %slice3A_2929, %dot_general3A_2930 {dimension_numbers = #tpu.dot_dimension_numbers<[1], [0], [0], [1], [0, 0, 1, 1], [], []>, transpose_lhs_hint = false} : vector<4x64xf32>, vector<64x128xf32>, vector<4x128xf32> -> vector<4x128xf32>
    %add3A_2932 = arith.addf %add3A_2807, %dot_general3A_2931 : vector<4x128xf32>
    %slice3A_2933 = vector.extract_strided_slice %dot_general3A_2255 {offsets = [12, 0], sizes = [4, 64], strides = [1, 1]} : vector<16x64xf32> to vector<4x64xf32>
    %slice3A_2934 = vector.extract_strided_slice %get3A_10 {offsets = [192, 0], sizes = [64, 128], strides = [1, 1]} : vector<256x128xf32> to vector<64x128xf32>
    %dot_general3A_2935 = arith.constant dense<0.000000e+00> : vector<4x128xf32>
    %dot_general3A_2936 = tpu.matmul %slice3A_2933, %slice3A_2934, %dot_general3A_2935 {dimension_numbers = #tpu.dot_dimension_numbers<[1], [0], [0], [1], [0, 0, 1, 1], [], []>, transpose_lhs_hint = false} : vector<4x64xf32>, vector<64x128xf32>, vector<4x128xf32> -> vector<4x128xf32>
    %add3A_2937 = arith.addf %add3A_2812, %dot_general3A_2936 : vector<4x128xf32>
    %slice3A_2938 = vector.extract_strided_slice %dot_general3A_2257 {offsets = [12, 0], sizes = [4, 64], strides = [1, 1]} : vector<16x64xf32> to vector<4x64xf32>
    %slice3A_2939 = vector.extract_strided_slice %get3A_10 {offsets = [192, 0], sizes = [64, 128], strides = [1, 1]} : vector<256x128xf32> to vector<64x128xf32>
    %dot_general3A_2940 = arith.constant dense<0.000000e+00> : vector<4x128xf32>
    %dot_general3A_2941 = tpu.matmul %slice3A_2938, %slice3A_2939, %dot_general3A_2940 {dimension_numbers = #tpu.dot_dimension_numbers<[1], [0], [0], [1], [0, 0, 1, 1], [], []>, transpose_lhs_hint = false} : vector<4x64xf32>, vector<64x128xf32>, vector<4x128xf32> -> vector<4x128xf32>
    %add3A_2942 = arith.addf %add3A_2817, %dot_general3A_2941 : vector<4x128xf32>
    %slice3A_2943 = vector.extract_strided_slice %dot_general3A_2259 {offsets = [12, 0], sizes = [4, 64], strides = [1, 1]} : vector<16x64xf32> to vector<4x64xf32>
    %slice3A_2944 = vector.extract_strided_slice %get3A_10 {offsets = [192, 0], sizes = [64, 128], strides = [1, 1]} : vector<256x128xf32> to vector<64x128xf32>
    %dot_general3A_2945 = arith.constant dense<0.000000e+00> : vector<4x128xf32>
    %dot_general3A_2946 = tpu.matmul %slice3A_2943, %slice3A_2944, %dot_general3A_2945 {dimension_numbers = #tpu.dot_dimension_numbers<[1], [0], [0], [1], [0, 0, 1, 1], [], []>, transpose_lhs_hint = false} : vector<4x64xf32>, vector<64x128xf32>, vector<4x128xf32> -> vector<4x128xf32>
    %add3A_2947 = arith.addf %add3A_2822, %dot_general3A_2946 : vector<4x128xf32>
    %slice3A_2948 = vector.extract_strided_slice %dot_general3A_2261 {offsets = [12, 0], sizes = [4, 64], strides = [1, 1]} : vector<16x64xf32> to vector<4x64xf32>
    %slice3A_2949 = vector.extract_strided_slice %get3A_10 {offsets = [192, 0], sizes = [64, 128], strides = [1, 1]} : vector<256x128xf32> to vector<64x128xf32>
    %dot_general3A_2950 = arith.constant dense<0.000000e+00> : vector<4x128xf32>
    %dot_general3A_2951 = tpu.matmul %slice3A_2948, %slice3A_2949, %dot_general3A_2950 {dimension_numbers = #tpu.dot_dimension_numbers<[1], [0], [0], [1], [0, 0, 1, 1], [], []>, transpose_lhs_hint = false} : vector<4x64xf32>, vector<64x128xf32>, vector<4x128xf32> -> vector<4x128xf32>
    %add3A_2952 = arith.addf %add3A_2827, %dot_general3A_2951 : vector<4x128xf32>
    %slice3A_2953 = vector.extract_strided_slice %dot_general3A_2263 {offsets = [12, 0], sizes = [4, 64], strides = [1, 1]} : vector<16x64xf32> to vector<4x64xf32>
    %slice3A_2954 = vector.extract_strided_slice %get3A_10 {offsets = [192, 0], sizes = [64, 128], strides = [1, 1]} : vector<256x128xf32> to vector<64x128xf32>
    %dot_general3A_2955 = arith.constant dense<0.000000e+00> : vector<4x128xf32>
    %dot_general3A_2956 = tpu.matmul %slice3A_2953, %slice3A_2954, %dot_general3A_2955 {dimension_numbers = #tpu.dot_dimension_numbers<[1], [0], [0], [1], [0, 0, 1, 1], [], []>, transpose_lhs_hint = false} : vector<4x64xf32>, vector<64x128xf32>, vector<4x128xf32> -> vector<4x128xf32>
    %add3A_2957 = arith.addf %add3A_2832, %dot_general3A_2956 : vector<4x128xf32>
    %slice3A_2958 = vector.extract_strided_slice %dot_general3A_2265 {offsets = [12, 0], sizes = [4, 64], strides = [1, 1]} : vector<16x64xf32> to vector<4x64xf32>
    %slice3A_2959 = vector.extract_strided_slice %get3A_10 {offsets = [192, 0], sizes = [64, 128], strides = [1, 1]} : vector<256x128xf32> to vector<64x128xf32>
    %dot_general3A_2960 = arith.constant dense<0.000000e+00> : vector<4x128xf32>
    %dot_general3A_2961 = tpu.matmul %slice3A_2958, %slice3A_2959, %dot_general3A_2960 {dimension_numbers = #tpu.dot_dimension_numbers<[1], [0], [0], [1], [0, 0, 1, 1], [], []>, transpose_lhs_hint = false} : vector<4x64xf32>, vector<64x128xf32>, vector<4x128xf32> -> vector<4x128xf32>
    %add3A_2962 = arith.addf %add3A_2837, %dot_general3A_2961 : vector<4x128xf32>
    %slice3A_2963 = vector.extract_strided_slice %dot_general3A_2267 {offsets = [12, 0], sizes = [4, 64], strides = [1, 1]} : vector<16x64xf32> to vector<4x64xf32>
    %slice3A_2964 = vector.extract_strided_slice %get3A_10 {offsets = [192, 0], sizes = [64, 128], strides = [1, 1]} : vector<256x128xf32> to vector<64x128xf32>
    %dot_general3A_2965 = arith.constant dense<0.000000e+00> : vector<4x128xf32>
    %dot_general3A_2966 = tpu.matmul %slice3A_2963, %slice3A_2964, %dot_general3A_2965 {dimension_numbers = #tpu.dot_dimension_numbers<[1], [0], [0], [1], [0, 0, 1, 1], [], []>, transpose_lhs_hint = false} : vector<4x64xf32>, vector<64x128xf32>, vector<4x128xf32> -> vector<4x128xf32>
    %add3A_2967 = arith.addf %add3A_2842, %dot_general3A_2966 : vector<4x128xf32>
    %slice3A_2968 = vector.extract_strided_slice %dot_general3A_2269 {offsets = [12, 0], sizes = [4, 64], strides = [1, 1]} : vector<16x64xf32> to vector<4x64xf32>
    %slice3A_2969 = vector.extract_strided_slice %get3A_10 {offsets = [192, 0], sizes = [64, 128], strides = [1, 1]} : vector<256x128xf32> to vector<64x128xf32>
    %dot_general3A_2970 = arith.constant dense<0.000000e+00> : vector<4x128xf32>
    %dot_general3A_2971 = tpu.matmul %slice3A_2968, %slice3A_2969, %dot_general3A_2970 {dimension_numbers = #tpu.dot_dimension_numbers<[1], [0], [0], [1], [0, 0, 1, 1], [], []>, transpose_lhs_hint = false} : vector<4x64xf32>, vector<64x128xf32>, vector<4x128xf32> -> vector<4x128xf32>
    %add3A_2972 = arith.addf %add3A_2847, %dot_general3A_2971 : vector<4x128xf32>
    %slice3A_2973 = vector.extract_strided_slice %dot_general3A_2271 {offsets = [12, 0], sizes = [4, 64], strides = [1, 1]} : vector<16x64xf32> to vector<4x64xf32>
    %slice3A_2974 = vector.extract_strided_slice %get3A_10 {offsets = [192, 0], sizes = [64, 128], strides = [1, 1]} : vector<256x128xf32> to vector<64x128xf32>
    %dot_general3A_2975 = arith.constant dense<0.000000e+00> : vector<4x128xf32>
    %dot_general3A_2976 = tpu.matmul %slice3A_2973, %slice3A_2974, %dot_general3A_2975 {dimension_numbers = #tpu.dot_dimension_numbers<[1], [0], [0], [1], [0, 0, 1, 1], [], []>, transpose_lhs_hint = false} : vector<4x64xf32>, vector<64x128xf32>, vector<4x128xf32> -> vector<4x128xf32>
    %add3A_2977 = arith.addf %add3A_2852, %dot_general3A_2976 : vector<4x128xf32>
    %slice3A_2978 = vector.extract_strided_slice %dot_general3A_2273 {offsets = [12, 0], sizes = [4, 64], strides = [1, 1]} : vector<16x64xf32> to vector<4x64xf32>
    %slice3A_2979 = vector.extract_strided_slice %get3A_10 {offsets = [192, 0], sizes = [64, 128], strides = [1, 1]} : vector<256x128xf32> to vector<64x128xf32>
    %dot_general3A_2980 = arith.constant dense<0.000000e+00> : vector<4x128xf32>
    %dot_general3A_2981 = tpu.matmul %slice3A_2978, %slice3A_2979, %dot_general3A_2980 {dimension_numbers = #tpu.dot_dimension_numbers<[1], [0], [0], [1], [0, 0, 1, 1], [], []>, transpose_lhs_hint = false} : vector<4x64xf32>, vector<64x128xf32>, vector<4x128xf32> -> vector<4x128xf32>
    %add3A_2982 = arith.addf %add3A_2857, %dot_general3A_2981 : vector<4x128xf32>
    %slice3A_2983 = vector.extract_strided_slice %dot_general3A_2275 {offsets = [12, 0], sizes = [4, 64], strides = [1, 1]} : vector<16x64xf32> to vector<4x64xf32>
    %slice3A_2984 = vector.extract_strided_slice %get3A_10 {offsets = [192, 0], sizes = [64, 128], strides = [1, 1]} : vector<256x128xf32> to vector<64x128xf32>
    %dot_general3A_2985 = arith.constant dense<0.000000e+00> : vector<4x128xf32>
    %dot_general3A_2986 = tpu.matmul %slice3A_2983, %slice3A_2984, %dot_general3A_2985 {dimension_numbers = #tpu.dot_dimension_numbers<[1], [0], [0], [1], [0, 0, 1, 1], [], []>, transpose_lhs_hint = false} : vector<4x64xf32>, vector<64x128xf32>, vector<4x128xf32> -> vector<4x128xf32>
    %add3A_2987 = arith.addf %add3A_2862, %dot_general3A_2986 : vector<4x128xf32>
    %slice3A_2988 = vector.extract_strided_slice %dot_general3A_2277 {offsets = [12, 0], sizes = [4, 64], strides = [1, 1]} : vector<16x64xf32> to vector<4x64xf32>
    %slice3A_2989 = vector.extract_strided_slice %get3A_10 {offsets = [192, 0], sizes = [64, 128], strides = [1, 1]} : vector<256x128xf32> to vector<64x128xf32>
    %dot_general3A_2990 = arith.constant dense<0.000000e+00> : vector<4x128xf32>
    %dot_general3A_2991 = tpu.matmul %slice3A_2988, %slice3A_2989, %dot_general3A_2990 {dimension_numbers = #tpu.dot_dimension_numbers<[1], [0], [0], [1], [0, 0, 1, 1], [], []>, transpose_lhs_hint = false} : vector<4x64xf32>, vector<64x128xf32>, vector<4x128xf32> -> vector<4x128xf32>
    %add3A_2992 = arith.addf %add3A_2867, %dot_general3A_2991 : vector<4x128xf32>
    %slice3A_2993 = vector.extract_strided_slice %dot_general3A_2279 {offsets = [12, 0], sizes = [4, 64], strides = [1, 1]} : vector<16x64xf32> to vector<4x64xf32>
    %slice3A_2994 = vector.extract_strided_slice %get3A_10 {offsets = [192, 0], sizes = [64, 128], strides = [1, 1]} : vector<256x128xf32> to vector<64x128xf32>
    %dot_general3A_2995 = arith.constant dense<0.000000e+00> : vector<4x128xf32>
    %dot_general3A_2996 = tpu.matmul %slice3A_2993, %slice3A_2994, %dot_general3A_2995 {dimension_numbers = #tpu.dot_dimension_numbers<[1], [0], [0], [1], [0, 0, 1, 1], [], []>, transpose_lhs_hint = false} : vector<4x64xf32>, vector<64x128xf32>, vector<4x128xf32> -> vector<4x128xf32>
    %add3A_2997 = arith.addf %add3A_2872, %dot_general3A_2996 : vector<4x128xf32>
    %slice3A_2998 = vector.extract_strided_slice %dot_general3A_2281 {offsets = [12, 0], sizes = [4, 64], strides = [1, 1]} : vector<16x64xf32> to vector<4x64xf32>
    %slice3A_2999 = vector.extract_strided_slice %get3A_10 {offsets = [192, 0], sizes = [64, 128], strides = [1, 1]} : vector<256x128xf32> to vector<64x128xf32>
    %dot_general3A_3000 = arith.constant dense<0.000000e+00> : vector<4x128xf32>
    %dot_general3A_3001 = tpu.matmul %slice3A_2998, %slice3A_2999, %dot_general3A_3000 {dimension_numbers = #tpu.dot_dimension_numbers<[1], [0], [0], [1], [0, 0, 1, 1], [], []>, transpose_lhs_hint = false} : vector<4x64xf32>, vector<64x128xf32>, vector<4x128xf32> -> vector<4x128xf32>
    %add3A_3002 = arith.addf %add3A_2877, %dot_general3A_3001 : vector<4x128xf32>
    %slice3A_3003 = vector.extract_strided_slice %dot_general3A_2283 {offsets = [12, 0], sizes = [4, 64], strides = [1, 1]} : vector<16x64xf32> to vector<4x64xf32>
    %slice3A_3004 = vector.extract_strided_slice %get3A_10 {offsets = [192, 0], sizes = [64, 128], strides = [1, 1]} : vector<256x128xf32> to vector<64x128xf32>
    %dot_general3A_3005 = arith.constant dense<0.000000e+00> : vector<4x128xf32>
    %dot_general3A_3006 = tpu.matmul %slice3A_3003, %slice3A_3004, %dot_general3A_3005 {dimension_numbers = #tpu.dot_dimension_numbers<[1], [0], [0], [1], [0, 0, 1, 1], [], []>, transpose_lhs_hint = false} : vector<4x64xf32>, vector<64x128xf32>, vector<4x128xf32> -> vector<4x128xf32>
    %add3A_3007 = arith.addf %add3A_2882, %dot_general3A_3006 : vector<4x128xf32>
    %slice3A_3008 = vector.extract_strided_slice %dot_general3A_2285 {offsets = [12, 0], sizes = [4, 64], strides = [1, 1]} : vector<16x64xf32> to vector<4x64xf32>
    %slice3A_3009 = vector.extract_strided_slice %get3A_10 {offsets = [192, 0], sizes = [64, 128], strides = [1, 1]} : vector<256x128xf32> to vector<64x128xf32>
    %dot_general3A_3010 = arith.constant dense<0.000000e+00> : vector<4x128xf32>
    %dot_general3A_3011 = tpu.matmul %slice3A_3008, %slice3A_3009, %dot_general3A_3010 {dimension_numbers = #tpu.dot_dimension_numbers<[1], [0], [0], [1], [0, 0, 1, 1], [], []>, transpose_lhs_hint = false} : vector<4x64xf32>, vector<64x128xf32>, vector<4x128xf32> -> vector<4x128xf32>
    %add3A_3012 = arith.addf %add3A_2887, %dot_general3A_3011 : vector<4x128xf32>
    %slice3A_3013 = vector.extract_strided_slice %dot_general3A_2287 {offsets = [12, 0], sizes = [4, 64], strides = [1, 1]} : vector<16x64xf32> to vector<4x64xf32>
    %slice3A_3014 = vector.extract_strided_slice %get3A_10 {offsets = [192, 0], sizes = [64, 128], strides = [1, 1]} : vector<256x128xf32> to vector<64x128xf32>
    %dot_general3A_3015 = arith.constant dense<0.000000e+00> : vector<4x128xf32>
    %dot_general3A_3016 = tpu.matmul %slice3A_3013, %slice3A_3014, %dot_general3A_3015 {dimension_numbers = #tpu.dot_dimension_numbers<[1], [0], [0], [1], [0, 0, 1, 1], [], []>, transpose_lhs_hint = false} : vector<4x64xf32>, vector<64x128xf32>, vector<4x128xf32> -> vector<4x128xf32>
    %add3A_3017 = arith.addf %add3A_2892, %dot_general3A_3016 : vector<4x128xf32>
    %slice3A_3018 = vector.extract_strided_slice %dot_general3A_2289 {offsets = [12, 0], sizes = [4, 64], strides = [1, 1]} : vector<16x64xf32> to vector<4x64xf32>
    %slice3A_3019 = vector.extract_strided_slice %get3A_10 {offsets = [192, 0], sizes = [64, 128], strides = [1, 1]} : vector<256x128xf32> to vector<64x128xf32>
    %dot_general3A_3020 = arith.constant dense<0.000000e+00> : vector<4x128xf32>
    %dot_general3A_3021 = tpu.matmul %slice3A_3018, %slice3A_3019, %dot_general3A_3020 {dimension_numbers = #tpu.dot_dimension_numbers<[1], [0], [0], [1], [0, 0, 1, 1], [], []>, transpose_lhs_hint = false} : vector<4x64xf32>, vector<64x128xf32>, vector<4x128xf32> -> vector<4x128xf32>
    %add3A_3022 = arith.addf %add3A_2897, %dot_general3A_3021 : vector<4x128xf32>
    %slice3A_3023 = vector.extract_strided_slice %dot_general3A_2291 {offsets = [12, 0], sizes = [4, 64], strides = [1, 1]} : vector<16x64xf32> to vector<4x64xf32>
    %slice3A_3024 = vector.extract_strided_slice %get3A_10 {offsets = [192, 0], sizes = [64, 128], strides = [1, 1]} : vector<256x128xf32> to vector<64x128xf32>
    %dot_general3A_3025 = arith.constant dense<0.000000e+00> : vector<4x128xf32>
    %dot_general3A_3026 = tpu.matmul %slice3A_3023, %slice3A_3024, %dot_general3A_3025 {dimension_numbers = #tpu.dot_dimension_numbers<[1], [0], [0], [1], [0, 0, 1, 1], [], []>, transpose_lhs_hint = false} : vector<4x64xf32>, vector<64x128xf32>, vector<4x128xf32> -> vector<4x128xf32>
    %add3A_3027 = arith.addf %add3A_2902, %dot_general3A_3026 : vector<4x128xf32>
    %slice3A_3028 = vector.extract_strided_slice %dot_general3A_2293 {offsets = [12, 0], sizes = [4, 64], strides = [1, 1]} : vector<16x64xf32> to vector<4x64xf32>
    %slice3A_3029 = vector.extract_strided_slice %get3A_10 {offsets = [192, 0], sizes = [64, 128], strides = [1, 1]} : vector<256x128xf32> to vector<64x128xf32>
    %dot_general3A_3030 = arith.constant dense<0.000000e+00> : vector<4x128xf32>
    %dot_general3A_3031 = tpu.matmul %slice3A_3028, %slice3A_3029, %dot_general3A_3030 {dimension_numbers = #tpu.dot_dimension_numbers<[1], [0], [0], [1], [0, 0, 1, 1], [], []>, transpose_lhs_hint = false} : vector<4x64xf32>, vector<64x128xf32>, vector<4x128xf32> -> vector<4x128xf32>
    %add3A_3032 = arith.addf %add3A_2907, %dot_general3A_3031 : vector<4x128xf32>
    %slice3A_3033 = vector.extract_strided_slice %dot_general3A_2295 {offsets = [12, 0], sizes = [4, 64], strides = [1, 1]} : vector<16x64xf32> to vector<4x64xf32>
    %slice3A_3034 = vector.extract_strided_slice %get3A_10 {offsets = [192, 0], sizes = [64, 128], strides = [1, 1]} : vector<256x128xf32> to vector<64x128xf32>
    %dot_general3A_3035 = arith.constant dense<0.000000e+00> : vector<4x128xf32>
    %dot_general3A_3036 = tpu.matmul %slice3A_3033, %slice3A_3034, %dot_general3A_3035 {dimension_numbers = #tpu.dot_dimension_numbers<[1], [0], [0], [1], [0, 0, 1, 1], [], []>, transpose_lhs_hint = false} : vector<4x64xf32>, vector<64x128xf32>, vector<4x128xf32> -> vector<4x128xf32>
    %add3A_3037 = arith.addf %add3A_2912, %dot_general3A_3036 : vector<4x128xf32>
    %slice3A_3038 = vector.extract_strided_slice %dot_general3A_2297 {offsets = [12, 0], sizes = [4, 64], strides = [1, 1]} : vector<16x64xf32> to vector<4x64xf32>
    %slice3A_3039 = vector.extract_strided_slice %get3A_10 {offsets = [192, 0], sizes = [64, 128], strides = [1, 1]} : vector<256x128xf32> to vector<64x128xf32>
    %dot_general3A_3040 = arith.constant dense<0.000000e+00> : vector<4x128xf32>
    %dot_general3A_3041 = tpu.matmul %slice3A_3038, %slice3A_3039, %dot_general3A_3040 {dimension_numbers = #tpu.dot_dimension_numbers<[1], [0], [0], [1], [0, 0, 1, 1], [], []>, transpose_lhs_hint = false} : vector<4x64xf32>, vector<64x128xf32>, vector<4x128xf32> -> vector<4x128xf32>
    %add3A_3042 = arith.addf %add3A_2917, %dot_general3A_3041 : vector<4x128xf32>
    %slice3A_3043 = vector.extract_strided_slice %dot_general3A_2299 {offsets = [12, 0], sizes = [4, 64], strides = [1, 1]} : vector<16x64xf32> to vector<4x64xf32>
    %slice3A_3044 = vector.extract_strided_slice %get3A_10 {offsets = [192, 0], sizes = [64, 128], strides = [1, 1]} : vector<256x128xf32> to vector<64x128xf32>
    %dot_general3A_3045 = arith.constant dense<0.000000e+00> : vector<4x128xf32>
    %dot_general3A_3046 = tpu.matmul %slice3A_3043, %slice3A_3044, %dot_general3A_3045 {dimension_numbers = #tpu.dot_dimension_numbers<[1], [0], [0], [1], [0, 0, 1, 1], [], []>, transpose_lhs_hint = false} : vector<4x64xf32>, vector<64x128xf32>, vector<4x128xf32> -> vector<4x128xf32>
    %add3A_3047 = arith.addf %add3A_2922, %dot_general3A_3046 : vector<4x128xf32>
    %swap3A = arith.constant 0 : index
    %swap3A_3048 = arith.constant 0 : index
    %swap3A_3049 = arith.constant 0 : index
    %swap3A_3050 = vector.load %arg18[%swap3A, %swap3A_3048, %swap3A_3049] : memref<1x100x128xf32, #tpu.memory_space<vmem>>, vector<1x4x128xf32>
    %swap3A_3051 = vector.shape_cast %swap3A_3050 : vector<1x4x128xf32> to vector<4x128xf32>
    %swap3A_3052 = vector.shape_cast %add3A_2927 : vector<4x128xf32> to vector<1x4x128xf32>
    tpu.vector_store %arg18[%swap3A, %swap3A_3048, %swap3A_3049], %swap3A_3052 {strides = array<i32>} : memref<1x100x128xf32, #tpu.memory_space<vmem>>, vector<1x4x128xf32>,
    %swap3A_3053 = arith.constant 0 : index
    %swap3A_3054 = arith.constant 4 : index
    %swap3A_3055 = arith.constant 0 : index
    %swap3A_3056 = vector.load %arg18[%swap3A_3053, %swap3A_3054, %swap3A_3055] : memref<1x100x128xf32, #tpu.memory_space<vmem>>, vector<1x4x128xf32>
    %swap3A_3057 = vector.shape_cast %swap3A_3056 : vector<1x4x128xf32> to vector<4x128xf32>
    %swap3A_3058 = vector.shape_cast %add3A_2932 : vector<4x128xf32> to vector<1x4x128xf32>
    tpu.vector_store %arg18[%swap3A_3053, %swap3A_3054, %swap3A_3055], %swap3A_3058 {strides = array<i32>} : memref<1x100x128xf32, #tpu.memory_space<vmem>>, vector<1x4x128xf32>,
    %swap3A_3059 = arith.constant 0 : index
    %swap3A_3060 = arith.constant 8 : index
    %swap3A_3061 = arith.constant 0 : index
    %swap3A_3062 = vector.load %arg18[%swap3A_3059, %swap3A_3060, %swap3A_3061] : memref<1x100x128xf32, #tpu.memory_space<vmem>>, vector<1x4x128xf32>
    %swap3A_3063 = vector.shape_cast %swap3A_3062 : vector<1x4x128xf32> to vector<4x128xf32>
    %swap3A_3064 = vector.shape_cast %add3A_2937 : vector<4x128xf32> to vector<1x4x128xf32>
    tpu.vector_store %arg18[%swap3A_3059, %swap3A_3060, %swap3A_3061], %swap3A_3064 {strides = array<i32>} : memref<1x100x128xf32, #tpu.memory_space<vmem>>, vector<1x4x128xf32>,
    %swap3A_3065 = arith.constant 0 : index
    %swap3A_3066 = arith.constant 12 : index
    %swap3A_3067 = arith.constant 0 : index
    %swap3A_3068 = vector.load %arg18[%swap3A_3065, %swap3A_3066, %swap3A_3067] : memref<1x100x128xf32, #tpu.memory_space<vmem>>, vector<1x4x128xf32>
    %swap3A_3069 = vector.shape_cast %swap3A_3068 : vector<1x4x128xf32> to vector<4x128xf32>
    %swap3A_3070 = vector.shape_cast %add3A_2942 : vector<4x128xf32> to vector<1x4x128xf32>
    tpu.vector_store %arg18[%swap3A_3065, %swap3A_3066, %swap3A_3067], %swap3A_3070 {strides = array<i32>} : memref<1x100x128xf32, #tpu.memory_space<vmem>>, vector<1x4x128xf32>,
    %swap3A_3071 = arith.constant 0 : index
    %swap3A_3072 = arith.constant 16 : index
    %swap3A_3073 = arith.constant 0 : index
    %swap3A_3074 = vector.load %arg18[%swap3A_3071, %swap3A_3072, %swap3A_3073] : memref<1x100x128xf32, #tpu.memory_space<vmem>>, vector<1x4x128xf32>
    %swap3A_3075 = vector.shape_cast %swap3A_3074 : vector<1x4x128xf32> to vector<4x128xf32>
    %swap3A_3076 = vector.shape_cast %add3A_2947 : vector<4x128xf32> to vector<1x4x128xf32>
    tpu.vector_store %arg18[%swap3A_3071, %swap3A_3072, %swap3A_3073], %swap3A_3076 {strides = array<i32>} : memref<1x100x128xf32, #tpu.memory_space<vmem>>, vector<1x4x128xf32>,
    %swap3A_3077 = arith.constant 0 : index
    %swap3A_3078 = arith.constant 20 : index
    %swap3A_3079 = arith.constant 0 : index
    %swap3A_3080 = vector.load %arg18[%swap3A_3077, %swap3A_3078, %swap3A_3079] : memref<1x100x128xf32, #tpu.memory_space<vmem>>, vector<1x4x128xf32>
    %swap3A_3081 = vector.shape_cast %swap3A_3080 : vector<1x4x128xf32> to vector<4x128xf32>
    %swap3A_3082 = vector.shape_cast %add3A_2952 : vector<4x128xf32> to vector<1x4x128xf32>
    tpu.vector_store %arg18[%swap3A_3077, %swap3A_3078, %swap3A_3079], %swap3A_3082 {strides = array<i32>} : memref<1x100x128xf32, #tpu.memory_space<vmem>>, vector<1x4x128xf32>,
    %swap3A_3083 = arith.constant 0 : index
    %swap3A_3084 = arith.constant 24 : index
    %swap3A_3085 = arith.constant 0 : index
    %swap3A_3086 = vector.load %arg18[%swap3A_3083, %swap3A_3084, %swap3A_3085] : memref<1x100x128xf32, #tpu.memory_space<vmem>>, vector<1x4x128xf32>
    %swap3A_3087 = vector.shape_cast %swap3A_3086 : vector<1x4x128xf32> to vector<4x128xf32>
    %swap3A_3088 = vector.shape_cast %add3A_2957 : vector<4x128xf32> to vector<1x4x128xf32>
    tpu.vector_store %arg18[%swap3A_3083, %swap3A_3084, %swap3A_3085], %swap3A_3088 {strides = array<i32>} : memref<1x100x128xf32, #tpu.memory_space<vmem>>, vector<1x4x128xf32>,
    %swap3A_3089 = arith.constant 0 : index
    %swap3A_3090 = arith.constant 28 : index
    %swap3A_3091 = arith.constant 0 : index
    %swap3A_3092 = vector.load %arg18[%swap3A_3089, %swap3A_3090, %swap3A_3091] : memref<1x100x128xf32, #tpu.memory_space<vmem>>, vector<1x4x128xf32>
    %swap3A_3093 = vector.shape_cast %swap3A_3092 : vector<1x4x128xf32> to vector<4x128xf32>
    %swap3A_3094 = vector.shape_cast %add3A_2962 : vector<4x128xf32> to vector<1x4x128xf32>
    tpu.vector_store %arg18[%swap3A_3089, %swap3A_3090, %swap3A_3091], %swap3A_3094 {strides = array<i32>} : memref<1x100x128xf32, #tpu.memory_space<vmem>>, vector<1x4x128xf32>,
    %swap3A_3095 = arith.constant 0 : index
    %swap3A_3096 = arith.constant 32 : index
    %swap3A_3097 = arith.constant 0 : index
    %swap3A_3098 = vector.load %arg18[%swap3A_3095, %swap3A_3096, %swap3A_3097] : memref<1x100x128xf32, #tpu.memory_space<vmem>>, vector<1x4x128xf32>
    %swap3A_3099 = vector.shape_cast %swap3A_3098 : vector<1x4x128xf32> to vector<4x128xf32>
    %swap3A_3100 = vector.shape_cast %add3A_2967 : vector<4x128xf32> to vector<1x4x128xf32>
    tpu.vector_store %arg18[%swap3A_3095, %swap3A_3096, %swap3A_3097], %swap3A_3100 {strides = array<i32>} : memref<1x100x128xf32, #tpu.memory_space<vmem>>, vector<1x4x128xf32>,
    %swap3A_3101 = arith.constant 0 : index
    %swap3A_3102 = arith.constant 36 : index
    %swap3A_3103 = arith.constant 0 : index
    %swap3A_3104 = vector.load %arg18[%swap3A_3101, %swap3A_3102, %swap3A_3103] : memref<1x100x128xf32, #tpu.memory_space<vmem>>, vector<1x4x128xf32>
    %swap3A_3105 = vector.shape_cast %swap3A_3104 : vector<1x4x128xf32> to vector<4x128xf32>
    %swap3A_3106 = vector.shape_cast %add3A_2972 : vector<4x128xf32> to vector<1x4x128xf32>
    tpu.vector_store %arg18[%swap3A_3101, %swap3A_3102, %swap3A_3103], %swap3A_3106 {strides = array<i32>} : memref<1x100x128xf32, #tpu.memory_space<vmem>>, vector<1x4x128xf32>,
    %swap3A_3107 = arith.constant 0 : index
    %swap3A_3108 = arith.constant 40 : index
    %swap3A_3109 = arith.constant 0 : index
    %swap3A_3110 = vector.load %arg18[%swap3A_3107, %swap3A_3108, %swap3A_3109] : memref<1x100x128xf32, #tpu.memory_space<vmem>>, vector<1x4x128xf32>
    %swap3A_3111 = vector.shape_cast %swap3A_3110 : vector<1x4x128xf32> to vector<4x128xf32>
    %swap3A_3112 = vector.shape_cast %add3A_2977 : vector<4x128xf32> to vector<1x4x128xf32>
    tpu.vector_store %arg18[%swap3A_3107, %swap3A_3108, %swap3A_3109], %swap3A_3112 {strides = array<i32>} : memref<1x100x128xf32, #tpu.memory_space<vmem>>, vector<1x4x128xf32>,
    %swap3A_3113 = arith.constant 0 : index
    %swap3A_3114 = arith.constant 44 : index
    %swap3A_3115 = arith.constant 0 : index
    %swap3A_3116 = vector.load %arg18[%swap3A_3113, %swap3A_3114, %swap3A_3115] : memref<1x100x128xf32, #tpu.memory_space<vmem>>, vector<1x4x128xf32>
    %swap3A_3117 = vector.shape_cast %swap3A_3116 : vector<1x4x128xf32> to vector<4x128xf32>
    %swap3A_3118 = vector.shape_cast %add3A_2982 : vector<4x128xf32> to vector<1x4x128xf32>
    tpu.vector_store %arg18[%swap3A_3113, %swap3A_3114, %swap3A_3115], %swap3A_3118 {strides = array<i32>} : memref<1x100x128xf32, #tpu.memory_space<vmem>>, vector<1x4x128xf32>,
    %swap3A_3119 = arith.constant 0 : index
    %swap3A_3120 = arith.constant 48 : index
    %swap3A_3121 = arith.constant 0 : index
    %swap3A_3122 = vector.load %arg18[%swap3A_3119, %swap3A_3120, %swap3A_3121] : memref<1x100x128xf32, #tpu.memory_space<vmem>>, vector<1x4x128xf32>
    %swap3A_3123 = vector.shape_cast %swap3A_3122 : vector<1x4x128xf32> to vector<4x128xf32>
    %swap3A_3124 = vector.shape_cast %add3A_2987 : vector<4x128xf32> to vector<1x4x128xf32>
    tpu.vector_store %arg18[%swap3A_3119, %swap3A_3120, %swap3A_3121], %swap3A_3124 {strides = array<i32>} : memref<1x100x128xf32, #tpu.memory_space<vmem>>, vector<1x4x128xf32>,
    %swap3A_3125 = arith.constant 0 : index
    %swap3A_3126 = arith.constant 52 : index
    %swap3A_3127 = arith.constant 0 : index
    %swap3A_3128 = vector.load %arg18[%swap3A_3125, %swap3A_3126, %swap3A_3127] : memref<1x100x128xf32, #tpu.memory_space<vmem>>, vector<1x4x128xf32>
    %swap3A_3129 = vector.shape_cast %swap3A_3128 : vector<1x4x128xf32> to vector<4x128xf32>
    %swap3A_3130 = vector.shape_cast %add3A_2992 : vector<4x128xf32> to vector<1x4x128xf32>
    tpu.vector_store %arg18[%swap3A_3125, %swap3A_3126, %swap3A_3127], %swap3A_3130 {strides = array<i32>} : memref<1x100x128xf32, #tpu.memory_space<vmem>>, vector<1x4x128xf32>,
    %swap3A_3131 = arith.constant 0 : index
    %swap3A_3132 = arith.constant 56 : index
    %swap3A_3133 = arith.constant 0 : index
    %swap3A_3134 = vector.load %arg18[%swap3A_3131, %swap3A_3132, %swap3A_3133] : memref<1x100x128xf32, #tpu.memory_space<vmem>>, vector<1x4x128xf32>
    %swap3A_3135 = vector.shape_cast %swap3A_3134 : vector<1x4x128xf32> to vector<4x128xf32>
    %swap3A_3136 = vector.shape_cast %add3A_2997 : vector<4x128xf32> to vector<1x4x128xf32>
    tpu.vector_store %arg18[%swap3A_3131, %swap3A_3132, %swap3A_3133], %swap3A_3136 {strides = array<i32>} : memref<1x100x128xf32, #tpu.memory_space<vmem>>, vector<1x4x128xf32>,
    %swap3A_3137 = arith.constant 0 : index
    %swap3A_3138 = arith.constant 60 : index
    %swap3A_3139 = arith.constant 0 : index
    %swap3A_3140 = vector.load %arg18[%swap3A_3137, %swap3A_3138, %swap3A_3139] : memref<1x100x128xf32, #tpu.memory_space<vmem>>, vector<1x4x128xf32>
    %swap3A_3141 = vector.shape_cast %swap3A_3140 : vector<1x4x128xf32> to vector<4x128xf32>
    %swap3A_3142 = vector.shape_cast %add3A_3002 : vector<4x128xf32> to vector<1x4x128xf32>
    tpu.vector_store %arg18[%swap3A_3137, %swap3A_3138, %swap3A_3139], %swap3A_3142 {strides = array<i32>} : memref<1x100x128xf32, #tpu.memory_space<vmem>>, vector<1x4x128xf32>,
    %swap3A_3143 = arith.constant 0 : index
    %swap3A_3144 = arith.constant 64 : index
    %swap3A_3145 = arith.constant 0 : index
    %swap3A_3146 = vector.load %arg18[%swap3A_3143, %swap3A_3144, %swap3A_3145] : memref<1x100x128xf32, #tpu.memory_space<vmem>>, vector<1x4x128xf32>
    %swap3A_3147 = vector.shape_cast %swap3A_3146 : vector<1x4x128xf32> to vector<4x128xf32>
    %swap3A_3148 = vector.shape_cast %add3A_3007 : vector<4x128xf32> to vector<1x4x128xf32>
    tpu.vector_store %arg18[%swap3A_3143, %swap3A_3144, %swap3A_3145], %swap3A_3148 {strides = array<i32>} : memref<1x100x128xf32, #tpu.memory_space<vmem>>, vector<1x4x128xf32>,
    %swap3A_3149 = arith.constant 0 : index
    %swap3A_3150 = arith.constant 68 : index
    %swap3A_3151 = arith.constant 0 : index
    %swap3A_3152 = vector.load %arg18[%swap3A_3149, %swap3A_3150, %swap3A_3151] : memref<1x100x128xf32, #tpu.memory_space<vmem>>, vector<1x4x128xf32>
    %swap3A_3153 = vector.shape_cast %swap3A_3152 : vector<1x4x128xf32> to vector<4x128xf32>
    %swap3A_3154 = vector.shape_cast %add3A_3012 : vector<4x128xf32> to vector<1x4x128xf32>
    tpu.vector_store %arg18[%swap3A_3149, %swap3A_3150, %swap3A_3151], %swap3A_3154 {strides = array<i32>} : memref<1x100x128xf32, #tpu.memory_space<vmem>>, vector<1x4x128xf32>,
    %swap3A_3155 = arith.constant 0 : index
    %swap3A_3156 = arith.constant 72 : index
    %swap3A_3157 = arith.constant 0 : index
    %swap3A_3158 = vector.load %arg18[%swap3A_3155, %swap3A_3156, %swap3A_3157] : memref<1x100x128xf32, #tpu.memory_space<vmem>>, vector<1x4x128xf32>
    %swap3A_3159 = vector.shape_cast %swap3A_3158 : vector<1x4x128xf32> to vector<4x128xf32>
    %swap3A_3160 = vector.shape_cast %add3A_3017 : vector<4x128xf32> to vector<1x4x128xf32>
    tpu.vector_store %arg18[%swap3A_3155, %swap3A_3156, %swap3A_3157], %swap3A_3160 {strides = array<i32>} : memref<1x100x128xf32, #tpu.memory_space<vmem>>, vector<1x4x128xf32>,
    %swap3A_3161 = arith.constant 0 : index
    %swap3A_3162 = arith.constant 76 : index
    %swap3A_3163 = arith.constant 0 : index
    %swap3A_3164 = vector.load %arg18[%swap3A_3161, %swap3A_3162, %swap3A_3163] : memref<1x100x128xf32, #tpu.memory_space<vmem>>, vector<1x4x128xf32>
    %swap3A_3165 = vector.shape_cast %swap3A_3164 : vector<1x4x128xf32> to vector<4x128xf32>
    %swap3A_3166 = vector.shape_cast %add3A_3022 : vector<4x128xf32> to vector<1x4x128xf32>
    tpu.vector_store %arg18[%swap3A_3161, %swap3A_3162, %swap3A_3163], %swap3A_3166 {strides = array<i32>} : memref<1x100x128xf32, #tpu.memory_space<vmem>>, vector<1x4x128xf32>,
    %swap3A_3167 = arith.constant 0 : index
    %swap3A_3168 = arith.constant 80 : index
    %swap3A_3169 = arith.constant 0 : index
    %swap3A_3170 = vector.load %arg18[%swap3A_3167, %swap3A_3168, %swap3A_3169] : memref<1x100x128xf32, #tpu.memory_space<vmem>>, vector<1x4x128xf32>
    %swap3A_3171 = vector.shape_cast %swap3A_3170 : vector<1x4x128xf32> to vector<4x128xf32>
    %swap3A_3172 = vector.shape_cast %add3A_3027 : vector<4x128xf32> to vector<1x4x128xf32>
    tpu.vector_store %arg18[%swap3A_3167, %swap3A_3168, %swap3A_3169], %swap3A_3172 {strides = array<i32>} : memref<1x100x128xf32, #tpu.memory_space<vmem>>, vector<1x4x128xf32>,
    %swap3A_3173 = arith.constant 0 : index
    %swap3A_3174 = arith.constant 84 : index
    %swap3A_3175 = arith.constant 0 : index
    %swap3A_3176 = vector.load %arg18[%swap3A_3173, %swap3A_3174, %swap3A_3175] : memref<1x100x128xf32, #tpu.memory_space<vmem>>, vector<1x4x128xf32>
    %swap3A_3177 = vector.shape_cast %swap3A_3176 : vector<1x4x128xf32> to vector<4x128xf32>
    %swap3A_3178 = vector.shape_cast %add3A_3032 : vector<4x128xf32> to vector<1x4x128xf32>
    tpu.vector_store %arg18[%swap3A_3173, %swap3A_3174, %swap3A_3175], %swap3A_3178 {strides = array<i32>} : memref<1x100x128xf32, #tpu.memory_space<vmem>>, vector<1x4x128xf32>,
    %swap3A_3179 = arith.constant 0 : index
    %swap3A_3180 = arith.constant 88 : index
    %swap3A_3181 = arith.constant 0 : index
    %swap3A_3182 = vector.load %arg18[%swap3A_3179, %swap3A_3180, %swap3A_3181] : memref<1x100x128xf32, #tpu.memory_space<vmem>>, vector<1x4x128xf32>
    %swap3A_3183 = vector.shape_cast %swap3A_3182 : vector<1x4x128xf32> to vector<4x128xf32>
    %swap3A_3184 = vector.shape_cast %add3A_3037 : vector<4x128xf32> to vector<1x4x128xf32>
    tpu.vector_store %arg18[%swap3A_3179, %swap3A_3180, %swap3A_3181], %swap3A_3184 {strides = array<i32>} : memref<1x100x128xf32, #tpu.memory_space<vmem>>, vector<1x4x128xf32>,
    %swap3A_3185 = arith.constant 0 : index
    %swap3A_3186 = arith.constant 92 : index
    %swap3A_3187 = arith.constant 0 : index
    %swap3A_3188 = vector.load %arg18[%swap3A_3185, %swap3A_3186, %swap3A_3187] : memref<1x100x128xf32, #tpu.memory_space<vmem>>, vector<1x4x128xf32>
    %swap3A_3189 = vector.shape_cast %swap3A_3188 : vector<1x4x128xf32> to vector<4x128xf32>
    %swap3A_3190 = vector.shape_cast %add3A_3042 : vector<4x128xf32> to vector<1x4x128xf32>
    tpu.vector_store %arg18[%swap3A_3185, %swap3A_3186, %swap3A_3187], %swap3A_3190 {strides = array<i32>} : memref<1x100x128xf32, #tpu.memory_space<vmem>>, vector<1x4x128xf32>,
    %swap3A_3191 = arith.constant 0 : index
    %swap3A_3192 = arith.constant 96 : index
    %swap3A_3193 = arith.constant 0 : index
    %swap3A_3194 = vector.load %arg18[%swap3A_3191, %swap3A_3192, %swap3A_3193] : memref<1x100x128xf32, #tpu.memory_space<vmem>>, vector<1x4x128xf32>
    %swap3A_3195 = vector.shape_cast %swap3A_3194 : vector<1x4x128xf32> to vector<4x128xf32>
    %swap3A_3196 = vector.shape_cast %add3A_3047 : vector<4x128xf32> to vector<1x4x128xf32>
    tpu.vector_store %arg18[%swap3A_3191, %swap3A_3192, %swap3A_3193], %swap3A_3196 {strides = array<i32>} : memref<1x100x128xf32, #tpu.memory_space<vmem>>, vector<1x4x128xf32>,
    %add3A_3197 = arith.addf %broadcast_in_dim3A_2501, %broadcast_in_dim3A_2504 : vector<1x1xf32>
    %add3A_3198 = arith.addf %add3A_3197, %broadcast_in_dim3A_2507 : vector<1x1xf32>
    %add3A_3199 = arith.addf %add3A_3198, %broadcast_in_dim3A_2510 : vector<1x1xf32>
    %add3A_3200 = arith.addf %add3A_3199, %broadcast_in_dim3A_2513 : vector<1x1xf32>
    %add3A_3201 = arith.addf %add3A_3200, %broadcast_in_dim3A_2516 : vector<1x1xf32>
    %add3A_3202 = arith.addf %add3A_3201, %broadcast_in_dim3A_2519 : vector<1x1xf32>
    %add3A_3203 = arith.addf %add3A_3202, %broadcast_in_dim3A_2522 : vector<1x1xf32>
    %add3A_3204 = arith.addf %add3A_3203, %broadcast_in_dim3A_2525 : vector<1x1xf32>
    %add3A_3205 = arith.addf %add3A_3204, %broadcast_in_dim3A_2528 : vector<1x1xf32>
    %add3A_3206 = arith.addf %add3A_3205, %broadcast_in_dim3A_2531 : vector<1x1xf32>
    %add3A_3207 = arith.addf %add3A_3206, %broadcast_in_dim3A_2534 : vector<1x1xf32>
    %add3A_3208 = arith.addf %add3A_3207, %broadcast_in_dim3A_2537 : vector<1x1xf32>
    %add3A_3209 = arith.addf %add3A_3208, %broadcast_in_dim3A_2540 : vector<1x1xf32>
    %add3A_3210 = arith.addf %add3A_3209, %broadcast_in_dim3A_2543 : vector<1x1xf32>
    %add3A_3211 = arith.addf %add3A_3210, %broadcast_in_dim3A_2546 : vector<1x1xf32>
    %add3A_3212 = arith.addf %add3A_3211, %broadcast_in_dim3A_2549 : vector<1x1xf32>
    %add3A_3213 = arith.addf %add3A_3212, %broadcast_in_dim3A_2552 : vector<1x1xf32>
    %add3A_3214 = arith.addf %add3A_3213, %broadcast_in_dim3A_2555 : vector<1x1xf32>
    %add3A_3215 = arith.addf %add3A_3214, %broadcast_in_dim3A_2558 : vector<1x1xf32>
    %add3A_3216 = arith.addf %add3A_3215, %broadcast_in_dim3A_2561 : vector<1x1xf32>
    %add3A_3217 = arith.addf %add3A_3216, %broadcast_in_dim3A_2564 : vector<1x1xf32>
    %add3A_3218 = arith.addf %add3A_3217, %broadcast_in_dim3A_2567 : vector<1x1xf32>
    %add3A_3219 = arith.addf %add3A_3218, %broadcast_in_dim3A_2570 : vector<1x1xf32>
    %add3A_3220 = arith.addf %add3A_3219, %broadcast_in_dim3A_2573 : vector<1x1xf32>
    %eq3A_3221 = arith.constant 0 : i32
    %eq3A_3222 = arith.cmpi eq, %arg0, %eq3A_3221 : i32
    %convert_element_type3A = arith.extui %eq3A_3222 : i1 to i32
    %cond3A = arith.constant 0 : i32
    %cond3A_3223 = arith.cmpi ne, %convert_element_type3A, %cond3A : i32
    scf.if %cond3A_3223 {
      %broadcast_in_dim3A_3231 = arith.constant 0.000000e+00 : f32
      %broadcast_in_dim3A_3232 = vector.broadcast %broadcast_in_dim3A_3231 : f32 to vector<1x1xf32>
      %swap3A_3233 = arith.constant 0 : index
      %swap3A_3234 = arith.constant 0 : index
      %swap3A_3235 = vector.load %arg19[%swap3A_3233, %swap3A_3234] : memref<1x1xf32, #tpu.memory_space<vmem>>, vector<1x1xf32>
      tpu.vector_store %arg19[%swap3A_3233, %swap3A_3234], %broadcast_in_dim3A_3232 {strides = array<i32>} : memref<1x1xf32, #tpu.memory_space<vmem>>, vector<1x1xf32>,
    } else {
    }
    %get3A_3224 = arith.constant 0 : index
    %get3A_3225 = arith.constant 0 : index
    %get3A_3226 = vector.load %arg19[%get3A_3224, %get3A_3225] : memref<1x1xf32, #tpu.memory_space<vmem>>, vector<1x1xf32>
    %add3A_3227 = arith.addf %get3A_3226, %add3A_3220 : vector<1x1xf32>
    %swap3A_3228 = arith.constant 0 : index
    %swap3A_3229 = arith.constant 0 : index
    %swap3A_3230 = vector.load %arg19[%swap3A_3228, %swap3A_3229] : memref<1x1xf32, #tpu.memory_space<vmem>>, vector<1x1xf32>
    tpu.vector_store %arg19[%swap3A_3228, %swap3A_3229], %add3A_3227 {strides = array<i32>} : memref<1x1xf32, #tpu.memory_space<vmem>>, vector<1x1xf32>,
    return
  }
  func.func @transform_0(%arg0: i32) -> (i32, i32, i32) {
    %c0_i32 = arith.constant 0 : i32
    %c0_i32_0 = arith.constant 0 : i32
    %c0_i32_1 = arith.constant 0 : i32
    return %arg0, %c0_i32, %c0_i32_0 : i32, i32, i32
  }
  func.func @transform_1(%arg0: i32) -> (i32, i32, i32) {
    %c0_i32 = arith.constant 0 : i32
    %c0_i32_0 = arith.constant 0 : i32
    %c0_i32_1 = arith.constant 0 : i32
    return %arg0, %c0_i32, %c0_i32_0 : i32, i32, i32
  }
  func.func @transform_2(%arg0: i32) -> (i32, i32, i32) {
    %c0_i32 = arith.constant 0 : i32
    %c0_i32_0 = arith.constant 0 : i32
    %c0_i32_1 = arith.constant 0 : i32
    return %arg0, %c0_i32, %c0_i32_0 : i32, i32, i32
  }
  func.func @transform_3(%arg0: i32) -> (i32, i32) {
    %c0_i32 = arith.constant 0 : i32
    %c0_i32_0 = arith.constant 0 : i32
    %c0_i32_1 = arith.constant 0 : i32
    return %c0_i32, %c0_i32_0 : i32, i32
  }
  func.func @transform_4(%arg0: i32) -> (i32, i32) {
    %c0_i32 = arith.constant 0 : i32
    %c0_i32_0 = arith.constant 0 : i32
    %c0_i32_1 = arith.constant 0 : i32
    return %c0_i32, %c0_i32_0 : i32, i32
  }
  func.func @transform_5(%arg0: i32) -> (i32, i32) {
    %c0_i32 = arith.constant 0 : i32
    %c0_i32_0 = arith.constant 0 : i32
    %c0_i32_1 = arith.constant 0 : i32
    return %c0_i32, %c0_i32_0 : i32, i32
  }
  func.func @transform_6(%arg0: i32) -> (i32, i32) {
    %c0_i32 = arith.constant 0 : i32
    %c0_i32_0 = arith.constant 0 : i32
    %c0_i32_1 = arith.constant 0 : i32
    return %c0_i32, %c0_i32_0 : i32, i32
  }
  func.func @transform_7(%arg0: i32) -> (i32, i32) {
    %c0_i32 = arith.constant 0 : i32
    %c0_i32_0 = arith.constant 0 : i32
    %c0_i32_1 = arith.constant 0 : i32
    return %c0_i32, %c0_i32_0 : i32, i32
  }
  func.func @transform_8(%arg0: i32) -> (i32, i32) {
    %c0_i32 = arith.constant 0 : i32
    %c0_i32_0 = arith.constant 0 : i32
    %c0_i32_1 = arith.constant 0 : i32
    return %c0_i32, %c0_i32_0 : i32, i32
  }
  func.func @transform_9(%arg0: i32) -> (i32, i32) {
    %c0_i32 = arith.constant 0 : i32
    %c0_i32_0 = arith.constant 0 : i32
    %c0_i32_1 = arith.constant 0 : i32
    return %c0_i32, %c0_i32_0 : i32, i32
  }
  func.func @transform_10(%arg0: i32) -> (i32, i32) {
    %c0_i32 = arith.constant 0 : i32
    %c0_i32_0 = arith.constant 0 : i32
    %c0_i32_1 = arith.constant 0 : i32
    return %c0_i32, %c0_i32_0 : i32, i32
  }
  func.func @transform_11(%arg0: i32) -> (i32, i32) {
    %c0_i32 = arith.constant 0 : i32
    %c0_i32_0 = arith.constant 0 : i32
    %c0_i32_1 = arith.constant 0 : i32
    return %c0_i32, %c0_i32_0 : i32, i32
  }
  func.func @transform_12(%arg0: i32) -> (i32, i32) {
    %c0_i32 = arith.constant 0 : i32
    %c0_i32_0 = arith.constant 0 : i32
    %c0_i32_1 = arith.constant 0 : i32
    return %c0_i32, %c0_i32_0 : i32, i32
  }
  func.func @transform_13(%arg0: i32) -> (i32, i32) {
    %c0_i32 = arith.constant 0 : i32
    %c0_i32_0 = arith.constant 0 : i32
    %c0_i32_1 = arith.constant 0 : i32
    return %c0_i32, %c0_i32_0 : i32, i32
  }
  func.func @transform_14(%arg0: i32) -> (i32, i32) {
    %c0_i32 = arith.constant 0 : i32
    %c0_i32_0 = arith.constant 0 : i32
    %c0_i32_1 = arith.constant 0 : i32
    return %c0_i32, %c0_i32_0 : i32, i32
  }
  func.func @transform_15(%arg0: i32) -> (i32, i32) {
    %c0_i32 = arith.constant 0 : i32
    %c0_i32_0 = arith.constant 0 : i32
    %c0_i32_1 = arith.constant 0 : i32
    return %c0_i32, %c0_i32_0 : i32, i32
  }
  func.func @transform_16(%arg0: i32) -> (i32, i32) {
    %c0_i32 = arith.constant 0 : i32
    %c0_i32_0 = arith.constant 0 : i32
    %c0_i32_1 = arith.constant 0 : i32
    return %c0_i32, %c0_i32_0 : i32, i32
  }
  func.func @transform_17(%arg0: i32) -> (i32, i32, i32) {
    %c0_i32 = arith.constant 0 : i32
    %c0_i32_0 = arith.constant 0 : i32
    %c0_i32_1 = arith.constant 0 : i32
    return %arg0, %c0_i32, %c0_i32_0 : i32, i32, i32
  }
  func.func @transform_18(%arg0: i32) -> (i32, i32) {
    %c0_i32 = arith.constant 0 : i32
    %c0_i32_0 = arith.constant 0 : i32
    %c0_i32_1 = arith.constant 0 : i32
    return %c0_i32, %c0_i32_0 : i32, i32
  }
}

module attributes {stable_mosaic.version = 14 : i64} {
  func.func @body(%arg0: i32, %arg1: memref<2000x128xf32, #tpu.memory_space<vmem>>, %arg2: memref<2000x16xf32, #tpu.memory_space<vmem>>, %arg3: memref<2000x16xf32, #tpu.memory_space<vmem>>, %arg4: memref<2000x128xf32, #tpu.memory_space<vmem>>, %arg5: memref<2000x16xf32, #tpu.memory_space<vmem>>) attributes {dimension_semantics = [#tpu.dimension_semantics<arbitrary>], iteration_bounds = array<i64: 5>, scalar_prefetch = 0 : i64, scratch_operands = 0 : i64, tpu.core_type = #tpu.core_type<tc>, window_params = [{transform_indices = @transform_0, window_bounds = array<i64: 2000, 128>}, {transform_indices = @transform_1, window_bounds = array<i64: 2000, 16>}, {transform_indices = @transform_2, window_bounds = array<i64: 2000, 16>}, {transform_indices = @transform_3, window_bounds = array<i64: 2000, 128>}, {transform_indices = @transform_4, window_bounds = array<i64: 2000, 16>}]} {
    %get3A = arith.constant 0 : index
    %get3A_0 = arith.constant 0 : index
    %get3A_1 = vector.load %arg2[%get3A, %get3A_0] : memref<2000x16xf32, #tpu.memory_space<vmem>>, vector<2000x1xf32>
    %get3A_2 = arith.constant 0 : index
    %get3A_3 = arith.constant 0 : index
    %get3A_4 = vector.load %arg3[%get3A_2, %get3A_3] : memref<2000x16xf32, #tpu.memory_space<vmem>>, vector<2000x1xf32>
    %add3A = arith.addf %get3A_1, %get3A_4 : vector<2000x1xf32>
    %add3A_5 = arith.constant 1.000000e+00 : f32
    %add3A_6 = vector.broadcast %add3A_5 : f32 to vector<2000x1xf32>
    %add3A_7 = arith.addf %add3A, %add3A_6 : vector<2000x1xf32>
    %rsqrt3A = math.rsqrt %add3A_7 : vector<2000x1xf32>
    %get3A_8 = arith.constant 0 : index
    %get3A_9 = arith.constant 0 : index
    %get3A_10 = vector.load %arg1[%get3A_8, %get3A_9] : memref<2000x128xf32, #tpu.memory_space<vmem>>, vector<2000x128xf32>
    %mul3A = vector.broadcast %rsqrt3A : vector<2000x1xf32> to vector<2000x128xf32>
    %mul3A_11 = arith.mulf %get3A_10, %mul3A : vector<2000x128xf32>
    %swap3A = arith.constant 0 : index
    %swap3A_12 = arith.constant 0 : index
    %swap3A_13 = vector.load %arg4[%swap3A, %swap3A_12] : memref<2000x128xf32, #tpu.memory_space<vmem>>, vector<2000x128xf32>
    tpu.vector_store %arg4[%swap3A, %swap3A_12], %mul3A_11 {strides = array<i32>} : memref<2000x128xf32, #tpu.memory_space<vmem>>, vector<2000x128xf32>,
    %broadcast_in_dim3A = vector.shape_cast %rsqrt3A : vector<2000x1xf32> to vector<2000x1xf32>
    %broadcast_in_dim3A_14 = vector.broadcast %broadcast_in_dim3A : vector<2000x1xf32> to vector<2000x16xf32>
    %swap3A_15 = arith.constant 0 : index
    %swap3A_16 = arith.constant 0 : index
    %swap3A_17 = vector.load %arg5[%swap3A_15, %swap3A_16] : memref<2000x16xf32, #tpu.memory_space<vmem>>, vector<2000x16xf32>
    tpu.vector_store %arg5[%swap3A_15, %swap3A_16], %broadcast_in_dim3A_14 {strides = array<i32>} : memref<2000x16xf32, #tpu.memory_space<vmem>>, vector<2000x16xf32>,
    return
  }
  func.func @transform_0(%arg0: i32) -> (i32, i32) {
    %c0_i32 = arith.constant 0 : i32
    %c0_i32_0 = arith.constant 0 : i32
    return %arg0, %c0_i32 : i32, i32
  }
  func.func @transform_1(%arg0: i32) -> (i32, i32) {
    %c0_i32 = arith.constant 0 : i32
    %c0_i32_0 = arith.constant 0 : i32
    return %arg0, %c0_i32 : i32, i32
  }
  func.func @transform_2(%arg0: i32) -> (i32, i32) {
    %c0_i32 = arith.constant 0 : i32
    %c0_i32_0 = arith.constant 0 : i32
    return %arg0, %c0_i32 : i32, i32
  }
  func.func @transform_3(%arg0: i32) -> (i32, i32) {
    %c0_i32 = arith.constant 0 : i32
    %c0_i32_0 = arith.constant 0 : i32
    return %arg0, %c0_i32 : i32, i32
  }
  func.func @transform_4(%arg0: i32) -> (i32, i32) {
    %c0_i32 = arith.constant 0 : i32
    %c0_i32_0 = arith.constant 0 : i32
    return %arg0, %c0_i32 : i32, i32
  }
}

module attributes {stable_mosaic.version = 14 : i64} {
  func.func @body(%arg0: i32, %arg1: memref<2000x128xf32, #tpu.memory_space<vmem>>, %arg2: memref<2000x128xf32, #tpu.memory_space<vmem>>, %arg3: memref<2000x128xf32, #tpu.memory_space<vmem>>, %arg4: memref<2000x16xf32, #tpu.memory_space<vmem>>, %arg5: memref<128x16xf32, #tpu.memory_space<vmem>>, %arg6: memref<1x128xf32, #tpu.memory_space<vmem>>, %arg7: memref<2000x16xf32, #tpu.memory_space<vmem>>, %arg8: memref<2000x16xf32, #tpu.memory_space<vmem>>) attributes {dimension_semantics = [#tpu.dimension_semantics<arbitrary>], iteration_bounds = array<i64: 5>, scalar_prefetch = 0 : i64, scratch_operands = 0 : i64, tpu.core_type = #tpu.core_type<tc>, window_params = [{transform_indices = @transform_0, window_bounds = array<i64: 2000, 128>}, {transform_indices = @transform_1, window_bounds = array<i64: 2000, 128>}, {transform_indices = @transform_2, window_bounds = array<i64: 2000, 128>}, {transform_indices = @transform_3, window_bounds = array<i64: 2000, 16>}, {pipeline_mode = #tpu.pipeline_mode<synchronous>, transform_indices = @transform_4, window_bounds = array<i64: 128, 16>}, {pipeline_mode = #tpu.pipeline_mode<synchronous>, transform_indices = @transform_5, window_bounds = array<i64: 1, 128>}, {transform_indices = @transform_6, window_bounds = array<i64: 2000, 16>}, {transform_indices = @transform_7, window_bounds = array<i64: 2000, 16>}]} {
    %get3A = arith.constant 0 : index
    %get3A_0 = arith.constant 0 : index
    %get3A_1 = vector.load %arg4[%get3A, %get3A_0] : memref<2000x16xf32, #tpu.memory_space<vmem>>, vector<2000x1xf32>
    %get3A_2 = arith.constant 0 : index
    %get3A_3 = arith.constant 0 : index
    %get3A_4 = vector.load %arg1[%get3A_2, %get3A_3] : memref<2000x128xf32, #tpu.memory_space<vmem>>, vector<2000x128xf32>
    %get3A_5 = arith.constant 0 : index
    %get3A_6 = arith.constant 0 : index
    %get3A_7 = vector.load %arg2[%get3A_5, %get3A_6] : memref<2000x128xf32, #tpu.memory_space<vmem>>, vector<2000x128xf32>
    %add3A = arith.addf %get3A_4, %get3A_7 : vector<2000x128xf32>
    %mul3A = vector.broadcast %get3A_1 : vector<2000x1xf32> to vector<2000x128xf32>
    %mul3A_8 = arith.mulf %mul3A, %add3A : vector<2000x128xf32>
    %mul3A_9 = arith.mulf %get3A_1, %get3A_1 : vector<2000x1xf32>
    %get3A_10 = arith.constant 0 : index
    %get3A_11 = arith.constant 0 : index
    %get3A_12 = vector.load %arg3[%get3A_10, %get3A_11] : memref<2000x128xf32, #tpu.memory_space<vmem>>, vector<2000x128xf32>
    %mul3A_13 = vector.broadcast %mul3A_9 : vector<2000x1xf32> to vector<2000x128xf32>
    %mul3A_14 = arith.mulf %mul3A_13, %get3A_12 : vector<2000x128xf32>
    %add3A_15 = arith.addf %mul3A_8, %mul3A_14 : vector<2000x128xf32>
    %get3A_16 = arith.constant 0 : index
    %get3A_17 = arith.constant 0 : index
    %get3A_18 = vector.load %arg6[%get3A_16, %get3A_17] : memref<1x128xf32, #tpu.memory_space<vmem>>, vector<1x128xf32>
    %add3A_19 = vector.broadcast %get3A_18 : vector<1x128xf32> to vector<2000x128xf32>
    %add3A_20 = arith.addf %add3A_15, %add3A_19 : vector<2000x128xf32>
    %max3A = arith.constant 0.000000e+00 : f32
    %max3A_21 = vector.broadcast %max3A : f32 to vector<2000x128xf32>
    %max3A_22 = arith.maximumf %add3A_20, %max3A_21 : vector<2000x128xf32>
    %get3A_23 = arith.constant 0 : index
    %get3A_24 = arith.constant 0 : index
    %get3A_25 = vector.load %arg5[%get3A_23, %get3A_24] : memref<128x16xf32, #tpu.memory_space<vmem>>, vector<128x16xf32>
    %dot_general3A = arith.constant dense<0.000000e+00> : vector<2000x16xf32>
    %dot_general3A_26 = tpu.matmul %max3A_22, %get3A_25, %dot_general3A {dimension_numbers = #tpu.dot_dimension_numbers<[1], [0], [0], [1], [0, 0, 1, 1], [], []>, transpose_lhs_hint = false} : vector<2000x128xf32>, vector<128x16xf32>, vector<2000x16xf32> -> vector<2000x16xf32>
    %swap3A = arith.constant 0 : index
    %swap3A_27 = arith.constant 0 : index
    %swap3A_28 = vector.load %arg7[%swap3A, %swap3A_27] : memref<2000x16xf32, #tpu.memory_space<vmem>>, vector<2000x16xf32>
    tpu.vector_store %arg7[%swap3A, %swap3A_27], %dot_general3A_26 {strides = array<i32>} : memref<2000x16xf32, #tpu.memory_space<vmem>>, vector<2000x16xf32>,
    %mul3A_29 = vector.broadcast %get3A_1 : vector<2000x1xf32> to vector<2000x16xf32>
    %mul3A_30 = arith.mulf %dot_general3A_26, %mul3A_29 : vector<2000x16xf32>
    %swap3A_31 = arith.constant 0 : index
    %swap3A_32 = arith.constant 0 : index
    %swap3A_33 = vector.load %arg8[%swap3A_31, %swap3A_32] : memref<2000x16xf32, #tpu.memory_space<vmem>>, vector<2000x16xf32>
    tpu.vector_store %arg8[%swap3A_31, %swap3A_32], %mul3A_30 {strides = array<i32>} : memref<2000x16xf32, #tpu.memory_space<vmem>>, vector<2000x16xf32>,
    return
  }
  func.func @transform_0(%arg0: i32) -> (i32, i32) {
    %c0_i32 = arith.constant 0 : i32
    %c0_i32_0 = arith.constant 0 : i32
    return %arg0, %c0_i32 : i32, i32
  }
  func.func @transform_1(%arg0: i32) -> (i32, i32) {
    %c0_i32 = arith.constant 0 : i32
    %c0_i32_0 = arith.constant 0 : i32
    return %arg0, %c0_i32 : i32, i32
  }
  func.func @transform_2(%arg0: i32) -> (i32, i32) {
    %c0_i32 = arith.constant 0 : i32
    %c0_i32_0 = arith.constant 0 : i32
    return %arg0, %c0_i32 : i32, i32
  }
  func.func @transform_3(%arg0: i32) -> (i32, i32) {
    %c0_i32 = arith.constant 0 : i32
    %c0_i32_0 = arith.constant 0 : i32
    return %arg0, %c0_i32 : i32, i32
  }
  func.func @transform_4(%arg0: i32) -> (i32, i32) {
    %c0_i32 = arith.constant 0 : i32
    %c0_i32_0 = arith.constant 0 : i32
    %c0_i32_1 = arith.constant 0 : i32
    return %c0_i32, %c0_i32_0 : i32, i32
  }
  func.func @transform_5(%arg0: i32) -> (i32, i32) {
    %c0_i32 = arith.constant 0 : i32
    %c0_i32_0 = arith.constant 0 : i32
    %c0_i32_1 = arith.constant 0 : i32
    return %c0_i32, %c0_i32_0 : i32, i32
  }
  func.func @transform_6(%arg0: i32) -> (i32, i32) {
    %c0_i32 = arith.constant 0 : i32
    %c0_i32_0 = arith.constant 0 : i32
    return %arg0, %c0_i32 : i32, i32
  }
  func.func @transform_7(%arg0: i32) -> (i32, i32) {
    %c0_i32 = arith.constant 0 : i32
    %c0_i32_0 = arith.constant 0 : i32
    return %arg0, %c0_i32 : i32, i32
  }
}

module attributes {stable_mosaic.version = 14 : i64} {
  func.func @body(%arg0: i32, %arg1: memref<2000x16xf32, #tpu.memory_space<vmem>>, %arg2: memref<2000x16xf32, #tpu.memory_space<vmem>>, %arg3: memref<2000x16xf32, #tpu.memory_space<vmem>>, %arg4: memref<2000x16xf32, #tpu.memory_space<vmem>>, %arg5: memref<1x16xf32, #tpu.memory_space<vmem>>, %arg6: memref<2000x16xf32, #tpu.memory_space<vmem>>) attributes {dimension_semantics = [#tpu.dimension_semantics<arbitrary>], iteration_bounds = array<i64: 5>, scalar_prefetch = 0 : i64, scratch_operands = 0 : i64, tpu.core_type = #tpu.core_type<tc>, window_params = [{transform_indices = @transform_0, window_bounds = array<i64: 2000, 16>}, {transform_indices = @transform_1, window_bounds = array<i64: 2000, 16>}, {transform_indices = @transform_2, window_bounds = array<i64: 2000, 16>}, {transform_indices = @transform_3, window_bounds = array<i64: 2000, 16>}, {pipeline_mode = #tpu.pipeline_mode<synchronous>, transform_indices = @transform_4, window_bounds = array<i64: 1, 16>}, {transform_indices = @transform_5, window_bounds = array<i64: 2000, 16>}]} {
    %get3A = arith.constant 0 : index
    %get3A_0 = arith.constant 0 : index
    %get3A_1 = vector.load %arg4[%get3A, %get3A_0] : memref<2000x16xf32, #tpu.memory_space<vmem>>, vector<2000x1xf32>
    %get3A_2 = arith.constant 0 : index
    %get3A_3 = arith.constant 0 : index
    %get3A_4 = vector.load %arg1[%get3A_2, %get3A_3] : memref<2000x16xf32, #tpu.memory_space<vmem>>, vector<2000x16xf32>
    %get3A_5 = arith.constant 0 : index
    %get3A_6 = arith.constant 0 : index
    %get3A_7 = vector.load %arg2[%get3A_5, %get3A_6] : memref<2000x16xf32, #tpu.memory_space<vmem>>, vector<2000x16xf32>
    %add3A = arith.addf %get3A_4, %get3A_7 : vector<2000x16xf32>
    %mul3A = vector.broadcast %get3A_1 : vector<2000x1xf32> to vector<2000x16xf32>
    %mul3A_8 = arith.mulf %mul3A, %add3A : vector<2000x16xf32>
    %mul3A_9 = arith.mulf %get3A_1, %get3A_1 : vector<2000x1xf32>
    %get3A_10 = arith.constant 0 : index
    %get3A_11 = arith.constant 0 : index
    %get3A_12 = vector.load %arg3[%get3A_10, %get3A_11] : memref<2000x16xf32, #tpu.memory_space<vmem>>, vector<2000x16xf32>
    %mul3A_13 = vector.broadcast %mul3A_9 : vector<2000x1xf32> to vector<2000x16xf32>
    %mul3A_14 = arith.mulf %mul3A_13, %get3A_12 : vector<2000x16xf32>
    %add3A_15 = arith.addf %mul3A_8, %mul3A_14 : vector<2000x16xf32>
    %get3A_16 = arith.constant 0 : index
    %get3A_17 = arith.constant 0 : index
    %get3A_18 = vector.load %arg5[%get3A_16, %get3A_17] : memref<1x16xf32, #tpu.memory_space<vmem>>, vector<1x16xf32>
    %add3A_19 = vector.broadcast %get3A_18 : vector<1x16xf32> to vector<2000x16xf32>
    %add3A_20 = arith.addf %add3A_15, %add3A_19 : vector<2000x16xf32>
    %reduce_max3A = arith.constant dense<0xFF800000> : vector<2000xf32>
    %reduce_max3A_21 = vector.multi_reduction <maximumf>, %add3A_20, %reduce_max3A [1] : vector<2000x16xf32> to vector<2000xf32>
    %broadcast_in_dim3A = vector.shape_cast %reduce_max3A_21 : vector<2000xf32> to vector<2000x1xf32>
    %sub3A = vector.broadcast %broadcast_in_dim3A : vector<2000x1xf32> to vector<2000x16xf32>
    %sub3A_22 = arith.subf %add3A_20, %sub3A : vector<2000x16xf32>
    %exp3A = math.exp %sub3A_22 : vector<2000x16xf32>
    %reduce_sum3A = arith.constant dense<0.000000e+00> : vector<2000xf32>
    %reduce_sum3A_23 = vector.multi_reduction <add>, %exp3A, %reduce_sum3A [1] : vector<2000x16xf32> to vector<2000xf32>
    %broadcast_in_dim3A_24 = vector.shape_cast %reduce_sum3A_23 : vector<2000xf32> to vector<2000x1xf32>
    %log3A = math.log %broadcast_in_dim3A_24 : vector<2000x1xf32>
    %add3A_25 = arith.addf %broadcast_in_dim3A, %log3A : vector<2000x1xf32>
    %sub3A_26 = vector.broadcast %add3A_25 : vector<2000x1xf32> to vector<2000x16xf32>
    %sub3A_27 = arith.subf %add3A_20, %sub3A_26 : vector<2000x16xf32>
    %swap3A = arith.constant 0 : index
    %swap3A_28 = arith.constant 0 : index
    %swap3A_29 = vector.load %arg6[%swap3A, %swap3A_28] : memref<2000x16xf32, #tpu.memory_space<vmem>>, vector<2000x16xf32>
    tpu.vector_store %arg6[%swap3A, %swap3A_28], %sub3A_27 {strides = array<i32>} : memref<2000x16xf32, #tpu.memory_space<vmem>>, vector<2000x16xf32>,
    return
  }
  func.func @transform_0(%arg0: i32) -> (i32, i32) {
    %c0_i32 = arith.constant 0 : i32
    %c0_i32_0 = arith.constant 0 : i32
    return %arg0, %c0_i32 : i32, i32
  }
  func.func @transform_1(%arg0: i32) -> (i32, i32) {
    %c0_i32 = arith.constant 0 : i32
    %c0_i32_0 = arith.constant 0 : i32
    return %arg0, %c0_i32 : i32, i32
  }
  func.func @transform_2(%arg0: i32) -> (i32, i32) {
    %c0_i32 = arith.constant 0 : i32
    %c0_i32_0 = arith.constant 0 : i32
    return %arg0, %c0_i32 : i32, i32
  }
  func.func @transform_3(%arg0: i32) -> (i32, i32) {
    %c0_i32 = arith.constant 0 : i32
    %c0_i32_0 = arith.constant 0 : i32
    return %arg0, %c0_i32 : i32, i32
  }
  func.func @transform_4(%arg0: i32) -> (i32, i32) {
    %c0_i32 = arith.constant 0 : i32
    %c0_i32_0 = arith.constant 0 : i32
    %c0_i32_1 = arith.constant 0 : i32
    return %c0_i32, %c0_i32_0 : i32, i32
  }
  func.func @transform_5(%arg0: i32) -> (i32, i32) {
    %c0_i32 = arith.constant 0 : i32
    %c0_i32_0 = arith.constant 0 : i32
    return %arg0, %c0_i32 : i32, i32
  }
}

</mosaic_0001>

<sc_bundles>
// kernel: kernel.12.cloned.1.call-start
scs
__scs_entry_jumppad:
0x0: {  	(pc) =	sbr.rel $0x88, $3  }
0x1: {  	(tag) =	ssettag $0x0;
	lr =	simm.s32 $0x1  }
0x2: {  	[smem:$0x3F92] =	sst lr;
	_ =	strace $0xD0000000  }
0x3: {  	_ = 	snop  }
0x4: {  	_ = 	snop  }
0x5: {  	_ = 	snop  }
0x6: {  	_ = 	snop  }
0x7: {  	_ = 	snop  }
__scs_overlays_trampoline_lowered:
0x8: {  	[smem:$0x3FA1] =	sst s0  }
0x9: {  	[smem:$0x3FA2] =	sst s1  }
0xa: {  	[smem:$0x3FA3] =	sst s2  }
0xb: {  	[smem:$0x3FA4] =	sst s3  }
0xc: {  	[smem:$0x3FA5] =	sst s4  }
0xd: {  	[smem:$0x3FA6] =	sst s5  }
0xe: {  	[smem:$0x3FA7] =	sst s6  }
0xf: {  	[smem:$0x3FA8] =	sst s7  }
0x10: {  	[smem:$0x3FA9] =	sst s8  }
0x11: {  	[smem:$0x3FAA] =	sst s9;
	s0 =	simm.s32 @!p0 $0x0  }
0x12: {  	s1 =	sld [smem:$0x3F90];
	s0 =	simm.s32 @p0 $0x1  }
0x13: {  	[smem:$0x3FAB] =	sst s0;
	s0 =	simm.s32 @!p1 $0x0  }
0x14: {  	s2 =	sld [smem:$0x3F8F];
	s0 =	simm.s32 @p1 $0x1  }
0x15: {  	[smem:$0x3FAC] =	sst s0;
	s0 =	simm.s32 @!p2 $0x0  }
0x16: {  	s3 =	sld [smem:$0x3FDB];
	s0 =	simm.s32 @p2 $0x1  }
0x17: {  	s4 =	simm.s32 $0x1BF5;
	[smem:$0x3FAE] =	sst s0  }
0x18: {  	s0 =	sld [smem:$0x3F91];
	_ =	swait.ge [sflag:s4], $0x0  }
0x19: {  	s7 =	sld [smem:$0x3F92]  }
0x1a: {  	s8 =	sadd.s32 $0xFFFFE003, lr  }
0x1b: {  	s9 =	sadd.s32 $0xFFFFFEF7, lr;
	s5 =	simm.s32 $0xFFFFFFFF;
	p2 =	slt.u32 s8, $0xFFFFF086  }
0x1c: {  	p1 =	slt.u32 s9, $0xF7A;
	s5 =	simm.s32 @!p2 $0x0  }
0x1d: {  	s5 =	simm.s32 @p1 $0x1;
	p0 =	seq.s32 s7, s2  }
0x1e: {  	s7 =	smul.u32 @!p0 $0xF7A, s2;
	p2 =	seq.s32 @!p0 s5, $0x0  }
0x1f: {  	s9 =	smul.u32 $0xF7A, s1;
	s8 =	simm.s32 @!p0 $0x1BF5;
	p2 =	por !p2, p0  }
0x20: {  	[sflag:s8] =	ssyncset.s32 @!p0 $0xFFFFF086;
	s6 =	sadd.s32 @!p0 s3, s7;
	s7 =	simm.s32 @!p0 $0x108  }
0x21: {  	s3 =	sadd.s32 s3, s9;
	s6 =	sadd.s32 @!p0 $0x88, s6;
	s7 =	simm.s32 @p2 $0x1082  }
0x22: {  	[simem:s7], [sflag:s8] =	dma.local @!p0 [hbm:s6], $0xF7A  }
0x23: {  	s9 =	sor.u32 $0xD0000000, s2;
	s6 =	simm.s32 $0x108;
	_ =	swait.ge @!p0 [sflag:s8], $0x0  }
0x24: {  	s3 =	sadd.s32 $0x88, s3;
	s6 =	simm.s32 @!p1 $0x1082;
	[sflag:s4] =	ssyncset.s32 $0xFFFFF086  }
0x25: {  	[simem:s6], [sflag:s4] =	dma.local [hbm:s3], $0xF7A  }
0x26: {  	[smem:$0x3F92] =	sst s1;
	(tag) =	ssettag s2;
	_ =	strace s9  }
0x27: {  	s1 =	sld [smem:$0x3FA2]  }
0x28: {  	s2 =	sld [smem:$0x3FA3]  }
0x29: {  	s4 =	sld [smem:$0x3FA5]  }
0x2a: {  	p0 =	seq.s32 s5, $0x0;
	s5 =	sld [smem:$0x3FA6]  }
0x2b: {  	s6 =	sld [smem:$0x3FA7]  }
0x2c: {  	s7 =	sld [smem:$0x3FA8]  }
0x2d: {  	s3 =	simm.s32 $0x108;
	s8 =	sld [smem:$0x3FA9]  }
0x2e: {  	s3 =	simm.s32 @!p0 $0x1082;
	s9 =	sld [smem:$0x3FAA]  }
0x2f: {  	lr =	sadd.s32 s0, s3;
	s0 =	sld [smem:$0x3FA1]  }
0x30: {  	s3 =	sld [smem:$0x3FA4]  }
0x31: {  	[smem:$0x3FAD] =	sst s10  }
0x32: {  	s10 =	sld [smem:$0x3FAB];
	_ =	sdelay $0x3  }
0x33: {  	p0 =	seq.s32 s10, $0x1;
	s10 =	sld [smem:$0x3FAD];
	_ =	sdelay $0x3  }
0x34: {  	[smem:$0x3FAD] =	sst s10  }
0x35: {  	s10 =	sld [smem:$0x3FAC];
	_ =	sdelay $0x3  }
0x36: {  	p1 =	seq.s32 s10, $0x1;
	s10 =	sld [smem:$0x3FAD];
	_ =	sdelay $0x3  }
0x37: {  	[smem:$0x3FAD] =	sst s10  }
0x38: {  	s10 =	sld [smem:$0x3FAE]  }
0x39: {  	_ = 	snop;
	(pc) =	sbr.ind lr, $3  }
0x3a: {  	_ = 	snop  }
0x3b: {  	_ = 	snop  }
0x3c: {  	p2 =	seq.s32 s10, $0x1;
	s10 =	sld [smem:$0x3FAD]  }
0x3d: {  	_ =	shalt  }
0x3e: {  	_ =	shalt  }
0x3f: {  	_ =	shalt  }
0x40: {  	_ =	shalt  }
0x41: {  	_ =	shalt  }
0x42: {  	_ =	shalt  }
0x43: {  	_ =	shalt  }
0x44: {  	_ =	shalt  }
0x45: {  	_ =	shalt  }
0x46: {  	_ =	shalt  }
0x47: {  	_ =	shalt  }
0x48: {  	_ =	shalt  }
0x49: {  	_ =	shalt  }
0x4a: {  	_ =	shalt  }
0x4b: {  	_ =	shalt  }
0x4c: {  	_ =	shalt  }
0x4d: {  	_ =	shalt  }
0x4e: {  	_ =	shalt  }
0x4f: {  	_ =	shalt  }
0x50: {  	_ =	shalt  }
0x51: {  	_ =	shalt  }
0x52: {  	_ =	shalt  }
0x53: {  	_ =	shalt  }
0x54: {  	_ =	shalt  }
0x55: {  	_ =	shalt  }
0x56: {  	_ =	shalt  }
0x57: {  	_ =	shalt  }
0x58: {  	_ =	shalt  }
0x59: {  	_ =	shalt  }
0x5a: {  	_ =	shalt  }
0x5b: {  	_ =	shalt  }
0x5c: {  	_ =	shalt  }
0x5d: {  	_ =	shalt  }
0x5e: {  	_ =	shalt  }
0x5f: {  	_ =	shalt  }
0x60: {  	_ =	shalt  }
0x61: {  	_ =	shalt  }
0x62: {  	_ =	shalt  }
0x63: {  	_ =	shalt  }
0x64: {  	_ =	shalt  }
0x65: {  	_ =	shalt  }
0x66: {  	_ =	shalt  }
0x67: {  	_ =	shalt  }
0x68: {  	_ =	shalt  }
0x69: {  	_ =	shalt  }
0x6a: {  	_ =	shalt  }
0x6b: {  	_ =	shalt  }
0x6c: {  	_ =	shalt  }
0x6d: {  	_ =	shalt  }
0x6e: {  	_ =	shalt  }
0x6f: {  	_ =	shalt  }
0x70: {  	_ =	shalt  }
0x71: {  	_ =	shalt  }
0x72: {  	_ =	shalt  }
0x73: {  	_ =	shalt  }
0x74: {  	_ =	shalt  }
0x75: {  	_ =	shalt  }
0x76: {  	_ =	shalt  }
0x77: {  	_ =	shalt  }
0x78: {  	_ =	shalt  }
0x79: {  	_ =	shalt  }
0x7a: {  	_ =	shalt  }
0x7b: {  	_ =	shalt  }
0x7c: {  	_ =	shalt  }
0x7d: {  	_ =	shalt  }
0x7e: {  	_ =	shalt  }
0x7f: {  	_ =	shalt  }
0x80: {  	_ =	shalt  }
0x81: {  	_ =	shalt  }
0x82: {  	_ =	shalt  }
0x83: {  	_ =	shalt  }
0x84: {  	_ =	shalt  }
0x85: {  	_ =	shalt  }
0x86: {  	_ =	shalt  }
0x87: {  	_ =	shalt  }
.Lfunc_end0:
.L_simem_size_0:
called_computation.1_lowered:
.L_overlay_start_0:
0x88: {  	s2 =	sld [smem:$0x3FD9]  }
0x89: {  	s3 =	sld [smem:$0x3FFE];
	_ =	sdelay $0x1  }
0x8a: {  	s1 =	srdreg.scid  }
0x8b: {  	s0 =	sand.u32 $0x1, s1  }
0x8c: {  	s16 =	sshll.u32 s0, $0xA;
	s2 =	sadd.s32 s3, s2  }
0x8d: {  	s2 =	sadd.s32 s2, s16  }
0x8e: {  	[smem:$0x3FB9] =	sst s2  }
0x8f: {  	_ = 	snop  }
0x90: {  	(tm) =	ssettm $0x1  }
0x91: {  	s17 =	sld [smem:$0x3FFB];
	_ =	sdelay $0x3  }
0x92: {  	_ =	strace s17  }
0x93: {  	s2 =	sld [smem:$0x3FFC];
	_ =	sdelay $0x3  }
0x94: {  	_ =	strace s2  }
0x95: {  	s2 =	sld [smem:$0x3FFD];
	_ =	sdelay $0x3  }
0x96: {  	_ =	strace s2  }
0x97: {  	_ =	strace $0x8FFFFFFF  }
0x98: {  	s18 =	sld [smem:$0x3FDB];
	_ =	sdelay $0x1  }
0x99: {  	s19 =	simm.s32 $_scs_section_size  }
0x9a: {  	s4 =	simm.s32 $_size__tile_overlayer_lowered;
	s5 =	simm.s32 $_tile_overlayer_lowered  }
0x9b: {  	s22 =	simm.s32 $0x1BFF;
	s21 =	sshll.u32 s5, $0x1;
	s2 =	sadd.s32 s19, s18  }
0x9c: {  	s6 =	simm.s32 $0x0;
	s20 =	sshll.u32 s4, $0x1;
	s4 =	sadd.s32 s21, s2  }
0x9d: {  	[timem:s6], [sflag:s22] =	dma.local [hbm:s4], s20  }
0x9e: {  	_ =	swait.ge [sflag:s22], s20  }
0x9f: {  	s3 =	ssub.s32 $0x0, s20;
	[sflag:s22] =	ssyncset.done $0x0  }
0xa0: {  	[sflag:s22] =	ssyncadd.s32 s3;
	_ =	sdelay $0x1  }
0xa1: {  	s23 =	simm.s32 $0x1B8B  }
0xa2: {  	_ =	swait.ge [sflag:s23], $0x1  }
0xa3: {  	[sflag:s23] =	ssyncset.done $0x0  }
0xa4: {  	s25 =	simm.s32 $0x1B8E;
	s24 =	sld [smem:$0x3FFE];
	[sflag:s23] =	ssyncadd.s32 $0xFFFFFFFF  }
0xa5: {  	s26 =	simm.s32 $execute0_lowered;
	[smem:$0x3FD2] =	sst s25  }
0xa6: {  	s4 =	sshll.u32 s26, $0x1;
	_ =	strace $0x80000049;
	[dreg:$0x1] =	wrdreg $0xFFFFFFFF  }
0xa7: {  	s28 =	simm.s32 $_size_execute0_lowered;
	s2 =	sadd.s32 s2, s4;
	[dreg:$0x0] =	wrdreg $0x0  }
0xa8: {  	s4 =	sshll.u32 s28, $0x1;
	[dreg:$0x2] =	wrdreg s2  }
0xa9: {  	[dreg:$0x3] =	wrdreg s4  }
0xaa: {  	[dreg:$0x4] =	wrdreg $0xC0  }
0xab: {  	_ =	task [dreg:s6], $0x5FFFF  }
0xac: {  	[dreg:$0x1] =	wrdreg $0xFFFFFFFF  }
0xad: {  	[dreg:$0x0] =	wrdreg $0x60  }
0xae: {  	[dreg:$0x2] =	wrdreg s24  }
0xaf: {  	[dreg:$0x3] =	wrdreg $0xA8000  }
0xb0: {  	[dreg:$0x4] =	wrdreg $0x9  }
0xb1: {  	_ =	task.clear_ibuf [dreg:s6], $0x5FFFF;
	_ =	strace $0x90000049  }
0xb2: {  	s29 =	simm.s32 $0x9;
	_ =	strace $0x8000004B  }
0xb3: {  	_ =	swait.ge [sflag:s29], $0x1  }
0xb4: {  	[sflag:s29] =	ssyncadd.s32 $0xFFFFFFFF  }
0xb5: {  	_ =	strace $0x9000004B  }
0xb6: {  	_ =	sfence  }
0xb7: {  	s30 =	sld [smem:$0x0];
	_ =	sdelay $0x2  }
0xb8: {  	s31 =	sshll.u32 s1, $0xD;
	s1 =	sshrl.u32 s1, $0x2  }
0xb9: {  	s3 =	sand.u32 $0x4000, s31;
	s1 =	sadd.s32 s1, s30  }
0xba: {  	s0 =	sor.u32 s3, s0;
	s1 =	sshll.u32 s1, $0x11  }
0xbb: {  	s0 =	sor.u32 s1, s0  }
0xbc: {  	s0 =	sadd.s32 $0x8F2B, s0  }
0xbd: {  	[sflag:s0] =	ssyncadd.remote.s32 $0x1  }
0xbe: {  	_ =	sfence.sel $0xFFFF  }
0xbf: {  	[dreg:$0x0] =	wrdreg $0xFFFFFFFF;
	(pc) =	sbr.abs _section_cstart, $3  }
0xc0: {  	[dreg:$0x1] =	wrdreg $0xFFFFFFFF  }
0xc1: {  	_ =	task.clear_ibuf [dreg:s6], $0x2FFFF;
	_ =	strace $0x9FFFFFFF  }
0xc2: {  	(tm) =	ssettm $0x7FFFFFFF  }
0xc3: {  	_ =	shalt  }
tec
execute0_lowered:
.L_overlay_start_1:
0x0: {  	(tag) =	ssettag $0x1  }
0x1: {  	s6 =	rddreg [dreg:$0x0]  }
0x2: {  	s0 =	srdreg.scid;
	s2 =	rddreg [dreg:$0x1];
	s3 =	simm.s32 $0x0  }
0x3: {  	s14 =	simm.s32 $0x6800;
	s15 =	simm.s32 $0x1;
	s16 =	simm.s32 $0x1400  }
0x4: {  	s17 =	simm.s32 $0x80;
	s5 =	sand.u32 $0x1, s0;
	s0 =	stileid.u32  }
0x5: {  	s18 =	simm.s32 $0x2800;
	[smem:$0x7FF] =	sst s3;
	s8 =	smul.u32 $0x28000, s5  }
0x6: {  	s4 =	sadd.s32 $0x3DC00, s6;
	s1 =	sshll.u32 s5, $0x4;
	s9 =	smul.u32 $0x2800, s0  }
0x7: {  	s10 =	smul.u32 $0x50000, s0;
	s5 =	ssub.s32 $0x2, s5;
	s19 =	sshll.u32 s0, $0x6  }
0x8: {  	s1 =	sor.u32 s0, s1;
	s29 =	sshrl.u32 s5, $0x1;
	s19 =	sor.u32 $0x1C01, s19  }
0x9: {  	s7 =	smul.u32 $0x280, s1;
	s1 =	rddreg [dreg:$0x2];
	_ =	strace $0x8000004A  }
0xa: {  	s8 =	sadd.s32 s9, s8;
	s30 =	sshrl.u32 s10, $0x2;
	s31 =	ssub.s32 s5, s29  }
0xb: {  	s8 =	sadd.s32 s8, s6;
	s5 =	sadd.s32 s30, s2;
	s9 =	smax.u32 s31, $0x1  }
0xc: {  	s7 =	sadd.s32 s7, s6;
	s8 =	sadd.s32 $0x8C000, s8;
	s10 =	sadd.s32 $0x4000, s5  }
0xd: {  	s11 =	sadd.s32 $0x8000, s5;
	s12 =	sadd.s32 $0xC000, s5;
	s13 =	sadd.s32 $0x10000, s5  }
0xe: {  	v0 =	vimm.f32 $0.0e+00;
	s20 =	sshrl.u32 s5, $0x3;
	s6 =	sadd.s32 $0x7A00, s7;
	s7 =	sadd.s32 $0x2A00, s7  }
.LBB2_1:
0xf: {  	s21 =	simm.s32 $0x0;
	s22 =	simm.s32 $0x200  }
.LBB2_2:
0x10: {  	p0 =	sne.s32 s22, $0xFE00;
	[tilespmem:s21+$0x6870] =	vst v0  }
0x11: {  	[tilespmem:s21+$0x6800] =	vst v0  }
0x12: {  	[tilespmem:s21+$0x6810] =	vst v0  }
.Ltmp0:
0x13: {  	[tilespmem:s21+$0x6820] =	vst v0;
	(pc) =	sbr.rel @p0 .LBB2_2-.Ltmp0, $4  }
0x14: {  	[tilespmem:s21+$0x6830] =	vst v0  }
0x15: {  	[tilespmem:s21+$0x6840] =	vst v0  }
0x16: {  	[tilespmem:s21+$0x6850] =	vst v0  }
0x17: {  	[tilespmem:s21+$0x6860] =	vst v0;
	s21 =	sshra.s32 s22, $0x2;
	s22 =	sadd.s32 $0x200, s22  }
0x18: {  	[tilespmem:s21+$0x6870] =	vst v0  }
0x19: {  	[tilespmem:s21+$0x6800] =	vst v0  }
0x1a: {  	[tilespmem:s21+$0x6810] =	vst v0  }
0x1b: {  	[tilespmem:s21+$0x6820] =	vst v0  }
0x1c: {  	[tilespmem:s21+$0x6830] =	vst v0  }
0x1d: {  	[tilespmem:s21+$0x6840] =	vst v0  }
0x1e: {  	[tilespmem:s21+$0x6850] =	vst v0  }
0x1f: {  	[tilespmem:s21+$0x6860] =	vst v0  }
0x20: {  	[spmem:s5] =	stream.linear.scatter [tilespmem:s14], [sflag:$0x1], $0x4000, $0x38;
	[tilespmem:$0x1E800] =	vst v63  }
0x21: {  	_ =	swait.ge [sflag:s15], $0x4000  }
0x22: {  	[sflag:s15] =	ssyncset.done $0x0  }
0x23: {  	[sflag:s15] =	ssyncadd.s32 $0xFFFFC000  }
0x24: {  	[spmem:s10] =	stream.linear.scatter [tilespmem:s14], [sflag:$0x1], $0x4000, $0x38;
	[tilespmem:$0x1E800] =	vst v63  }
0x25: {  	_ =	swait.ge [sflag:s15], $0x4000  }
0x26: {  	[sflag:s15] =	ssyncset.done $0x0  }
0x27: {  	[sflag:s15] =	ssyncadd.s32 $0xFFFFC000  }
0x28: {  	[spmem:s11] =	stream.linear.scatter [tilespmem:s14], [sflag:$0x1], $0x4000, $0x38;
	[tilespmem:$0x1E800] =	vst v63  }
0x29: {  	_ =	swait.ge [sflag:s15], $0x4000  }
0x2a: {  	[sflag:s15] =	ssyncset.done $0x0  }
0x2b: {  	[sflag:s15] =	ssyncadd.s32 $0xFFFFC000  }
0x2c: {  	[spmem:s12] =	stream.linear.scatter [tilespmem:s14], [sflag:$0x1], $0x4000, $0x38;
	[tilespmem:$0x1E800] =	vst v63  }
0x2d: {  	_ =	swait.ge [sflag:s15], $0x4000  }
0x2e: {  	[sflag:s15] =	ssyncset.done $0x0  }
0x2f: {  	[sflag:s15] =	ssyncadd.s32 $0xFFFFC000  }
0x30: {  	[spmem:s13] =	stream.linear.scatter [tilespmem:s14], [sflag:$0x1], $0x4000, $0x38;
	[tilespmem:$0x1E800] =	vst v63  }
0x31: {  	_ =	swait.ge [sflag:s15], $0x4000  }
0x32: {  	[sflag:s15] =	ssyncset.done $0x0  }
0x33: {  	[sflag:s15] =	ssyncadd.s32 $0xFFFFC000  }
0x34: {  	s29 =	simm.s32 $0x0;
	[bflag:$0x0] =	sbarrier.arrive $0xFFFF  }
0x35: {  	[tilespmem:s16], [sflag:$0x1] =	stream.linear.gather [hbm4b:s6+s29], $0x1400, $0x38;
	[tilespmem:$0x1E800] =	vst v63  }
0x36: {  	_ =	swait.ge [sflag:s15], $0x1400  }
0x37: {  	[sflag:s15] =	ssyncset.done $0x0  }
0x38: {  	[sflag:s15] =	ssyncadd.s32 $0xFFFFEC00  }
0x39: {  	[tilespmem:s29], [sflag:$0x1] =	stream.linear.gather [hbm4b:s7+s29], $0x1400, $0x38;
	[tilespmem:$0x1E800] =	vst v63  }
0x3a: {  	_ =	swait.ge [sflag:s15], $0x1400  }
0x3b: {  	[sflag:s15] =	ssyncset.done $0x0  }
0x3c: {  	s30 =	simm.s32 $0x0;
	[sflag:s15] =	ssyncadd.s32 $0xFFFFEC00  }
0x3d: {  	[tilespmem:s18], [sflag:$0x1] =	stream.indirect.gather [hbm4b:s4+s17], $0x80, s30, s17, $0xb8;
	[tilespmem:$0x1E800] =	vst v63  }
0x3e: {  	_ =	swait.ge [sflag:s15], $0x4000  }
0x3f: {  	[sflag:s15] =	ssyncset.done $0x0  }
0x40: {  	s31 =	simm.s32 $0x1400;
	[sflag:s15] =	ssyncadd.s32 $0xFFFFC000  }
0x41: {  	[spmem:s2] =	stream.indirect.scatter.add.f32 [tilespmem:s18], [sflag:$0x1], $0x80, s31, s17, $0xb8;
	[tilespmem:$0x1E800] =	vst v63  }
0x42: {  	_ =	swait.ge [sflag:s15], $0x4000  }
0x43: {  	s21 =	simm.s32 $0x200;
	s22 =	simm.s32 $0x400;
	[sflag:s15] =	ssyncset.done $0x0  }
.LBB2_4:
0x44: {  	s23 =	sshra.s32 s21, $0x2  }
0x45: {  	[sflag:s15] =	ssyncadd.s32 $0xFFFFC000;
	s21 =	smov.u32 s22;
	s24 =	sadd.s32 $0x200, s22  }
0x46: {  	[tilespmem:s18], [sflag:$0x1] =	stream.indirect.gather [hbm4b:s4+s17], $0x80, s23, s17, $0xb8;
	[tilespmem:$0x1E800] =	vst v63  }
0x47: {  	p0 =	sne.s32 s22, $0x4E00;
	_ =	swait.ge [sflag:s15], $0x4000  }
.Ltmp1:
0x48: {  	[sflag:s15] =	ssyncset.done $0x0;
	(pc) =	sbr.rel @p0 .LBB2_4-.Ltmp1, $4  }
0x49: {  	s22 =	sadd.s32 $0x1400, s23;
	[sflag:s15] =	ssyncadd.s32 $0xFFFFC000  }
0x4a: {  	[spmem:s2] =	stream.indirect.scatter.add.f32 [tilespmem:s18], [sflag:$0x1], $0x80, s22, s17, $0xb8;
	[tilespmem:$0x1E800] =	vst v63  }
0x4b: {  	_ =	swait.ge [sflag:s15], $0x4000  }
0x4c: {  	s22 =	smov.u32 s24;
	[sflag:s15] =	ssyncset.done $0x0  }
0x4d: {  	s21 =	sshra.s32 s21, $0x2;
	[sflag:s15] =	ssyncadd.s32 $0xFFFFC000  }
0x4e: {  	[tilespmem:s18], [sflag:$0x1] =	stream.indirect.gather [hbm4b:s4+s17], $0x80, s21, s17, $0xb8;
	[tilespmem:$0x1E800] =	vst v63  }
0x4f: {  	_ =	swait.ge [sflag:s15], $0x4000  }
0x50: {  	[sflag:s15] =	ssyncset.done $0x0  }
0x51: {  	s21 =	sadd.s32 $0x1400, s21;
	[sflag:s15] =	ssyncadd.s32 $0xFFFFC000  }
0x52: {  	[spmem:s2] =	stream.indirect.scatter.add.f32 [tilespmem:s18], [sflag:$0x1], $0x80, s21, s17, $0xb8;
	[tilespmem:$0x1E800] =	vst v63  }
0x53: {  	_ =	swait.ge [sflag:s15], $0x4000  }
0x54: {  	s3 =	sadd.s32 $0x1, s3;
	[sflag:s15] =	ssyncset.done $0x0  }
0x55: {  	p0 =	sne.s32 s3, s9;
	[sflag:s15] =	ssyncadd.s32 $0xFFFFC000  }
.Ltmp2:
0x56: {  	[bflag:$0x0] =	sbarrier.arrive $0xFFFF;
	(pc) =	sbr.rel @p0 .LBB2_1-.Ltmp2, $4  }
0x57: {  	[hbm:s8], [sflag:s19] =	dma.local [spmem:s20], $0x2800  }
0x58: {  	_ =	swait.ge [sflag:s15], $0x2800  }
0x59: {  	[sflag:s15] =	ssyncset.done $0x0  }
0x5a: {  	[sflag:s15] =	ssyncadd.s32 $0xFFFFD800  }
0x5b: {  	_ =	sfence.sel $0x180000  }
0x5c: {  	[bflag:$0x0] =	sbarrier.arrive $0xFFFF  }
0x5d: {  	p0 =	sne.s32 s0, $0x0;
	_ =	strace $0x9000004A  }
0x5e: {  	s0 =	sadd.s32 @!p0 $0x100000, s1;
	[bflag:$0x2] =	sbarrier.arrive $0xFFFF  }
0x5f: {  	[sflag:s0] =	ssyncadd.tile.s32 @!p0 $0x1;
	_ =	shalt  }
.Lfunc_end2:
_tile_overlayer_lowered:
.L_overlay_start_2:
0x60: {  	(tag) =	ssettag $0x2  }
0x61: {  	s0 =	rddreg [dreg:$0x0];
	s2 =	stileid.u32  }
0x62: {  	s1 =	rddreg [dreg:$0x1];
	p0 =	sne.s32 s2, $0x0  }
0x63: {  	s3 =	rddreg [dreg:$0x2];
	[bflag:$0x3] =	sbarrier.arrive $0xFFFF;
	s2 =	simm.s32 @!p0 $0x1C01  }
0x64: {  	[timem:s3], [sflag:s2] =	dma.local @!p0 [hbm:s0], s1  }
0x65: {  	s0 =	simm.s32 @!p0 $0x1  }
0x66: {  	_ =	swait.ge @!p0 [sflag:s0], s1  }
0x67: {  	s1 =	ssub.s32 @!p0 $0x0, s1;
	[sflag:s0] =	ssyncset.done @!p0 $0x0  }
0x68: {  	[sflag:s0] =	ssyncadd.s32 @!p0 s1  }
0x69: {  	[bflag:$0x3] =	sbarrier.arrive $0xFFFF  }
0x6a: {  	_ =	shalt  }

// kernel: kernel.15.cloned.1.call-start
scs
__scs_entry_jumppad:
0x0: {  	(pc) =	sbr.rel $0x88, $3  }
0x1: {  	(tag) =	ssettag $0x0;
	lr =	simm.s32 $0x1  }
0x2: {  	[smem:$0x3F92] =	sst lr;
	_ =	strace $0xD0000000  }
0x3: {  	_ = 	snop  }
0x4: {  	_ = 	snop  }
0x5: {  	_ = 	snop  }
0x6: {  	_ = 	snop  }
0x7: {  	_ = 	snop  }
__scs_overlays_trampoline_lowered:
0x8: {  	[smem:$0x3FA1] =	sst s0  }
0x9: {  	[smem:$0x3FA2] =	sst s1  }
0xa: {  	[smem:$0x3FA3] =	sst s2  }
0xb: {  	[smem:$0x3FA4] =	sst s3  }
0xc: {  	[smem:$0x3FA5] =	sst s4  }
0xd: {  	[smem:$0x3FA6] =	sst s5  }
0xe: {  	[smem:$0x3FA7] =	sst s6  }
0xf: {  	[smem:$0x3FA8] =	sst s7  }
0x10: {  	[smem:$0x3FA9] =	sst s8  }
0x11: {  	[smem:$0x3FAA] =	sst s9;
	s0 =	simm.s32 @!p0 $0x0  }
0x12: {  	s1 =	sld [smem:$0x3F90];
	s0 =	simm.s32 @p0 $0x1  }
0x13: {  	[smem:$0x3FAB] =	sst s0;
	s0 =	simm.s32 @!p1 $0x0  }
0x14: {  	s2 =	sld [smem:$0x3F8F];
	s0 =	simm.s32 @p1 $0x1  }
0x15: {  	[smem:$0x3FAC] =	sst s0;
	s0 =	simm.s32 @!p2 $0x0  }
0x16: {  	s3 =	sld [smem:$0x3FDB];
	s0 =	simm.s32 @p2 $0x1  }
0x17: {  	s4 =	simm.s32 $0x1BF5;
	[smem:$0x3FAE] =	sst s0  }
0x18: {  	s0 =	sld [smem:$0x3F91];
	_ =	swait.ge [sflag:s4], $0x0  }
0x19: {  	s7 =	sld [smem:$0x3F92]  }
0x1a: {  	s8 =	sadd.s32 $0xFFFFE003, lr  }
0x1b: {  	s9 =	sadd.s32 $0xFFFFFEF7, lr;
	s5 =	simm.s32 $0xFFFFFFFF;
	p2 =	slt.u32 s8, $0xFFFFF086  }
0x1c: {  	p1 =	slt.u32 s9, $0xF7A;
	s5 =	simm.s32 @!p2 $0x0  }
0x1d: {  	s5 =	simm.s32 @p1 $0x1;
	p0 =	seq.s32 s7, s2  }
0x1e: {  	s7 =	smul.u32 @!p0 $0xF7A, s2;
	p2 =	seq.s32 @!p0 s5, $0x0  }
0x1f: {  	s9 =	smul.u32 $0xF7A, s1;
	s8 =	simm.s32 @!p0 $0x1BF5;
	p2 =	por !p2, p0  }
0x20: {  	[sflag:s8] =	ssyncset.s32 @!p0 $0xFFFFF086;
	s6 =	sadd.s32 @!p0 s3, s7;
	s7 =	simm.s32 @!p0 $0x108  }
0x21: {  	s3 =	sadd.s32 s3, s9;
	s6 =	sadd.s32 @!p0 $0x88, s6;
	s7 =	simm.s32 @p2 $0x1082  }
0x22: {  	[simem:s7], [sflag:s8] =	dma.local @!p0 [hbm:s6], $0xF7A  }
0x23: {  	s9 =	sor.u32 $0xD0000000, s2;
	s6 =	simm.s32 $0x108;
	_ =	swait.ge @!p0 [sflag:s8], $0x0  }
0x24: {  	s3 =	sadd.s32 $0x88, s3;
	s6 =	simm.s32 @!p1 $0x1082;
	[sflag:s4] =	ssyncset.s32 $0xFFFFF086  }
0x25: {  	[simem:s6], [sflag:s4] =	dma.local [hbm:s3], $0xF7A  }
0x26: {  	[smem:$0x3F92] =	sst s1;
	(tag) =	ssettag s2;
	_ =	strace s9  }
0x27: {  	s1 =	sld [smem:$0x3FA2]  }
0x28: {  	s2 =	sld [smem:$0x3FA3]  }
0x29: {  	s4 =	sld [smem:$0x3FA5]  }
0x2a: {  	p0 =	seq.s32 s5, $0x0;
	s5 =	sld [smem:$0x3FA6]  }
0x2b: {  	s6 =	sld [smem:$0x3FA7]  }
0x2c: {  	s7 =	sld [smem:$0x3FA8]  }
0x2d: {  	s3 =	simm.s32 $0x108;
	s8 =	sld [smem:$0x3FA9]  }
0x2e: {  	s3 =	simm.s32 @!p0 $0x1082;
	s9 =	sld [smem:$0x3FAA]  }
0x2f: {  	lr =	sadd.s32 s0, s3;
	s0 =	sld [smem:$0x3FA1]  }
0x30: {  	s3 =	sld [smem:$0x3FA4]  }
0x31: {  	[smem:$0x3FAD] =	sst s10  }
0x32: {  	s10 =	sld [smem:$0x3FAB];
	_ =	sdelay $0x3  }
0x33: {  	p0 =	seq.s32 s10, $0x1;
	s10 =	sld [smem:$0x3FAD];
	_ =	sdelay $0x3  }
0x34: {  	[smem:$0x3FAD] =	sst s10  }
0x35: {  	s10 =	sld [smem:$0x3FAC];
	_ =	sdelay $0x3  }
0x36: {  	p1 =	seq.s32 s10, $0x1;
	s10 =	sld [smem:$0x3FAD];
	_ =	sdelay $0x3  }
0x37: {  	[smem:$0x3FAD] =	sst s10  }
0x38: {  	s10 =	sld [smem:$0x3FAE]  }
0x39: {  	_ = 	snop;
	(pc) =	sbr.ind lr, $3  }
0x3a: {  	_ = 	snop  }
0x3b: {  	_ = 	snop  }
0x3c: {  	p2 =	seq.s32 s10, $0x1;
	s10 =	sld [smem:$0x3FAD]  }
0x3d: {  	_ =	shalt  }
0x3e: {  	_ =	shalt  }
0x3f: {  	_ =	shalt  }
0x40: {  	_ =	shalt  }
0x41: {  	_ =	shalt  }
0x42: {  	_ =	shalt  }
0x43: {  	_ =	shalt  }
0x44: {  	_ =	shalt  }
0x45: {  	_ =	shalt  }
0x46: {  	_ =	shalt  }
0x47: {  	_ =	shalt  }
0x48: {  	_ =	shalt  }
0x49: {  	_ =	shalt  }
0x4a: {  	_ =	shalt  }
0x4b: {  	_ =	shalt  }
0x4c: {  	_ =	shalt  }
0x4d: {  	_ =	shalt  }
0x4e: {  	_ =	shalt  }
0x4f: {  	_ =	shalt  }
0x50: {  	_ =	shalt  }
0x51: {  	_ =	shalt  }
0x52: {  	_ =	shalt  }
0x53: {  	_ =	shalt  }
0x54: {  	_ =	shalt  }
0x55: {  	_ =	shalt  }
0x56: {  	_ =	shalt  }
0x57: {  	_ =	shalt  }
0x58: {  	_ =	shalt  }
0x59: {  	_ =	shalt  }
0x5a: {  	_ =	shalt  }
0x5b: {  	_ =	shalt  }
0x5c: {  	_ =	shalt  }
0x5d: {  	_ =	shalt  }
0x5e: {  	_ =	shalt  }
0x5f: {  	_ =	shalt  }
0x60: {  	_ =	shalt  }
0x61: {  	_ =	shalt  }
0x62: {  	_ =	shalt  }
0x63: {  	_ =	shalt  }
0x64: {  	_ =	shalt  }
0x65: {  	_ =	shalt  }
0x66: {  	_ =	shalt  }
0x67: {  	_ =	shalt  }
0x68: {  	_ =	shalt  }
0x69: {  	_ =	shalt  }
0x6a: {  	_ =	shalt  }
0x6b: {  	_ =	shalt  }
0x6c: {  	_ =	shalt  }
0x6d: {  	_ =	shalt  }
0x6e: {  	_ =	shalt  }
0x6f: {  	_ =	shalt  }
0x70: {  	_ =	shalt  }
0x71: {  	_ =	shalt  }
0x72: {  	_ =	shalt  }
0x73: {  	_ =	shalt  }
0x74: {  	_ =	shalt  }
0x75: {  	_ =	shalt  }
0x76: {  	_ =	shalt  }
0x77: {  	_ =	shalt  }
0x78: {  	_ =	shalt  }
0x79: {  	_ =	shalt  }
0x7a: {  	_ =	shalt  }
0x7b: {  	_ =	shalt  }
0x7c: {  	_ =	shalt  }
0x7d: {  	_ =	shalt  }
0x7e: {  	_ =	shalt  }
0x7f: {  	_ =	shalt  }
0x80: {  	_ =	shalt  }
0x81: {  	_ =	shalt  }
0x82: {  	_ =	shalt  }
0x83: {  	_ =	shalt  }
0x84: {  	_ =	shalt  }
0x85: {  	_ =	shalt  }
0x86: {  	_ =	shalt  }
0x87: {  	_ =	shalt  }
.Lfunc_end0:
.L_simem_size_0:
called_computation.2_lowered:
.L_overlay_start_0:
0x88: {  	s2 =	sld [smem:$0x3FD9]  }
0x89: {  	s3 =	sld [smem:$0x3FFE];
	_ =	sdelay $0x1  }
0x8a: {  	s1 =	srdreg.scid  }
0x8b: {  	s0 =	sand.u32 $0x1, s1  }
0x8c: {  	s14 =	sshll.u32 s0, $0xA;
	s2 =	sadd.s32 s3, s2  }
0x8d: {  	s2 =	sadd.s32 s2, s14  }
0x8e: {  	[smem:$0x3FB9] =	sst s2  }
0x8f: {  	_ = 	snop  }
0x90: {  	s2 =	sld [smem:$0x3FD0];
	_ =	sdelay $0x2  }
0x91: {  	s15 =	simm.s32 $0xA;
	s4 =	simm.s32 $0x10  }
0x92: {  	[smem:s4], [sflag:s15] =	dma.local [hbm:s2], $0x1  }
0x93: {  	_ =	swait.eq [sflag:s15], $0x1  }
0x94: {  	[sflag:s15] =	ssyncset.done $0x0  }
0x95: {  	[sflag:s15] =	ssyncadd.s32 $0xFFFFFFFF  }
0x96: {  	s16 =	sld [smem:$0x10];
	(tm) =	ssettm $0x1  }
0x97: {  	s17 =	sld [smem:$0x3FFB];
	_ =	sdelay $0x3  }
0x98: {  	_ =	strace s17  }
0x99: {  	s3 =	sld [smem:$0x3FFC];
	_ =	sdelay $0x3  }
0x9a: {  	_ =	strace s3  }
0x9b: {  	s3 =	sld [smem:$0x3FFD];
	_ =	sdelay $0x3  }
0x9c: {  	_ =	strace s3  }
0x9d: {  	_ =	strace $0x8FFFFFFF  }
0x9e: {  	s18 =	sld [smem:$0x3FDB];
	_ =	sdelay $0x1  }
0x9f: {  	s19 =	simm.s32 $_scs_section_size  }
0xa0: {  	s5 =	simm.s32 $_size__tile_overlayer_lowered;
	s6 =	simm.s32 $_tile_overlayer_lowered  }
0xa1: {  	s22 =	simm.s32 $0x1BFF;
	s21 =	sshll.u32 s6, $0x1;
	s3 =	sadd.s32 s19, s18  }
0xa2: {  	s7 =	simm.s32 $0x0;
	s20 =	sshll.u32 s5, $0x1;
	s5 =	sadd.s32 s21, s3  }
0xa3: {  	[timem:s7], [sflag:s22] =	dma.local [hbm:s5], s20  }
0xa4: {  	_ =	swait.ge [sflag:s22], s20  }
0xa5: {  	s4 =	ssub.s32 $0x0, s20;
	[sflag:s22] =	ssyncset.done $0x0  }
0xa6: {  	[sflag:s22] =	ssyncadd.s32 s4;
	_ =	sdelay $0x1  }
0xa7: {  	s23 =	simm.s32 $0x1B8B  }
0xa8: {  	_ =	swait.ge [sflag:s23], $0x1  }
0xa9: {  	[sflag:s23] =	ssyncset.done $0x0  }
0xaa: {  	s25 =	simm.s32 $0x1B8E;
	s24 =	sld [smem:$0x3FFE];
	[sflag:s23] =	ssyncadd.s32 $0xFFFFFFFF  }
0xab: {  	s26 =	simm.s32 $execute0_lowered;
	[smem:$0x3FD2] =	sst s25  }
0xac: {  	s5 =	sshll.u32 s26, $0x1;
	_ =	strace $0x8000004C;
	[dreg:$0x1] =	wrdreg $0xFFFFFFFF  }
0xad: {  	s28 =	simm.s32 $_size_execute0_lowered;
	s3 =	sadd.s32 s3, s5;
	[dreg:$0x0] =	wrdreg $0x0  }
0xae: {  	s5 =	sshll.u32 s28, $0x1;
	[dreg:$0x2] =	wrdreg s3  }
0xaf: {  	[dreg:$0x3] =	wrdreg s5  }
0xb0: {  	[dreg:$0x4] =	wrdreg $0xC0  }
0xb1: {  	_ =	task [dreg:s7], $0x5FFFF  }
0xb2: {  	[dreg:$0x1] =	wrdreg $0xFFFFFFFF  }
0xb3: {  	[dreg:$0x0] =	wrdreg $0x60  }
0xb4: {  	[dreg:$0x2] =	wrdreg s16  }
0xb5: {  	[dreg:$0x3] =	wrdreg s24  }
0xb6: {  	[dreg:$0x4] =	wrdreg $0x38000  }
0xb7: {  	[dreg:$0x5] =	wrdreg $0x9  }
0xb8: {  	_ =	task.clear_ibuf [dreg:s7], $0x6FFFF;
	_ =	strace $0x9000004C  }
0xb9: {  	s29 =	simm.s32 $0x9;
	_ =	strace $0x8000004E  }
0xba: {  	_ =	swait.ge [sflag:s29], $0x1  }
0xbb: {  	[sflag:s29] =	ssyncadd.s32 $0xFFFFFFFF  }
0xbc: {  	_ =	strace $0x9000004E  }
0xbd: {  	_ =	sfence  }
0xbe: {  	s30 =	sld [smem:$0x0];
	_ =	sdelay $0x2  }
0xbf: {  	s31 =	sshll.u32 s1, $0xD;
	s1 =	sshrl.u32 s1, $0x2  }
0xc0: {  	s3 =	sand.u32 $0x4000, s31;
	s1 =	sadd.s32 s1, s30  }
0xc1: {  	s0 =	sor.u32 s3, s0;
	s1 =	sshll.u32 s1, $0x11  }
0xc2: {  	s0 =	sor.u32 s1, s0  }
0xc3: {  	s0 =	sadd.s32 $0x8F2B, s0  }
0xc4: {  	[sflag:s0] =	ssyncadd.remote.s32 $0x1  }
0xc5: {  	_ =	sfence.sel $0xFFFF  }
0xc6: {  	[dreg:$0x0] =	wrdreg $0xFFFFFFFF;
	(pc) =	sbr.abs _section_cstart, $3  }
0xc7: {  	[dreg:$0x1] =	wrdreg $0xFFFFFFFF  }
0xc8: {  	_ =	task.clear_ibuf [dreg:s7], $0x2FFFF;
	_ =	strace $0x9FFFFFFF  }
0xc9: {  	(tm) =	ssettm $0x7FFFFFFF  }
tec
execute0_lowered:
.L_overlay_start_1:
0x0: {  	(tag) =	ssettag $0x1  }
0x1: {  	s1 =	rddreg [dreg:$0x0]  }
0x2: {  	s6 =	rddreg [dreg:$0x1]  }
0x3: {  	s0 =	srdreg.scid;
	s3 =	rddreg [dreg:$0x2]  }
0x4: {  	s4 =	simm.s32 $0x0;
	s14 =	simm.s32 $0x3000;
	s15 =	simm.s32 $0x1  }
0x5: {  	s16 =	simm.s32 $0x1400;
	s17 =	simm.s32 $0x80;
	s5 =	sand.u32 $0x1, s0  }
0x6: {  	s18 =	simm.s32 $0x2800;
	s0 =	stileid.u32;
	s8 =	smul.u32 $0x5000, s5  }
0x7: {  	[smem:$0x7FF] =	sst s4;
	s2 =	sshll.u32 s5, $0x4;
	s9 =	smul.u32 $0x500, s0  }
0x8: {  	s10 =	smul.u32 $0xA000, s0;
	s5 =	ssub.s32 $0x2, s5;
	s19 =	sshll.u32 s0, $0x6  }
0x9: {  	s2 =	sor.u32 s0, s2;
	s29 =	sshrl.u32 s5, $0x1;
	s19 =	sor.u32 $0x1C01, s19  }
0xa: {  	s7 =	smul.u32 $0x280, s2;
	s2 =	rddreg [dreg:$0x3];
	_ =	strace $0x8000004D  }
0xb: {  	s8 =	sadd.s32 s9, s8;
	s30 =	sshrl.u32 s10, $0x2;
	s31 =	ssub.s32 s5, s29  }
0xc: {  	s8 =	sadd.s32 s8, s6;
	s5 =	sadd.s32 s30, s3;
	s9 =	smax.u32 s31, $0x1  }
0xd: {  	s7 =	sadd.s32 s7, s6;
	s8 =	sadd.s32 $0xCA00, s8;
	s10 =	sadd.s32 $0x800, s5  }
0xe: {  	s11 =	sadd.s32 $0x1000, s5;
	s12 =	sadd.s32 $0x1800, s5;
	s13 =	sadd.s32 $0x2000, s5  }
0xf: {  	v0 =	vimm.f32 $0.0e+00;
	s20 =	sshrl.u32 s5, $0x3;
	s6 =	sadd.s32 $0x7A00, s7;
	s7 =	sadd.s32 $0x2A00, s7  }
.LBB2_1:
0x10: {  	s21 =	simm.s32 $0x40;
	s22 =	simm.s32 $0x0  }
.LBB2_2:
0x11: {  	p0 =	sne.s32 s21, $0x1FC0;
	[tilespmem:s22+$0x3000] =	vst v0;
	s22 =	smov.u32 s21;
	s21 =	sadd.s32 $0x40, s21  }
.Ltmp0:
0x12: {  	(pc) =	sbr.rel @p0 .LBB2_2-.Ltmp0, $2  }
0x13: {  	_ =	sdelay $0x2  }
0x14: {  	s22 =	sshra.s32 s22, $0x2  }
0x15: {  	[tilespmem:s22+$0x3000] =	vst v0  }
0x16: {  	[spmem:s5] =	stream.linear.scatter [tilespmem:s14], [sflag:$0x1], $0x800, $0x38;
	[tilespmem:$0x6000] =	vst v63  }
0x17: {  	_ =	swait.ge [sflag:s15], $0x800  }
0x18: {  	[sflag:s15] =	ssyncset.done $0x0  }
0x19: {  	[sflag:s15] =	ssyncadd.s32 $0xFFFFF800  }
0x1a: {  	[spmem:s10] =	stream.linear.scatter [tilespmem:s14], [sflag:$0x1], $0x800, $0x38;
	[tilespmem:$0x6000] =	vst v63  }
0x1b: {  	_ =	swait.ge [sflag:s15], $0x800  }
0x1c: {  	[sflag:s15] =	ssyncset.done $0x0  }
0x1d: {  	[sflag:s15] =	ssyncadd.s32 $0xFFFFF800  }
0x1e: {  	[spmem:s11] =	stream.linear.scatter [tilespmem:s14], [sflag:$0x1], $0x800, $0x38;
	[tilespmem:$0x6000] =	vst v63  }
0x1f: {  	_ =	swait.ge [sflag:s15], $0x800  }
0x20: {  	[sflag:s15] =	ssyncset.done $0x0  }
0x21: {  	[sflag:s15] =	ssyncadd.s32 $0xFFFFF800  }
0x22: {  	[spmem:s12] =	stream.linear.scatter [tilespmem:s14], [sflag:$0x1], $0x800, $0x38;
	[tilespmem:$0x6000] =	vst v63  }
0x23: {  	_ =	swait.ge [sflag:s15], $0x800  }
0x24: {  	[sflag:s15] =	ssyncset.done $0x0  }
0x25: {  	[sflag:s15] =	ssyncadd.s32 $0xFFFFF800  }
0x26: {  	[spmem:s13] =	stream.linear.scatter [tilespmem:s14], [sflag:$0x1], $0x800, $0x38;
	[tilespmem:$0x6000] =	vst v63  }
0x27: {  	_ =	swait.ge [sflag:s15], $0x800  }
0x28: {  	[sflag:s15] =	ssyncset.done $0x0  }
0x29: {  	[sflag:s15] =	ssyncadd.s32 $0xFFFFF800  }
0x2a: {  	s21 =	simm.s32 $0x0;
	[bflag:$0x0] =	sbarrier.arrive $0xFFFF  }
0x2b: {  	[tilespmem:s16], [sflag:$0x1] =	stream.linear.gather [hbm4b:s6+s21], $0x1400, $0x38;
	[tilespmem:$0x6000] =	vst v63  }
0x2c: {  	_ =	swait.ge [sflag:s15], $0x1400  }
0x2d: {  	[sflag:s15] =	ssyncset.done $0x0  }
0x2e: {  	[sflag:s15] =	ssyncadd.s32 $0xFFFFEC00  }
0x2f: {  	[tilespmem:s21], [sflag:$0x1] =	stream.linear.gather [hbm4b:s7+s21], $0x1400, $0x38;
	[tilespmem:$0x6000] =	vst v63  }
0x30: {  	_ =	swait.ge [sflag:s15], $0x1400  }
0x31: {  	[sflag:s15] =	ssyncset.done $0x0  }
0x32: {  	s30 =	simm.s32 $0x0;
	[sflag:s15] =	ssyncadd.s32 $0xFFFFEC00  }
0x33: {  	[tilespmem:s18], [sflag:$0x1] =	stream.indirect.gather [hbm4b:s1+s17], $0x10, s30, s17, $0xb8;
	[tilespmem:$0x6000] =	vst v63  }
0x34: {  	_ =	swait.ge [sflag:s15], $0x800  }
0x35: {  	[sflag:s15] =	ssyncset.done $0x0  }
0x36: {  	s31 =	simm.s32 $0x1400;
	[sflag:s15] =	ssyncadd.s32 $0xFFFFF800  }
0x37: {  	[spmem:s3] =	stream.indirect.scatter.add.f32 [tilespmem:s18], [sflag:$0x1], $0x10, s31, s17, $0xb8;
	[tilespmem:$0x6000] =	vst v63  }
0x38: {  	_ =	swait.ge [sflag:s15], $0x800  }
0x39: {  	s22 =	simm.s32 $0x400;
	s21 =	simm.s32 $0x200;
	[sflag:s15] =	ssyncset.done $0x0  }
.LBB2_4:
0x3a: {  	s23 =	sshra.s32 s21, $0x2  }
0x3b: {  	[sflag:s15] =	ssyncadd.s32 $0xFFFFF800;
	s21 =	smov.u32 s22;
	s24 =	sadd.s32 $0x200, s22  }
0x3c: {  	[tilespmem:s18], [sflag:$0x1] =	stream.indirect.gather [hbm4b:s1+s17], $0x10, s23, s17, $0xb8;
	[tilespmem:$0x6000] =	vst v63  }
0x3d: {  	p0 =	sne.s32 s22, $0x4E00;
	_ =	swait.ge [sflag:s15], $0x800  }
.Ltmp1:
0x3e: {  	[sflag:s15] =	ssyncset.done $0x0;
	(pc) =	sbr.rel @p0 .LBB2_4-.Ltmp1, $4  }
0x3f: {  	s22 =	sadd.s32 $0x1400, s23;
	[sflag:s15] =	ssyncadd.s32 $0xFFFFF800  }
0x40: {  	[spmem:s3] =	stream.indirect.scatter.add.f32 [tilespmem:s18], [sflag:$0x1], $0x10, s22, s17, $0xb8;
	[tilespmem:$0x6000] =	vst v63  }
0x41: {  	_ =	swait.ge [sflag:s15], $0x800  }
0x42: {  	s22 =	smov.u32 s24;
	[sflag:s15] =	ssyncset.done $0x0  }
0x43: {  	s21 =	sshra.s32 s21, $0x2;
	[sflag:s15] =	ssyncadd.s32 $0xFFFFF800  }
0x44: {  	[tilespmem:s18], [sflag:$0x1] =	stream.indirect.gather [hbm4b:s1+s17], $0x10, s21, s17, $0xb8;
	[tilespmem:$0x6000] =	vst v63  }
0x45: {  	_ =	swait.ge [sflag:s15], $0x800  }
0x46: {  	[sflag:s15] =	ssyncset.done $0x0  }
0x47: {  	s21 =	sadd.s32 $0x1400, s21;
	[sflag:s15] =	ssyncadd.s32 $0xFFFFF800  }
0x48: {  	[spmem:s3] =	stream.indirect.scatter.add.f32 [tilespmem:s18], [sflag:$0x1], $0x10, s21, s17, $0xb8;
	[tilespmem:$0x6000] =	vst v63  }
0x49: {  	_ =	swait.ge [sflag:s15], $0x800  }
0x4a: {  	s4 =	sadd.s32 $0x1, s4;
	[sflag:s15] =	ssyncset.done $0x0  }
0x4b: {  	p0 =	sne.s32 s4, s9;
	[sflag:s15] =	ssyncadd.s32 $0xFFFFF800  }
.Ltmp2:
0x4c: {  	[bflag:$0x0] =	sbarrier.arrive $0xFFFF;
	(pc) =	sbr.rel @p0 .LBB2_1-.Ltmp2, $4  }
0x4d: {  	[hbm:s8], [sflag:s19] =	dma.local [spmem:s20], $0x500  }
0x4e: {  	_ =	swait.ge [sflag:s15], $0x500  }
0x4f: {  	[sflag:s15] =	ssyncset.done $0x0  }
0x50: {  	[sflag:s15] =	ssyncadd.s32 $0xFFFFFB00  }
0x51: {  	_ =	sfence.sel $0x180000  }
0x52: {  	[bflag:$0x0] =	sbarrier.arrive $0xFFFF  }
0x53: {  	p0 =	sne.s32 s0, $0x0;
	_ =	strace $0x9000004D  }
0x54: {  	s0 =	sadd.s32 @!p0 $0x100000, s2;
	[bflag:$0x2] =	sbarrier.arrive $0xFFFF  }
0x55: {  	[sflag:s0] =	ssyncadd.tile.s32 @!p0 $0x1;
	_ =	shalt  }
.Lfunc_end2:
_tile_overlayer_lowered:
.L_overlay_start_2:
0x56: {  	(tag) =	ssettag $0x2  }
0x57: {  	s0 =	rddreg [dreg:$0x0];
	s2 =	stileid.u32  }
0x58: {  	s1 =	rddreg [dreg:$0x1];
	p0 =	sne.s32 s2, $0x0  }
0x59: {  	s3 =	rddreg [dreg:$0x2];
	[bflag:$0x3] =	sbarrier.arrive $0xFFFF;
	s2 =	simm.s32 @!p0 $0x1C01  }
0x5a: {  	[timem:s3], [sflag:s2] =	dma.local @!p0 [hbm:s0], s1  }
0x5b: {  	s0 =	simm.s32 @!p0 $0x1  }
0x5c: {  	_ =	swait.ge @!p0 [sflag:s0], s1  }
0x5d: {  	s1 =	ssub.s32 @!p0 $0x0, s1;
	[sflag:s0] =	ssyncset.done @!p0 $0x0  }
0x5e: {  	[sflag:s0] =	ssyncadd.s32 @!p0 s1  }
0x5f: {  	[bflag:$0x3] =	sbarrier.arrive $0xFFFF  }
0x60: {  	_ =	shalt  }

// kernel: kernel.9.cloned.1.call-start
scs
__scs_entry_jumppad:
0x0: {  	(pc) =	sbr.rel $0x88, $3  }
0x1: {  	(tag) =	ssettag $0x0;
	lr =	simm.s32 $0x1  }
0x2: {  	[smem:$0x3F92] =	sst lr;
	_ =	strace $0xD0000000  }
0x3: {  	_ = 	snop  }
0x4: {  	_ = 	snop  }
0x5: {  	_ = 	snop  }
0x6: {  	_ = 	snop  }
0x7: {  	_ = 	snop  }
__scs_overlays_trampoline_lowered:
0x8: {  	[smem:$0x3FA1] =	sst s0  }
0x9: {  	[smem:$0x3FA2] =	sst s1  }
0xa: {  	[smem:$0x3FA3] =	sst s2  }
0xb: {  	[smem:$0x3FA4] =	sst s3  }
0xc: {  	[smem:$0x3FA5] =	sst s4  }
0xd: {  	[smem:$0x3FA6] =	sst s5  }
0xe: {  	[smem:$0x3FA7] =	sst s6  }
0xf: {  	[smem:$0x3FA8] =	sst s7  }
0x10: {  	[smem:$0x3FA9] =	sst s8  }
0x11: {  	[smem:$0x3FAA] =	sst s9;
	s0 =	simm.s32 @!p0 $0x0  }
0x12: {  	s1 =	sld [smem:$0x3F90];
	s0 =	simm.s32 @p0 $0x1  }
0x13: {  	[smem:$0x3FAB] =	sst s0;
	s0 =	simm.s32 @!p1 $0x0  }
0x14: {  	s2 =	sld [smem:$0x3F8F];
	s0 =	simm.s32 @p1 $0x1  }
0x15: {  	[smem:$0x3FAC] =	sst s0;
	s0 =	simm.s32 @!p2 $0x0  }
0x16: {  	s3 =	sld [smem:$0x3FDB];
	s0 =	simm.s32 @p2 $0x1  }
0x17: {  	s4 =	simm.s32 $0x1BF5;
	[smem:$0x3FAE] =	sst s0  }
0x18: {  	s0 =	sld [smem:$0x3F91];
	_ =	swait.ge [sflag:s4], $0x0  }
0x19: {  	s7 =	sld [smem:$0x3F92]  }
0x1a: {  	s8 =	sadd.s32 $0xFFFFE003, lr  }
0x1b: {  	s9 =	sadd.s32 $0xFFFFFEF7, lr;
	s5 =	simm.s32 $0xFFFFFFFF;
	p2 =	slt.u32 s8, $0xFFFFF086  }
0x1c: {  	p1 =	slt.u32 s9, $0xF7A;
	s5 =	simm.s32 @!p2 $0x0  }
0x1d: {  	s5 =	simm.s32 @p1 $0x1;
	p0 =	seq.s32 s7, s2  }
0x1e: {  	s7 =	smul.u32 @!p0 $0xF7A, s2;
	p2 =	seq.s32 @!p0 s5, $0x0  }
0x1f: {  	s9 =	smul.u32 $0xF7A, s1;
	s8 =	simm.s32 @!p0 $0x1BF5;
	p2 =	por !p2, p0  }
0x20: {  	[sflag:s8] =	ssyncset.s32 @!p0 $0xFFFFF086;
	s6 =	sadd.s32 @!p0 s3, s7;
	s7 =	simm.s32 @!p0 $0x108  }
0x21: {  	s3 =	sadd.s32 s3, s9;
	s6 =	sadd.s32 @!p0 $0x88, s6;
	s7 =	simm.s32 @p2 $0x1082  }
0x22: {  	[simem:s7], [sflag:s8] =	dma.local @!p0 [hbm:s6], $0xF7A  }
0x23: {  	s9 =	sor.u32 $0xD0000000, s2;
	s6 =	simm.s32 $0x108;
	_ =	swait.ge @!p0 [sflag:s8], $0x0  }
0x24: {  	s3 =	sadd.s32 $0x88, s3;
	s6 =	simm.s32 @!p1 $0x1082;
	[sflag:s4] =	ssyncset.s32 $0xFFFFF086  }
0x25: {  	[simem:s6], [sflag:s4] =	dma.local [hbm:s3], $0xF7A  }
0x26: {  	[smem:$0x3F92] =	sst s1;
	(tag) =	ssettag s2;
	_ =	strace s9  }
0x27: {  	s1 =	sld [smem:$0x3FA2]  }
0x28: {  	s2 =	sld [smem:$0x3FA3]  }
0x29: {  	s4 =	sld [smem:$0x3FA5]  }
0x2a: {  	p0 =	seq.s32 s5, $0x0;
	s5 =	sld [smem:$0x3FA6]  }
0x2b: {  	s6 =	sld [smem:$0x3FA7]  }
0x2c: {  	s7 =	sld [smem:$0x3FA8]  }
0x2d: {  	s3 =	simm.s32 $0x108;
	s8 =	sld [smem:$0x3FA9]  }
0x2e: {  	s3 =	simm.s32 @!p0 $0x1082;
	s9 =	sld [smem:$0x3FAA]  }
0x2f: {  	lr =	sadd.s32 s0, s3;
	s0 =	sld [smem:$0x3FA1]  }
0x30: {  	s3 =	sld [smem:$0x3FA4]  }
0x31: {  	[smem:$0x3FAD] =	sst s10  }
0x32: {  	s10 =	sld [smem:$0x3FAB];
	_ =	sdelay $0x3  }
0x33: {  	p0 =	seq.s32 s10, $0x1;
	s10 =	sld [smem:$0x3FAD];
	_ =	sdelay $0x3  }
0x34: {  	[smem:$0x3FAD] =	sst s10  }
0x35: {  	s10 =	sld [smem:$0x3FAC];
	_ =	sdelay $0x3  }
0x36: {  	p1 =	seq.s32 s10, $0x1;
	s10 =	sld [smem:$0x3FAD];
	_ =	sdelay $0x3  }
0x37: {  	[smem:$0x3FAD] =	sst s10  }
0x38: {  	s10 =	sld [smem:$0x3FAE]  }
0x39: {  	_ = 	snop;
	(pc) =	sbr.ind lr, $3  }
0x3a: {  	_ = 	snop  }
0x3b: {  	_ = 	snop  }
0x3c: {  	p2 =	seq.s32 s10, $0x1;
	s10 =	sld [smem:$0x3FAD]  }
0x3d: {  	_ =	shalt  }
0x3e: {  	_ =	shalt  }
0x3f: {  	_ =	shalt  }
0x40: {  	_ =	shalt  }
0x41: {  	_ =	shalt  }
0x42: {  	_ =	shalt  }
0x43: {  	_ =	shalt  }
0x44: {  	_ =	shalt  }
0x45: {  	_ =	shalt  }
0x46: {  	_ =	shalt  }
0x47: {  	_ =	shalt  }
0x48: {  	_ =	shalt  }
0x49: {  	_ =	shalt  }
0x4a: {  	_ =	shalt  }
0x4b: {  	_ =	shalt  }
0x4c: {  	_ =	shalt  }
0x4d: {  	_ =	shalt  }
0x4e: {  	_ =	shalt  }
0x4f: {  	_ =	shalt  }
0x50: {  	_ =	shalt  }
0x51: {  	_ =	shalt  }
0x52: {  	_ =	shalt  }
0x53: {  	_ =	shalt  }
0x54: {  	_ =	shalt  }
0x55: {  	_ =	shalt  }
0x56: {  	_ =	shalt  }
0x57: {  	_ =	shalt  }
0x58: {  	_ =	shalt  }
0x59: {  	_ =	shalt  }
0x5a: {  	_ =	shalt  }
0x5b: {  	_ =	shalt  }
0x5c: {  	_ =	shalt  }
0x5d: {  	_ =	shalt  }
0x5e: {  	_ =	shalt  }
0x5f: {  	_ =	shalt  }
0x60: {  	_ =	shalt  }
0x61: {  	_ =	shalt  }
0x62: {  	_ =	shalt  }
0x63: {  	_ =	shalt  }
0x64: {  	_ =	shalt  }
0x65: {  	_ =	shalt  }
0x66: {  	_ =	shalt  }
0x67: {  	_ =	shalt  }
0x68: {  	_ =	shalt  }
0x69: {  	_ =	shalt  }
0x6a: {  	_ =	shalt  }
0x6b: {  	_ =	shalt  }
0x6c: {  	_ =	shalt  }
0x6d: {  	_ =	shalt  }
0x6e: {  	_ =	shalt  }
0x6f: {  	_ =	shalt  }
0x70: {  	_ =	shalt  }
0x71: {  	_ =	shalt  }
0x72: {  	_ =	shalt  }
0x73: {  	_ =	shalt  }
0x74: {  	_ =	shalt  }
0x75: {  	_ =	shalt  }
0x76: {  	_ =	shalt  }
0x77: {  	_ =	shalt  }
0x78: {  	_ =	shalt  }
0x79: {  	_ =	shalt  }
0x7a: {  	_ =	shalt  }
0x7b: {  	_ =	shalt  }
0x7c: {  	_ =	shalt  }
0x7d: {  	_ =	shalt  }
0x7e: {  	_ =	shalt  }
0x7f: {  	_ =	shalt  }
0x80: {  	_ =	shalt  }
0x81: {  	_ =	shalt  }
0x82: {  	_ =	shalt  }
0x83: {  	_ =	shalt  }
0x84: {  	_ =	shalt  }
0x85: {  	_ =	shalt  }
0x86: {  	_ =	shalt  }
0x87: {  	_ =	shalt  }
.Lfunc_end0:
.L_simem_size_0:
called_computation_lowered:
.L_overlay_start_0:
0x88: {  	s2 =	sld [smem:$0x3FD9]  }
0x89: {  	s3 =	sld [smem:$0x3FFE];
	_ =	sdelay $0x1  }
0x8a: {  	s1 =	srdreg.scid  }
0x8b: {  	s0 =	sand.u32 $0x1, s1  }
0x8c: {  	s16 =	sshll.u32 s0, $0xA;
	s2 =	sadd.s32 s3, s2  }
0x8d: {  	s2 =	sadd.s32 s2, s16  }
0x8e: {  	[smem:$0x3FB9] =	sst s2  }
0x8f: {  	_ = 	snop  }
0x90: {  	(tm) =	ssettm $0x1  }
0x91: {  	s17 =	sld [smem:$0x3FFB];
	_ =	sdelay $0x3  }
0x92: {  	_ =	strace s17  }
0x93: {  	s2 =	sld [smem:$0x3FFC];
	_ =	sdelay $0x3  }
0x94: {  	_ =	strace s2  }
0x95: {  	s2 =	sld [smem:$0x3FFD];
	_ =	sdelay $0x3  }
0x96: {  	_ =	strace s2  }
0x97: {  	_ =	strace $0x8FFFFFFF  }
0x98: {  	s18 =	sld [smem:$0x3FDB];
	_ =	sdelay $0x1  }
0x99: {  	s19 =	simm.s32 $_scs_section_size  }
0x9a: {  	s4 =	simm.s32 $_size__tile_overlayer_lowered;
	s5 =	simm.s32 $_tile_overlayer_lowered  }
0x9b: {  	s22 =	simm.s32 $0x1BFF;
	s21 =	sshll.u32 s5, $0x1;
	s2 =	sadd.s32 s19, s18  }
0x9c: {  	s6 =	simm.s32 $0x0;
	s20 =	sshll.u32 s4, $0x1;
	s4 =	sadd.s32 s21, s2  }
0x9d: {  	[timem:s6], [sflag:s22] =	dma.local [hbm:s4], s20  }
0x9e: {  	_ =	swait.ge [sflag:s22], s20  }
0x9f: {  	s3 =	ssub.s32 $0x0, s20;
	[sflag:s22] =	ssyncset.done $0x0  }
0xa0: {  	[sflag:s22] =	ssyncadd.s32 s3;
	_ =	sdelay $0x1  }
0xa1: {  	s23 =	simm.s32 $0x1B8B  }
0xa2: {  	_ =	swait.ge [sflag:s23], $0x1  }
0xa3: {  	[sflag:s23] =	ssyncset.done $0x0  }
0xa4: {  	s25 =	simm.s32 $0x1B8E;
	s24 =	sld [smem:$0x3FFE];
	[sflag:s23] =	ssyncadd.s32 $0xFFFFFFFF  }
0xa5: {  	s26 =	simm.s32 $execute0_lowered;
	[smem:$0x3FD2] =	sst s25  }
0xa6: {  	s4 =	sshll.u32 s26, $0x1;
	_ =	strace $0x80000046;
	[dreg:$0x1] =	wrdreg $0xFFFFFFFF  }
0xa7: {  	s28 =	simm.s32 $_size_execute0_lowered;
	s2 =	sadd.s32 s2, s4;
	[dreg:$0x0] =	wrdreg $0x0  }
0xa8: {  	s4 =	sshll.u32 s28, $0x1;
	[dreg:$0x2] =	wrdreg s2  }
0xa9: {  	[dreg:$0x3] =	wrdreg s4  }
0xaa: {  	[dreg:$0x4] =	wrdreg $0xC0  }
0xab: {  	_ =	task [dreg:s6], $0x5FFFF  }
0xac: {  	[dreg:$0x1] =	wrdreg $0xFFFFFFFF  }
0xad: {  	[dreg:$0x0] =	wrdreg $0x60  }
0xae: {  	[dreg:$0x2] =	wrdreg s24  }
0xaf: {  	[dreg:$0x3] =	wrdreg $0x24000  }
0xb0: {  	[dreg:$0x4] =	wrdreg $0x9  }
0xb1: {  	_ =	task.clear_ibuf [dreg:s6], $0x5FFFF;
	_ =	strace $0x90000046  }
0xb2: {  	s29 =	simm.s32 $0x9;
	_ =	strace $0x80000048  }
0xb3: {  	_ =	swait.ge [sflag:s29], $0x1  }
0xb4: {  	[sflag:s29] =	ssyncadd.s32 $0xFFFFFFFF  }
0xb5: {  	_ =	strace $0x90000048  }
0xb6: {  	_ =	sfence  }
0xb7: {  	s30 =	sld [smem:$0x0];
	_ =	sdelay $0x2  }
0xb8: {  	s31 =	sshll.u32 s1, $0xD;
	s1 =	sshrl.u32 s1, $0x2  }
0xb9: {  	s3 =	sand.u32 $0x4000, s31;
	s1 =	sadd.s32 s1, s30  }
0xba: {  	s0 =	sor.u32 s3, s0;
	s1 =	sshll.u32 s1, $0x11  }
0xbb: {  	s0 =	sor.u32 s1, s0  }
0xbc: {  	s0 =	sadd.s32 $0x8F2B, s0  }
0xbd: {  	[sflag:s0] =	ssyncadd.remote.s32 $0x1  }
0xbe: {  	_ =	sfence.sel $0xFFFF  }
0xbf: {  	[dreg:$0x0] =	wrdreg $0xFFFFFFFF;
	(pc) =	sbr.abs _section_cstart, $3  }
0xc0: {  	[dreg:$0x1] =	wrdreg $0xFFFFFFFF  }
0xc1: {  	_ =	task.clear_ibuf [dreg:s6], $0x2FFFF;
	_ =	strace $0x9FFFFFFF  }
0xc2: {  	(tm) =	ssettm $0x7FFFFFFF  }
0xc3: {  	_ =	shalt  }
tec
execute0_lowered:
.L_overlay_start_1:
0x0: {  	(tag) =	ssettag $0x1  }
0x1: {  	s5 =	rddreg [dreg:$0x0]  }
0x2: {  	s0 =	srdreg.scid;
	s2 =	rddreg [dreg:$0x1];
	s3 =	simm.s32 $0x0  }
0x3: {  	s12 =	simm.s32 $0x1C00;
	s13 =	simm.s32 $0x1;
	s4 =	sand.u32 $0x1, s0  }
0x4: {  	s14 =	simm.s32 $0x80;
	s0 =	stileid.u32;
	s7 =	smul.u32 $0x5000, s4  }
0x5: {  	s15 =	simm.s32 $0x1400;
	[smem:$0x7FF] =	sst s3;
	s8 =	smul.u32 $0x500, s0  }
0x6: {  	s1 =	sshll.u32 s4, $0x4;
	s4 =	ssub.s32 $0x2, s4;
	s9 =	smul.u32 $0xA000, s0  }
0x7: {  	s16 =	sshll.u32 s0, $0x6;
	s1 =	sor.u32 s0, s1;
	s30 =	sshrl.u32 s4, $0x1  }
0x8: {  	s16 =	sor.u32 $0x1C01, s16;
	s6 =	smul.u32 $0x280, s1;
	s1 =	rddreg [dreg:$0x2]  }
0x9: {  	_ =	strace $0x80000047;
	s7 =	sadd.s32 s8, s7;
	s31 =	sshrl.u32 s9, $0x2  }
0xa: {  	s8 =	ssub.s32 s4, s30;
	s7 =	sadd.s32 s7, s5;
	s4 =	sadd.s32 s31, s2  }
0xb: {  	s6 =	sadd.s32 s6, s5;
	s9 =	sadd.s32 $0x1000, s4;
	s10 =	sadd.s32 $0x1800, s4  }
0xc: {  	s11 =	sadd.s32 $0x2000, s4;
	s17 =	sshrl.u32 s4, $0x3;
	s5 =	sadd.s32 $0x7A00, s6  }
0xd: {  	v0 =	vimm.f32 $0.0e+00;
	v1 =	vimm.f32 $1.000000000e+00;
	s6 =	sadd.s32 $0xCA00, s7;
	s7 =	smax.u32 s8, $0x1;
	s8 =	sadd.s32 $0x800, s4  }
.LBB2_1:
0xe: {  	s18 =	simm.s32 $0x0  }
.LBB2_2:
0xf: {  	p0 =	sne.s32 s18, $0x1FC0  }
.Ltmp0:
0x10: {  	_ = 	snop;
	(pc) =	sbr.rel @p0 .LBB2_2-.Ltmp0, $3  }
0x11: {  	_ =	sdelay $0x1  }
0x12: {  	s19 =	sshra.s32 s18, $0x2  }
0x13: {  	s18 =	sadd.s32 $0x40, s18;
	[tilespmem:s19+$0x1C00] =	vst v0  }
0x14: {  	s18 =	simm.s32 $0x40;
	s19 =	simm.s32 $0x0  }
.LBB2_4:
0x15: {  	p0 =	sne.s32 s18, $0x1FC0;
	[tilespmem:s19+$0x1400] =	vst v1;
	s19 =	smov.u32 s18;
	s18 =	sadd.s32 $0x40, s18  }
.Ltmp1:
0x16: {  	(pc) =	sbr.rel @p0 .LBB2_4-.Ltmp1, $2  }
0x17: {  	_ =	sdelay $0x2  }
0x18: {  	s19 =	sshra.s32 s19, $0x2  }
0x19: {  	[tilespmem:s19+$0x1400] =	vst v1  }
0x1a: {  	[spmem:s4] =	stream.linear.scatter [tilespmem:s12], [sflag:$0x1], $0x800, $0x38;
	[tilespmem:$0x4C00] =	vst v63  }
0x1b: {  	_ =	swait.ge [sflag:s13], $0x800  }
0x1c: {  	[sflag:s13] =	ssyncset.done $0x0  }
0x1d: {  	[sflag:s13] =	ssyncadd.s32 $0xFFFFF800  }
0x1e: {  	[spmem:s8] =	stream.linear.scatter [tilespmem:s12], [sflag:$0x1], $0x800, $0x38;
	[tilespmem:$0x4C00] =	vst v63  }
0x1f: {  	_ =	swait.ge [sflag:s13], $0x800  }
0x20: {  	[sflag:s13] =	ssyncset.done $0x0  }
0x21: {  	[sflag:s13] =	ssyncadd.s32 $0xFFFFF800  }
0x22: {  	[spmem:s9] =	stream.linear.scatter [tilespmem:s12], [sflag:$0x1], $0x800, $0x38;
	[tilespmem:$0x4C00] =	vst v63  }
0x23: {  	_ =	swait.ge [sflag:s13], $0x800  }
0x24: {  	[sflag:s13] =	ssyncset.done $0x0  }
0x25: {  	[sflag:s13] =	ssyncadd.s32 $0xFFFFF800  }
0x26: {  	[spmem:s10] =	stream.linear.scatter [tilespmem:s12], [sflag:$0x1], $0x800, $0x38;
	[tilespmem:$0x4C00] =	vst v63  }
0x27: {  	_ =	swait.ge [sflag:s13], $0x800  }
0x28: {  	[sflag:s13] =	ssyncset.done $0x0  }
0x29: {  	[sflag:s13] =	ssyncadd.s32 $0xFFFFF800  }
0x2a: {  	[spmem:s11] =	stream.linear.scatter [tilespmem:s12], [sflag:$0x1], $0x800, $0x38;
	[tilespmem:$0x4C00] =	vst v63  }
0x2b: {  	_ =	swait.ge [sflag:s13], $0x800  }
0x2c: {  	[sflag:s13] =	ssyncset.done $0x0  }
0x2d: {  	[sflag:s13] =	ssyncadd.s32 $0xFFFFF800  }
0x2e: {  	s18 =	simm.s32 $0x0;
	[bflag:$0x0] =	sbarrier.arrive $0xFFFF  }
0x2f: {  	[tilespmem:s18], [sflag:$0x1] =	stream.linear.gather [hbm4b:s5+s18], $0x1400, $0x38;
	[tilespmem:$0x4C00] =	vst v63  }
0x30: {  	_ =	swait.ge [sflag:s13], $0x1400  }
0x31: {  	[sflag:s13] =	ssyncset.done $0x0  }
0x32: {  	s31 =	simm.s32 $0x0;
	[sflag:s13] =	ssyncadd.s32 $0xFFFFEC00  }
0x33: {  	[spmem:s2] =	stream.indirect.scatter.add.f32 [tilespmem:s15], [sflag:$0x1], $0x10, s31, s14, $0xb8;
	[tilespmem:$0x4C00] =	vst v63  }
0x34: {  	_ =	swait.ge [sflag:s13], $0x800  }
0x35: {  	s18 =	simm.s32 $0x200;
	[sflag:s13] =	ssyncset.done $0x0  }
.LBB2_6:
0x36: {  	s19 =	sshra.s32 s18, $0x2;
	[sflag:s13] =	ssyncadd.s32 $0xFFFFF800;
	p0 =	sne.s32 s18, $0x4E00  }
0x37: {  	[spmem:s2] =	stream.indirect.scatter.add.f32 [tilespmem:s15], [sflag:$0x1], $0x10, s19, s14, $0xb8;
	[tilespmem:$0x4C00] =	vst v63  }
.Ltmp2:
0x38: {  	_ = 	snop;
	(pc) =	sbr.rel @p0 .LBB2_6-.Ltmp2, $4  }
0x39: {  	_ = 	snop  }
0x3a: {  	s18 =	sadd.s32 $0x200, s18  }
0x3b: {  	_ =	swait.ge [sflag:s13], $0x800  }
0x3c: {  	[sflag:s13] =	ssyncset.done $0x0  }
0x3d: {  	s3 =	sadd.s32 $0x1, s3  }
0x3e: {  	[sflag:s13] =	ssyncadd.s32 $0xFFFFF800;
	p0 =	sne.s32 s3, s7  }
.Ltmp3:
0x3f: {  	[bflag:$0x0] =	sbarrier.arrive $0xFFFF;
	(pc) =	sbr.rel @p0 .LBB2_1-.Ltmp3, $4  }
0x40: {  	[hbm:s6], [sflag:s16] =	dma.local [spmem:s17], $0x500  }
0x41: {  	_ =	swait.ge [sflag:s13], $0x500  }
0x42: {  	[sflag:s13] =	ssyncset.done $0x0  }
0x43: {  	[sflag:s13] =	ssyncadd.s32 $0xFFFFFB00  }
0x44: {  	_ =	sfence.sel $0x180000  }
0x45: {  	[bflag:$0x0] =	sbarrier.arrive $0xFFFF  }
0x46: {  	p0 =	sne.s32 s0, $0x0;
	_ =	strace $0x90000047  }
0x47: {  	s0 =	sadd.s32 @!p0 $0x100000, s1;
	[bflag:$0x2] =	sbarrier.arrive $0xFFFF  }
0x48: {  	[sflag:s0] =	ssyncadd.tile.s32 @!p0 $0x1;
	_ =	shalt  }
.Lfunc_end2:
_tile_overlayer_lowered:
.L_overlay_start_2:
0x49: {  	(tag) =	ssettag $0x2  }
0x4a: {  	s0 =	rddreg [dreg:$0x0];
	s2 =	stileid.u32  }
0x4b: {  	s1 =	rddreg [dreg:$0x1];
	p0 =	sne.s32 s2, $0x0  }
0x4c: {  	s3 =	rddreg [dreg:$0x2];
	[bflag:$0x3] =	sbarrier.arrive $0xFFFF;
	s2 =	simm.s32 @!p0 $0x1C01  }
0x4d: {  	[timem:s3], [sflag:s2] =	dma.local @!p0 [hbm:s0], s1  }
0x4e: {  	s0 =	simm.s32 @!p0 $0x1  }
0x4f: {  	_ =	swait.ge @!p0 [sflag:s0], s1  }
0x50: {  	s1 =	ssub.s32 @!p0 $0x0, s1;
	[sflag:s0] =	ssyncset.done @!p0 $0x0  }
0x51: {  	[sflag:s0] =	ssyncadd.s32 @!p0 s1  }
0x52: {  	[bflag:$0x3] =	sbarrier.arrive $0xFFFF  }
0x53: {  	_ =	shalt  }

</sc_bundles>
